<compile_context>
chip_gen: v7x
topology: tpu7x:2x2x1
jax: 0.10.2.dev20260603
libtpu: 0.0.44.dev20260713+nightly
codegen_flags: <defaults>
</compile_context>

<pallas_src>
import functools

import jax
import jax.numpy as jnp
from jax import lax
from jax.experimental import pallas as pl
from jax.experimental.pallas import tpu as pltpu
from jax.experimental.pallas import tpu_sc as plsc

B = 1024
S = 520
INPUT_DIM = 20
D_OUT = 112
_PW = 8 * 8 * 128

_NC = 2
_NS = 16
_NW = _NC * _NS


def _time_body(t_ref, w_ref, b_ref, out_ref):
    rows = lax.broadcasted_iota(jnp.int32, (S, INPUT_DIM), 0)
    cols = lax.broadcasted_iota(jnp.int32, (S, INPUT_DIM), 1)
    onehot = (rows % INPUT_DIM == cols).astype(jnp.float32)
    m_t = onehot * t_ref[...]
    affine = (jnp.dot(m_t, w_ref[...], preferred_element_type=jnp.float32)
              + jnp.dot(onehot, b_ref[...], preferred_element_type=jnp.float32))
    ch = lax.broadcasted_iota(jnp.int32, (S, 32), 1)
    out_ref[...] = jnp.where(ch == 0, affine, jnp.sin(affine))


def _time_pattern_tc(t_f32, embed_weight, embed_bias):
    return pl.pallas_call(
        _time_body,
        out_shape=jax.ShapeDtypeStruct((S, 32), jnp.float32),
    )(t_f32, embed_weight, embed_bias)


def _sc_assemble(seq3, vi4, si4, pat3, varTf, stTf):
    mesh = plsc.VectorSubcoreMesh(
        core_axis_name="c", subcore_axis_name="s",
        num_cores=_NC, num_subcores=_NS)

    @functools.partial(
        pl.kernel,
        out_type=jax.ShapeDtypeStruct((S, 14, _PW), jnp.float32),
        mesh=mesh,
        compiler_params=pltpu.CompilerParams(
            use_tc_tiling_on_sc=False, needs_layout_passes=False),
        scratch_types=[
            pltpu.VMEM((14, _PW), jnp.float32),
            pltpu.VMEM((2, B), jnp.int32),
            pltpu.VMEM((2, B), jnp.int32),
            pltpu.VMEM((1024,), jnp.float32),
            pltpu.VMEM((512,), jnp.float32),
            pltpu.SemaphoreType.DMA,
            pltpu.SemaphoreType.DMA,
            pltpu.SemaphoreType.DMA,
            pltpu.SemaphoreType.DMA,
        ],
    )
    def k(seq_hbm, vi_hbm, si_hbm, pat_hbm, varT_hbm, stT_hbm, out_hbm,
          slot, vi_v, si_v, varT_v, stT_v,
          sem_i0, sem_i1, sem_f, sem_w):
        sem_i = (sem_i0, sem_i1)
        wid = lax.axis_index("s") * _NC + lax.axis_index("c")
        nw = 16 + (wid < 8).astype(jnp.int32)
        start = wid * 16 + jnp.minimum(wid, 8)

        pltpu.sync_copy(varT_hbm, varT_v)
        pltpu.sync_copy(stT_hbm, stT_v)

        def plane_of(p):
            return start + jnp.minimum(p, nw - 1)

        def fill_idx(p, b):
            pln = plane_of(p)
            st, sp = pln // 8, pln % 8
            for bt in range(8):
                pltpu.async_copy(vi_hbm.at[st, bt, sp, :],
                                 vi_v.at[b, pl.ds(bt * 128, 128)], sem_i[b])
                pltpu.async_copy(si_hbm.at[st, bt, sp, :],
                                 si_v.at[b, pl.ds(bt * 128, 128)], sem_i[b])

        def wait_idx(b):
            for _ in range(8):
                pltpu.make_async_copy(
                    vi_hbm.at[0, 0, 0, :], vi_v.at[b, pl.ds(0, 128)],
                    sem_i[b]).wait()
                pltpu.make_async_copy(
                    si_hbm.at[0, 0, 0, :], si_v.at[b, pl.ds(0, 128)],
                    sem_i[b]).wait()

        def wait_write():
            pltpu.make_async_copy(slot, out_hbm.at[0], sem_w).wait()

        def do_step(p, b):
            pln = plane_of(p)
            m = pln % 20

            @pl.when(p >= 1)
            def _():
                wait_write()

            pltpu.async_copy(seq_hbm.at[pln], slot.at[pl.ds(0, 4)], sem_f)
            pltpu.async_copy(pat_hbm.at[m], slot.at[pl.ds(8, 4)], sem_f)

            wait_idx(b)

            def chunk(i, carry):
                o = i * 16
                iv = vi_v[b, pl.ds(o, 16)]
                isx = si_v[b, pl.ds(o, 16)]
                so = (i // 8) * 1024 + (i % 8) * 16
                for ct in range(4):
                    for ci in range(8):
                        c = ct * 8 + ci
                        slot[4 + ct, pl.ds(so + ci * 128, 16)] = (
                            plsc.load_gather(varT_v, [iv + c * 32]))
                for ct in range(2):
                    for ci in range(8):
                        c = ct * 8 + ci
                        slot[12 + ct, pl.ds(so + ci * 128, 16)] = (
                            plsc.load_gather(stT_v, [isx + c * 32]))
                return carry

            lax.fori_loop(0, 64, chunk, 0)

            for _ in range(2):
                pltpu.make_async_copy(
                    seq_hbm.at[0], slot.at[pl.ds(0, 4)], sem_f).wait()

            pltpu.async_copy(slot, out_hbm.at[pln], sem_w)

            @pl.when(p < 16)
            def _():
                fill_idx(p + 2, b)

        fill_idx(0, 0)
        fill_idx(1, 1)

        def body(i, carry):
            do_step(2 * i, 0)
            do_step(2 * i + 1, 1)
            return carry

        lax.fori_loop(0, 9, body, 0)

        wait_write()

    return k(seq3, vi4, si4, pat3, varTf, stTf)


def kernel(sequence, time_index_sequence, variable_index_sequence,
           sector_index_sequence, embed_weight, embed_bias, var_table,
           struc_table):
    seq3 = jnp.reshape(
        jnp.transpose(
            jnp.reshape(jnp.transpose(sequence, (1, 2, 0)),
                        (S, 4, 8, 8, 128)),
            (0, 1, 3, 2, 4)), (S, 4, _PW))
    vi4 = jnp.transpose(
        jnp.reshape(
            jnp.transpose(variable_index_sequence.astype(jnp.int32), (1, 0)),
            (S // 8, 8, 8, 128)), (0, 2, 1, 3))
    si4 = jnp.transpose(
        jnp.reshape(
            jnp.transpose(sector_index_sequence.astype(jnp.int32), (1, 0)),
            (S // 8, 8, 8, 128)), (0, 2, 1, 3))

    t2 = time_index_sequence[0:1, :INPUT_DIM].astype(jnp.float32)
    pat = _time_pattern_tc(t2, embed_weight, embed_bias)[:INPUT_DIM]
    pat3 = jnp.reshape(
        jnp.broadcast_to(pat.reshape(INPUT_DIM, 4, 1, 8, 1),
                         (INPUT_DIM, 4, 8, 8, 128)), (INPUT_DIM, 4, _PW))

    varTf = jnp.pad(var_table.T, ((0, 0), (0, 6))).reshape(-1)
    stTf = jnp.pad(struc_table.T, ((0, 0), (0, 6))).reshape(-1)

    out3 = _sc_assemble(seq3, vi4, si4, pat3, varTf, stTf)
    out = jnp.reshape(
        jnp.transpose(jnp.reshape(out3, (S, 14, 8, 8, 128)), (0, 1, 3, 2, 4)),
        (S, D_OUT, B))
    return jnp.transpose(out, (2, 0, 1))

# --- scband reference (transcript-rebuilt; emitter-appended) ---
"""Pipeline reference for scband-embedding-generator-76845554860565 (READ-ONLY COPY).

The authoritative reference and input builder live on the scoring server;
editing this copy changes nothing except your own understanding.
"""

import jax, jax.numpy as jnp
import numpy as np

B = 1024
SEQ = 520
INPUT_SIZE = 26
INPUT_DIM = 20  # max_seq_length // input_size = 520 // 26
E_TIME = 32
E_VAR = 32
E_STRUC = 16
D_SEQ = 32


def setup_inputs(seed: int = 0) -> dict:
    key = jax.random.key(seed)
    k1, k2, k3, k4, k5, k6, k7, k8 = jax.random.split(key, 8)
    sequence = jax.random.normal(k1, (B, SEQ, D_SEQ), dtype=jnp.float32)
    time_index_sequence = jax.random.randint(k2, (B, SEQ), 0, INPUT_DIM, dtype=jnp.int64)
    variable_index_sequence = jax.random.randint(k3, (B, SEQ), 0, INPUT_SIZE, dtype=jnp.int64)
    sector_index_sequence = jax.random.randint(k4, (B, SEQ), 0, INPUT_SIZE, dtype=jnp.int64)
    # learned parameters
    embed_weight = jax.random.normal(k5, (INPUT_DIM, E_TIME), dtype=jnp.float32)
    embed_bias = jax.random.normal(k6, (INPUT_DIM, E_TIME), dtype=jnp.float32)
    # xavier-uniform-ish init for embedding tables
    lim_v = float(np.sqrt(6.0 / (INPUT_SIZE + E_VAR)))
    var_table = jax.random.uniform(k7, (INPUT_SIZE, E_VAR), minval=-lim_v, maxval=lim_v, dtype=jnp.float32)
    lim_s = float(np.sqrt(6.0 / (INPUT_SIZE + E_STRUC)))
    struc_table = jax.random.uniform(k8, (INPUT_SIZE, E_STRUC), minval=-lim_s, maxval=lim_s, dtype=jnp.float32)
    return {
        'sequence': sequence,
        'time_index_sequence': time_index_sequence,
        'variable_index_sequence': variable_index_sequence,
        'sector_index_sequence': sector_index_sequence,
        'embed_weight': embed_weight,
        'embed_bias': embed_bias,
        'var_table': var_table,
        'struc_table': struc_table,
    }


def _time2vec(t_vals, W, b):
    # t_vals: [input_dim] (float) -> diag_embed, affine, sin on all but first channel
    x = jnp.diag(t_vals.astype(jnp.float32))          # [D, D]
    x_affine = jnp.matmul(x, W) + b                   # [D, E_TIME]
    x0 = x_affine[:, :1]
    xr = jnp.sin(x_affine[:, 1:])
    return jnp.concatenate([x0, xr], axis=-1)         # [D, E_TIME]


def reference(sequence, time_index_sequence, variable_index_sequence, sector_index_sequence, embed_weight, embed_bias, var_table, struc_table):
    input_dim = embed_weight.shape[0]
    input_size = var_table.shape[0]
    b = sequence.shape[0]
    s = sequence.shape[1]
    t = time_index_sequence[0, :input_dim]
    time_embedding = _time2vec(t, embed_weight, embed_bias).reshape(1, input_dim, -1)
    time_embedding = jnp.tile(time_embedding, (b, input_size, 1))   # [B, S, E_TIME]
    var_embedding = jnp.take(var_table, variable_index_sequence, axis=0).reshape(b, s, -1)
    struc_embedding = jnp.take(struc_table, sector_index_sequence, axis=0).reshape(b, s, -1)
    out = jnp.concatenate([sequence, var_embedding, time_embedding, struc_embedding], axis=2)
    return out

if __name__ == "__main__":
    import jax
    _d = setup_inputs()
    print(jax.jit(kernel)(*tuple(_d.values())))

</pallas_src>

<mosaic_0001>
#map = affine_map<(d0, d1) -> (0, 0, 0)>
#map1 = affine_map<(d0, d1) -> (0, 0, 0, 0)>
#map2 = affine_map<(d0, d1) -> (0)>
module attributes {stable_mosaic.version = 14 : i64} {
  func.func @k(%arg0: i32, %arg1: i32, %arg2: memref<520x4x8192xf32, #tpu.memory_space<hbm>>, %arg3: memref<65x8x8x128xi32, #tpu.memory_space<hbm>>, %arg4: memref<65x8x8x128xi32, #tpu.memory_space<hbm>>, %arg5: memref<20x4x8192xf32, #tpu.memory_space<hbm>>, %arg6: memref<1024xf32, #tpu.memory_space<hbm>>, %arg7: memref<512xf32, #tpu.memory_space<hbm>>, %arg8: memref<520x14x8192xf32, #tpu.memory_space<hbm>>, %arg9: memref<14x8192xf32, #tpu.memory_space<vmem>>, %arg10: memref<2x1024xi32, #tpu.memory_space<vmem>>, %arg11: memref<2x1024xi32, #tpu.memory_space<vmem>>, %arg12: memref<1024xf32, #tpu.memory_space<vmem>>, %arg13: memref<512xf32, #tpu.memory_space<vmem>>, %arg14: memref<!tpu.dma_semaphore, #tpu.memory_space<semaphore_mem>>, %arg15: memref<!tpu.dma_semaphore, #tpu.memory_space<semaphore_mem>>, %arg16: memref<!tpu.dma_semaphore, #tpu.memory_space<semaphore_mem>>, %arg17: memref<!tpu.dma_semaphore, #tpu.memory_space<semaphore_mem>>) attributes {dimension_semantics = [#tpu.dimension_semantics<core_parallel>, #tpu.dimension_semantics<subcore_parallel>], iteration_bounds = array<i64: 2, 16>, scalar_prefetch = 0 : i64, scratch_operands = 9 : i64, tpu.core_type = #tpu.core_type<sc_vector_subcore>, window_params = [{transform_indices = #map}, {transform_indices = #map1}, {transform_indices = #map1}, {transform_indices = #map}, {transform_indices = #map2}, {transform_indices = #map2}, {transform_indices = #map}]} {
    %mul3A = arith.constant 2 : i32
    %mul3A_0 = arith.muli %arg1, %mul3A : i32
    %add3A = arith.addi %mul3A_0, %arg0 : i32
    %lt3A = arith.constant 8 : i32
    %lt3A_1 = arith.cmpi slt, %add3A, %lt3A : i32
    %convert_element_type3A = arith.extui %lt3A_1 : i1 to i32
    %add3A_2 = arith.constant 16 : i32
    %add3A_3 = arith.addi %add3A_2, %convert_element_type3A : i32
    %mul3A_4 = arith.constant 16 : i32
    %mul3A_5 = arith.muli %add3A, %mul3A_4 : i32
    %min3A = arith.constant 8 : i32
    %min3A_6 = arith.minsi %add3A, %min3A : i32
    %add3A_7 = arith.addi %mul3A_5, %min3A_6 : i32
    "tpu.region"() ({
      %run_scoped3A = tpu.sem_alloc : memref<!tpu.dma_semaphore, #tpu.memory_space<semaphore_mem>>
      tpu.enqueue_dma source(%arg6 : memref<1024xf32, #tpu.memory_space<hbm>>) target(%arg12 : memref<1024xf32, #tpu.memory_space<vmem>>) target_semaphore(%run_scoped3A : memref<!tpu.dma_semaphore, #tpu.memory_space<semaphore_mem>>)
      tpu.wait_dma2 semaphore(%run_scoped3A : memref<!tpu.dma_semaphore, #tpu.memory_space<semaphore_mem>>) src(%arg6 : memref<1024xf32, #tpu.memory_space<hbm>>) dst(%arg12 : memref<1024xf32, #tpu.memory_space<vmem>>)
      tpu.yield
    }) : () -> ()
    "tpu.region"() ({
      %run_scoped3A = tpu.sem_alloc : memref<!tpu.dma_semaphore, #tpu.memory_space<semaphore_mem>>
      tpu.enqueue_dma source(%arg7 : memref<512xf32, #tpu.memory_space<hbm>>) target(%arg13 : memref<512xf32, #tpu.memory_space<vmem>>) target_semaphore(%run_scoped3A : memref<!tpu.dma_semaphore, #tpu.memory_space<semaphore_mem>>)
      tpu.wait_dma2 semaphore(%run_scoped3A : memref<!tpu.dma_semaphore, #tpu.memory_space<semaphore_mem>>) src(%arg7 : memref<512xf32, #tpu.memory_space<hbm>>) dst(%arg13 : memref<512xf32, #tpu.memory_space<vmem>>)
      tpu.yield
    }) : () -> ()
    %sub3A = arith.constant 1 : i32
    %sub3A_8 = arith.subi %add3A_3, %sub3A : i32
    %min3A_9 = arith.constant 0 : i32
    %min3A_10 = arith.minsi %min3A_9, %sub3A_8 : i32
    %add3A_11 = arith.addi %add3A_7, %min3A_10 : i32
    %jit3A = arith.constant 8 : i32
    %div3A = arith.divsi %add3A_11, %jit3A : i32
    %sign3A = arith.constant 0 : i32
    %sign3A_12 = arith.cmpi sgt, %add3A_11, %sign3A : i32
    %sign3A_13 = arith.extui %sign3A_12 : i1 to i32
    %sign3A_14 = arith.constant 0 : i32
    %sign3A_15 = arith.cmpi slt, %add3A_11, %sign3A_14 : i32
    %sign3A_16 = arith.extui %sign3A_15 : i1 to i32
    %sign3A_17 = arith.subi %sign3A_13, %sign3A_16 : i32
    %sign3A_18 = arith.constant 0 : i32
    %sign3A_19 = arith.cmpi sgt, %jit3A, %sign3A_18 : i32
    %sign3A_20 = arith.extui %sign3A_19 : i1 to i32
    %sign3A_21 = arith.constant 0 : i32
    %sign3A_22 = arith.cmpi slt, %jit3A, %sign3A_21 : i32
    %sign3A_23 = arith.extui %sign3A_22 : i1 to i32
    %sign3A_24 = arith.subi %sign3A_20, %sign3A_23 : i32
    %ne3A = arith.cmpi ne, %sign3A_17, %sign3A_24 : i32
    %rem3A = arith.remsi %add3A_11, %jit3A : i32
    %ne3A_25 = arith.constant 0 : i32
    %ne3A_26 = arith.cmpi ne, %rem3A, %ne3A_25 : i32
    %and3A = arith.andi %ne3A, %ne3A_26 : i1
    %sub3A_27 = arith.constant 1 : i32
    %sub3A_28 = arith.subi %div3A, %sub3A_27 : i32
    %select_n3A = arith.select %and3A, %sub3A_28, %div3A : i32
    %jit3A_29 = arith.constant 8 : i32
    %eq3A = arith.constant 0 : i32
    %eq3A_30 = arith.cmpi eq, %jit3A_29, %eq3A : i32
    %jit3A_31 = arith.constant 1 : i32
    %select_n3A_32 = arith.select %eq3A_30, %jit3A_31, %jit3A_29 : i32
    %rem3A_33 = arith.remsi %add3A_11, %select_n3A_32 : i32
    %ne3A_34 = arith.constant 0 : i32
    %ne3A_35 = arith.cmpi ne, %rem3A_33, %ne3A_34 : i32
    %lt3A_36 = arith.constant 0 : i32
    %lt3A_37 = arith.cmpi slt, %rem3A_33, %lt3A_36 : i32
    %lt3A_38 = arith.constant 0 : i32
    %lt3A_39 = arith.cmpi slt, %select_n3A_32, %lt3A_38 : i32
    %ne3A_40 = arith.xori %lt3A_37, %lt3A_39 : i1
    %and3A_41 = arith.andi %ne3A_40, %ne3A_35 : i1
    %add3A_42 = arith.addi %rem3A_33, %select_n3A_32 : i32
    %select_n3A_43 = arith.select %and3A_41, %add3A_42, %rem3A_33 : i32
    %dma_start3A = arith.constant 0 : i32
    %dma_start3A_44 = arith.constant 0 : i32
    %dma_start3A_45 = arith.constant 0 : i32
    %dma_start3A_46 = tpu.memref_slice %arg10[%dma_start3A_44, %dma_start3A_45] : memref<2x1024xi32, #tpu.memory_space<vmem>> -> memref<1x128xi32, #tpu.memory_space<vmem>>
    %dma_start3A_47 = tpu.memref_squeeze %dma_start3A_46 : memref<1x128xi32, #tpu.memory_space<vmem>> -> memref<128xi32, #tpu.memory_space<vmem>>
    %dma_start3A_48 = arith.constant 0 : i32
    %dma_start3A_49 = tpu.memref_slice %arg3[%select_n3A, %dma_start3A, %select_n3A_43, %dma_start3A_48] : memref<65x8x8x128xi32, #tpu.memory_space<hbm>> -> memref<1x1x1x128xi32, #tpu.memory_space<hbm>>
    %dma_start3A_50 = tpu.memref_squeeze %dma_start3A_49 : memref<1x1x1x128xi32, #tpu.memory_space<hbm>> -> memref<128xi32, #tpu.memory_space<hbm>>
    %dma_start3A_51 = arith.constant 0 : i32
    %dma_start3A_52 = tpu.memref_slice %arg10[%dma_start3A_44, %dma_start3A_51] : memref<2x1024xi32, #tpu.memory_space<vmem>> -> memref<1x128xi32, #tpu.memory_space<vmem>>
    %dma_start3A_53 = tpu.memref_squeeze %dma_start3A_52 : memref<1x128xi32, #tpu.memory_space<vmem>> -> memref<128xi32, #tpu.memory_space<vmem>>
    %dma_start3A_54 = arith.constant 0 : i32
    %dma_start3A_55 = tpu.memref_slice %arg3[%select_n3A, %dma_start3A, %select_n3A_43, %dma_start3A_54] : memref<65x8x8x128xi32, #tpu.memory_space<hbm>> -> memref<1x1x1x128xi32, #tpu.memory_space<hbm>>
    %dma_start3A_56 = tpu.memref_squeeze %dma_start3A_55 : memref<1x1x1x128xi32, #tpu.memory_space<hbm>> -> memref<128xi32, #tpu.memory_space<hbm>>
    tpu.enqueue_dma source(%dma_start3A_56 : memref<128xi32, #tpu.memory_space<hbm>>) target(%dma_start3A_53 : memref<128xi32, #tpu.memory_space<vmem>>) target_semaphore(%arg14 : memref<!tpu.dma_semaphore, #tpu.memory_space<semaphore_mem>>)
    %dma_start3A_57 = arith.constant 0 : i32
    %dma_start3A_58 = arith.constant 0 : i32
    %dma_start3A_59 = arith.constant 0 : i32
    %dma_start3A_60 = tpu.memref_slice %arg11[%dma_start3A_58, %dma_start3A_59] : memref<2x1024xi32, #tpu.memory_space<vmem>> -> memref<1x128xi32, #tpu.memory_space<vmem>>
    %dma_start3A_61 = tpu.memref_squeeze %dma_start3A_60 : memref<1x128xi32, #tpu.memory_space<vmem>> -> memref<128xi32, #tpu.memory_space<vmem>>
    %dma_start3A_62 = arith.constant 0 : i32
    %dma_start3A_63 = tpu.memref_slice %arg4[%select_n3A, %dma_start3A_57, %select_n3A_43, %dma_start3A_62] : memref<65x8x8x128xi32, #tpu.memory_space<hbm>> -> memref<1x1x1x128xi32, #tpu.memory_space<hbm>>
    %dma_start3A_64 = tpu.memref_squeeze %dma_start3A_63 : memref<1x1x1x128xi32, #tpu.memory_space<hbm>> -> memref<128xi32, #tpu.memory_space<hbm>>
    %dma_start3A_65 = arith.constant 0 : i32
    %dma_start3A_66 = tpu.memref_slice %arg11[%dma_start3A_58, %dma_start3A_65] : memref<2x1024xi32, #tpu.memory_space<vmem>> -> memref<1x128xi32, #tpu.memory_space<vmem>>
    %dma_start3A_67 = tpu.memref_squeeze %dma_start3A_66 : memref<1x128xi32, #tpu.memory_space<vmem>> -> memref<128xi32, #tpu.memory_space<vmem>>
    %dma_start3A_68 = arith.constant 0 : i32
    %dma_start3A_69 = tpu.memref_slice %arg4[%select_n3A, %dma_start3A_57, %select_n3A_43, %dma_start3A_68] : memref<65x8x8x128xi32, #tpu.memory_space<hbm>> -> memref<1x1x1x128xi32, #tpu.memory_space<hbm>>
    %dma_start3A_70 = tpu.memref_squeeze %dma_start3A_69 : memref<1x1x1x128xi32, #tpu.memory_space<hbm>> -> memref<128xi32, #tpu.memory_space<hbm>>
    tpu.enqueue_dma source(%dma_start3A_70 : memref<128xi32, #tpu.memory_space<hbm>>) target(%dma_start3A_67 : memref<128xi32, #tpu.memory_space<vmem>>) target_semaphore(%arg14 : memref<!tpu.dma_semaphore, #tpu.memory_space<semaphore_mem>>)
    %dma_start3A_71 = arith.constant 1 : i32
    %dma_start3A_72 = arith.constant 0 : i32
    %dma_start3A_73 = arith.constant 128 : i32
    %dma_start3A_74 = tpu.memref_slice %arg10[%dma_start3A_72, %dma_start3A_73] : memref<2x1024xi32, #tpu.memory_space<vmem>> -> memref<1x128xi32, #tpu.memory_space<vmem>>
    %dma_start3A_75 = tpu.memref_squeeze %dma_start3A_74 : memref<1x128xi32, #tpu.memory_space<vmem>> -> memref<128xi32, #tpu.memory_space<vmem>>
    %dma_start3A_76 = arith.constant 0 : i32
    %dma_start3A_77 = tpu.memref_slice %arg3[%select_n3A, %dma_start3A_71, %select_n3A_43, %dma_start3A_76] : memref<65x8x8x128xi32, #tpu.memory_space<hbm>> -> memref<1x1x1x128xi32, #tpu.memory_space<hbm>>
    %dma_start3A_78 = tpu.memref_squeeze %dma_start3A_77 : memref<1x1x1x128xi32, #tpu.memory_space<hbm>> -> memref<128xi32, #tpu.memory_space<hbm>>
    %dma_start3A_79 = arith.constant 128 : i32
    %dma_start3A_80 = tpu.memref_slice %arg10[%dma_start3A_72, %dma_start3A_79] : memref<2x1024xi32, #tpu.memory_space<vmem>> -> memref<1x128xi32, #tpu.memory_space<vmem>>
    %dma_start3A_81 = tpu.memref_squeeze %dma_start3A_80 : memref<1x128xi32, #tpu.memory_space<vmem>> -> memref<128xi32, #tpu.memory_space<vmem>>
    %dma_start3A_82 = arith.constant 0 : i32
    %dma_start3A_83 = tpu.memref_slice %arg3[%select_n3A, %dma_start3A_71, %select_n3A_43, %dma_start3A_82] : memref<65x8x8x128xi32, #tpu.memory_space<hbm>> -> memref<1x1x1x128xi32, #tpu.memory_space<hbm>>
    %dma_start3A_84 = tpu.memref_squeeze %dma_start3A_83 : memref<1x1x1x128xi32, #tpu.memory_space<hbm>> -> memref<128xi32, #tpu.memory_space<hbm>>
    tpu.enqueue_dma source(%dma_start3A_84 : memref<128xi32, #tpu.memory_space<hbm>>) target(%dma_start3A_81 : memref<128xi32, #tpu.memory_space<vmem>>) target_semaphore(%arg14 : memref<!tpu.dma_semaphore, #tpu.memory_space<semaphore_mem>>)
    %dma_start3A_85 = arith.constant 1 : i32
    %dma_start3A_86 = arith.constant 0 : i32
    %dma_start3A_87 = arith.constant 128 : i32
    %dma_start3A_88 = tpu.memref_slice %arg11[%dma_start3A_86, %dma_start3A_87] : memref<2x1024xi32, #tpu.memory_space<vmem>> -> memref<1x128xi32, #tpu.memory_space<vmem>>
    %dma_start3A_89 = tpu.memref_squeeze %dma_start3A_88 : memref<1x128xi32, #tpu.memory_space<vmem>> -> memref<128xi32, #tpu.memory_space<vmem>>
    %dma_start3A_90 = arith.constant 0 : i32
    %dma_start3A_91 = tpu.memref_slice %arg4[%select_n3A, %dma_start3A_85, %select_n3A_43, %dma_start3A_90] : memref<65x8x8x128xi32, #tpu.memory_space<hbm>> -> memref<1x1x1x128xi32, #tpu.memory_space<hbm>>
    %dma_start3A_92 = tpu.memref_squeeze %dma_start3A_91 : memref<1x1x1x128xi32, #tpu.memory_space<hbm>> -> memref<128xi32, #tpu.memory_space<hbm>>
    %dma_start3A_93 = arith.constant 128 : i32
    %dma_start3A_94 = tpu.memref_slice %arg11[%dma_start3A_86, %dma_start3A_93] : memref<2x1024xi32, #tpu.memory_space<vmem>> -> memref<1x128xi32, #tpu.memory_space<vmem>>
    %dma_start3A_95 = tpu.memref_squeeze %dma_start3A_94 : memref<1x128xi32, #tpu.memory_space<vmem>> -> memref<128xi32, #tpu.memory_space<vmem>>
    %dma_start3A_96 = arith.constant 0 : i32
    %dma_start3A_97 = tpu.memref_slice %arg4[%select_n3A, %dma_start3A_85, %select_n3A_43, %dma_start3A_96] : memref<65x8x8x128xi32, #tpu.memory_space<hbm>> -> memref<1x1x1x128xi32, #tpu.memory_space<hbm>>
    %dma_start3A_98 = tpu.memref_squeeze %dma_start3A_97 : memref<1x1x1x128xi32, #tpu.memory_space<hbm>> -> memref<128xi32, #tpu.memory_space<hbm>>
    tpu.enqueue_dma source(%dma_start3A_98 : memref<128xi32, #tpu.memory_space<hbm>>) target(%dma_start3A_95 : memref<128xi32, #tpu.memory_space<vmem>>) target_semaphore(%arg14 : memref<!tpu.dma_semaphore, #tpu.memory_space<semaphore_mem>>)
    %dma_start3A_99 = arith.constant 2 : i32
    %dma_start3A_100 = arith.constant 0 : i32
    %dma_start3A_101 = arith.constant 256 : i32
    %dma_start3A_102 = tpu.memref_slice %arg10[%dma_start3A_100, %dma_start3A_101] : memref<2x1024xi32, #tpu.memory_space<vmem>> -> memref<1x128xi32, #tpu.memory_space<vmem>>
    %dma_start3A_103 = tpu.memref_squeeze %dma_start3A_102 : memref<1x128xi32, #tpu.memory_space<vmem>> -> memref<128xi32, #tpu.memory_space<vmem>>
    %dma_start3A_104 = arith.constant 0 : i32
    %dma_start3A_105 = tpu.memref_slice %arg3[%select_n3A, %dma_start3A_99, %select_n3A_43, %dma_start3A_104] : memref<65x8x8x128xi32, #tpu.memory_space<hbm>> -> memref<1x1x1x128xi32, #tpu.memory_space<hbm>>
    %dma_start3A_106 = tpu.memref_squeeze %dma_start3A_105 : memref<1x1x1x128xi32, #tpu.memory_space<hbm>> -> memref<128xi32, #tpu.memory_space<hbm>>
    %dma_start3A_107 = arith.constant 256 : i32
    %dma_start3A_108 = tpu.memref_slice %arg10[%dma_start3A_100, %dma_start3A_107] : memref<2x1024xi32, #tpu.memory_space<vmem>> -> memref<1x128xi32, #tpu.memory_space<vmem>>
    %dma_start3A_109 = tpu.memref_squeeze %dma_start3A_108 : memref<1x128xi32, #tpu.memory_space<vmem>> -> memref<128xi32, #tpu.memory_space<vmem>>
    %dma_start3A_110 = arith.constant 0 : i32
    %dma_start3A_111 = tpu.memref_slice %arg3[%select_n3A, %dma_start3A_99, %select_n3A_43, %dma_start3A_110] : memref<65x8x8x128xi32, #tpu.memory_space<hbm>> -> memref<1x1x1x128xi32, #tpu.memory_space<hbm>>
    %dma_start3A_112 = tpu.memref_squeeze %dma_start3A_111 : memref<1x1x1x128xi32, #tpu.memory_space<hbm>> -> memref<128xi32, #tpu.memory_space<hbm>>
    tpu.enqueue_dma source(%dma_start3A_112 : memref<128xi32, #tpu.memory_space<hbm>>) target(%dma_start3A_109 : memref<128xi32, #tpu.memory_space<vmem>>) target_semaphore(%arg14 : memref<!tpu.dma_semaphore, #tpu.memory_space<semaphore_mem>>)
    %dma_start3A_113 = arith.constant 2 : i32
    %dma_start3A_114 = arith.constant 0 : i32
    %dma_start3A_115 = arith.constant 256 : i32
    %dma_start3A_116 = tpu.memref_slice %arg11[%dma_start3A_114, %dma_start3A_115] : memref<2x1024xi32, #tpu.memory_space<vmem>> -> memref<1x128xi32, #tpu.memory_space<vmem>>
    %dma_start3A_117 = tpu.memref_squeeze %dma_start3A_116 : memref<1x128xi32, #tpu.memory_space<vmem>> -> memref<128xi32, #tpu.memory_space<vmem>>
    %dma_start3A_118 = arith.constant 0 : i32
    %dma_start3A_119 = tpu.memref_slice %arg4[%select_n3A, %dma_start3A_113, %select_n3A_43, %dma_start3A_118] : memref<65x8x8x128xi32, #tpu.memory_space<hbm>> -> memref<1x1x1x128xi32, #tpu.memory_space<hbm>>
    %dma_start3A_120 = tpu.memref_squeeze %dma_start3A_119 : memref<1x1x1x128xi32, #tpu.memory_space<hbm>> -> memref<128xi32, #tpu.memory_space<hbm>>
    %dma_start3A_121 = arith.constant 256 : i32
    %dma_start3A_122 = tpu.memref_slice %arg11[%dma_start3A_114, %dma_start3A_121] : memref<2x1024xi32, #tpu.memory_space<vmem>> -> memref<1x128xi32, #tpu.memory_space<vmem>>
    %dma_start3A_123 = tpu.memref_squeeze %dma_start3A_122 : memref<1x128xi32, #tpu.memory_space<vmem>> -> memref<128xi32, #tpu.memory_space<vmem>>
    %dma_start3A_124 = arith.constant 0 : i32
    %dma_start3A_125 = tpu.memref_slice %arg4[%select_n3A, %dma_start3A_113, %select_n3A_43, %dma_start3A_124] : memref<65x8x8x128xi32, #tpu.memory_space<hbm>> -> memref<1x1x1x128xi32, #tpu.memory_space<hbm>>
    %dma_start3A_126 = tpu.memref_squeeze %dma_start3A_125 : memref<1x1x1x128xi32, #tpu.memory_space<hbm>> -> memref<128xi32, #tpu.memory_space<hbm>>
    tpu.enqueue_dma source(%dma_start3A_126 : memref<128xi32, #tpu.memory_space<hbm>>) target(%dma_start3A_123 : memref<128xi32, #tpu.memory_space<vmem>>) target_semaphore(%arg14 : memref<!tpu.dma_semaphore, #tpu.memory_space<semaphore_mem>>)
    %dma_start3A_127 = arith.constant 3 : i32
    %dma_start3A_128 = arith.constant 0 : i32
    %dma_start3A_129 = arith.constant 384 : i32
    %dma_start3A_130 = tpu.memref_slice %arg10[%dma_start3A_128, %dma_start3A_129] : memref<2x1024xi32, #tpu.memory_space<vmem>> -> memref<1x128xi32, #tpu.memory_space<vmem>>
    %dma_start3A_131 = tpu.memref_squeeze %dma_start3A_130 : memref<1x128xi32, #tpu.memory_space<vmem>> -> memref<128xi32, #tpu.memory_space<vmem>>
    %dma_start3A_132 = arith.constant 0 : i32
    %dma_start3A_133 = tpu.memref_slice %arg3[%select_n3A, %dma_start3A_127, %select_n3A_43, %dma_start3A_132] : memref<65x8x8x128xi32, #tpu.memory_space<hbm>> -> memref<1x1x1x128xi32, #tpu.memory_space<hbm>>
    %dma_start3A_134 = tpu.memref_squeeze %dma_start3A_133 : memref<1x1x1x128xi32, #tpu.memory_space<hbm>> -> memref<128xi32, #tpu.memory_space<hbm>>
    %dma_start3A_135 = arith.constant 384 : i32
    %dma_start3A_136 = tpu.memref_slice %arg10[%dma_start3A_128, %dma_start3A_135] : memref<2x1024xi32, #tpu.memory_space<vmem>> -> memref<1x128xi32, #tpu.memory_space<vmem>>
    %dma_start3A_137 = tpu.memref_squeeze %dma_start3A_136 : memref<1x128xi32, #tpu.memory_space<vmem>> -> memref<128xi32, #tpu.memory_space<vmem>>
    %dma_start3A_138 = arith.constant 0 : i32
    %dma_start3A_139 = tpu.memref_slice %arg3[%select_n3A, %dma_start3A_127, %select_n3A_43, %dma_start3A_138] : memref<65x8x8x128xi32, #tpu.memory_space<hbm>> -> memref<1x1x1x128xi32, #tpu.memory_space<hbm>>
    %dma_start3A_140 = tpu.memref_squeeze %dma_start3A_139 : memref<1x1x1x128xi32, #tpu.memory_space<hbm>> -> memref<128xi32, #tpu.memory_space<hbm>>
    tpu.enqueue_dma source(%dma_start3A_140 : memref<128xi32, #tpu.memory_space<hbm>>) target(%dma_start3A_137 : memref<128xi32, #tpu.memory_space<vmem>>) target_semaphore(%arg14 : memref<!tpu.dma_semaphore, #tpu.memory_space<semaphore_mem>>)
    %dma_start3A_141 = arith.constant 3 : i32
    %dma_start3A_142 = arith.constant 0 : i32
    %dma_start3A_143 = arith.constant 384 : i32
    %dma_start3A_144 = tpu.memref_slice %arg11[%dma_start3A_142, %dma_start3A_143] : memref<2x1024xi32, #tpu.memory_space<vmem>> -> memref<1x128xi32, #tpu.memory_space<vmem>>
    %dma_start3A_145 = tpu.memref_squeeze %dma_start3A_144 : memref<1x128xi32, #tpu.memory_space<vmem>> -> memref<128xi32, #tpu.memory_space<vmem>>
    %dma_start3A_146 = arith.constant 0 : i32
    %dma_start3A_147 = tpu.memref_slice %arg4[%select_n3A, %dma_start3A_141, %select_n3A_43, %dma_start3A_146] : memref<65x8x8x128xi32, #tpu.memory_space<hbm>> -> memref<1x1x1x128xi32, #tpu.memory_space<hbm>>
    %dma_start3A_148 = tpu.memref_squeeze %dma_start3A_147 : memref<1x1x1x128xi32, #tpu.memory_space<hbm>> -> memref<128xi32, #tpu.memory_space<hbm>>
    %dma_start3A_149 = arith.constant 384 : i32
    %dma_start3A_150 = tpu.memref_slice %arg11[%dma_start3A_142, %dma_start3A_149] : memref<2x1024xi32, #tpu.memory_space<vmem>> -> memref<1x128xi32, #tpu.memory_space<vmem>>
    %dma_start3A_151 = tpu.memref_squeeze %dma_start3A_150 : memref<1x128xi32, #tpu.memory_space<vmem>> -> memref<128xi32, #tpu.memory_space<vmem>>
    %dma_start3A_152 = arith.constant 0 : i32
    %dma_start3A_153 = tpu.memref_slice %arg4[%select_n3A, %dma_start3A_141, %select_n3A_43, %dma_start3A_152] : memref<65x8x8x128xi32, #tpu.memory_space<hbm>> -> memref<1x1x1x128xi32, #tpu.memory_space<hbm>>
    %dma_start3A_154 = tpu.memref_squeeze %dma_start3A_153 : memref<1x1x1x128xi32, #tpu.memory_space<hbm>> -> memref<128xi32, #tpu.memory_space<hbm>>
    tpu.enqueue_dma source(%dma_start3A_154 : memref<128xi32, #tpu.memory_space<hbm>>) target(%dma_start3A_151 : memref<128xi32, #tpu.memory_space<vmem>>) target_semaphore(%arg14 : memref<!tpu.dma_semaphore, #tpu.memory_space<semaphore_mem>>)
    %dma_start3A_155 = arith.constant 4 : i32
    %dma_start3A_156 = arith.constant 0 : i32
    %dma_start3A_157 = arith.constant 512 : i32
    %dma_start3A_158 = tpu.memref_slice %arg10[%dma_start3A_156, %dma_start3A_157] : memref<2x1024xi32, #tpu.memory_space<vmem>> -> memref<1x128xi32, #tpu.memory_space<vmem>>
    %dma_start3A_159 = tpu.memref_squeeze %dma_start3A_158 : memref<1x128xi32, #tpu.memory_space<vmem>> -> memref<128xi32, #tpu.memory_space<vmem>>
    %dma_start3A_160 = arith.constant 0 : i32
    %dma_start3A_161 = tpu.memref_slice %arg3[%select_n3A, %dma_start3A_155, %select_n3A_43, %dma_start3A_160] : memref<65x8x8x128xi32, #tpu.memory_space<hbm>> -> memref<1x1x1x128xi32, #tpu.memory_space<hbm>>
    %dma_start3A_162 = tpu.memref_squeeze %dma_start3A_161 : memref<1x1x1x128xi32, #tpu.memory_space<hbm>> -> memref<128xi32, #tpu.memory_space<hbm>>
    %dma_start3A_163 = arith.constant 512 : i32
    %dma_start3A_164 = tpu.memref_slice %arg10[%dma_start3A_156, %dma_start3A_163] : memref<2x1024xi32, #tpu.memory_space<vmem>> -> memref<1x128xi32, #tpu.memory_space<vmem>>
    %dma_start3A_165 = tpu.memref_squeeze %dma_start3A_164 : memref<1x128xi32, #tpu.memory_space<vmem>> -> memref<128xi32, #tpu.memory_space<vmem>>
    %dma_start3A_166 = arith.constant 0 : i32
    %dma_start3A_167 = tpu.memref_slice %arg3[%select_n3A, %dma_start3A_155, %select_n3A_43, %dma_start3A_166] : memref<65x8x8x128xi32, #tpu.memory_space<hbm>> -> memref<1x1x1x128xi32, #tpu.memory_space<hbm>>
    %dma_start3A_168 = tpu.memref_squeeze %dma_start3A_167 : memref<1x1x1x128xi32, #tpu.memory_space<hbm>> -> memref<128xi32, #tpu.memory_space<hbm>>
    tpu.enqueue_dma source(%dma_start3A_168 : memref<128xi32, #tpu.memory_space<hbm>>) target(%dma_start3A_165 : memref<128xi32, #tpu.memory_space<vmem>>) target_semaphore(%arg14 : memref<!tpu.dma_semaphore, #tpu.memory_space<semaphore_mem>>)
    %dma_start3A_169 = arith.constant 4 : i32
    %dma_start3A_170 = arith.constant 0 : i32
    %dma_start3A_171 = arith.constant 512 : i32
    %dma_start3A_172 = tpu.memref_slice %arg11[%dma_start3A_170, %dma_start3A_171] : memref<2x1024xi32, #tpu.memory_space<vmem>> -> memref<1x128xi32, #tpu.memory_space<vmem>>
    %dma_start3A_173 = tpu.memref_squeeze %dma_start3A_172 : memref<1x128xi32, #tpu.memory_space<vmem>> -> memref<128xi32, #tpu.memory_space<vmem>>
    %dma_start3A_174 = arith.constant 0 : i32
    %dma_start3A_175 = tpu.memref_slice %arg4[%select_n3A, %dma_start3A_169, %select_n3A_43, %dma_start3A_174] : memref<65x8x8x128xi32, #tpu.memory_space<hbm>> -> memref<1x1x1x128xi32, #tpu.memory_space<hbm>>
    %dma_start3A_176 = tpu.memref_squeeze %dma_start3A_175 : memref<1x1x1x128xi32, #tpu.memory_space<hbm>> -> memref<128xi32, #tpu.memory_space<hbm>>
    %dma_start3A_177 = arith.constant 512 : i32
    %dma_start3A_178 = tpu.memref_slice %arg11[%dma_start3A_170, %dma_start3A_177] : memref<2x1024xi32, #tpu.memory_space<vmem>> -> memref<1x128xi32, #tpu.memory_space<vmem>>
    %dma_start3A_179 = tpu.memref_squeeze %dma_start3A_178 : memref<1x128xi32, #tpu.memory_space<vmem>> -> memref<128xi32, #tpu.memory_space<vmem>>
    %dma_start3A_180 = arith.constant 0 : i32
    %dma_start3A_181 = tpu.memref_slice %arg4[%select_n3A, %dma_start3A_169, %select_n3A_43, %dma_start3A_180] : memref<65x8x8x128xi32, #tpu.memory_space<hbm>> -> memref<1x1x1x128xi32, #tpu.memory_space<hbm>>
    %dma_start3A_182 = tpu.memref_squeeze %dma_start3A_181 : memref<1x1x1x128xi32, #tpu.memory_space<hbm>> -> memref<128xi32, #tpu.memory_space<hbm>>
    tpu.enqueue_dma source(%dma_start3A_182 : memref<128xi32, #tpu.memory_space<hbm>>) target(%dma_start3A_179 : memref<128xi32, #tpu.memory_space<vmem>>) target_semaphore(%arg14 : memref<!tpu.dma_semaphore, #tpu.memory_space<semaphore_mem>>)
    %dma_start3A_183 = arith.constant 5 : i32
    %dma_start3A_184 = arith.constant 0 : i32
    %dma_start3A_185 = arith.constant 640 : i32
    %dma_start3A_186 = tpu.memref_slice %arg10[%dma_start3A_184, %dma_start3A_185] : memref<2x1024xi32, #tpu.memory_space<vmem>> -> memref<1x128xi32, #tpu.memory_space<vmem>>
    %dma_start3A_187 = tpu.memref_squeeze %dma_start3A_186 : memref<1x128xi32, #tpu.memory_space<vmem>> -> memref<128xi32, #tpu.memory_space<vmem>>
    %dma_start3A_188 = arith.constant 0 : i32
    %dma_start3A_189 = tpu.memref_slice %arg3[%select_n3A, %dma_start3A_183, %select_n3A_43, %dma_start3A_188] : memref<65x8x8x128xi32, #tpu.memory_space<hbm>> -> memref<1x1x1x128xi32, #tpu.memory_space<hbm>>
    %dma_start3A_190 = tpu.memref_squeeze %dma_start3A_189 : memref<1x1x1x128xi32, #tpu.memory_space<hbm>> -> memref<128xi32, #tpu.memory_space<hbm>>
    %dma_start3A_191 = arith.constant 640 : i32
    %dma_start3A_192 = tpu.memref_slice %arg10[%dma_start3A_184, %dma_start3A_191] : memref<2x1024xi32, #tpu.memory_space<vmem>> -> memref<1x128xi32, #tpu.memory_space<vmem>>
    %dma_start3A_193 = tpu.memref_squeeze %dma_start3A_192 : memref<1x128xi32, #tpu.memory_space<vmem>> -> memref<128xi32, #tpu.memory_space<vmem>>
    %dma_start3A_194 = arith.constant 0 : i32
    %dma_start3A_195 = tpu.memref_slice %arg3[%select_n3A, %dma_start3A_183, %select_n3A_43, %dma_start3A_194] : memref<65x8x8x128xi32, #tpu.memory_space<hbm>> -> memref<1x1x1x128xi32, #tpu.memory_space<hbm>>
    %dma_start3A_196 = tpu.memref_squeeze %dma_start3A_195 : memref<1x1x1x128xi32, #tpu.memory_space<hbm>> -> memref<128xi32, #tpu.memory_space<hbm>>
    tpu.enqueue_dma source(%dma_start3A_196 : memref<128xi32, #tpu.memory_space<hbm>>) target(%dma_start3A_193 : memref<128xi32, #tpu.memory_space<vmem>>) target_semaphore(%arg14 : memref<!tpu.dma_semaphore, #tpu.memory_space<semaphore_mem>>)
    %dma_start3A_197 = arith.constant 5 : i32
    %dma_start3A_198 = arith.constant 0 : i32
    %dma_start3A_199 = arith.constant 640 : i32
    %dma_start3A_200 = tpu.memref_slice %arg11[%dma_start3A_198, %dma_start3A_199] : memref<2x1024xi32, #tpu.memory_space<vmem>> -> memref<1x128xi32, #tpu.memory_space<vmem>>
    %dma_start3A_201 = tpu.memref_squeeze %dma_start3A_200 : memref<1x128xi32, #tpu.memory_space<vmem>> -> memref<128xi32, #tpu.memory_space<vmem>>
    %dma_start3A_202 = arith.constant 0 : i32
    %dma_start3A_203 = tpu.memref_slice %arg4[%select_n3A, %dma_start3A_197, %select_n3A_43, %dma_start3A_202] : memref<65x8x8x128xi32, #tpu.memory_space<hbm>> -> memref<1x1x1x128xi32, #tpu.memory_space<hbm>>
    %dma_start3A_204 = tpu.memref_squeeze %dma_start3A_203 : memref<1x1x1x128xi32, #tpu.memory_space<hbm>> -> memref<128xi32, #tpu.memory_space<hbm>>
    %dma_start3A_205 = arith.constant 640 : i32
    %dma_start3A_206 = tpu.memref_slice %arg11[%dma_start3A_198, %dma_start3A_205] : memref<2x1024xi32, #tpu.memory_space<vmem>> -> memref<1x128xi32, #tpu.memory_space<vmem>>
    %dma_start3A_207 = tpu.memref_squeeze %dma_start3A_206 : memref<1x128xi32, #tpu.memory_space<vmem>> -> memref<128xi32, #tpu.memory_space<vmem>>
    %dma_start3A_208 = arith.constant 0 : i32
    %dma_start3A_209 = tpu.memref_slice %arg4[%select_n3A, %dma_start3A_197, %select_n3A_43, %dma_start3A_208] : memref<65x8x8x128xi32, #tpu.memory_space<hbm>> -> memref<1x1x1x128xi32, #tpu.memory_space<hbm>>
    %dma_start3A_210 = tpu.memref_squeeze %dma_start3A_209 : memref<1x1x1x128xi32, #tpu.memory_space<hbm>> -> memref<128xi32, #tpu.memory_space<hbm>>
    tpu.enqueue_dma source(%dma_start3A_210 : memref<128xi32, #tpu.memory_space<hbm>>) target(%dma_start3A_207 : memref<128xi32, #tpu.memory_space<vmem>>) target_semaphore(%arg14 : memref<!tpu.dma_semaphore, #tpu.memory_space<semaphore_mem>>)
    %dma_start3A_211 = arith.constant 6 : i32
    %dma_start3A_212 = arith.constant 0 : i32
    %dma_start3A_213 = arith.constant 768 : i32
    %dma_start3A_214 = tpu.memref_slice %arg10[%dma_start3A_212, %dma_start3A_213] : memref<2x1024xi32, #tpu.memory_space<vmem>> -> memref<1x128xi32, #tpu.memory_space<vmem>>
    %dma_start3A_215 = tpu.memref_squeeze %dma_start3A_214 : memref<1x128xi32, #tpu.memory_space<vmem>> -> memref<128xi32, #tpu.memory_space<vmem>>
    %dma_start3A_216 = arith.constant 0 : i32
    %dma_start3A_217 = tpu.memref_slice %arg3[%select_n3A, %dma_start3A_211, %select_n3A_43, %dma_start3A_216] : memref<65x8x8x128xi32, #tpu.memory_space<hbm>> -> memref<1x1x1x128xi32, #tpu.memory_space<hbm>>
    %dma_start3A_218 = tpu.memref_squeeze %dma_start3A_217 : memref<1x1x1x128xi32, #tpu.memory_space<hbm>> -> memref<128xi32, #tpu.memory_space<hbm>>
    %dma_start3A_219 = arith.constant 768 : i32
    %dma_start3A_220 = tpu.memref_slice %arg10[%dma_start3A_212, %dma_start3A_219] : memref<2x1024xi32, #tpu.memory_space<vmem>> -> memref<1x128xi32, #tpu.memory_space<vmem>>
    %dma_start3A_221 = tpu.memref_squeeze %dma_start3A_220 : memref<1x128xi32, #tpu.memory_space<vmem>> -> memref<128xi32, #tpu.memory_space<vmem>>
    %dma_start3A_222 = arith.constant 0 : i32
    %dma_start3A_223 = tpu.memref_slice %arg3[%select_n3A, %dma_start3A_211, %select_n3A_43, %dma_start3A_222] : memref<65x8x8x128xi32, #tpu.memory_space<hbm>> -> memref<1x1x1x128xi32, #tpu.memory_space<hbm>>
    %dma_start3A_224 = tpu.memref_squeeze %dma_start3A_223 : memref<1x1x1x128xi32, #tpu.memory_space<hbm>> -> memref<128xi32, #tpu.memory_space<hbm>>
    tpu.enqueue_dma source(%dma_start3A_224 : memref<128xi32, #tpu.memory_space<hbm>>) target(%dma_start3A_221 : memref<128xi32, #tpu.memory_space<vmem>>) target_semaphore(%arg14 : memref<!tpu.dma_semaphore, #tpu.memory_space<semaphore_mem>>)
    %dma_start3A_225 = arith.constant 6 : i32
    %dma_start3A_226 = arith.constant 0 : i32
    %dma_start3A_227 = arith.constant 768 : i32
    %dma_start3A_228 = tpu.memref_slice %arg11[%dma_start3A_226, %dma_start3A_227] : memref<2x1024xi32, #tpu.memory_space<vmem>> -> memref<1x128xi32, #tpu.memory_space<vmem>>
    %dma_start3A_229 = tpu.memref_squeeze %dma_start3A_228 : memref<1x128xi32, #tpu.memory_space<vmem>> -> memref<128xi32, #tpu.memory_space<vmem>>
    %dma_start3A_230 = arith.constant 0 : i32
    %dma_start3A_231 = tpu.memref_slice %arg4[%select_n3A, %dma_start3A_225, %select_n3A_43, %dma_start3A_230] : memref<65x8x8x128xi32, #tpu.memory_space<hbm>> -> memref<1x1x1x128xi32, #tpu.memory_space<hbm>>
    %dma_start3A_232 = tpu.memref_squeeze %dma_start3A_231 : memref<1x1x1x128xi32, #tpu.memory_space<hbm>> -> memref<128xi32, #tpu.memory_space<hbm>>
    %dma_start3A_233 = arith.constant 768 : i32
    %dma_start3A_234 = tpu.memref_slice %arg11[%dma_start3A_226, %dma_start3A_233] : memref<2x1024xi32, #tpu.memory_space<vmem>> -> memref<1x128xi32, #tpu.memory_space<vmem>>
    %dma_start3A_235 = tpu.memref_squeeze %dma_start3A_234 : memref<1x128xi32, #tpu.memory_space<vmem>> -> memref<128xi32, #tpu.memory_space<vmem>>
    %dma_start3A_236 = arith.constant 0 : i32
    %dma_start3A_237 = tpu.memref_slice %arg4[%select_n3A, %dma_start3A_225, %select_n3A_43, %dma_start3A_236] : memref<65x8x8x128xi32, #tpu.memory_space<hbm>> -> memref<1x1x1x128xi32, #tpu.memory_space<hbm>>
    %dma_start3A_238 = tpu.memref_squeeze %dma_start3A_237 : memref<1x1x1x128xi32, #tpu.memory_space<hbm>> -> memref<128xi32, #tpu.memory_space<hbm>>
    tpu.enqueue_dma source(%dma_start3A_238 : memref<128xi32, #tpu.memory_space<hbm>>) target(%dma_start3A_235 : memref<128xi32, #tpu.memory_space<vmem>>) target_semaphore(%arg14 : memref<!tpu.dma_semaphore, #tpu.memory_space<semaphore_mem>>)
    %dma_start3A_239 = arith.constant 7 : i32
    %dma_start3A_240 = arith.constant 0 : i32
    %dma_start3A_241 = arith.constant 896 : i32
    %dma_start3A_242 = tpu.memref_slice %arg10[%dma_start3A_240, %dma_start3A_241] : memref<2x1024xi32, #tpu.memory_space<vmem>> -> memref<1x128xi32, #tpu.memory_space<vmem>>
    %dma_start3A_243 = tpu.memref_squeeze %dma_start3A_242 : memref<1x128xi32, #tpu.memory_space<vmem>> -> memref<128xi32, #tpu.memory_space<vmem>>
    %dma_start3A_244 = arith.constant 0 : i32
    %dma_start3A_245 = tpu.memref_slice %arg3[%select_n3A, %dma_start3A_239, %select_n3A_43, %dma_start3A_244] : memref<65x8x8x128xi32, #tpu.memory_space<hbm>> -> memref<1x1x1x128xi32, #tpu.memory_space<hbm>>
    %dma_start3A_246 = tpu.memref_squeeze %dma_start3A_245 : memref<1x1x1x128xi32, #tpu.memory_space<hbm>> -> memref<128xi32, #tpu.memory_space<hbm>>
    %dma_start3A_247 = arith.constant 896 : i32
    %dma_start3A_248 = tpu.memref_slice %arg10[%dma_start3A_240, %dma_start3A_247] : memref<2x1024xi32, #tpu.memory_space<vmem>> -> memref<1x128xi32, #tpu.memory_space<vmem>>
    %dma_start3A_249 = tpu.memref_squeeze %dma_start3A_248 : memref<1x128xi32, #tpu.memory_space<vmem>> -> memref<128xi32, #tpu.memory_space<vmem>>
    %dma_start3A_250 = arith.constant 0 : i32
    %dma_start3A_251 = tpu.memref_slice %arg3[%select_n3A, %dma_start3A_239, %select_n3A_43, %dma_start3A_250] : memref<65x8x8x128xi32, #tpu.memory_space<hbm>> -> memref<1x1x1x128xi32, #tpu.memory_space<hbm>>
    %dma_start3A_252 = tpu.memref_squeeze %dma_start3A_251 : memref<1x1x1x128xi32, #tpu.memory_space<hbm>> -> memref<128xi32, #tpu.memory_space<hbm>>
    tpu.enqueue_dma source(%dma_start3A_252 : memref<128xi32, #tpu.memory_space<hbm>>) target(%dma_start3A_249 : memref<128xi32, #tpu.memory_space<vmem>>) target_semaphore(%arg14 : memref<!tpu.dma_semaphore, #tpu.memory_space<semaphore_mem>>)
    %dma_start3A_253 = arith.constant 7 : i32
    %dma_start3A_254 = arith.constant 0 : i32
    %dma_start3A_255 = arith.constant 896 : i32
    %dma_start3A_256 = tpu.memref_slice %arg11[%dma_start3A_254, %dma_start3A_255] : memref<2x1024xi32, #tpu.memory_space<vmem>> -> memref<1x128xi32, #tpu.memory_space<vmem>>
    %dma_start3A_257 = tpu.memref_squeeze %dma_start3A_256 : memref<1x128xi32, #tpu.memory_space<vmem>> -> memref<128xi32, #tpu.memory_space<vmem>>
    %dma_start3A_258 = arith.constant 0 : i32
    %dma_start3A_259 = tpu.memref_slice %arg4[%select_n3A, %dma_start3A_253, %select_n3A_43, %dma_start3A_258] : memref<65x8x8x128xi32, #tpu.memory_space<hbm>> -> memref<1x1x1x128xi32, #tpu.memory_space<hbm>>
    %dma_start3A_260 = tpu.memref_squeeze %dma_start3A_259 : memref<1x1x1x128xi32, #tpu.memory_space<hbm>> -> memref<128xi32, #tpu.memory_space<hbm>>
    %dma_start3A_261 = arith.constant 896 : i32
    %dma_start3A_262 = tpu.memref_slice %arg11[%dma_start3A_254, %dma_start3A_261] : memref<2x1024xi32, #tpu.memory_space<vmem>> -> memref<1x128xi32, #tpu.memory_space<vmem>>
    %dma_start3A_263 = tpu.memref_squeeze %dma_start3A_262 : memref<1x128xi32, #tpu.memory_space<vmem>> -> memref<128xi32, #tpu.memory_space<vmem>>
    %dma_start3A_264 = arith.constant 0 : i32
    %dma_start3A_265 = tpu.memref_slice %arg4[%select_n3A, %dma_start3A_253, %select_n3A_43, %dma_start3A_264] : memref<65x8x8x128xi32, #tpu.memory_space<hbm>> -> memref<1x1x1x128xi32, #tpu.memory_space<hbm>>
    %dma_start3A_266 = tpu.memref_squeeze %dma_start3A_265 : memref<1x1x1x128xi32, #tpu.memory_space<hbm>> -> memref<128xi32, #tpu.memory_space<hbm>>
    tpu.enqueue_dma source(%dma_start3A_266 : memref<128xi32, #tpu.memory_space<hbm>>) target(%dma_start3A_263 : memref<128xi32, #tpu.memory_space<vmem>>) target_semaphore(%arg14 : memref<!tpu.dma_semaphore, #tpu.memory_space<semaphore_mem>>)
    %sub3A_267 = arith.constant 1 : i32
    %sub3A_268 = arith.subi %add3A_3, %sub3A_267 : i32
    %min3A_269 = arith.constant 1 : i32
    %min3A_270 = arith.minsi %min3A_269, %sub3A_268 : i32
    %add3A_271 = arith.addi %add3A_7, %min3A_270 : i32
    %jit3A_272 = arith.constant 8 : i32
    %div3A_273 = arith.divsi %add3A_271, %jit3A_272 : i32
    %sign3A_274 = arith.constant 0 : i32
    %sign3A_275 = arith.cmpi sgt, %add3A_271, %sign3A_274 : i32
    %sign3A_276 = arith.extui %sign3A_275 : i1 to i32
    %sign3A_277 = arith.constant 0 : i32
    %sign3A_278 = arith.cmpi slt, %add3A_271, %sign3A_277 : i32
    %sign3A_279 = arith.extui %sign3A_278 : i1 to i32
    %sign3A_280 = arith.subi %sign3A_276, %sign3A_279 : i32
    %sign3A_281 = arith.constant 0 : i32
    %sign3A_282 = arith.cmpi sgt, %jit3A_272, %sign3A_281 : i32
    %sign3A_283 = arith.extui %sign3A_282 : i1 to i32
    %sign3A_284 = arith.constant 0 : i32
    %sign3A_285 = arith.cmpi slt, %jit3A_272, %sign3A_284 : i32
    %sign3A_286 = arith.extui %sign3A_285 : i1 to i32
    %sign3A_287 = arith.subi %sign3A_283, %sign3A_286 : i32
    %ne3A_288 = arith.cmpi ne, %sign3A_280, %sign3A_287 : i32
    %rem3A_289 = arith.remsi %add3A_271, %jit3A_272 : i32
    %ne3A_290 = arith.constant 0 : i32
    %ne3A_291 = arith.cmpi ne, %rem3A_289, %ne3A_290 : i32
    %and3A_292 = arith.andi %ne3A_288, %ne3A_291 : i1
    %sub3A_293 = arith.constant 1 : i32
    %sub3A_294 = arith.subi %div3A_273, %sub3A_293 : i32
    %select_n3A_295 = arith.select %and3A_292, %sub3A_294, %div3A_273 : i32
    %jit3A_296 = arith.constant 8 : i32
    %eq3A_297 = arith.constant 0 : i32
    %eq3A_298 = arith.cmpi eq, %jit3A_296, %eq3A_297 : i32
    %jit3A_299 = arith.constant 1 : i32
    %select_n3A_300 = arith.select %eq3A_298, %jit3A_299, %jit3A_296 : i32
    %rem3A_301 = arith.remsi %add3A_271, %select_n3A_300 : i32
    %ne3A_302 = arith.constant 0 : i32
    %ne3A_303 = arith.cmpi ne, %rem3A_301, %ne3A_302 : i32
    %lt3A_304 = arith.constant 0 : i32
    %lt3A_305 = arith.cmpi slt, %rem3A_301, %lt3A_304 : i32
    %lt3A_306 = arith.constant 0 : i32
    %lt3A_307 = arith.cmpi slt, %select_n3A_300, %lt3A_306 : i32
    %ne3A_308 = arith.xori %lt3A_305, %lt3A_307 : i1
    %and3A_309 = arith.andi %ne3A_308, %ne3A_303 : i1
    %add3A_310 = arith.addi %rem3A_301, %select_n3A_300 : i32
    %select_n3A_311 = arith.select %and3A_309, %add3A_310, %rem3A_301 : i32
    %dma_start3A_312 = arith.constant 0 : i32
    %dma_start3A_313 = arith.constant 1 : i32
    %dma_start3A_314 = arith.constant 0 : i32
    %dma_start3A_315 = tpu.memref_slice %arg10[%dma_start3A_313, %dma_start3A_314] : memref<2x1024xi32, #tpu.memory_space<vmem>> -> memref<1x128xi32, #tpu.memory_space<vmem>>
    %dma_start3A_316 = tpu.memref_squeeze %dma_start3A_315 : memref<1x128xi32, #tpu.memory_space<vmem>> -> memref<128xi32, #tpu.memory_space<vmem>>
    %dma_start3A_317 = arith.constant 0 : i32
    %dma_start3A_318 = tpu.memref_slice %arg3[%select_n3A_295, %dma_start3A_312, %select_n3A_311, %dma_start3A_317] : memref<65x8x8x128xi32, #tpu.memory_space<hbm>> -> memref<1x1x1x128xi32, #tpu.memory_space<hbm>>
    %dma_start3A_319 = tpu.memref_squeeze %dma_start3A_318 : memref<1x1x1x128xi32, #tpu.memory_space<hbm>> -> memref<128xi32, #tpu.memory_space<hbm>>
    %dma_start3A_320 = arith.constant 0 : i32
    %dma_start3A_321 = tpu.memref_slice %arg10[%dma_start3A_313, %dma_start3A_320] : memref<2x1024xi32, #tpu.memory_space<vmem>> -> memref<1x128xi32, #tpu.memory_space<vmem>>
    %dma_start3A_322 = tpu.memref_squeeze %dma_start3A_321 : memref<1x128xi32, #tpu.memory_space<vmem>> -> memref<128xi32, #tpu.memory_space<vmem>>
    %dma_start3A_323 = arith.constant 0 : i32
    %dma_start3A_324 = tpu.memref_slice %arg3[%select_n3A_295, %dma_start3A_312, %select_n3A_311, %dma_start3A_323] : memref<65x8x8x128xi32, #tpu.memory_space<hbm>> -> memref<1x1x1x128xi32, #tpu.memory_space<hbm>>
    %dma_start3A_325 = tpu.memref_squeeze %dma_start3A_324 : memref<1x1x1x128xi32, #tpu.memory_space<hbm>> -> memref<128xi32, #tpu.memory_space<hbm>>
    tpu.enqueue_dma source(%dma_start3A_325 : memref<128xi32, #tpu.memory_space<hbm>>) target(%dma_start3A_322 : memref<128xi32, #tpu.memory_space<vmem>>) target_semaphore(%arg15 : memref<!tpu.dma_semaphore, #tpu.memory_space<semaphore_mem>>)
    %dma_start3A_326 = arith.constant 0 : i32
    %dma_start3A_327 = arith.constant 1 : i32
    %dma_start3A_328 = arith.constant 0 : i32
    %dma_start3A_329 = tpu.memref_slice %arg11[%dma_start3A_327, %dma_start3A_328] : memref<2x1024xi32, #tpu.memory_space<vmem>> -> memref<1x128xi32, #tpu.memory_space<vmem>>
    %dma_start3A_330 = tpu.memref_squeeze %dma_start3A_329 : memref<1x128xi32, #tpu.memory_space<vmem>> -> memref<128xi32, #tpu.memory_space<vmem>>
    %dma_start3A_331 = arith.constant 0 : i32
    %dma_start3A_332 = tpu.memref_slice %arg4[%select_n3A_295, %dma_start3A_326, %select_n3A_311, %dma_start3A_331] : memref<65x8x8x128xi32, #tpu.memory_space<hbm>> -> memref<1x1x1x128xi32, #tpu.memory_space<hbm>>
    %dma_start3A_333 = tpu.memref_squeeze %dma_start3A_332 : memref<1x1x1x128xi32, #tpu.memory_space<hbm>> -> memref<128xi32, #tpu.memory_space<hbm>>
    %dma_start3A_334 = arith.constant 0 : i32
    %dma_start3A_335 = tpu.memref_slice %arg11[%dma_start3A_327, %dma_start3A_334] : memref<2x1024xi32, #tpu.memory_space<vmem>> -> memref<1x128xi32, #tpu.memory_space<vmem>>
    %dma_start3A_336 = tpu.memref_squeeze %dma_start3A_335 : memref<1x128xi32, #tpu.memory_space<vmem>> -> memref<128xi32, #tpu.memory_space<vmem>>
    %dma_start3A_337 = arith.constant 0 : i32
    %dma_start3A_338 = tpu.memref_slice %arg4[%select_n3A_295, %dma_start3A_326, %select_n3A_311, %dma_start3A_337] : memref<65x8x8x128xi32, #tpu.memory_space<hbm>> -> memref<1x1x1x128xi32, #tpu.memory_space<hbm>>
    %dma_start3A_339 = tpu.memref_squeeze %dma_start3A_338 : memref<1x1x1x128xi32, #tpu.memory_space<hbm>> -> memref<128xi32, #tpu.memory_space<hbm>>
    tpu.enqueue_dma source(%dma_start3A_339 : memref<128xi32, #tpu.memory_space<hbm>>) target(%dma_start3A_336 : memref<128xi32, #tpu.memory_space<vmem>>) target_semaphore(%arg15 : memref<!tpu.dma_semaphore, #tpu.memory_space<semaphore_mem>>)
    %dma_start3A_340 = arith.constant 1 : i32
    %dma_start3A_341 = arith.constant 1 : i32
    %dma_start3A_342 = arith.constant 128 : i32
    %dma_start3A_343 = tpu.memref_slice %arg10[%dma_start3A_341, %dma_start3A_342] : memref<2x1024xi32, #tpu.memory_space<vmem>> -> memref<1x128xi32, #tpu.memory_space<vmem>>
    %dma_start3A_344 = tpu.memref_squeeze %dma_start3A_343 : memref<1x128xi32, #tpu.memory_space<vmem>> -> memref<128xi32, #tpu.memory_space<vmem>>
    %dma_start3A_345 = arith.constant 0 : i32
    %dma_start3A_346 = tpu.memref_slice %arg3[%select_n3A_295, %dma_start3A_340, %select_n3A_311, %dma_start3A_345] : memref<65x8x8x128xi32, #tpu.memory_space<hbm>> -> memref<1x1x1x128xi32, #tpu.memory_space<hbm>>
    %dma_start3A_347 = tpu.memref_squeeze %dma_start3A_346 : memref<1x1x1x128xi32, #tpu.memory_space<hbm>> -> memref<128xi32, #tpu.memory_space<hbm>>
    %dma_start3A_348 = arith.constant 128 : i32
    %dma_start3A_349 = tpu.memref_slice %arg10[%dma_start3A_341, %dma_start3A_348] : memref<2x1024xi32, #tpu.memory_space<vmem>> -> memref<1x128xi32, #tpu.memory_space<vmem>>
    %dma_start3A_350 = tpu.memref_squeeze %dma_start3A_349 : memref<1x128xi32, #tpu.memory_space<vmem>> -> memref<128xi32, #tpu.memory_space<vmem>>
    %dma_start3A_351 = arith.constant 0 : i32
    %dma_start3A_352 = tpu.memref_slice %arg3[%select_n3A_295, %dma_start3A_340, %select_n3A_311, %dma_start3A_351] : memref<65x8x8x128xi32, #tpu.memory_space<hbm>> -> memref<1x1x1x128xi32, #tpu.memory_space<hbm>>
    %dma_start3A_353 = tpu.memref_squeeze %dma_start3A_352 : memref<1x1x1x128xi32, #tpu.memory_space<hbm>> -> memref<128xi32, #tpu.memory_space<hbm>>
    tpu.enqueue_dma source(%dma_start3A_353 : memref<128xi32, #tpu.memory_space<hbm>>) target(%dma_start3A_350 : memref<128xi32, #tpu.memory_space<vmem>>) target_semaphore(%arg15 : memref<!tpu.dma_semaphore, #tpu.memory_space<semaphore_mem>>)
    %dma_start3A_354 = arith.constant 1 : i32
    %dma_start3A_355 = arith.constant 1 : i32
    %dma_start3A_356 = arith.constant 128 : i32
    %dma_start3A_357 = tpu.memref_slice %arg11[%dma_start3A_355, %dma_start3A_356] : memref<2x1024xi32, #tpu.memory_space<vmem>> -> memref<1x128xi32, #tpu.memory_space<vmem>>
    %dma_start3A_358 = tpu.memref_squeeze %dma_start3A_357 : memref<1x128xi32, #tpu.memory_space<vmem>> -> memref<128xi32, #tpu.memory_space<vmem>>
    %dma_start3A_359 = arith.constant 0 : i32
    %dma_start3A_360 = tpu.memref_slice %arg4[%select_n3A_295, %dma_start3A_354, %select_n3A_311, %dma_start3A_359] : memref<65x8x8x128xi32, #tpu.memory_space<hbm>> -> memref<1x1x1x128xi32, #tpu.memory_space<hbm>>
    %dma_start3A_361 = tpu.memref_squeeze %dma_start3A_360 : memref<1x1x1x128xi32, #tpu.memory_space<hbm>> -> memref<128xi32, #tpu.memory_space<hbm>>
    %dma_start3A_362 = arith.constant 128 : i32
    %dma_start3A_363 = tpu.memref_slice %arg11[%dma_start3A_355, %dma_start3A_362] : memref<2x1024xi32, #tpu.memory_space<vmem>> -> memref<1x128xi32, #tpu.memory_space<vmem>>
    %dma_start3A_364 = tpu.memref_squeeze %dma_start3A_363 : memref<1x128xi32, #tpu.memory_space<vmem>> -> memref<128xi32, #tpu.memory_space<vmem>>
    %dma_start3A_365 = arith.constant 0 : i32
    %dma_start3A_366 = tpu.memref_slice %arg4[%select_n3A_295, %dma_start3A_354, %select_n3A_311, %dma_start3A_365] : memref<65x8x8x128xi32, #tpu.memory_space<hbm>> -> memref<1x1x1x128xi32, #tpu.memory_space<hbm>>
    %dma_start3A_367 = tpu.memref_squeeze %dma_start3A_366 : memref<1x1x1x128xi32, #tpu.memory_space<hbm>> -> memref<128xi32, #tpu.memory_space<hbm>>
    tpu.enqueue_dma source(%dma_start3A_367 : memref<128xi32, #tpu.memory_space<hbm>>) target(%dma_start3A_364 : memref<128xi32, #tpu.memory_space<vmem>>) target_semaphore(%arg15 : memref<!tpu.dma_semaphore, #tpu.memory_space<semaphore_mem>>)
    %dma_start3A_368 = arith.constant 2 : i32
    %dma_start3A_369 = arith.constant 1 : i32
    %dma_start3A_370 = arith.constant 256 : i32
    %dma_start3A_371 = tpu.memref_slice %arg10[%dma_start3A_369, %dma_start3A_370] : memref<2x1024xi32, #tpu.memory_space<vmem>> -> memref<1x128xi32, #tpu.memory_space<vmem>>
    %dma_start3A_372 = tpu.memref_squeeze %dma_start3A_371 : memref<1x128xi32, #tpu.memory_space<vmem>> -> memref<128xi32, #tpu.memory_space<vmem>>
    %dma_start3A_373 = arith.constant 0 : i32
    %dma_start3A_374 = tpu.memref_slice %arg3[%select_n3A_295, %dma_start3A_368, %select_n3A_311, %dma_start3A_373] : memref<65x8x8x128xi32, #tpu.memory_space<hbm>> -> memref<1x1x1x128xi32, #tpu.memory_space<hbm>>
    %dma_start3A_375 = tpu.memref_squeeze %dma_start3A_374 : memref<1x1x1x128xi32, #tpu.memory_space<hbm>> -> memref<128xi32, #tpu.memory_space<hbm>>
    %dma_start3A_376 = arith.constant 256 : i32
    %dma_start3A_377 = tpu.memref_slice %arg10[%dma_start3A_369, %dma_start3A_376] : memref<2x1024xi32, #tpu.memory_space<vmem>> -> memref<1x128xi32, #tpu.memory_space<vmem>>
    %dma_start3A_378 = tpu.memref_squeeze %dma_start3A_377 : memref<1x128xi32, #tpu.memory_space<vmem>> -> memref<128xi32, #tpu.memory_space<vmem>>
    %dma_start3A_379 = arith.constant 0 : i32
    %dma_start3A_380 = tpu.memref_slice %arg3[%select_n3A_295, %dma_start3A_368, %select_n3A_311, %dma_start3A_379] : memref<65x8x8x128xi32, #tpu.memory_space<hbm>> -> memref<1x1x1x128xi32, #tpu.memory_space<hbm>>
    %dma_start3A_381 = tpu.memref_squeeze %dma_start3A_380 : memref<1x1x1x128xi32, #tpu.memory_space<hbm>> -> memref<128xi32, #tpu.memory_space<hbm>>
    tpu.enqueue_dma source(%dma_start3A_381 : memref<128xi32, #tpu.memory_space<hbm>>) target(%dma_start3A_378 : memref<128xi32, #tpu.memory_space<vmem>>) target_semaphore(%arg15 : memref<!tpu.dma_semaphore, #tpu.memory_space<semaphore_mem>>)
    %dma_start3A_382 = arith.constant 2 : i32
    %dma_start3A_383 = arith.constant 1 : i32
    %dma_start3A_384 = arith.constant 256 : i32
    %dma_start3A_385 = tpu.memref_slice %arg11[%dma_start3A_383, %dma_start3A_384] : memref<2x1024xi32, #tpu.memory_space<vmem>> -> memref<1x128xi32, #tpu.memory_space<vmem>>
    %dma_start3A_386 = tpu.memref_squeeze %dma_start3A_385 : memref<1x128xi32, #tpu.memory_space<vmem>> -> memref<128xi32, #tpu.memory_space<vmem>>
    %dma_start3A_387 = arith.constant 0 : i32
    %dma_start3A_388 = tpu.memref_slice %arg4[%select_n3A_295, %dma_start3A_382, %select_n3A_311, %dma_start3A_387] : memref<65x8x8x128xi32, #tpu.memory_space<hbm>> -> memref<1x1x1x128xi32, #tpu.memory_space<hbm>>
    %dma_start3A_389 = tpu.memref_squeeze %dma_start3A_388 : memref<1x1x1x128xi32, #tpu.memory_space<hbm>> -> memref<128xi32, #tpu.memory_space<hbm>>
    %dma_start3A_390 = arith.constant 256 : i32
    %dma_start3A_391 = tpu.memref_slice %arg11[%dma_start3A_383, %dma_start3A_390] : memref<2x1024xi32, #tpu.memory_space<vmem>> -> memref<1x128xi32, #tpu.memory_space<vmem>>
    %dma_start3A_392 = tpu.memref_squeeze %dma_start3A_391 : memref<1x128xi32, #tpu.memory_space<vmem>> -> memref<128xi32, #tpu.memory_space<vmem>>
    %dma_start3A_393 = arith.constant 0 : i32
    %dma_start3A_394 = tpu.memref_slice %arg4[%select_n3A_295, %dma_start3A_382, %select_n3A_311, %dma_start3A_393] : memref<65x8x8x128xi32, #tpu.memory_space<hbm>> -> memref<1x1x1x128xi32, #tpu.memory_space<hbm>>
    %dma_start3A_395 = tpu.memref_squeeze %dma_start3A_394 : memref<1x1x1x128xi32, #tpu.memory_space<hbm>> -> memref<128xi32, #tpu.memory_space<hbm>>
    tpu.enqueue_dma source(%dma_start3A_395 : memref<128xi32, #tpu.memory_space<hbm>>) target(%dma_start3A_392 : memref<128xi32, #tpu.memory_space<vmem>>) target_semaphore(%arg15 : memref<!tpu.dma_semaphore, #tpu.memory_space<semaphore_mem>>)
    %dma_start3A_396 = arith.constant 3 : i32
    %dma_start3A_397 = arith.constant 1 : i32
    %dma_start3A_398 = arith.constant 384 : i32
    %dma_start3A_399 = tpu.memref_slice %arg10[%dma_start3A_397, %dma_start3A_398] : memref<2x1024xi32, #tpu.memory_space<vmem>> -> memref<1x128xi32, #tpu.memory_space<vmem>>
    %dma_start3A_400 = tpu.memref_squeeze %dma_start3A_399 : memref<1x128xi32, #tpu.memory_space<vmem>> -> memref<128xi32, #tpu.memory_space<vmem>>
    %dma_start3A_401 = arith.constant 0 : i32
    %dma_start3A_402 = tpu.memref_slice %arg3[%select_n3A_295, %dma_start3A_396, %select_n3A_311, %dma_start3A_401] : memref<65x8x8x128xi32, #tpu.memory_space<hbm>> -> memref<1x1x1x128xi32, #tpu.memory_space<hbm>>
    %dma_start3A_403 = tpu.memref_squeeze %dma_start3A_402 : memref<1x1x1x128xi32, #tpu.memory_space<hbm>> -> memref<128xi32, #tpu.memory_space<hbm>>
    %dma_start3A_404 = arith.constant 384 : i32
    %dma_start3A_405 = tpu.memref_slice %arg10[%dma_start3A_397, %dma_start3A_404] : memref<2x1024xi32, #tpu.memory_space<vmem>> -> memref<1x128xi32, #tpu.memory_space<vmem>>
    %dma_start3A_406 = tpu.memref_squeeze %dma_start3A_405 : memref<1x128xi32, #tpu.memory_space<vmem>> -> memref<128xi32, #tpu.memory_space<vmem>>
    %dma_start3A_407 = arith.constant 0 : i32
    %dma_start3A_408 = tpu.memref_slice %arg3[%select_n3A_295, %dma_start3A_396, %select_n3A_311, %dma_start3A_407] : memref<65x8x8x128xi32, #tpu.memory_space<hbm>> -> memref<1x1x1x128xi32, #tpu.memory_space<hbm>>
    %dma_start3A_409 = tpu.memref_squeeze %dma_start3A_408 : memref<1x1x1x128xi32, #tpu.memory_space<hbm>> -> memref<128xi32, #tpu.memory_space<hbm>>
    tpu.enqueue_dma source(%dma_start3A_409 : memref<128xi32, #tpu.memory_space<hbm>>) target(%dma_start3A_406 : memref<128xi32, #tpu.memory_space<vmem>>) target_semaphore(%arg15 : memref<!tpu.dma_semaphore, #tpu.memory_space<semaphore_mem>>)
    %dma_start3A_410 = arith.constant 3 : i32
    %dma_start3A_411 = arith.constant 1 : i32
    %dma_start3A_412 = arith.constant 384 : i32
    %dma_start3A_413 = tpu.memref_slice %arg11[%dma_start3A_411, %dma_start3A_412] : memref<2x1024xi32, #tpu.memory_space<vmem>> -> memref<1x128xi32, #tpu.memory_space<vmem>>
    %dma_start3A_414 = tpu.memref_squeeze %dma_start3A_413 : memref<1x128xi32, #tpu.memory_space<vmem>> -> memref<128xi32, #tpu.memory_space<vmem>>
    %dma_start3A_415 = arith.constant 0 : i32
    %dma_start3A_416 = tpu.memref_slice %arg4[%select_n3A_295, %dma_start3A_410, %select_n3A_311, %dma_start3A_415] : memref<65x8x8x128xi32, #tpu.memory_space<hbm>> -> memref<1x1x1x128xi32, #tpu.memory_space<hbm>>
    %dma_start3A_417 = tpu.memref_squeeze %dma_start3A_416 : memref<1x1x1x128xi32, #tpu.memory_space<hbm>> -> memref<128xi32, #tpu.memory_space<hbm>>
    %dma_start3A_418 = arith.constant 384 : i32
    %dma_start3A_419 = tpu.memref_slice %arg11[%dma_start3A_411, %dma_start3A_418] : memref<2x1024xi32, #tpu.memory_space<vmem>> -> memref<1x128xi32, #tpu.memory_space<vmem>>
    %dma_start3A_420 = tpu.memref_squeeze %dma_start3A_419 : memref<1x128xi32, #tpu.memory_space<vmem>> -> memref<128xi32, #tpu.memory_space<vmem>>
    %dma_start3A_421 = arith.constant 0 : i32
    %dma_start3A_422 = tpu.memref_slice %arg4[%select_n3A_295, %dma_start3A_410, %select_n3A_311, %dma_start3A_421] : memref<65x8x8x128xi32, #tpu.memory_space<hbm>> -> memref<1x1x1x128xi32, #tpu.memory_space<hbm>>
    %dma_start3A_423 = tpu.memref_squeeze %dma_start3A_422 : memref<1x1x1x128xi32, #tpu.memory_space<hbm>> -> memref<128xi32, #tpu.memory_space<hbm>>
    tpu.enqueue_dma source(%dma_start3A_423 : memref<128xi32, #tpu.memory_space<hbm>>) target(%dma_start3A_420 : memref<128xi32, #tpu.memory_space<vmem>>) target_semaphore(%arg15 : memref<!tpu.dma_semaphore, #tpu.memory_space<semaphore_mem>>)
    %dma_start3A_424 = arith.constant 4 : i32
    %dma_start3A_425 = arith.constant 1 : i32
    %dma_start3A_426 = arith.constant 512 : i32
    %dma_start3A_427 = tpu.memref_slice %arg10[%dma_start3A_425, %dma_start3A_426] : memref<2x1024xi32, #tpu.memory_space<vmem>> -> memref<1x128xi32, #tpu.memory_space<vmem>>
    %dma_start3A_428 = tpu.memref_squeeze %dma_start3A_427 : memref<1x128xi32, #tpu.memory_space<vmem>> -> memref<128xi32, #tpu.memory_space<vmem>>
    %dma_start3A_429 = arith.constant 0 : i32
    %dma_start3A_430 = tpu.memref_slice %arg3[%select_n3A_295, %dma_start3A_424, %select_n3A_311, %dma_start3A_429] : memref<65x8x8x128xi32, #tpu.memory_space<hbm>> -> memref<1x1x1x128xi32, #tpu.memory_space<hbm>>
    %dma_start3A_431 = tpu.memref_squeeze %dma_start3A_430 : memref<1x1x1x128xi32, #tpu.memory_space<hbm>> -> memref<128xi32, #tpu.memory_space<hbm>>
    %dma_start3A_432 = arith.constant 512 : i32
    %dma_start3A_433 = tpu.memref_slice %arg10[%dma_start3A_425, %dma_start3A_432] : memref<2x1024xi32, #tpu.memory_space<vmem>> -> memref<1x128xi32, #tpu.memory_space<vmem>>
    %dma_start3A_434 = tpu.memref_squeeze %dma_start3A_433 : memref<1x128xi32, #tpu.memory_space<vmem>> -> memref<128xi32, #tpu.memory_space<vmem>>
    %dma_start3A_435 = arith.constant 0 : i32
    %dma_start3A_436 = tpu.memref_slice %arg3[%select_n3A_295, %dma_start3A_424, %select_n3A_311, %dma_start3A_435] : memref<65x8x8x128xi32, #tpu.memory_space<hbm>> -> memref<1x1x1x128xi32, #tpu.memory_space<hbm>>
    %dma_start3A_437 = tpu.memref_squeeze %dma_start3A_436 : memref<1x1x1x128xi32, #tpu.memory_space<hbm>> -> memref<128xi32, #tpu.memory_space<hbm>>
    tpu.enqueue_dma source(%dma_start3A_437 : memref<128xi32, #tpu.memory_space<hbm>>) target(%dma_start3A_434 : memref<128xi32, #tpu.memory_space<vmem>>) target_semaphore(%arg15 : memref<!tpu.dma_semaphore, #tpu.memory_space<semaphore_mem>>)
    %dma_start3A_438 = arith.constant 4 : i32
    %dma_start3A_439 = arith.constant 1 : i32
    %dma_start3A_440 = arith.constant 512 : i32
    %dma_start3A_441 = tpu.memref_slice %arg11[%dma_start3A_439, %dma_start3A_440] : memref<2x1024xi32, #tpu.memory_space<vmem>> -> memref<1x128xi32, #tpu.memory_space<vmem>>
    %dma_start3A_442 = tpu.memref_squeeze %dma_start3A_441 : memref<1x128xi32, #tpu.memory_space<vmem>> -> memref<128xi32, #tpu.memory_space<vmem>>
    %dma_start3A_443 = arith.constant 0 : i32
    %dma_start3A_444 = tpu.memref_slice %arg4[%select_n3A_295, %dma_start3A_438, %select_n3A_311, %dma_start3A_443] : memref<65x8x8x128xi32, #tpu.memory_space<hbm>> -> memref<1x1x1x128xi32, #tpu.memory_space<hbm>>
    %dma_start3A_445 = tpu.memref_squeeze %dma_start3A_444 : memref<1x1x1x128xi32, #tpu.memory_space<hbm>> -> memref<128xi32, #tpu.memory_space<hbm>>
    %dma_start3A_446 = arith.constant 512 : i32
    %dma_start3A_447 = tpu.memref_slice %arg11[%dma_start3A_439, %dma_start3A_446] : memref<2x1024xi32, #tpu.memory_space<vmem>> -> memref<1x128xi32, #tpu.memory_space<vmem>>
    %dma_start3A_448 = tpu.memref_squeeze %dma_start3A_447 : memref<1x128xi32, #tpu.memory_space<vmem>> -> memref<128xi32, #tpu.memory_space<vmem>>
    %dma_start3A_449 = arith.constant 0 : i32
    %dma_start3A_450 = tpu.memref_slice %arg4[%select_n3A_295, %dma_start3A_438, %select_n3A_311, %dma_start3A_449] : memref<65x8x8x128xi32, #tpu.memory_space<hbm>> -> memref<1x1x1x128xi32, #tpu.memory_space<hbm>>
    %dma_start3A_451 = tpu.memref_squeeze %dma_start3A_450 : memref<1x1x1x128xi32, #tpu.memory_space<hbm>> -> memref<128xi32, #tpu.memory_space<hbm>>
    tpu.enqueue_dma source(%dma_start3A_451 : memref<128xi32, #tpu.memory_space<hbm>>) target(%dma_start3A_448 : memref<128xi32, #tpu.memory_space<vmem>>) target_semaphore(%arg15 : memref<!tpu.dma_semaphore, #tpu.memory_space<semaphore_mem>>)
    %dma_start3A_452 = arith.constant 5 : i32
    %dma_start3A_453 = arith.constant 1 : i32
    %dma_start3A_454 = arith.constant 640 : i32
    %dma_start3A_455 = tpu.memref_slice %arg10[%dma_start3A_453, %dma_start3A_454] : memref<2x1024xi32, #tpu.memory_space<vmem>> -> memref<1x128xi32, #tpu.memory_space<vmem>>
    %dma_start3A_456 = tpu.memref_squeeze %dma_start3A_455 : memref<1x128xi32, #tpu.memory_space<vmem>> -> memref<128xi32, #tpu.memory_space<vmem>>
    %dma_start3A_457 = arith.constant 0 : i32
    %dma_start3A_458 = tpu.memref_slice %arg3[%select_n3A_295, %dma_start3A_452, %select_n3A_311, %dma_start3A_457] : memref<65x8x8x128xi32, #tpu.memory_space<hbm>> -> memref<1x1x1x128xi32, #tpu.memory_space<hbm>>
    %dma_start3A_459 = tpu.memref_squeeze %dma_start3A_458 : memref<1x1x1x128xi32, #tpu.memory_space<hbm>> -> memref<128xi32, #tpu.memory_space<hbm>>
    %dma_start3A_460 = arith.constant 640 : i32
    %dma_start3A_461 = tpu.memref_slice %arg10[%dma_start3A_453, %dma_start3A_460] : memref<2x1024xi32, #tpu.memory_space<vmem>> -> memref<1x128xi32, #tpu.memory_space<vmem>>
    %dma_start3A_462 = tpu.memref_squeeze %dma_start3A_461 : memref<1x128xi32, #tpu.memory_space<vmem>> -> memref<128xi32, #tpu.memory_space<vmem>>
    %dma_start3A_463 = arith.constant 0 : i32
    %dma_start3A_464 = tpu.memref_slice %arg3[%select_n3A_295, %dma_start3A_452, %select_n3A_311, %dma_start3A_463] : memref<65x8x8x128xi32, #tpu.memory_space<hbm>> -> memref<1x1x1x128xi32, #tpu.memory_space<hbm>>
    %dma_start3A_465 = tpu.memref_squeeze %dma_start3A_464 : memref<1x1x1x128xi32, #tpu.memory_space<hbm>> -> memref<128xi32, #tpu.memory_space<hbm>>
    tpu.enqueue_dma source(%dma_start3A_465 : memref<128xi32, #tpu.memory_space<hbm>>) target(%dma_start3A_462 : memref<128xi32, #tpu.memory_space<vmem>>) target_semaphore(%arg15 : memref<!tpu.dma_semaphore, #tpu.memory_space<semaphore_mem>>)
    %dma_start3A_466 = arith.constant 5 : i32
    %dma_start3A_467 = arith.constant 1 : i32
    %dma_start3A_468 = arith.constant 640 : i32
    %dma_start3A_469 = tpu.memref_slice %arg11[%dma_start3A_467, %dma_start3A_468] : memref<2x1024xi32, #tpu.memory_space<vmem>> -> memref<1x128xi32, #tpu.memory_space<vmem>>
    %dma_start3A_470 = tpu.memref_squeeze %dma_start3A_469 : memref<1x128xi32, #tpu.memory_space<vmem>> -> memref<128xi32, #tpu.memory_space<vmem>>
    %dma_start3A_471 = arith.constant 0 : i32
    %dma_start3A_472 = tpu.memref_slice %arg4[%select_n3A_295, %dma_start3A_466, %select_n3A_311, %dma_start3A_471] : memref<65x8x8x128xi32, #tpu.memory_space<hbm>> -> memref<1x1x1x128xi32, #tpu.memory_space<hbm>>
    %dma_start3A_473 = tpu.memref_squeeze %dma_start3A_472 : memref<1x1x1x128xi32, #tpu.memory_space<hbm>> -> memref<128xi32, #tpu.memory_space<hbm>>
    %dma_start3A_474 = arith.constant 640 : i32
    %dma_start3A_475 = tpu.memref_slice %arg11[%dma_start3A_467, %dma_start3A_474] : memref<2x1024xi32, #tpu.memory_space<vmem>> -> memref<1x128xi32, #tpu.memory_space<vmem>>
    %dma_start3A_476 = tpu.memref_squeeze %dma_start3A_475 : memref<1x128xi32, #tpu.memory_space<vmem>> -> memref<128xi32, #tpu.memory_space<vmem>>
    %dma_start3A_477 = arith.constant 0 : i32
    %dma_start3A_478 = tpu.memref_slice %arg4[%select_n3A_295, %dma_start3A_466, %select_n3A_311, %dma_start3A_477] : memref<65x8x8x128xi32, #tpu.memory_space<hbm>> -> memref<1x1x1x128xi32, #tpu.memory_space<hbm>>
    %dma_start3A_479 = tpu.memref_squeeze %dma_start3A_478 : memref<1x1x1x128xi32, #tpu.memory_space<hbm>> -> memref<128xi32, #tpu.memory_space<hbm>>
    tpu.enqueue_dma source(%dma_start3A_479 : memref<128xi32, #tpu.memory_space<hbm>>) target(%dma_start3A_476 : memref<128xi32, #tpu.memory_space<vmem>>) target_semaphore(%arg15 : memref<!tpu.dma_semaphore, #tpu.memory_space<semaphore_mem>>)
    %dma_start3A_480 = arith.constant 6 : i32
    %dma_start3A_481 = arith.constant 1 : i32
    %dma_start3A_482 = arith.constant 768 : i32
    %dma_start3A_483 = tpu.memref_slice %arg10[%dma_start3A_481, %dma_start3A_482] : memref<2x1024xi32, #tpu.memory_space<vmem>> -> memref<1x128xi32, #tpu.memory_space<vmem>>
    %dma_start3A_484 = tpu.memref_squeeze %dma_start3A_483 : memref<1x128xi32, #tpu.memory_space<vmem>> -> memref<128xi32, #tpu.memory_space<vmem>>
    %dma_start3A_485 = arith.constant 0 : i32
    %dma_start3A_486 = tpu.memref_slice %arg3[%select_n3A_295, %dma_start3A_480, %select_n3A_311, %dma_start3A_485] : memref<65x8x8x128xi32, #tpu.memory_space<hbm>> -> memref<1x1x1x128xi32, #tpu.memory_space<hbm>>
    %dma_start3A_487 = tpu.memref_squeeze %dma_start3A_486 : memref<1x1x1x128xi32, #tpu.memory_space<hbm>> -> memref<128xi32, #tpu.memory_space<hbm>>
    %dma_start3A_488 = arith.constant 768 : i32
    %dma_start3A_489 = tpu.memref_slice %arg10[%dma_start3A_481, %dma_start3A_488] : memref<2x1024xi32, #tpu.memory_space<vmem>> -> memref<1x128xi32, #tpu.memory_space<vmem>>
    %dma_start3A_490 = tpu.memref_squeeze %dma_start3A_489 : memref<1x128xi32, #tpu.memory_space<vmem>> -> memref<128xi32, #tpu.memory_space<vmem>>
    %dma_start3A_491 = arith.constant 0 : i32
    %dma_start3A_492 = tpu.memref_slice %arg3[%select_n3A_295, %dma_start3A_480, %select_n3A_311, %dma_start3A_491] : memref<65x8x8x128xi32, #tpu.memory_space<hbm>> -> memref<1x1x1x128xi32, #tpu.memory_space<hbm>>
    %dma_start3A_493 = tpu.memref_squeeze %dma_start3A_492 : memref<1x1x1x128xi32, #tpu.memory_space<hbm>> -> memref<128xi32, #tpu.memory_space<hbm>>
    tpu.enqueue_dma source(%dma_start3A_493 : memref<128xi32, #tpu.memory_space<hbm>>) target(%dma_start3A_490 : memref<128xi32, #tpu.memory_space<vmem>>) target_semaphore(%arg15 : memref<!tpu.dma_semaphore, #tpu.memory_space<semaphore_mem>>)
    %dma_start3A_494 = arith.constant 6 : i32
    %dma_start3A_495 = arith.constant 1 : i32
    %dma_start3A_496 = arith.constant 768 : i32
    %dma_start3A_497 = tpu.memref_slice %arg11[%dma_start3A_495, %dma_start3A_496] : memref<2x1024xi32, #tpu.memory_space<vmem>> -> memref<1x128xi32, #tpu.memory_space<vmem>>
    %dma_start3A_498 = tpu.memref_squeeze %dma_start3A_497 : memref<1x128xi32, #tpu.memory_space<vmem>> -> memref<128xi32, #tpu.memory_space<vmem>>
    %dma_start3A_499 = arith.constant 0 : i32
    %dma_start3A_500 = tpu.memref_slice %arg4[%select_n3A_295, %dma_start3A_494, %select_n3A_311, %dma_start3A_499] : memref<65x8x8x128xi32, #tpu.memory_space<hbm>> -> memref<1x1x1x128xi32, #tpu.memory_space<hbm>>
    %dma_start3A_501 = tpu.memref_squeeze %dma_start3A_500 : memref<1x1x1x128xi32, #tpu.memory_space<hbm>> -> memref<128xi32, #tpu.memory_space<hbm>>
    %dma_start3A_502 = arith.constant 768 : i32
    %dma_start3A_503 = tpu.memref_slice %arg11[%dma_start3A_495, %dma_start3A_502] : memref<2x1024xi32, #tpu.memory_space<vmem>> -> memref<1x128xi32, #tpu.memory_space<vmem>>
    %dma_start3A_504 = tpu.memref_squeeze %dma_start3A_503 : memref<1x128xi32, #tpu.memory_space<vmem>> -> memref<128xi32, #tpu.memory_space<vmem>>
    %dma_start3A_505 = arith.constant 0 : i32
    %dma_start3A_506 = tpu.memref_slice %arg4[%select_n3A_295, %dma_start3A_494, %select_n3A_311, %dma_start3A_505] : memref<65x8x8x128xi32, #tpu.memory_space<hbm>> -> memref<1x1x1x128xi32, #tpu.memory_space<hbm>>
    %dma_start3A_507 = tpu.memref_squeeze %dma_start3A_506 : memref<1x1x1x128xi32, #tpu.memory_space<hbm>> -> memref<128xi32, #tpu.memory_space<hbm>>
    tpu.enqueue_dma source(%dma_start3A_507 : memref<128xi32, #tpu.memory_space<hbm>>) target(%dma_start3A_504 : memref<128xi32, #tpu.memory_space<vmem>>) target_semaphore(%arg15 : memref<!tpu.dma_semaphore, #tpu.memory_space<semaphore_mem>>)
    %dma_start3A_508 = arith.constant 7 : i32
    %dma_start3A_509 = arith.constant 1 : i32
    %dma_start3A_510 = arith.constant 896 : i32
    %dma_start3A_511 = tpu.memref_slice %arg10[%dma_start3A_509, %dma_start3A_510] : memref<2x1024xi32, #tpu.memory_space<vmem>> -> memref<1x128xi32, #tpu.memory_space<vmem>>
    %dma_start3A_512 = tpu.memref_squeeze %dma_start3A_511 : memref<1x128xi32, #tpu.memory_space<vmem>> -> memref<128xi32, #tpu.memory_space<vmem>>
    %dma_start3A_513 = arith.constant 0 : i32
    %dma_start3A_514 = tpu.memref_slice %arg3[%select_n3A_295, %dma_start3A_508, %select_n3A_311, %dma_start3A_513] : memref<65x8x8x128xi32, #tpu.memory_space<hbm>> -> memref<1x1x1x128xi32, #tpu.memory_space<hbm>>
    %dma_start3A_515 = tpu.memref_squeeze %dma_start3A_514 : memref<1x1x1x128xi32, #tpu.memory_space<hbm>> -> memref<128xi32, #tpu.memory_space<hbm>>
    %dma_start3A_516 = arith.constant 896 : i32
    %dma_start3A_517 = tpu.memref_slice %arg10[%dma_start3A_509, %dma_start3A_516] : memref<2x1024xi32, #tpu.memory_space<vmem>> -> memref<1x128xi32, #tpu.memory_space<vmem>>
    %dma_start3A_518 = tpu.memref_squeeze %dma_start3A_517 : memref<1x128xi32, #tpu.memory_space<vmem>> -> memref<128xi32, #tpu.memory_space<vmem>>
    %dma_start3A_519 = arith.constant 0 : i32
    %dma_start3A_520 = tpu.memref_slice %arg3[%select_n3A_295, %dma_start3A_508, %select_n3A_311, %dma_start3A_519] : memref<65x8x8x128xi32, #tpu.memory_space<hbm>> -> memref<1x1x1x128xi32, #tpu.memory_space<hbm>>
    %dma_start3A_521 = tpu.memref_squeeze %dma_start3A_520 : memref<1x1x1x128xi32, #tpu.memory_space<hbm>> -> memref<128xi32, #tpu.memory_space<hbm>>
    tpu.enqueue_dma source(%dma_start3A_521 : memref<128xi32, #tpu.memory_space<hbm>>) target(%dma_start3A_518 : memref<128xi32, #tpu.memory_space<vmem>>) target_semaphore(%arg15 : memref<!tpu.dma_semaphore, #tpu.memory_space<semaphore_mem>>)
    %dma_start3A_522 = arith.constant 7 : i32
    %dma_start3A_523 = arith.constant 1 : i32
    %dma_start3A_524 = arith.constant 896 : i32
    %dma_start3A_525 = tpu.memref_slice %arg11[%dma_start3A_523, %dma_start3A_524] : memref<2x1024xi32, #tpu.memory_space<vmem>> -> memref<1x128xi32, #tpu.memory_space<vmem>>
    %dma_start3A_526 = tpu.memref_squeeze %dma_start3A_525 : memref<1x128xi32, #tpu.memory_space<vmem>> -> memref<128xi32, #tpu.memory_space<vmem>>
    %dma_start3A_527 = arith.constant 0 : i32
    %dma_start3A_528 = tpu.memref_slice %arg4[%select_n3A_295, %dma_start3A_522, %select_n3A_311, %dma_start3A_527] : memref<65x8x8x128xi32, #tpu.memory_space<hbm>> -> memref<1x1x1x128xi32, #tpu.memory_space<hbm>>
    %dma_start3A_529 = tpu.memref_squeeze %dma_start3A_528 : memref<1x1x1x128xi32, #tpu.memory_space<hbm>> -> memref<128xi32, #tpu.memory_space<hbm>>
    %dma_start3A_530 = arith.constant 896 : i32
    %dma_start3A_531 = tpu.memref_slice %arg11[%dma_start3A_523, %dma_start3A_530] : memref<2x1024xi32, #tpu.memory_space<vmem>> -> memref<1x128xi32, #tpu.memory_space<vmem>>
    %dma_start3A_532 = tpu.memref_squeeze %dma_start3A_531 : memref<1x128xi32, #tpu.memory_space<vmem>> -> memref<128xi32, #tpu.memory_space<vmem>>
    %dma_start3A_533 = arith.constant 0 : i32
    %dma_start3A_534 = tpu.memref_slice %arg4[%select_n3A_295, %dma_start3A_522, %select_n3A_311, %dma_start3A_533] : memref<65x8x8x128xi32, #tpu.memory_space<hbm>> -> memref<1x1x1x128xi32, #tpu.memory_space<hbm>>
    %dma_start3A_535 = tpu.memref_squeeze %dma_start3A_534 : memref<1x1x1x128xi32, #tpu.memory_space<hbm>> -> memref<128xi32, #tpu.memory_space<hbm>>
    tpu.enqueue_dma source(%dma_start3A_535 : memref<128xi32, #tpu.memory_space<hbm>>) target(%dma_start3A_532 : memref<128xi32, #tpu.memory_space<vmem>>) target_semaphore(%arg15 : memref<!tpu.dma_semaphore, #tpu.memory_space<semaphore_mem>>)
    %scan3A = arith.constant 0 : i32
    %scan3A_536 = arith.constant 0 : i32
    %scan3A_537 = arith.constant 9 : i32
    %scan3A_538 = arith.addi %scan3A_536, %scan3A_537 : i32
    %scan3A_539 = arith.constant 1 : i32
    scf.for %scan3A_549 = %scan3A_536 to %scan3A_538 step %scan3A_539  : i32 {
      %mul3A_550 = arith.constant 2 : i32
      %mul3A_551 = arith.muli %mul3A_550, %scan3A_549 : i32
      %sub3A_552 = arith.constant 1 : i32
      %sub3A_553 = arith.subi %add3A_3, %sub3A_552 : i32
      %min3A_554 = arith.minsi %mul3A_551, %sub3A_553 : i32
      %add3A_555 = arith.addi %add3A_7, %min3A_554 : i32
      %jit3A_556 = arith.constant 20 : i32
      %eq3A_557 = arith.constant 0 : i32
      %eq3A_558 = arith.cmpi eq, %jit3A_556, %eq3A_557 : i32
      %jit3A_559 = arith.constant 1 : i32
      %select_n3A_560 = arith.select %eq3A_558, %jit3A_559, %jit3A_556 : i32
      %rem3A_561 = arith.remsi %add3A_555, %select_n3A_560 : i32
      %ne3A_562 = arith.constant 0 : i32
      %ne3A_563 = arith.cmpi ne, %rem3A_561, %ne3A_562 : i32
      %lt3A_564 = arith.constant 0 : i32
      %lt3A_565 = arith.cmpi slt, %rem3A_561, %lt3A_564 : i32
      %lt3A_566 = arith.constant 0 : i32
      %lt3A_567 = arith.cmpi slt, %select_n3A_560, %lt3A_566 : i32
      %ne3A_568 = arith.xori %lt3A_565, %lt3A_567 : i1
      %and3A_569 = arith.andi %ne3A_568, %ne3A_563 : i1
      %add3A_570 = arith.addi %rem3A_561, %select_n3A_560 : i32
      %select_n3A_571 = arith.select %and3A_569, %add3A_570, %rem3A_561 : i32
      %ge3A = arith.constant 1 : i32
      %ge3A_572 = arith.cmpi sge, %mul3A_551, %ge3A : i32
      %convert_element_type3A_573 = arith.extui %ge3A_572 : i1 to i32
      %cond3A = arith.constant 0 : i32
      %cond3A_574 = arith.cmpi ne, %convert_element_type3A_573, %cond3A : i32
      scf.if %cond3A_574 {
        %dma_wait3A_1270 = arith.constant 0 : i32
        %dma_wait3A_1271 = arith.constant 0 : i32
        %dma_wait3A_1272 = arith.constant 0 : i32
        %dma_wait3A_1273 = tpu.memref_slice %arg8[%dma_wait3A_1270, %dma_wait3A_1271, %dma_wait3A_1272] : memref<520x14x8192xf32, #tpu.memory_space<hbm>> -> memref<1x14x8192xf32, #tpu.memory_space<hbm>>
        %dma_wait3A_1274 = tpu.memref_squeeze %dma_wait3A_1273 : memref<1x14x8192xf32, #tpu.memory_space<hbm>> -> memref<14x8192xf32, #tpu.memory_space<hbm>>
        %dma_wait3A_1275 = arith.constant 0 : i32
        %dma_wait3A_1276 = arith.constant 0 : i32
        %dma_wait3A_1277 = tpu.memref_slice %arg8[%dma_wait3A_1270, %dma_wait3A_1275, %dma_wait3A_1276] : memref<520x14x8192xf32, #tpu.memory_space<hbm>> -> memref<1x14x8192xf32, #tpu.memory_space<hbm>>
        %dma_wait3A_1278 = tpu.memref_squeeze %dma_wait3A_1277 : memref<1x14x8192xf32, #tpu.memory_space<hbm>> -> memref<14x8192xf32, #tpu.memory_space<hbm>>
        tpu.wait_dma2 semaphore(%arg17 : memref<!tpu.dma_semaphore, #tpu.memory_space<semaphore_mem>>) src(%arg9 : memref<14x8192xf32, #tpu.memory_space<vmem>>) dst(%dma_wait3A_1278 : memref<14x8192xf32, #tpu.memory_space<hbm>>)
      } else {
      }
      %dma_start3A_575 = arith.constant 0 : i32
      %dma_start3A_576 = arith.constant 0 : i32
      %dma_start3A_577 = tpu.memref_slice %arg9[%dma_start3A_575, %dma_start3A_576] : memref<14x8192xf32, #tpu.memory_space<vmem>> -> memref<4x8192xf32, #tpu.memory_space<vmem>>
      %dma_start3A_578 = arith.constant 0 : i32
      %dma_start3A_579 = arith.constant 0 : i32
      %dma_start3A_580 = tpu.memref_slice %arg2[%add3A_555, %dma_start3A_578, %dma_start3A_579] : memref<520x4x8192xf32, #tpu.memory_space<hbm>> -> memref<1x4x8192xf32, #tpu.memory_space<hbm>>
      %dma_start3A_581 = tpu.memref_squeeze %dma_start3A_580 : memref<1x4x8192xf32, #tpu.memory_space<hbm>> -> memref<4x8192xf32, #tpu.memory_space<hbm>>
      %dma_start3A_582 = arith.constant 0 : i32
      %dma_start3A_583 = arith.constant 0 : i32
      %dma_start3A_584 = tpu.memref_slice %arg9[%dma_start3A_582, %dma_start3A_583] : memref<14x8192xf32, #tpu.memory_space<vmem>> -> memref<4x8192xf32, #tpu.memory_space<vmem>>
      %dma_start3A_585 = arith.constant 0 : i32
      %dma_start3A_586 = arith.constant 0 : i32
      %dma_start3A_587 = tpu.memref_slice %arg2[%add3A_555, %dma_start3A_585, %dma_start3A_586] : memref<520x4x8192xf32, #tpu.memory_space<hbm>> -> memref<1x4x8192xf32, #tpu.memory_space<hbm>>
      %dma_start3A_588 = tpu.memref_squeeze %dma_start3A_587 : memref<1x4x8192xf32, #tpu.memory_space<hbm>> -> memref<4x8192xf32, #tpu.memory_space<hbm>>
      tpu.enqueue_dma source(%dma_start3A_588 : memref<4x8192xf32, #tpu.memory_space<hbm>>) target(%dma_start3A_584 : memref<4x8192xf32, #tpu.memory_space<vmem>>) target_semaphore(%arg16 : memref<!tpu.dma_semaphore, #tpu.memory_space<semaphore_mem>>)
      %dma_start3A_589 = arith.constant 8 : i32
      %dma_start3A_590 = arith.constant 0 : i32
      %dma_start3A_591 = tpu.memref_slice %arg9[%dma_start3A_589, %dma_start3A_590] : memref<14x8192xf32, #tpu.memory_space<vmem>> -> memref<4x8192xf32, #tpu.memory_space<vmem>>
      %dma_start3A_592 = arith.constant 0 : i32
      %dma_start3A_593 = arith.constant 0 : i32
      %dma_start3A_594 = tpu.memref_slice %arg5[%select_n3A_571, %dma_start3A_592, %dma_start3A_593] : memref<20x4x8192xf32, #tpu.memory_space<hbm>> -> memref<1x4x8192xf32, #tpu.memory_space<hbm>>
      %dma_start3A_595 = tpu.memref_squeeze %dma_start3A_594 : memref<1x4x8192xf32, #tpu.memory_space<hbm>> -> memref<4x8192xf32, #tpu.memory_space<hbm>>
      %dma_start3A_596 = arith.constant 8 : i32
      %dma_start3A_597 = arith.constant 0 : i32
      %dma_start3A_598 = tpu.memref_slice %arg9[%dma_start3A_596, %dma_start3A_597] : memref<14x8192xf32, #tpu.memory_space<vmem>> -> memref<4x8192xf32, #tpu.memory_space<vmem>>
      %dma_start3A_599 = arith.constant 0 : i32
      %dma_start3A_600 = arith.constant 0 : i32
      %dma_start3A_601 = tpu.memref_slice %arg5[%select_n3A_571, %dma_start3A_599, %dma_start3A_600] : memref<20x4x8192xf32, #tpu.memory_space<hbm>> -> memref<1x4x8192xf32, #tpu.memory_space<hbm>>
      %dma_start3A_602 = tpu.memref_squeeze %dma_start3A_601 : memref<1x4x8192xf32, #tpu.memory_space<hbm>> -> memref<4x8192xf32, #tpu.memory_space<hbm>>
      tpu.enqueue_dma source(%dma_start3A_602 : memref<4x8192xf32, #tpu.memory_space<hbm>>) target(%dma_start3A_598 : memref<4x8192xf32, #tpu.memory_space<vmem>>) target_semaphore(%arg16 : memref<!tpu.dma_semaphore, #tpu.memory_space<semaphore_mem>>)
      %dma_wait3A_603 = arith.constant 0 : i32
      %dma_wait3A_604 = arith.constant 0 : i32
      %dma_wait3A_605 = arith.constant 0 : i32
      %dma_wait3A_606 = arith.constant 0 : i32
      %dma_wait3A_607 = arith.constant 0 : i32
      %dma_wait3A_608 = tpu.memref_slice %arg10[%dma_wait3A_606, %dma_wait3A_607] : memref<2x1024xi32, #tpu.memory_space<vmem>> -> memref<1x128xi32, #tpu.memory_space<vmem>>
      %dma_wait3A_609 = tpu.memref_squeeze %dma_wait3A_608 : memref<1x128xi32, #tpu.memory_space<vmem>> -> memref<128xi32, #tpu.memory_space<vmem>>
      %dma_wait3A_610 = arith.constant 0 : i32
      %dma_wait3A_611 = tpu.memref_slice %arg3[%dma_wait3A_603, %dma_wait3A_604, %dma_wait3A_605, %dma_wait3A_610] : memref<65x8x8x128xi32, #tpu.memory_space<hbm>> -> memref<1x1x1x128xi32, #tpu.memory_space<hbm>>
      %dma_wait3A_612 = tpu.memref_squeeze %dma_wait3A_611 : memref<1x1x1x128xi32, #tpu.memory_space<hbm>> -> memref<128xi32, #tpu.memory_space<hbm>>
      %dma_wait3A_613 = arith.constant 0 : i32
      %dma_wait3A_614 = tpu.memref_slice %arg10[%dma_wait3A_606, %dma_wait3A_613] : memref<2x1024xi32, #tpu.memory_space<vmem>> -> memref<1x128xi32, #tpu.memory_space<vmem>>
      %dma_wait3A_615 = tpu.memref_squeeze %dma_wait3A_614 : memref<1x128xi32, #tpu.memory_space<vmem>> -> memref<128xi32, #tpu.memory_space<vmem>>
      %dma_wait3A_616 = arith.constant 0 : i32
      %dma_wait3A_617 = tpu.memref_slice %arg3[%dma_wait3A_603, %dma_wait3A_604, %dma_wait3A_605, %dma_wait3A_616] : memref<65x8x8x128xi32, #tpu.memory_space<hbm>> -> memref<1x1x1x128xi32, #tpu.memory_space<hbm>>
      %dma_wait3A_618 = tpu.memref_squeeze %dma_wait3A_617 : memref<1x1x1x128xi32, #tpu.memory_space<hbm>> -> memref<128xi32, #tpu.memory_space<hbm>>
      tpu.wait_dma2 semaphore(%arg14 : memref<!tpu.dma_semaphore, #tpu.memory_space<semaphore_mem>>) src(%dma_wait3A_618 : memref<128xi32, #tpu.memory_space<hbm>>) dst(%dma_wait3A_615 : memref<128xi32, #tpu.memory_space<vmem>>)
      %dma_wait3A_619 = arith.constant 0 : i32
      %dma_wait3A_620 = arith.constant 0 : i32
      %dma_wait3A_621 = arith.constant 0 : i32
      %dma_wait3A_622 = arith.constant 0 : i32
      %dma_wait3A_623 = arith.constant 0 : i32
      %dma_wait3A_624 = tpu.memref_slice %arg11[%dma_wait3A_622, %dma_wait3A_623] : memref<2x1024xi32, #tpu.memory_space<vmem>> -> memref<1x128xi32, #tpu.memory_space<vmem>>
      %dma_wait3A_625 = tpu.memref_squeeze %dma_wait3A_624 : memref<1x128xi32, #tpu.memory_space<vmem>> -> memref<128xi32, #tpu.memory_space<vmem>>
      %dma_wait3A_626 = arith.constant 0 : i32
      %dma_wait3A_627 = tpu.memref_slice %arg4[%dma_wait3A_619, %dma_wait3A_620, %dma_wait3A_621, %dma_wait3A_626] : memref<65x8x8x128xi32, #tpu.memory_space<hbm>> -> memref<1x1x1x128xi32, #tpu.memory_space<hbm>>
      %dma_wait3A_628 = tpu.memref_squeeze %dma_wait3A_627 : memref<1x1x1x128xi32, #tpu.memory_space<hbm>> -> memref<128xi32, #tpu.memory_space<hbm>>
      %dma_wait3A_629 = arith.constant 0 : i32
      %dma_wait3A_630 = tpu.memref_slice %arg11[%dma_wait3A_622, %dma_wait3A_629] : memref<2x1024xi32, #tpu.memory_space<vmem>> -> memref<1x128xi32, #tpu.memory_space<vmem>>
      %dma_wait3A_631 = tpu.memref_squeeze %dma_wait3A_630 : memref<1x128xi32, #tpu.memory_space<vmem>> -> memref<128xi32, #tpu.memory_space<vmem>>
      %dma_wait3A_632 = arith.constant 0 : i32
      %dma_wait3A_633 = tpu.memref_slice %arg4[%dma_wait3A_619, %dma_wait3A_620, %dma_wait3A_621, %dma_wait3A_632] : memref<65x8x8x128xi32, #tpu.memory_space<hbm>> -> memref<1x1x1x128xi32, #tpu.memory_space<hbm>>
      %dma_wait3A_634 = tpu.memref_squeeze %dma_wait3A_633 : memref<1x1x1x128xi32, #tpu.memory_space<hbm>> -> memref<128xi32, #tpu.memory_space<hbm>>
      tpu.wait_dma2 semaphore(%arg14 : memref<!tpu.dma_semaphore, #tpu.memory_space<semaphore_mem>>) src(%dma_wait3A_634 : memref<128xi32, #tpu.memory_space<hbm>>) dst(%dma_wait3A_631 : memref<128xi32, #tpu.memory_space<vmem>>)
      %dma_wait3A_635 = arith.constant 0 : i32
      %dma_wait3A_636 = arith.constant 0 : i32
      %dma_wait3A_637 = arith.constant 0 : i32
      %dma_wait3A_638 = arith.constant 0 : i32
      %dma_wait3A_639 = arith.constant 0 : i32
      %dma_wait3A_640 = tpu.memref_slice %arg10[%dma_wait3A_638, %dma_wait3A_639] : memref<2x1024xi32, #tpu.memory_space<vmem>> -> memref<1x128xi32, #tpu.memory_space<vmem>>
      %dma_wait3A_641 = tpu.memref_squeeze %dma_wait3A_640 : memref<1x128xi32, #tpu.memory_space<vmem>> -> memref<128xi32, #tpu.memory_space<vmem>>
      %dma_wait3A_642 = arith.constant 0 : i32
      %dma_wait3A_643 = tpu.memref_slice %arg3[%dma_wait3A_635, %dma_wait3A_636, %dma_wait3A_637, %dma_wait3A_642] : memref<65x8x8x128xi32, #tpu.memory_space<hbm>> -> memref<1x1x1x128xi32, #tpu.memory_space<hbm>>
      %dma_wait3A_644 = tpu.memref_squeeze %dma_wait3A_643 : memref<1x1x1x128xi32, #tpu.memory_space<hbm>> -> memref<128xi32, #tpu.memory_space<hbm>>
      %dma_wait3A_645 = arith.constant 0 : i32
      %dma_wait3A_646 = tpu.memref_slice %arg10[%dma_wait3A_638, %dma_wait3A_645] : memref<2x1024xi32, #tpu.memory_space<vmem>> -> memref<1x128xi32, #tpu.memory_space<vmem>>
      %dma_wait3A_647 = tpu.memref_squeeze %dma_wait3A_646 : memref<1x128xi32, #tpu.memory_space<vmem>> -> memref<128xi32, #tpu.memory_space<vmem>>
      %dma_wait3A_648 = arith.constant 0 : i32
      %dma_wait3A_649 = tpu.memref_slice %arg3[%dma_wait3A_635, %dma_wait3A_636, %dma_wait3A_637, %dma_wait3A_648] : memref<65x8x8x128xi32, #tpu.memory_space<hbm>> -> memref<1x1x1x128xi32, #tpu.memory_space<hbm>>
      %dma_wait3A_650 = tpu.memref_squeeze %dma_wait3A_649 : memref<1x1x1x128xi32, #tpu.memory_space<hbm>> -> memref<128xi32, #tpu.memory_space<hbm>>
      tpu.wait_dma2 semaphore(%arg14 : memref<!tpu.dma_semaphore, #tpu.memory_space<semaphore_mem>>) src(%dma_wait3A_650 : memref<128xi32, #tpu.memory_space<hbm>>) dst(%dma_wait3A_647 : memref<128xi32, #tpu.memory_space<vmem>>)
      %dma_wait3A_651 = arith.constant 0 : i32
      %dma_wait3A_652 = arith.constant 0 : i32
      %dma_wait3A_653 = arith.constant 0 : i32
      %dma_wait3A_654 = arith.constant 0 : i32
      %dma_wait3A_655 = arith.constant 0 : i32
      %dma_wait3A_656 = tpu.memref_slice %arg11[%dma_wait3A_654, %dma_wait3A_655] : memref<2x1024xi32, #tpu.memory_space<vmem>> -> memref<1x128xi32, #tpu.memory_space<vmem>>
      %dma_wait3A_657 = tpu.memref_squeeze %dma_wait3A_656 : memref<1x128xi32, #tpu.memory_space<vmem>> -> memref<128xi32, #tpu.memory_space<vmem>>
      %dma_wait3A_658 = arith.constant 0 : i32
      %dma_wait3A_659 = tpu.memref_slice %arg4[%dma_wait3A_651, %dma_wait3A_652, %dma_wait3A_653, %dma_wait3A_658] : memref<65x8x8x128xi32, #tpu.memory_space<hbm>> -> memref<1x1x1x128xi32, #tpu.memory_space<hbm>>
      %dma_wait3A_660 = tpu.memref_squeeze %dma_wait3A_659 : memref<1x1x1x128xi32, #tpu.memory_space<hbm>> -> memref<128xi32, #tpu.memory_space<hbm>>
      %dma_wait3A_661 = arith.constant 0 : i32
      %dma_wait3A_662 = tpu.memref_slice %arg11[%dma_wait3A_654, %dma_wait3A_661] : memref<2x1024xi32, #tpu.memory_space<vmem>> -> memref<1x128xi32, #tpu.memory_space<vmem>>
      %dma_wait3A_663 = tpu.memref_squeeze %dma_wait3A_662 : memref<1x128xi32, #tpu.memory_space<vmem>> -> memref<128xi32, #tpu.memory_space<vmem>>
      %dma_wait3A_664 = arith.constant 0 : i32
      %dma_wait3A_665 = tpu.memref_slice %arg4[%dma_wait3A_651, %dma_wait3A_652, %dma_wait3A_653, %dma_wait3A_664] : memref<65x8x8x128xi32, #tpu.memory_space<hbm>> -> memref<1x1x1x128xi32, #tpu.memory_space<hbm>>
      %dma_wait3A_666 = tpu.memref_squeeze %dma_wait3A_665 : memref<1x1x1x128xi32, #tpu.memory_space<hbm>> -> memref<128xi32, #tpu.memory_space<hbm>>
      tpu.wait_dma2 semaphore(%arg14 : memref<!tpu.dma_semaphore, #tpu.memory_space<semaphore_mem>>) src(%dma_wait3A_666 : memref<128xi32, #tpu.memory_space<hbm>>) dst(%dma_wait3A_663 : memref<128xi32, #tpu.memory_space<vmem>>)
      %dma_wait3A_667 = arith.constant 0 : i32
      %dma_wait3A_668 = arith.constant 0 : i32
      %dma_wait3A_669 = arith.constant 0 : i32
      %dma_wait3A_670 = arith.constant 0 : i32
      %dma_wait3A_671 = arith.constant 0 : i32
      %dma_wait3A_672 = tpu.memref_slice %arg10[%dma_wait3A_670, %dma_wait3A_671] : memref<2x1024xi32, #tpu.memory_space<vmem>> -> memref<1x128xi32, #tpu.memory_space<vmem>>
      %dma_wait3A_673 = tpu.memref_squeeze %dma_wait3A_672 : memref<1x128xi32, #tpu.memory_space<vmem>> -> memref<128xi32, #tpu.memory_space<vmem>>
      %dma_wait3A_674 = arith.constant 0 : i32
      %dma_wait3A_675 = tpu.memref_slice %arg3[%dma_wait3A_667, %dma_wait3A_668, %dma_wait3A_669, %dma_wait3A_674] : memref<65x8x8x128xi32, #tpu.memory_space<hbm>> -> memref<1x1x1x128xi32, #tpu.memory_space<hbm>>
      %dma_wait3A_676 = tpu.memref_squeeze %dma_wait3A_675 : memref<1x1x1x128xi32, #tpu.memory_space<hbm>> -> memref<128xi32, #tpu.memory_space<hbm>>
      %dma_wait3A_677 = arith.constant 0 : i32
      %dma_wait3A_678 = tpu.memref_slice %arg10[%dma_wait3A_670, %dma_wait3A_677] : memref<2x1024xi32, #tpu.memory_space<vmem>> -> memref<1x128xi32, #tpu.memory_space<vmem>>
      %dma_wait3A_679 = tpu.memref_squeeze %dma_wait3A_678 : memref<1x128xi32, #tpu.memory_space<vmem>> -> memref<128xi32, #tpu.memory_space<vmem>>
      %dma_wait3A_680 = arith.constant 0 : i32
      %dma_wait3A_681 = tpu.memref_slice %arg3[%dma_wait3A_667, %dma_wait3A_668, %dma_wait3A_669, %dma_wait3A_680] : memref<65x8x8x128xi32, #tpu.memory_space<hbm>> -> memref<1x1x1x128xi32, #tpu.memory_space<hbm>>
      %dma_wait3A_682 = tpu.memref_squeeze %dma_wait3A_681 : memref<1x1x1x128xi32, #tpu.memory_space<hbm>> -> memref<128xi32, #tpu.memory_space<hbm>>
      tpu.wait_dma2 semaphore(%arg14 : memref<!tpu.dma_semaphore, #tpu.memory_space<semaphore_mem>>) src(%dma_wait3A_682 : memref<128xi32, #tpu.memory_space<hbm>>) dst(%dma_wait3A_679 : memref<128xi32, #tpu.memory_space<vmem>>)
      %dma_wait3A_683 = arith.constant 0 : i32
      %dma_wait3A_684 = arith.constant 0 : i32
      %dma_wait3A_685 = arith.constant 0 : i32
      %dma_wait3A_686 = arith.constant 0 : i32
      %dma_wait3A_687 = arith.constant 0 : i32
      %dma_wait3A_688 = tpu.memref_slice %arg11[%dma_wait3A_686, %dma_wait3A_687] : memref<2x1024xi32, #tpu.memory_space<vmem>> -> memref<1x128xi32, #tpu.memory_space<vmem>>
      %dma_wait3A_689 = tpu.memref_squeeze %dma_wait3A_688 : memref<1x128xi32, #tpu.memory_space<vmem>> -> memref<128xi32, #tpu.memory_space<vmem>>
      %dma_wait3A_690 = arith.constant 0 : i32
      %dma_wait3A_691 = tpu.memref_slice %arg4[%dma_wait3A_683, %dma_wait3A_684, %dma_wait3A_685, %dma_wait3A_690] : memref<65x8x8x128xi32, #tpu.memory_space<hbm>> -> memref<1x1x1x128xi32, #tpu.memory_space<hbm>>
      %dma_wait3A_692 = tpu.memref_squeeze %dma_wait3A_691 : memref<1x1x1x128xi32, #tpu.memory_space<hbm>> -> memref<128xi32, #tpu.memory_space<hbm>>
      %dma_wait3A_693 = arith.constant 0 : i32
      %dma_wait3A_694 = tpu.memref_slice %arg11[%dma_wait3A_686, %dma_wait3A_693] : memref<2x1024xi32, #tpu.memory_space<vmem>> -> memref<1x128xi32, #tpu.memory_space<vmem>>
      %dma_wait3A_695 = tpu.memref_squeeze %dma_wait3A_694 : memref<1x128xi32, #tpu.memory_space<vmem>> -> memref<128xi32, #tpu.memory_space<vmem>>
      %dma_wait3A_696 = arith.constant 0 : i32
      %dma_wait3A_697 = tpu.memref_slice %arg4[%dma_wait3A_683, %dma_wait3A_684, %dma_wait3A_685, %dma_wait3A_696] : memref<65x8x8x128xi32, #tpu.memory_space<hbm>> -> memref<1x1x1x128xi32, #tpu.memory_space<hbm>>
      %dma_wait3A_698 = tpu.memref_squeeze %dma_wait3A_697 : memref<1x1x1x128xi32, #tpu.memory_space<hbm>> -> memref<128xi32, #tpu.memory_space<hbm>>
      tpu.wait_dma2 semaphore(%arg14 : memref<!tpu.dma_semaphore, #tpu.memory_space<semaphore_mem>>) src(%dma_wait3A_698 : memref<128xi32, #tpu.memory_space<hbm>>) dst(%dma_wait3A_695 : memref<128xi32, #tpu.memory_space<vmem>>)
      %dma_wait3A_699 = arith.constant 0 : i32
      %dma_wait3A_700 = arith.constant 0 : i32
      %dma_wait3A_701 = arith.constant 0 : i32
      %dma_wait3A_702 = arith.constant 0 : i32
      %dma_wait3A_703 = arith.constant 0 : i32
      %dma_wait3A_704 = tpu.memref_slice %arg10[%dma_wait3A_702, %dma_wait3A_703] : memref<2x1024xi32, #tpu.memory_space<vmem>> -> memref<1x128xi32, #tpu.memory_space<vmem>>
      %dma_wait3A_705 = tpu.memref_squeeze %dma_wait3A_704 : memref<1x128xi32, #tpu.memory_space<vmem>> -> memref<128xi32, #tpu.memory_space<vmem>>
      %dma_wait3A_706 = arith.constant 0 : i32
      %dma_wait3A_707 = tpu.memref_slice %arg3[%dma_wait3A_699, %dma_wait3A_700, %dma_wait3A_701, %dma_wait3A_706] : memref<65x8x8x128xi32, #tpu.memory_space<hbm>> -> memref<1x1x1x128xi32, #tpu.memory_space<hbm>>
      %dma_wait3A_708 = tpu.memref_squeeze %dma_wait3A_707 : memref<1x1x1x128xi32, #tpu.memory_space<hbm>> -> memref<128xi32, #tpu.memory_space<hbm>>
      %dma_wait3A_709 = arith.constant 0 : i32
      %dma_wait3A_710 = tpu.memref_slice %arg10[%dma_wait3A_702, %dma_wait3A_709] : memref<2x1024xi32, #tpu.memory_space<vmem>> -> memref<1x128xi32, #tpu.memory_space<vmem>>
      %dma_wait3A_711 = tpu.memref_squeeze %dma_wait3A_710 : memref<1x128xi32, #tpu.memory_space<vmem>> -> memref<128xi32, #tpu.memory_space<vmem>>
      %dma_wait3A_712 = arith.constant 0 : i32
      %dma_wait3A_713 = tpu.memref_slice %arg3[%dma_wait3A_699, %dma_wait3A_700, %dma_wait3A_701, %dma_wait3A_712] : memref<65x8x8x128xi32, #tpu.memory_space<hbm>> -> memref<1x1x1x128xi32, #tpu.memory_space<hbm>>
      %dma_wait3A_714 = tpu.memref_squeeze %dma_wait3A_713 : memref<1x1x1x128xi32, #tpu.memory_space<hbm>> -> memref<128xi32, #tpu.memory_space<hbm>>
      tpu.wait_dma2 semaphore(%arg14 : memref<!tpu.dma_semaphore, #tpu.memory_space<semaphore_mem>>) src(%dma_wait3A_714 : memref<128xi32, #tpu.memory_space<hbm>>) dst(%dma_wait3A_711 : memref<128xi32, #tpu.memory_space<vmem>>)
      %dma_wait3A_715 = arith.constant 0 : i32
      %dma_wait3A_716 = arith.constant 0 : i32
      %dma_wait3A_717 = arith.constant 0 : i32
      %dma_wait3A_718 = arith.constant 0 : i32
      %dma_wait3A_719 = arith.constant 0 : i32
      %dma_wait3A_720 = tpu.memref_slice %arg11[%dma_wait3A_718, %dma_wait3A_719] : memref<2x1024xi32, #tpu.memory_space<vmem>> -> memref<1x128xi32, #tpu.memory_space<vmem>>
      %dma_wait3A_721 = tpu.memref_squeeze %dma_wait3A_720 : memref<1x128xi32, #tpu.memory_space<vmem>> -> memref<128xi32, #tpu.memory_space<vmem>>
      %dma_wait3A_722 = arith.constant 0 : i32
      %dma_wait3A_723 = tpu.memref_slice %arg4[%dma_wait3A_715, %dma_wait3A_716, %dma_wait3A_717, %dma_wait3A_722] : memref<65x8x8x128xi32, #tpu.memory_space<hbm>> -> memref<1x1x1x128xi32, #tpu.memory_space<hbm>>
      %dma_wait3A_724 = tpu.memref_squeeze %dma_wait3A_723 : memref<1x1x1x128xi32, #tpu.memory_space<hbm>> -> memref<128xi32, #tpu.memory_space<hbm>>
      %dma_wait3A_725 = arith.constant 0 : i32
      %dma_wait3A_726 = tpu.memref_slice %arg11[%dma_wait3A_718, %dma_wait3A_725] : memref<2x1024xi32, #tpu.memory_space<vmem>> -> memref<1x128xi32, #tpu.memory_space<vmem>>
      %dma_wait3A_727 = tpu.memref_squeeze %dma_wait3A_726 : memref<1x128xi32, #tpu.memory_space<vmem>> -> memref<128xi32, #tpu.memory_space<vmem>>
      %dma_wait3A_728 = arith.constant 0 : i32
      %dma_wait3A_729 = tpu.memref_slice %arg4[%dma_wait3A_715, %dma_wait3A_716, %dma_wait3A_717, %dma_wait3A_728] : memref<65x8x8x128xi32, #tpu.memory_space<hbm>> -> memref<1x1x1x128xi32, #tpu.memory_space<hbm>>
      %dma_wait3A_730 = tpu.memref_squeeze %dma_wait3A_729 : memref<1x1x1x128xi32, #tpu.memory_space<hbm>> -> memref<128xi32, #tpu.memory_space<hbm>>
      tpu.wait_dma2 semaphore(%arg14 : memref<!tpu.dma_semaphore, #tpu.memory_space<semaphore_mem>>) src(%dma_wait3A_730 : memref<128xi32, #tpu.memory_space<hbm>>) dst(%dma_wait3A_727 : memref<128xi32, #tpu.memory_space<vmem>>)
      %dma_wait3A_731 = arith.constant 0 : i32
      %dma_wait3A_732 = arith.constant 0 : i32
      %dma_wait3A_733 = arith.constant 0 : i32
      %dma_wait3A_734 = arith.constant 0 : i32
      %dma_wait3A_735 = arith.constant 0 : i32
      %dma_wait3A_736 = tpu.memref_slice %arg10[%dma_wait3A_734, %dma_wait3A_735] : memref<2x1024xi32, #tpu.memory_space<vmem>> -> memref<1x128xi32, #tpu.memory_space<vmem>>
      %dma_wait3A_737 = tpu.memref_squeeze %dma_wait3A_736 : memref<1x128xi32, #tpu.memory_space<vmem>> -> memref<128xi32, #tpu.memory_space<vmem>>
      %dma_wait3A_738 = arith.constant 0 : i32
      %dma_wait3A_739 = tpu.memref_slice %arg3[%dma_wait3A_731, %dma_wait3A_732, %dma_wait3A_733, %dma_wait3A_738] : memref<65x8x8x128xi32, #tpu.memory_space<hbm>> -> memref<1x1x1x128xi32, #tpu.memory_space<hbm>>
      %dma_wait3A_740 = tpu.memref_squeeze %dma_wait3A_739 : memref<1x1x1x128xi32, #tpu.memory_space<hbm>> -> memref<128xi32, #tpu.memory_space<hbm>>
      %dma_wait3A_741 = arith.constant 0 : i32
      %dma_wait3A_742 = tpu.memref_slice %arg10[%dma_wait3A_734, %dma_wait3A_741] : memref<2x1024xi32, #tpu.memory_space<vmem>> -> memref<1x128xi32, #tpu.memory_space<vmem>>
      %dma_wait3A_743 = tpu.memref_squeeze %dma_wait3A_742 : memref<1x128xi32, #tpu.memory_space<vmem>> -> memref<128xi32, #tpu.memory_space<vmem>>
      %dma_wait3A_744 = arith.constant 0 : i32
      %dma_wait3A_745 = tpu.memref_slice %arg3[%dma_wait3A_731, %dma_wait3A_732, %dma_wait3A_733, %dma_wait3A_744] : memref<65x8x8x128xi32, #tpu.memory_space<hbm>> -> memref<1x1x1x128xi32, #tpu.memory_space<hbm>>
      %dma_wait3A_746 = tpu.memref_squeeze %dma_wait3A_745 : memref<1x1x1x128xi32, #tpu.memory_space<hbm>> -> memref<128xi32, #tpu.memory_space<hbm>>
      tpu.wait_dma2 semaphore(%arg14 : memref<!tpu.dma_semaphore, #tpu.memory_space<semaphore_mem>>) src(%dma_wait3A_746 : memref<128xi32, #tpu.memory_space<hbm>>) dst(%dma_wait3A_743 : memref<128xi32, #tpu.memory_space<vmem>>)
      %dma_wait3A_747 = arith.constant 0 : i32
      %dma_wait3A_748 = arith.constant 0 : i32
      %dma_wait3A_749 = arith.constant 0 : i32
      %dma_wait3A_750 = arith.constant 0 : i32
      %dma_wait3A_751 = arith.constant 0 : i32
      %dma_wait3A_752 = tpu.memref_slice %arg11[%dma_wait3A_750, %dma_wait3A_751] : memref<2x1024xi32, #tpu.memory_space<vmem>> -> memref<1x128xi32, #tpu.memory_space<vmem>>
      %dma_wait3A_753 = tpu.memref_squeeze %dma_wait3A_752 : memref<1x128xi32, #tpu.memory_space<vmem>> -> memref<128xi32, #tpu.memory_space<vmem>>
      %dma_wait3A_754 = arith.constant 0 : i32
      %dma_wait3A_755 = tpu.memref_slice %arg4[%dma_wait3A_747, %dma_wait3A_748, %dma_wait3A_749, %dma_wait3A_754] : memref<65x8x8x128xi32, #tpu.memory_space<hbm>> -> memref<1x1x1x128xi32, #tpu.memory_space<hbm>>
      %dma_wait3A_756 = tpu.memref_squeeze %dma_wait3A_755 : memref<1x1x1x128xi32, #tpu.memory_space<hbm>> -> memref<128xi32, #tpu.memory_space<hbm>>
      %dma_wait3A_757 = arith.constant 0 : i32
      %dma_wait3A_758 = tpu.memref_slice %arg11[%dma_wait3A_750, %dma_wait3A_757] : memref<2x1024xi32, #tpu.memory_space<vmem>> -> memref<1x128xi32, #tpu.memory_space<vmem>>
      %dma_wait3A_759 = tpu.memref_squeeze %dma_wait3A_758 : memref<1x128xi32, #tpu.memory_space<vmem>> -> memref<128xi32, #tpu.memory_space<vmem>>
      %dma_wait3A_760 = arith.constant 0 : i32
      %dma_wait3A_761 = tpu.memref_slice %arg4[%dma_wait3A_747, %dma_wait3A_748, %dma_wait3A_749, %dma_wait3A_760] : memref<65x8x8x128xi32, #tpu.memory_space<hbm>> -> memref<1x1x1x128xi32, #tpu.memory_space<hbm>>
      %dma_wait3A_762 = tpu.memref_squeeze %dma_wait3A_761 : memref<1x1x1x128xi32, #tpu.memory_space<hbm>> -> memref<128xi32, #tpu.memory_space<hbm>>
      tpu.wait_dma2 semaphore(%arg14 : memref<!tpu.dma_semaphore, #tpu.memory_space<semaphore_mem>>) src(%dma_wait3A_762 : memref<128xi32, #tpu.memory_space<hbm>>) dst(%dma_wait3A_759 : memref<128xi32, #tpu.memory_space<vmem>>)
      %dma_wait3A_763 = arith.constant 0 : i32
      %dma_wait3A_764 = arith.constant 0 : i32
      %dma_wait3A_765 = arith.constant 0 : i32
      %dma_wait3A_766 = arith.constant 0 : i32
      %dma_wait3A_767 = arith.constant 0 : i32
      %dma_wait3A_768 = tpu.memref_slice %arg10[%dma_wait3A_766, %dma_wait3A_767] : memref<2x1024xi32, #tpu.memory_space<vmem>> -> memref<1x128xi32, #tpu.memory_space<vmem>>
      %dma_wait3A_769 = tpu.memref_squeeze %dma_wait3A_768 : memref<1x128xi32, #tpu.memory_space<vmem>> -> memref<128xi32, #tpu.memory_space<vmem>>
      %dma_wait3A_770 = arith.constant 0 : i32
      %dma_wait3A_771 = tpu.memref_slice %arg3[%dma_wait3A_763, %dma_wait3A_764, %dma_wait3A_765, %dma_wait3A_770] : memref<65x8x8x128xi32, #tpu.memory_space<hbm>> -> memref<1x1x1x128xi32, #tpu.memory_space<hbm>>
      %dma_wait3A_772 = tpu.memref_squeeze %dma_wait3A_771 : memref<1x1x1x128xi32, #tpu.memory_space<hbm>> -> memref<128xi32, #tpu.memory_space<hbm>>
      %dma_wait3A_773 = arith.constant 0 : i32
      %dma_wait3A_774 = tpu.memref_slice %arg10[%dma_wait3A_766, %dma_wait3A_773] : memref<2x1024xi32, #tpu.memory_space<vmem>> -> memref<1x128xi32, #tpu.memory_space<vmem>>
      %dma_wait3A_775 = tpu.memref_squeeze %dma_wait3A_774 : memref<1x128xi32, #tpu.memory_space<vmem>> -> memref<128xi32, #tpu.memory_space<vmem>>
      %dma_wait3A_776 = arith.constant 0 : i32
      %dma_wait3A_777 = tpu.memref_slice %arg3[%dma_wait3A_763, %dma_wait3A_764, %dma_wait3A_765, %dma_wait3A_776] : memref<65x8x8x128xi32, #tpu.memory_space<hbm>> -> memref<1x1x1x128xi32, #tpu.memory_space<hbm>>
      %dma_wait3A_778 = tpu.memref_squeeze %dma_wait3A_777 : memref<1x1x1x128xi32, #tpu.memory_space<hbm>> -> memref<128xi32, #tpu.memory_space<hbm>>
      tpu.wait_dma2 semaphore(%arg14 : memref<!tpu.dma_semaphore, #tpu.memory_space<semaphore_mem>>) src(%dma_wait3A_778 : memref<128xi32, #tpu.memory_space<hbm>>) dst(%dma_wait3A_775 : memref<128xi32, #tpu.memory_space<vmem>>)
      %dma_wait3A_779 = arith.constant 0 : i32
      %dma_wait3A_780 = arith.constant 0 : i32
      %dma_wait3A_781 = arith.constant 0 : i32
      %dma_wait3A_782 = arith.constant 0 : i32
      %dma_wait3A_783 = arith.constant 0 : i32
      %dma_wait3A_784 = tpu.memref_slice %arg11[%dma_wait3A_782, %dma_wait3A_783] : memref<2x1024xi32, #tpu.memory_space<vmem>> -> memref<1x128xi32, #tpu.memory_space<vmem>>
      %dma_wait3A_785 = tpu.memref_squeeze %dma_wait3A_784 : memref<1x128xi32, #tpu.memory_space<vmem>> -> memref<128xi32, #tpu.memory_space<vmem>>
      %dma_wait3A_786 = arith.constant 0 : i32
      %dma_wait3A_787 = tpu.memref_slice %arg4[%dma_wait3A_779, %dma_wait3A_780, %dma_wait3A_781, %dma_wait3A_786] : memref<65x8x8x128xi32, #tpu.memory_space<hbm>> -> memref<1x1x1x128xi32, #tpu.memory_space<hbm>>
      %dma_wait3A_788 = tpu.memref_squeeze %dma_wait3A_787 : memref<1x1x1x128xi32, #tpu.memory_space<hbm>> -> memref<128xi32, #tpu.memory_space<hbm>>
      %dma_wait3A_789 = arith.constant 0 : i32
      %dma_wait3A_790 = tpu.memref_slice %arg11[%dma_wait3A_782, %dma_wait3A_789] : memref<2x1024xi32, #tpu.memory_space<vmem>> -> memref<1x128xi32, #tpu.memory_space<vmem>>
      %dma_wait3A_791 = tpu.memref_squeeze %dma_wait3A_790 : memref<1x128xi32, #tpu.memory_space<vmem>> -> memref<128xi32, #tpu.memory_space<vmem>>
      %dma_wait3A_792 = arith.constant 0 : i32
      %dma_wait3A_793 = tpu.memref_slice %arg4[%dma_wait3A_779, %dma_wait3A_780, %dma_wait3A_781, %dma_wait3A_792] : memref<65x8x8x128xi32, #tpu.memory_space<hbm>> -> memref<1x1x1x128xi32, #tpu.memory_space<hbm>>
      %dma_wait3A_794 = tpu.memref_squeeze %dma_wait3A_793 : memref<1x1x1x128xi32, #tpu.memory_space<hbm>> -> memref<128xi32, #tpu.memory_space<hbm>>
      tpu.wait_dma2 semaphore(%arg14 : memref<!tpu.dma_semaphore, #tpu.memory_space<semaphore_mem>>) src(%dma_wait3A_794 : memref<128xi32, #tpu.memory_space<hbm>>) dst(%dma_wait3A_791 : memref<128xi32, #tpu.memory_space<vmem>>)
      %dma_wait3A_795 = arith.constant 0 : i32
      %dma_wait3A_796 = arith.constant 0 : i32
      %dma_wait3A_797 = arith.constant 0 : i32
      %dma_wait3A_798 = arith.constant 0 : i32
      %dma_wait3A_799 = arith.constant 0 : i32
      %dma_wait3A_800 = tpu.memref_slice %arg10[%dma_wait3A_798, %dma_wait3A_799] : memref<2x1024xi32, #tpu.memory_space<vmem>> -> memref<1x128xi32, #tpu.memory_space<vmem>>
      %dma_wait3A_801 = tpu.memref_squeeze %dma_wait3A_800 : memref<1x128xi32, #tpu.memory_space<vmem>> -> memref<128xi32, #tpu.memory_space<vmem>>
      %dma_wait3A_802 = arith.constant 0 : i32
      %dma_wait3A_803 = tpu.memref_slice %arg3[%dma_wait3A_795, %dma_wait3A_796, %dma_wait3A_797, %dma_wait3A_802] : memref<65x8x8x128xi32, #tpu.memory_space<hbm>> -> memref<1x1x1x128xi32, #tpu.memory_space<hbm>>
      %dma_wait3A_804 = tpu.memref_squeeze %dma_wait3A_803 : memref<1x1x1x128xi32, #tpu.memory_space<hbm>> -> memref<128xi32, #tpu.memory_space<hbm>>
      %dma_wait3A_805 = arith.constant 0 : i32
      %dma_wait3A_806 = tpu.memref_slice %arg10[%dma_wait3A_798, %dma_wait3A_805] : memref<2x1024xi32, #tpu.memory_space<vmem>> -> memref<1x128xi32, #tpu.memory_space<vmem>>
      %dma_wait3A_807 = tpu.memref_squeeze %dma_wait3A_806 : memref<1x128xi32, #tpu.memory_space<vmem>> -> memref<128xi32, #tpu.memory_space<vmem>>
      %dma_wait3A_808 = arith.constant 0 : i32
      %dma_wait3A_809 = tpu.memref_slice %arg3[%dma_wait3A_795, %dma_wait3A_796, %dma_wait3A_797, %dma_wait3A_808] : memref<65x8x8x128xi32, #tpu.memory_space<hbm>> -> memref<1x1x1x128xi32, #tpu.memory_space<hbm>>
      %dma_wait3A_810 = tpu.memref_squeeze %dma_wait3A_809 : memref<1x1x1x128xi32, #tpu.memory_space<hbm>> -> memref<128xi32, #tpu.memory_space<hbm>>
      tpu.wait_dma2 semaphore(%arg14 : memref<!tpu.dma_semaphore, #tpu.memory_space<semaphore_mem>>) src(%dma_wait3A_810 : memref<128xi32, #tpu.memory_space<hbm>>) dst(%dma_wait3A_807 : memref<128xi32, #tpu.memory_space<vmem>>)
      %dma_wait3A_811 = arith.constant 0 : i32
      %dma_wait3A_812 = arith.constant 0 : i32
      %dma_wait3A_813 = arith.constant 0 : i32
      %dma_wait3A_814 = arith.constant 0 : i32
      %dma_wait3A_815 = arith.constant 0 : i32
      %dma_wait3A_816 = tpu.memref_slice %arg11[%dma_wait3A_814, %dma_wait3A_815] : memref<2x1024xi32, #tpu.memory_space<vmem>> -> memref<1x128xi32, #tpu.memory_space<vmem>>
      %dma_wait3A_817 = tpu.memref_squeeze %dma_wait3A_816 : memref<1x128xi32, #tpu.memory_space<vmem>> -> memref<128xi32, #tpu.memory_space<vmem>>
      %dma_wait3A_818 = arith.constant 0 : i32
      %dma_wait3A_819 = tpu.memref_slice %arg4[%dma_wait3A_811, %dma_wait3A_812, %dma_wait3A_813, %dma_wait3A_818] : memref<65x8x8x128xi32, #tpu.memory_space<hbm>> -> memref<1x1x1x128xi32, #tpu.memory_space<hbm>>
      %dma_wait3A_820 = tpu.memref_squeeze %dma_wait3A_819 : memref<1x1x1x128xi32, #tpu.memory_space<hbm>> -> memref<128xi32, #tpu.memory_space<hbm>>
      %dma_wait3A_821 = arith.constant 0 : i32
      %dma_wait3A_822 = tpu.memref_slice %arg11[%dma_wait3A_814, %dma_wait3A_821] : memref<2x1024xi32, #tpu.memory_space<vmem>> -> memref<1x128xi32, #tpu.memory_space<vmem>>
      %dma_wait3A_823 = tpu.memref_squeeze %dma_wait3A_822 : memref<1x128xi32, #tpu.memory_space<vmem>> -> memref<128xi32, #tpu.memory_space<vmem>>
      %dma_wait3A_824 = arith.constant 0 : i32
      %dma_wait3A_825 = tpu.memref_slice %arg4[%dma_wait3A_811, %dma_wait3A_812, %dma_wait3A_813, %dma_wait3A_824] : memref<65x8x8x128xi32, #tpu.memory_space<hbm>> -> memref<1x1x1x128xi32, #tpu.memory_space<hbm>>
      %dma_wait3A_826 = tpu.memref_squeeze %dma_wait3A_825 : memref<1x1x1x128xi32, #tpu.memory_space<hbm>> -> memref<128xi32, #tpu.memory_space<hbm>>
      tpu.wait_dma2 semaphore(%arg14 : memref<!tpu.dma_semaphore, #tpu.memory_space<semaphore_mem>>) src(%dma_wait3A_826 : memref<128xi32, #tpu.memory_space<hbm>>) dst(%dma_wait3A_823 : memref<128xi32, #tpu.memory_space<vmem>>)
      %dma_wait3A_827 = arith.constant 0 : i32
      %dma_wait3A_828 = arith.constant 0 : i32
      %dma_wait3A_829 = arith.constant 0 : i32
      %dma_wait3A_830 = arith.constant 0 : i32
      %dma_wait3A_831 = arith.constant 0 : i32
      %dma_wait3A_832 = tpu.memref_slice %arg10[%dma_wait3A_830, %dma_wait3A_831] : memref<2x1024xi32, #tpu.memory_space<vmem>> -> memref<1x128xi32, #tpu.memory_space<vmem>>
      %dma_wait3A_833 = tpu.memref_squeeze %dma_wait3A_832 : memref<1x128xi32, #tpu.memory_space<vmem>> -> memref<128xi32, #tpu.memory_space<vmem>>
      %dma_wait3A_834 = arith.constant 0 : i32
      %dma_wait3A_835 = tpu.memref_slice %arg3[%dma_wait3A_827, %dma_wait3A_828, %dma_wait3A_829, %dma_wait3A_834] : memref<65x8x8x128xi32, #tpu.memory_space<hbm>> -> memref<1x1x1x128xi32, #tpu.memory_space<hbm>>
      %dma_wait3A_836 = tpu.memref_squeeze %dma_wait3A_835 : memref<1x1x1x128xi32, #tpu.memory_space<hbm>> -> memref<128xi32, #tpu.memory_space<hbm>>
      %dma_wait3A_837 = arith.constant 0 : i32
      %dma_wait3A_838 = tpu.memref_slice %arg10[%dma_wait3A_830, %dma_wait3A_837] : memref<2x1024xi32, #tpu.memory_space<vmem>> -> memref<1x128xi32, #tpu.memory_space<vmem>>
      %dma_wait3A_839 = tpu.memref_squeeze %dma_wait3A_838 : memref<1x128xi32, #tpu.memory_space<vmem>> -> memref<128xi32, #tpu.memory_space<vmem>>
      %dma_wait3A_840 = arith.constant 0 : i32
      %dma_wait3A_841 = tpu.memref_slice %arg3[%dma_wait3A_827, %dma_wait3A_828, %dma_wait3A_829, %dma_wait3A_840] : memref<65x8x8x128xi32, #tpu.memory_space<hbm>> -> memref<1x1x1x128xi32, #tpu.memory_space<hbm>>
      %dma_wait3A_842 = tpu.memref_squeeze %dma_wait3A_841 : memref<1x1x1x128xi32, #tpu.memory_space<hbm>> -> memref<128xi32, #tpu.memory_space<hbm>>
      tpu.wait_dma2 semaphore(%arg14 : memref<!tpu.dma_semaphore, #tpu.memory_space<semaphore_mem>>) src(%dma_wait3A_842 : memref<128xi32, #tpu.memory_space<hbm>>) dst(%dma_wait3A_839 : memref<128xi32, #tpu.memory_space<vmem>>)
      %dma_wait3A_843 = arith.constant 0 : i32
      %dma_wait3A_844 = arith.constant 0 : i32
      %dma_wait3A_845 = arith.constant 0 : i32
      %dma_wait3A_846 = arith.constant 0 : i32
      %dma_wait3A_847 = arith.constant 0 : i32
      %dma_wait3A_848 = tpu.memref_slice %arg11[%dma_wait3A_846, %dma_wait3A_847] : memref<2x1024xi32, #tpu.memory_space<vmem>> -> memref<1x128xi32, #tpu.memory_space<vmem>>
      %dma_wait3A_849 = tpu.memref_squeeze %dma_wait3A_848 : memref<1x128xi32, #tpu.memory_space<vmem>> -> memref<128xi32, #tpu.memory_space<vmem>>
      %dma_wait3A_850 = arith.constant 0 : i32
      %dma_wait3A_851 = tpu.memref_slice %arg4[%dma_wait3A_843, %dma_wait3A_844, %dma_wait3A_845, %dma_wait3A_850] : memref<65x8x8x128xi32, #tpu.memory_space<hbm>> -> memref<1x1x1x128xi32, #tpu.memory_space<hbm>>
      %dma_wait3A_852 = tpu.memref_squeeze %dma_wait3A_851 : memref<1x1x1x128xi32, #tpu.memory_space<hbm>> -> memref<128xi32, #tpu.memory_space<hbm>>
      %dma_wait3A_853 = arith.constant 0 : i32
      %dma_wait3A_854 = tpu.memref_slice %arg11[%dma_wait3A_846, %dma_wait3A_853] : memref<2x1024xi32, #tpu.memory_space<vmem>> -> memref<1x128xi32, #tpu.memory_space<vmem>>
      %dma_wait3A_855 = tpu.memref_squeeze %dma_wait3A_854 : memref<1x128xi32, #tpu.memory_space<vmem>> -> memref<128xi32, #tpu.memory_space<vmem>>
      %dma_wait3A_856 = arith.constant 0 : i32
      %dma_wait3A_857 = tpu.memref_slice %arg4[%dma_wait3A_843, %dma_wait3A_844, %dma_wait3A_845, %dma_wait3A_856] : memref<65x8x8x128xi32, #tpu.memory_space<hbm>> -> memref<1x1x1x128xi32, #tpu.memory_space<hbm>>
      %dma_wait3A_858 = tpu.memref_squeeze %dma_wait3A_857 : memref<1x1x1x128xi32, #tpu.memory_space<hbm>> -> memref<128xi32, #tpu.memory_space<hbm>>
      tpu.wait_dma2 semaphore(%arg14 : memref<!tpu.dma_semaphore, #tpu.memory_space<semaphore_mem>>) src(%dma_wait3A_858 : memref<128xi32, #tpu.memory_space<hbm>>) dst(%dma_wait3A_855 : memref<128xi32, #tpu.memory_space<vmem>>)
      %scan3A_859 = arith.constant 0 : i32
      %scan3A_860 = arith.constant 0 : i32
      %scan3A_861 = arith.constant 64 : i32
      %scan3A_862 = arith.addi %scan3A_860, %scan3A_861 : i32
      %scan3A_863 = arith.constant 1 : i32
      scf.for %scan3A_1270 = %scan3A_860 to %scan3A_862 step %scan3A_863  : i32 {
        %mul3A_1271 = arith.constant 16 : i32
        %mul3A_1272 = arith.muli %scan3A_1270, %mul3A_1271 : i32
        %get3A = arith.constant 0 : i32
        %get3A_1273 = arith.index_cast %get3A : i32 to index
        %get3A_1274 = arith.index_cast %mul3A_1272 : i32 to index
        %get3A_1275 = tpu.vector_load %arg10[%get3A_1273, %get3A_1274] {strides = array<i32>} : memref<2x1024xi32, #tpu.memory_space<vmem>>, vector<16xi32>,
        %get3A_1276 = arith.constant 0 : i32
        %get3A_1277 = arith.index_cast %get3A_1276 : i32 to index
        %get3A_1278 = arith.index_cast %mul3A_1272 : i32 to index
        %get3A_1279 = tpu.vector_load %arg11[%get3A_1277, %get3A_1278] {strides = array<i32>} : memref<2x1024xi32, #tpu.memory_space<vmem>>, vector<16xi32>,
        %jit3A_1280 = arith.constant 8 : i32
        %div3A_1281 = arith.divsi %scan3A_1270, %jit3A_1280 : i32
        %sign3A_1282 = arith.constant 0 : i32
        %sign3A_1283 = arith.cmpi sgt, %scan3A_1270, %sign3A_1282 : i32
        %sign3A_1284 = arith.extui %sign3A_1283 : i1 to i32
        %sign3A_1285 = arith.constant 0 : i32
        %sign3A_1286 = arith.cmpi slt, %scan3A_1270, %sign3A_1285 : i32
        %sign3A_1287 = arith.extui %sign3A_1286 : i1 to i32
        %sign3A_1288 = arith.subi %sign3A_1284, %sign3A_1287 : i32
        %sign3A_1289 = arith.constant 0 : i32
        %sign3A_1290 = arith.cmpi sgt, %jit3A_1280, %sign3A_1289 : i32
        %sign3A_1291 = arith.extui %sign3A_1290 : i1 to i32
        %sign3A_1292 = arith.constant 0 : i32
        %sign3A_1293 = arith.cmpi slt, %jit3A_1280, %sign3A_1292 : i32
        %sign3A_1294 = arith.extui %sign3A_1293 : i1 to i32
        %sign3A_1295 = arith.subi %sign3A_1291, %sign3A_1294 : i32
        %ne3A_1296 = arith.cmpi ne, %sign3A_1288, %sign3A_1295 : i32
        %rem3A_1297 = arith.remsi %scan3A_1270, %jit3A_1280 : i32
        %ne3A_1298 = arith.constant 0 : i32
        %ne3A_1299 = arith.cmpi ne, %rem3A_1297, %ne3A_1298 : i32
        %and3A_1300 = arith.andi %ne3A_1296, %ne3A_1299 : i1
        %sub3A_1301 = arith.constant 1 : i32
        %sub3A_1302 = arith.subi %div3A_1281, %sub3A_1301 : i32
        %select_n3A_1303 = arith.select %and3A_1300, %sub3A_1302, %div3A_1281 : i32
        %mul3A_1304 = arith.constant 1024 : i32
        %mul3A_1305 = arith.muli %select_n3A_1303, %mul3A_1304 : i32
        %jit3A_1306 = arith.constant 8 : i32
        %eq3A_1307 = arith.constant 0 : i32
        %eq3A_1308 = arith.cmpi eq, %jit3A_1306, %eq3A_1307 : i32
        %jit3A_1309 = arith.constant 1 : i32
        %select_n3A_1310 = arith.select %eq3A_1308, %jit3A_1309, %jit3A_1306 : i32
        %rem3A_1311 = arith.remsi %scan3A_1270, %select_n3A_1310 : i32
        %ne3A_1312 = arith.constant 0 : i32
        %ne3A_1313 = arith.cmpi ne, %rem3A_1311, %ne3A_1312 : i32
        %lt3A_1314 = arith.constant 0 : i32
        %lt3A_1315 = arith.cmpi slt, %rem3A_1311, %lt3A_1314 : i32
        %lt3A_1316 = arith.constant 0 : i32
        %lt3A_1317 = arith.cmpi slt, %select_n3A_1310, %lt3A_1316 : i32
        %ne3A_1318 = arith.xori %lt3A_1315, %lt3A_1317 : i1
        %and3A_1319 = arith.andi %ne3A_1318, %ne3A_1313 : i1
        %add3A_1320 = arith.addi %rem3A_1311, %select_n3A_1310 : i32
        %select_n3A_1321 = arith.select %and3A_1319, %add3A_1320, %rem3A_1311 : i32
        %mul3A_1322 = arith.constant 16 : i32
        %mul3A_1323 = arith.muli %select_n3A_1321, %mul3A_1322 : i32
        %add3A_1324 = arith.addi %mul3A_1305, %mul3A_1323 : i32
        %add3A_1325 = arith.constant 0 : i32
        %add3A_1326 = vector.broadcast %add3A_1325 : i32 to vector<16xi32>
        %add3A_1327 = arith.addi %get3A_1275, %add3A_1326 : vector<16xi32>
        %gather3A = tpu.vector_load_idx %arg12[%add3A_1327] : memref<1024xf32, #tpu.memory_space<vmem>>[vector<16xi32>], vector<16xf32>,
        %add3A_1328 = arith.constant 0 : i32
        %add3A_1329 = arith.addi %add3A_1324, %add3A_1328 : i32
        %swap3A = arith.constant 4 : i32
        %swap3A_1330 = arith.index_cast %swap3A : i32 to index
        %swap3A_1331 = arith.index_cast %add3A_1329 : i32 to index
        %swap3A_1332 = tpu.vector_load %arg9[%swap3A_1330, %swap3A_1331] {strides = array<i32>} : memref<14x8192xf32, #tpu.memory_space<vmem>>, vector<16xf32>,
        tpu.vector_store %arg9[%swap3A_1330, %swap3A_1331], %gather3A {strides = array<i32>} : memref<14x8192xf32, #tpu.memory_space<vmem>>, vector<16xf32>,
        %add3A_1333 = arith.constant 32 : i32
        %add3A_1334 = vector.broadcast %add3A_1333 : i32 to vector<16xi32>
        %add3A_1335 = arith.addi %get3A_1275, %add3A_1334 : vector<16xi32>
        %gather3A_1336 = tpu.vector_load_idx %arg12[%add3A_1335] : memref<1024xf32, #tpu.memory_space<vmem>>[vector<16xi32>], vector<16xf32>,
        %add3A_1337 = arith.constant 128 : i32
        %add3A_1338 = arith.addi %add3A_1324, %add3A_1337 : i32
        %swap3A_1339 = arith.constant 4 : i32
        %swap3A_1340 = arith.index_cast %swap3A_1339 : i32 to index
        %swap3A_1341 = arith.index_cast %add3A_1338 : i32 to index
        %swap3A_1342 = tpu.vector_load %arg9[%swap3A_1340, %swap3A_1341] {strides = array<i32>} : memref<14x8192xf32, #tpu.memory_space<vmem>>, vector<16xf32>,
        tpu.vector_store %arg9[%swap3A_1340, %swap3A_1341], %gather3A_1336 {strides = array<i32>} : memref<14x8192xf32, #tpu.memory_space<vmem>>, vector<16xf32>,
        %add3A_1343 = arith.constant 64 : i32
        %add3A_1344 = vector.broadcast %add3A_1343 : i32 to vector<16xi32>
        %add3A_1345 = arith.addi %get3A_1275, %add3A_1344 : vector<16xi32>
        %gather3A_1346 = tpu.vector_load_idx %arg12[%add3A_1345] : memref<1024xf32, #tpu.memory_space<vmem>>[vector<16xi32>], vector<16xf32>,
        %add3A_1347 = arith.constant 256 : i32
        %add3A_1348 = arith.addi %add3A_1324, %add3A_1347 : i32
        %swap3A_1349 = arith.constant 4 : i32
        %swap3A_1350 = arith.index_cast %swap3A_1349 : i32 to index
        %swap3A_1351 = arith.index_cast %add3A_1348 : i32 to index
        %swap3A_1352 = tpu.vector_load %arg9[%swap3A_1350, %swap3A_1351] {strides = array<i32>} : memref<14x8192xf32, #tpu.memory_space<vmem>>, vector<16xf32>,
        tpu.vector_store %arg9[%swap3A_1350, %swap3A_1351], %gather3A_1346 {strides = array<i32>} : memref<14x8192xf32, #tpu.memory_space<vmem>>, vector<16xf32>,
        %add3A_1353 = arith.constant 96 : i32
        %add3A_1354 = vector.broadcast %add3A_1353 : i32 to vector<16xi32>
        %add3A_1355 = arith.addi %get3A_1275, %add3A_1354 : vector<16xi32>
        %gather3A_1356 = tpu.vector_load_idx %arg12[%add3A_1355] : memref<1024xf32, #tpu.memory_space<vmem>>[vector<16xi32>], vector<16xf32>,
        %add3A_1357 = arith.constant 384 : i32
        %add3A_1358 = arith.addi %add3A_1324, %add3A_1357 : i32
        %swap3A_1359 = arith.constant 4 : i32
        %swap3A_1360 = arith.index_cast %swap3A_1359 : i32 to index
        %swap3A_1361 = arith.index_cast %add3A_1358 : i32 to index
        %swap3A_1362 = tpu.vector_load %arg9[%swap3A_1360, %swap3A_1361] {strides = array<i32>} : memref<14x8192xf32, #tpu.memory_space<vmem>>, vector<16xf32>,
        tpu.vector_store %arg9[%swap3A_1360, %swap3A_1361], %gather3A_1356 {strides = array<i32>} : memref<14x8192xf32, #tpu.memory_space<vmem>>, vector<16xf32>,
        %add3A_1363 = arith.constant 128 : i32
        %add3A_1364 = vector.broadcast %add3A_1363 : i32 to vector<16xi32>
        %add3A_1365 = arith.addi %get3A_1275, %add3A_1364 : vector<16xi32>
        %gather3A_1366 = tpu.vector_load_idx %arg12[%add3A_1365] : memref<1024xf32, #tpu.memory_space<vmem>>[vector<16xi32>], vector<16xf32>,
        %add3A_1367 = arith.constant 512 : i32
        %add3A_1368 = arith.addi %add3A_1324, %add3A_1367 : i32
        %swap3A_1369 = arith.constant 4 : i32
        %swap3A_1370 = arith.index_cast %swap3A_1369 : i32 to index
        %swap3A_1371 = arith.index_cast %add3A_1368 : i32 to index
        %swap3A_1372 = tpu.vector_load %arg9[%swap3A_1370, %swap3A_1371] {strides = array<i32>} : memref<14x8192xf32, #tpu.memory_space<vmem>>, vector<16xf32>,
        tpu.vector_store %arg9[%swap3A_1370, %swap3A_1371], %gather3A_1366 {strides = array<i32>} : memref<14x8192xf32, #tpu.memory_space<vmem>>, vector<16xf32>,
        %add3A_1373 = arith.constant 160 : i32
        %add3A_1374 = vector.broadcast %add3A_1373 : i32 to vector<16xi32>
        %add3A_1375 = arith.addi %get3A_1275, %add3A_1374 : vector<16xi32>
        %gather3A_1376 = tpu.vector_load_idx %arg12[%add3A_1375] : memref<1024xf32, #tpu.memory_space<vmem>>[vector<16xi32>], vector<16xf32>,
        %add3A_1377 = arith.constant 640 : i32
        %add3A_1378 = arith.addi %add3A_1324, %add3A_1377 : i32
        %swap3A_1379 = arith.constant 4 : i32
        %swap3A_1380 = arith.index_cast %swap3A_1379 : i32 to index
        %swap3A_1381 = arith.index_cast %add3A_1378 : i32 to index
        %swap3A_1382 = tpu.vector_load %arg9[%swap3A_1380, %swap3A_1381] {strides = array<i32>} : memref<14x8192xf32, #tpu.memory_space<vmem>>, vector<16xf32>,
        tpu.vector_store %arg9[%swap3A_1380, %swap3A_1381], %gather3A_1376 {strides = array<i32>} : memref<14x8192xf32, #tpu.memory_space<vmem>>, vector<16xf32>,
        %add3A_1383 = arith.constant 192 : i32
        %add3A_1384 = vector.broadcast %add3A_1383 : i32 to vector<16xi32>
        %add3A_1385 = arith.addi %get3A_1275, %add3A_1384 : vector<16xi32>
        %gather3A_1386 = tpu.vector_load_idx %arg12[%add3A_1385] : memref<1024xf32, #tpu.memory_space<vmem>>[vector<16xi32>], vector<16xf32>,
        %add3A_1387 = arith.constant 768 : i32
        %add3A_1388 = arith.addi %add3A_1324, %add3A_1387 : i32
        %swap3A_1389 = arith.constant 4 : i32
        %swap3A_1390 = arith.index_cast %swap3A_1389 : i32 to index
        %swap3A_1391 = arith.index_cast %add3A_1388 : i32 to index
        %swap3A_1392 = tpu.vector_load %arg9[%swap3A_1390, %swap3A_1391] {strides = array<i32>} : memref<14x8192xf32, #tpu.memory_space<vmem>>, vector<16xf32>,
        tpu.vector_store %arg9[%swap3A_1390, %swap3A_1391], %gather3A_1386 {strides = array<i32>} : memref<14x8192xf32, #tpu.memory_space<vmem>>, vector<16xf32>,
        %add3A_1393 = arith.constant 224 : i32
        %add3A_1394 = vector.broadcast %add3A_1393 : i32 to vector<16xi32>
        %add3A_1395 = arith.addi %get3A_1275, %add3A_1394 : vector<16xi32>
        %gather3A_1396 = tpu.vector_load_idx %arg12[%add3A_1395] : memref<1024xf32, #tpu.memory_space<vmem>>[vector<16xi32>], vector<16xf32>,
        %add3A_1397 = arith.constant 896 : i32
        %add3A_1398 = arith.addi %add3A_1324, %add3A_1397 : i32
        %swap3A_1399 = arith.constant 4 : i32
        %swap3A_1400 = arith.index_cast %swap3A_1399 : i32 to index
        %swap3A_1401 = arith.index_cast %add3A_1398 : i32 to index
        %swap3A_1402 = tpu.vector_load %arg9[%swap3A_1400, %swap3A_1401] {strides = array<i32>} : memref<14x8192xf32, #tpu.memory_space<vmem>>, vector<16xf32>,
        tpu.vector_store %arg9[%swap3A_1400, %swap3A_1401], %gather3A_1396 {strides = array<i32>} : memref<14x8192xf32, #tpu.memory_space<vmem>>, vector<16xf32>,
        %add3A_1403 = arith.constant 256 : i32
        %add3A_1404 = vector.broadcast %add3A_1403 : i32 to vector<16xi32>
        %add3A_1405 = arith.addi %get3A_1275, %add3A_1404 : vector<16xi32>
        %gather3A_1406 = tpu.vector_load_idx %arg12[%add3A_1405] : memref<1024xf32, #tpu.memory_space<vmem>>[vector<16xi32>], vector<16xf32>,
        %add3A_1407 = arith.constant 0 : i32
        %add3A_1408 = arith.addi %add3A_1324, %add3A_1407 : i32
        %swap3A_1409 = arith.constant 5 : i32
        %swap3A_1410 = arith.index_cast %swap3A_1409 : i32 to index
        %swap3A_1411 = arith.index_cast %add3A_1408 : i32 to index
        %swap3A_1412 = tpu.vector_load %arg9[%swap3A_1410, %swap3A_1411] {strides = array<i32>} : memref<14x8192xf32, #tpu.memory_space<vmem>>, vector<16xf32>,
        tpu.vector_store %arg9[%swap3A_1410, %swap3A_1411], %gather3A_1406 {strides = array<i32>} : memref<14x8192xf32, #tpu.memory_space<vmem>>, vector<16xf32>,
        %add3A_1413 = arith.constant 288 : i32
        %add3A_1414 = vector.broadcast %add3A_1413 : i32 to vector<16xi32>
        %add3A_1415 = arith.addi %get3A_1275, %add3A_1414 : vector<16xi32>
        %gather3A_1416 = tpu.vector_load_idx %arg12[%add3A_1415] : memref<1024xf32, #tpu.memory_space<vmem>>[vector<16xi32>], vector<16xf32>,
        %add3A_1417 = arith.constant 128 : i32
        %add3A_1418 = arith.addi %add3A_1324, %add3A_1417 : i32
        %swap3A_1419 = arith.constant 5 : i32
        %swap3A_1420 = arith.index_cast %swap3A_1419 : i32 to index
        %swap3A_1421 = arith.index_cast %add3A_1418 : i32 to index
        %swap3A_1422 = tpu.vector_load %arg9[%swap3A_1420, %swap3A_1421] {strides = array<i32>} : memref<14x8192xf32, #tpu.memory_space<vmem>>, vector<16xf32>,
        tpu.vector_store %arg9[%swap3A_1420, %swap3A_1421], %gather3A_1416 {strides = array<i32>} : memref<14x8192xf32, #tpu.memory_space<vmem>>, vector<16xf32>,
        %add3A_1423 = arith.constant 320 : i32
        %add3A_1424 = vector.broadcast %add3A_1423 : i32 to vector<16xi32>
        %add3A_1425 = arith.addi %get3A_1275, %add3A_1424 : vector<16xi32>
        %gather3A_1426 = tpu.vector_load_idx %arg12[%add3A_1425] : memref<1024xf32, #tpu.memory_space<vmem>>[vector<16xi32>], vector<16xf32>,
        %add3A_1427 = arith.constant 256 : i32
        %add3A_1428 = arith.addi %add3A_1324, %add3A_1427 : i32
        %swap3A_1429 = arith.constant 5 : i32
        %swap3A_1430 = arith.index_cast %swap3A_1429 : i32 to index
        %swap3A_1431 = arith.index_cast %add3A_1428 : i32 to index
        %swap3A_1432 = tpu.vector_load %arg9[%swap3A_1430, %swap3A_1431] {strides = array<i32>} : memref<14x8192xf32, #tpu.memory_space<vmem>>, vector<16xf32>,
        tpu.vector_store %arg9[%swap3A_1430, %swap3A_1431], %gather3A_1426 {strides = array<i32>} : memref<14x8192xf32, #tpu.memory_space<vmem>>, vector<16xf32>,
        %add3A_1433 = arith.constant 352 : i32
        %add3A_1434 = vector.broadcast %add3A_1433 : i32 to vector<16xi32>
        %add3A_1435 = arith.addi %get3A_1275, %add3A_1434 : vector<16xi32>
        %gather3A_1436 = tpu.vector_load_idx %arg12[%add3A_1435] : memref<1024xf32, #tpu.memory_space<vmem>>[vector<16xi32>], vector<16xf32>,
        %add3A_1437 = arith.constant 384 : i32
        %add3A_1438 = arith.addi %add3A_1324, %add3A_1437 : i32
        %swap3A_1439 = arith.constant 5 : i32
        %swap3A_1440 = arith.index_cast %swap3A_1439 : i32 to index
        %swap3A_1441 = arith.index_cast %add3A_1438 : i32 to index
        %swap3A_1442 = tpu.vector_load %arg9[%swap3A_1440, %swap3A_1441] {strides = array<i32>} : memref<14x8192xf32, #tpu.memory_space<vmem>>, vector<16xf32>,
        tpu.vector_store %arg9[%swap3A_1440, %swap3A_1441], %gather3A_1436 {strides = array<i32>} : memref<14x8192xf32, #tpu.memory_space<vmem>>, vector<16xf32>,
        %add3A_1443 = arith.constant 384 : i32
        %add3A_1444 = vector.broadcast %add3A_1443 : i32 to vector<16xi32>
        %add3A_1445 = arith.addi %get3A_1275, %add3A_1444 : vector<16xi32>
        %gather3A_1446 = tpu.vector_load_idx %arg12[%add3A_1445] : memref<1024xf32, #tpu.memory_space<vmem>>[vector<16xi32>], vector<16xf32>,
        %add3A_1447 = arith.constant 512 : i32
        %add3A_1448 = arith.addi %add3A_1324, %add3A_1447 : i32
        %swap3A_1449 = arith.constant 5 : i32
        %swap3A_1450 = arith.index_cast %swap3A_1449 : i32 to index
        %swap3A_1451 = arith.index_cast %add3A_1448 : i32 to index
        %swap3A_1452 = tpu.vector_load %arg9[%swap3A_1450, %swap3A_1451] {strides = array<i32>} : memref<14x8192xf32, #tpu.memory_space<vmem>>, vector<16xf32>,
        tpu.vector_store %arg9[%swap3A_1450, %swap3A_1451], %gather3A_1446 {strides = array<i32>} : memref<14x8192xf32, #tpu.memory_space<vmem>>, vector<16xf32>,
        %add3A_1453 = arith.constant 416 : i32
        %add3A_1454 = vector.broadcast %add3A_1453 : i32 to vector<16xi32>
        %add3A_1455 = arith.addi %get3A_1275, %add3A_1454 : vector<16xi32>
        %gather3A_1456 = tpu.vector_load_idx %arg12[%add3A_1455] : memref<1024xf32, #tpu.memory_space<vmem>>[vector<16xi32>], vector<16xf32>,
        %add3A_1457 = arith.constant 640 : i32
        %add3A_1458 = arith.addi %add3A_1324, %add3A_1457 : i32
        %swap3A_1459 = arith.constant 5 : i32
        %swap3A_1460 = arith.index_cast %swap3A_1459 : i32 to index
        %swap3A_1461 = arith.index_cast %add3A_1458 : i32 to index
        %swap3A_1462 = tpu.vector_load %arg9[%swap3A_1460, %swap3A_1461] {strides = array<i32>} : memref<14x8192xf32, #tpu.memory_space<vmem>>, vector<16xf32>,
        tpu.vector_store %arg9[%swap3A_1460, %swap3A_1461], %gather3A_1456 {strides = array<i32>} : memref<14x8192xf32, #tpu.memory_space<vmem>>, vector<16xf32>,
        %add3A_1463 = arith.constant 448 : i32
        %add3A_1464 = vector.broadcast %add3A_1463 : i32 to vector<16xi32>
        %add3A_1465 = arith.addi %get3A_1275, %add3A_1464 : vector<16xi32>
        %gather3A_1466 = tpu.vector_load_idx %arg12[%add3A_1465] : memref<1024xf32, #tpu.memory_space<vmem>>[vector<16xi32>], vector<16xf32>,
        %add3A_1467 = arith.constant 768 : i32
        %add3A_1468 = arith.addi %add3A_1324, %add3A_1467 : i32
        %swap3A_1469 = arith.constant 5 : i32
        %swap3A_1470 = arith.index_cast %swap3A_1469 : i32 to index
        %swap3A_1471 = arith.index_cast %add3A_1468 : i32 to index
        %swap3A_1472 = tpu.vector_load %arg9[%swap3A_1470, %swap3A_1471] {strides = array<i32>} : memref<14x8192xf32, #tpu.memory_space<vmem>>, vector<16xf32>,
        tpu.vector_store %arg9[%swap3A_1470, %swap3A_1471], %gather3A_1466 {strides = array<i32>} : memref<14x8192xf32, #tpu.memory_space<vmem>>, vector<16xf32>,
        %add3A_1473 = arith.constant 480 : i32
        %add3A_1474 = vector.broadcast %add3A_1473 : i32 to vector<16xi32>
        %add3A_1475 = arith.addi %get3A_1275, %add3A_1474 : vector<16xi32>
        %gather3A_1476 = tpu.vector_load_idx %arg12[%add3A_1475] : memref<1024xf32, #tpu.memory_space<vmem>>[vector<16xi32>], vector<16xf32>,
        %add3A_1477 = arith.constant 896 : i32
        %add3A_1478 = arith.addi %add3A_1324, %add3A_1477 : i32
        %swap3A_1479 = arith.constant 5 : i32
        %swap3A_1480 = arith.index_cast %swap3A_1479 : i32 to index
        %swap3A_1481 = arith.index_cast %add3A_1478 : i32 to index
        %swap3A_1482 = tpu.vector_load %arg9[%swap3A_1480, %swap3A_1481] {strides = array<i32>} : memref<14x8192xf32, #tpu.memory_space<vmem>>, vector<16xf32>,
        tpu.vector_store %arg9[%swap3A_1480, %swap3A_1481], %gather3A_1476 {strides = array<i32>} : memref<14x8192xf32, #tpu.memory_space<vmem>>, vector<16xf32>,
        %add3A_1483 = arith.constant 512 : i32
        %add3A_1484 = vector.broadcast %add3A_1483 : i32 to vector<16xi32>
        %add3A_1485 = arith.addi %get3A_1275, %add3A_1484 : vector<16xi32>
        %gather3A_1486 = tpu.vector_load_idx %arg12[%add3A_1485] : memref<1024xf32, #tpu.memory_space<vmem>>[vector<16xi32>], vector<16xf32>,
        %add3A_1487 = arith.constant 0 : i32
        %add3A_1488 = arith.addi %add3A_1324, %add3A_1487 : i32
        %swap3A_1489 = arith.constant 6 : i32
        %swap3A_1490 = arith.index_cast %swap3A_1489 : i32 to index
        %swap3A_1491 = arith.index_cast %add3A_1488 : i32 to index
        %swap3A_1492 = tpu.vector_load %arg9[%swap3A_1490, %swap3A_1491] {strides = array<i32>} : memref<14x8192xf32, #tpu.memory_space<vmem>>, vector<16xf32>,
        tpu.vector_store %arg9[%swap3A_1490, %swap3A_1491], %gather3A_1486 {strides = array<i32>} : memref<14x8192xf32, #tpu.memory_space<vmem>>, vector<16xf32>,
        %add3A_1493 = arith.constant 544 : i32
        %add3A_1494 = vector.broadcast %add3A_1493 : i32 to vector<16xi32>
        %add3A_1495 = arith.addi %get3A_1275, %add3A_1494 : vector<16xi32>
        %gather3A_1496 = tpu.vector_load_idx %arg12[%add3A_1495] : memref<1024xf32, #tpu.memory_space<vmem>>[vector<16xi32>], vector<16xf32>,
        %add3A_1497 = arith.constant 128 : i32
        %add3A_1498 = arith.addi %add3A_1324, %add3A_1497 : i32
        %swap3A_1499 = arith.constant 6 : i32
        %swap3A_1500 = arith.index_cast %swap3A_1499 : i32 to index
        %swap3A_1501 = arith.index_cast %add3A_1498 : i32 to index
        %swap3A_1502 = tpu.vector_load %arg9[%swap3A_1500, %swap3A_1501] {strides = array<i32>} : memref<14x8192xf32, #tpu.memory_space<vmem>>, vector<16xf32>,
        tpu.vector_store %arg9[%swap3A_1500, %swap3A_1501], %gather3A_1496 {strides = array<i32>} : memref<14x8192xf32, #tpu.memory_space<vmem>>, vector<16xf32>,
        %add3A_1503 = arith.constant 576 : i32
        %add3A_1504 = vector.broadcast %add3A_1503 : i32 to vector<16xi32>
        %add3A_1505 = arith.addi %get3A_1275, %add3A_1504 : vector<16xi32>
        %gather3A_1506 = tpu.vector_load_idx %arg12[%add3A_1505] : memref<1024xf32, #tpu.memory_space<vmem>>[vector<16xi32>], vector<16xf32>,
        %add3A_1507 = arith.constant 256 : i32
        %add3A_1508 = arith.addi %add3A_1324, %add3A_1507 : i32
        %swap3A_1509 = arith.constant 6 : i32
        %swap3A_1510 = arith.index_cast %swap3A_1509 : i32 to index
        %swap3A_1511 = arith.index_cast %add3A_1508 : i32 to index
        %swap3A_1512 = tpu.vector_load %arg9[%swap3A_1510, %swap3A_1511] {strides = array<i32>} : memref<14x8192xf32, #tpu.memory_space<vmem>>, vector<16xf32>,
        tpu.vector_store %arg9[%swap3A_1510, %swap3A_1511], %gather3A_1506 {strides = array<i32>} : memref<14x8192xf32, #tpu.memory_space<vmem>>, vector<16xf32>,
        %add3A_1513 = arith.constant 608 : i32
        %add3A_1514 = vector.broadcast %add3A_1513 : i32 to vector<16xi32>
        %add3A_1515 = arith.addi %get3A_1275, %add3A_1514 : vector<16xi32>
        %gather3A_1516 = tpu.vector_load_idx %arg12[%add3A_1515] : memref<1024xf32, #tpu.memory_space<vmem>>[vector<16xi32>], vector<16xf32>,
        %add3A_1517 = arith.constant 384 : i32
        %add3A_1518 = arith.addi %add3A_1324, %add3A_1517 : i32
        %swap3A_1519 = arith.constant 6 : i32
        %swap3A_1520 = arith.index_cast %swap3A_1519 : i32 to index
        %swap3A_1521 = arith.index_cast %add3A_1518 : i32 to index
        %swap3A_1522 = tpu.vector_load %arg9[%swap3A_1520, %swap3A_1521] {strides = array<i32>} : memref<14x8192xf32, #tpu.memory_space<vmem>>, vector<16xf32>,
        tpu.vector_store %arg9[%swap3A_1520, %swap3A_1521], %gather3A_1516 {strides = array<i32>} : memref<14x8192xf32, #tpu.memory_space<vmem>>, vector<16xf32>,
        %add3A_1523 = arith.constant 640 : i32
        %add3A_1524 = vector.broadcast %add3A_1523 : i32 to vector<16xi32>
        %add3A_1525 = arith.addi %get3A_1275, %add3A_1524 : vector<16xi32>
        %gather3A_1526 = tpu.vector_load_idx %arg12[%add3A_1525] : memref<1024xf32, #tpu.memory_space<vmem>>[vector<16xi32>], vector<16xf32>,
        %add3A_1527 = arith.constant 512 : i32
        %add3A_1528 = arith.addi %add3A_1324, %add3A_1527 : i32
        %swap3A_1529 = arith.constant 6 : i32
        %swap3A_1530 = arith.index_cast %swap3A_1529 : i32 to index
        %swap3A_1531 = arith.index_cast %add3A_1528 : i32 to index
        %swap3A_1532 = tpu.vector_load %arg9[%swap3A_1530, %swap3A_1531] {strides = array<i32>} : memref<14x8192xf32, #tpu.memory_space<vmem>>, vector<16xf32>,
        tpu.vector_store %arg9[%swap3A_1530, %swap3A_1531], %gather3A_1526 {strides = array<i32>} : memref<14x8192xf32, #tpu.memory_space<vmem>>, vector<16xf32>,
        %add3A_1533 = arith.constant 672 : i32
        %add3A_1534 = vector.broadcast %add3A_1533 : i32 to vector<16xi32>
        %add3A_1535 = arith.addi %get3A_1275, %add3A_1534 : vector<16xi32>
        %gather3A_1536 = tpu.vector_load_idx %arg12[%add3A_1535] : memref<1024xf32, #tpu.memory_space<vmem>>[vector<16xi32>], vector<16xf32>,
        %add3A_1537 = arith.constant 640 : i32
        %add3A_1538 = arith.addi %add3A_1324, %add3A_1537 : i32
        %swap3A_1539 = arith.constant 6 : i32
        %swap3A_1540 = arith.index_cast %swap3A_1539 : i32 to index
        %swap3A_1541 = arith.index_cast %add3A_1538 : i32 to index
        %swap3A_1542 = tpu.vector_load %arg9[%swap3A_1540, %swap3A_1541] {strides = array<i32>} : memref<14x8192xf32, #tpu.memory_space<vmem>>, vector<16xf32>,
        tpu.vector_store %arg9[%swap3A_1540, %swap3A_1541], %gather3A_1536 {strides = array<i32>} : memref<14x8192xf32, #tpu.memory_space<vmem>>, vector<16xf32>,
        %add3A_1543 = arith.constant 704 : i32
        %add3A_1544 = vector.broadcast %add3A_1543 : i32 to vector<16xi32>
        %add3A_1545 = arith.addi %get3A_1275, %add3A_1544 : vector<16xi32>
        %gather3A_1546 = tpu.vector_load_idx %arg12[%add3A_1545] : memref<1024xf32, #tpu.memory_space<vmem>>[vector<16xi32>], vector<16xf32>,
        %add3A_1547 = arith.constant 768 : i32
        %add3A_1548 = arith.addi %add3A_1324, %add3A_1547 : i32
        %swap3A_1549 = arith.constant 6 : i32
        %swap3A_1550 = arith.index_cast %swap3A_1549 : i32 to index
        %swap3A_1551 = arith.index_cast %add3A_1548 : i32 to index
        %swap3A_1552 = tpu.vector_load %arg9[%swap3A_1550, %swap3A_1551] {strides = array<i32>} : memref<14x8192xf32, #tpu.memory_space<vmem>>, vector<16xf32>,
        tpu.vector_store %arg9[%swap3A_1550, %swap3A_1551], %gather3A_1546 {strides = array<i32>} : memref<14x8192xf32, #tpu.memory_space<vmem>>, vector<16xf32>,
        %add3A_1553 = arith.constant 736 : i32
        %add3A_1554 = vector.broadcast %add3A_1553 : i32 to vector<16xi32>
        %add3A_1555 = arith.addi %get3A_1275, %add3A_1554 : vector<16xi32>
        %gather3A_1556 = tpu.vector_load_idx %arg12[%add3A_1555] : memref<1024xf32, #tpu.memory_space<vmem>>[vector<16xi32>], vector<16xf32>,
        %add3A_1557 = arith.constant 896 : i32
        %add3A_1558 = arith.addi %add3A_1324, %add3A_1557 : i32
        %swap3A_1559 = arith.constant 6 : i32
        %swap3A_1560 = arith.index_cast %swap3A_1559 : i32 to index
        %swap3A_1561 = arith.index_cast %add3A_1558 : i32 to index
        %swap3A_1562 = tpu.vector_load %arg9[%swap3A_1560, %swap3A_1561] {strides = array<i32>} : memref<14x8192xf32, #tpu.memory_space<vmem>>, vector<16xf32>,
        tpu.vector_store %arg9[%swap3A_1560, %swap3A_1561], %gather3A_1556 {strides = array<i32>} : memref<14x8192xf32, #tpu.memory_space<vmem>>, vector<16xf32>,
        %add3A_1563 = arith.constant 768 : i32
        %add3A_1564 = vector.broadcast %add3A_1563 : i32 to vector<16xi32>
        %add3A_1565 = arith.addi %get3A_1275, %add3A_1564 : vector<16xi32>
        %gather3A_1566 = tpu.vector_load_idx %arg12[%add3A_1565] : memref<1024xf32, #tpu.memory_space<vmem>>[vector<16xi32>], vector<16xf32>,
        %add3A_1567 = arith.constant 0 : i32
        %add3A_1568 = arith.addi %add3A_1324, %add3A_1567 : i32
        %swap3A_1569 = arith.constant 7 : i32
        %swap3A_1570 = arith.index_cast %swap3A_1569 : i32 to index
        %swap3A_1571 = arith.index_cast %add3A_1568 : i32 to index
        %swap3A_1572 = tpu.vector_load %arg9[%swap3A_1570, %swap3A_1571] {strides = array<i32>} : memref<14x8192xf32, #tpu.memory_space<vmem>>, vector<16xf32>,
        tpu.vector_store %arg9[%swap3A_1570, %swap3A_1571], %gather3A_1566 {strides = array<i32>} : memref<14x8192xf32, #tpu.memory_space<vmem>>, vector<16xf32>,
        %add3A_1573 = arith.constant 800 : i32
        %add3A_1574 = vector.broadcast %add3A_1573 : i32 to vector<16xi32>
        %add3A_1575 = arith.addi %get3A_1275, %add3A_1574 : vector<16xi32>
        %gather3A_1576 = tpu.vector_load_idx %arg12[%add3A_1575] : memref<1024xf32, #tpu.memory_space<vmem>>[vector<16xi32>], vector<16xf32>,
        %add3A_1577 = arith.constant 128 : i32
        %add3A_1578 = arith.addi %add3A_1324, %add3A_1577 : i32
        %swap3A_1579 = arith.constant 7 : i32
        %swap3A_1580 = arith.index_cast %swap3A_1579 : i32 to index
        %swap3A_1581 = arith.index_cast %add3A_1578 : i32 to index
        %swap3A_1582 = tpu.vector_load %arg9[%swap3A_1580, %swap3A_1581] {strides = array<i32>} : memref<14x8192xf32, #tpu.memory_space<vmem>>, vector<16xf32>,
        tpu.vector_store %arg9[%swap3A_1580, %swap3A_1581], %gather3A_1576 {strides = array<i32>} : memref<14x8192xf32, #tpu.memory_space<vmem>>, vector<16xf32>,
        %add3A_1583 = arith.constant 832 : i32
        %add3A_1584 = vector.broadcast %add3A_1583 : i32 to vector<16xi32>
        %add3A_1585 = arith.addi %get3A_1275, %add3A_1584 : vector<16xi32>
        %gather3A_1586 = tpu.vector_load_idx %arg12[%add3A_1585] : memref<1024xf32, #tpu.memory_space<vmem>>[vector<16xi32>], vector<16xf32>,
        %add3A_1587 = arith.constant 256 : i32
        %add3A_1588 = arith.addi %add3A_1324, %add3A_1587 : i32
        %swap3A_1589 = arith.constant 7 : i32
        %swap3A_1590 = arith.index_cast %swap3A_1589 : i32 to index
        %swap3A_1591 = arith.index_cast %add3A_1588 : i32 to index
        %swap3A_1592 = tpu.vector_load %arg9[%swap3A_1590, %swap3A_1591] {strides = array<i32>} : memref<14x8192xf32, #tpu.memory_space<vmem>>, vector<16xf32>,
        tpu.vector_store %arg9[%swap3A_1590, %swap3A_1591], %gather3A_1586 {strides = array<i32>} : memref<14x8192xf32, #tpu.memory_space<vmem>>, vector<16xf32>,
        %add3A_1593 = arith.constant 864 : i32
        %add3A_1594 = vector.broadcast %add3A_1593 : i32 to vector<16xi32>
        %add3A_1595 = arith.addi %get3A_1275, %add3A_1594 : vector<16xi32>
        %gather3A_1596 = tpu.vector_load_idx %arg12[%add3A_1595] : memref<1024xf32, #tpu.memory_space<vmem>>[vector<16xi32>], vector<16xf32>,
        %add3A_1597 = arith.constant 384 : i32
        %add3A_1598 = arith.addi %add3A_1324, %add3A_1597 : i32
        %swap3A_1599 = arith.constant 7 : i32
        %swap3A_1600 = arith.index_cast %swap3A_1599 : i32 to index
        %swap3A_1601 = arith.index_cast %add3A_1598 : i32 to index
        %swap3A_1602 = tpu.vector_load %arg9[%swap3A_1600, %swap3A_1601] {strides = array<i32>} : memref<14x8192xf32, #tpu.memory_space<vmem>>, vector<16xf32>,
        tpu.vector_store %arg9[%swap3A_1600, %swap3A_1601], %gather3A_1596 {strides = array<i32>} : memref<14x8192xf32, #tpu.memory_space<vmem>>, vector<16xf32>,
        %add3A_1603 = arith.constant 896 : i32
        %add3A_1604 = vector.broadcast %add3A_1603 : i32 to vector<16xi32>
        %add3A_1605 = arith.addi %get3A_1275, %add3A_1604 : vector<16xi32>
        %gather3A_1606 = tpu.vector_load_idx %arg12[%add3A_1605] : memref<1024xf32, #tpu.memory_space<vmem>>[vector<16xi32>], vector<16xf32>,
        %add3A_1607 = arith.constant 512 : i32
        %add3A_1608 = arith.addi %add3A_1324, %add3A_1607 : i32
        %swap3A_1609 = arith.constant 7 : i32
        %swap3A_1610 = arith.index_cast %swap3A_1609 : i32 to index
        %swap3A_1611 = arith.index_cast %add3A_1608 : i32 to index
        %swap3A_1612 = tpu.vector_load %arg9[%swap3A_1610, %swap3A_1611] {strides = array<i32>} : memref<14x8192xf32, #tpu.memory_space<vmem>>, vector<16xf32>,
        tpu.vector_store %arg9[%swap3A_1610, %swap3A_1611], %gather3A_1606 {strides = array<i32>} : memref<14x8192xf32, #tpu.memory_space<vmem>>, vector<16xf32>,
        %add3A_1613 = arith.constant 928 : i32
        %add3A_1614 = vector.broadcast %add3A_1613 : i32 to vector<16xi32>
        %add3A_1615 = arith.addi %get3A_1275, %add3A_1614 : vector<16xi32>
        %gather3A_1616 = tpu.vector_load_idx %arg12[%add3A_1615] : memref<1024xf32, #tpu.memory_space<vmem>>[vector<16xi32>], vector<16xf32>,
        %add3A_1617 = arith.constant 640 : i32
        %add3A_1618 = arith.addi %add3A_1324, %add3A_1617 : i32
        %swap3A_1619 = arith.constant 7 : i32
        %swap3A_1620 = arith.index_cast %swap3A_1619 : i32 to index
        %swap3A_1621 = arith.index_cast %add3A_1618 : i32 to index
        %swap3A_1622 = tpu.vector_load %arg9[%swap3A_1620, %swap3A_1621] {strides = array<i32>} : memref<14x8192xf32, #tpu.memory_space<vmem>>, vector<16xf32>,
        tpu.vector_store %arg9[%swap3A_1620, %swap3A_1621], %gather3A_1616 {strides = array<i32>} : memref<14x8192xf32, #tpu.memory_space<vmem>>, vector<16xf32>,
        %add3A_1623 = arith.constant 960 : i32
        %add3A_1624 = vector.broadcast %add3A_1623 : i32 to vector<16xi32>
        %add3A_1625 = arith.addi %get3A_1275, %add3A_1624 : vector<16xi32>
        %gather3A_1626 = tpu.vector_load_idx %arg12[%add3A_1625] : memref<1024xf32, #tpu.memory_space<vmem>>[vector<16xi32>], vector<16xf32>,
        %add3A_1627 = arith.constant 768 : i32
        %add3A_1628 = arith.addi %add3A_1324, %add3A_1627 : i32
        %swap3A_1629 = arith.constant 7 : i32
        %swap3A_1630 = arith.index_cast %swap3A_1629 : i32 to index
        %swap3A_1631 = arith.index_cast %add3A_1628 : i32 to index
        %swap3A_1632 = tpu.vector_load %arg9[%swap3A_1630, %swap3A_1631] {strides = array<i32>} : memref<14x8192xf32, #tpu.memory_space<vmem>>, vector<16xf32>,
        tpu.vector_store %arg9[%swap3A_1630, %swap3A_1631], %gather3A_1626 {strides = array<i32>} : memref<14x8192xf32, #tpu.memory_space<vmem>>, vector<16xf32>,
        %add3A_1633 = arith.constant 992 : i32
        %add3A_1634 = vector.broadcast %add3A_1633 : i32 to vector<16xi32>
        %add3A_1635 = arith.addi %get3A_1275, %add3A_1634 : vector<16xi32>
        %gather3A_1636 = tpu.vector_load_idx %arg12[%add3A_1635] : memref<1024xf32, #tpu.memory_space<vmem>>[vector<16xi32>], vector<16xf32>,
        %add3A_1637 = arith.constant 896 : i32
        %add3A_1638 = arith.addi %add3A_1324, %add3A_1637 : i32
        %swap3A_1639 = arith.constant 7 : i32
        %swap3A_1640 = arith.index_cast %swap3A_1639 : i32 to index
        %swap3A_1641 = arith.index_cast %add3A_1638 : i32 to index
        %swap3A_1642 = tpu.vector_load %arg9[%swap3A_1640, %swap3A_1641] {strides = array<i32>} : memref<14x8192xf32, #tpu.memory_space<vmem>>, vector<16xf32>,
        tpu.vector_store %arg9[%swap3A_1640, %swap3A_1641], %gather3A_1636 {strides = array<i32>} : memref<14x8192xf32, #tpu.memory_space<vmem>>, vector<16xf32>,
        %add3A_1643 = arith.constant 0 : i32
        %add3A_1644 = vector.broadcast %add3A_1643 : i32 to vector<16xi32>
        %add3A_1645 = arith.addi %get3A_1279, %add3A_1644 : vector<16xi32>
        %gather3A_1646 = tpu.vector_load_idx %arg13[%add3A_1645] : memref<512xf32, #tpu.memory_space<vmem>>[vector<16xi32>], vector<16xf32>,
        %add3A_1647 = arith.constant 0 : i32
        %add3A_1648 = arith.addi %add3A_1324, %add3A_1647 : i32
        %swap3A_1649 = arith.constant 12 : i32
        %swap3A_1650 = arith.index_cast %swap3A_1649 : i32 to index
        %swap3A_1651 = arith.index_cast %add3A_1648 : i32 to index
        %swap3A_1652 = tpu.vector_load %arg9[%swap3A_1650, %swap3A_1651] {strides = array<i32>} : memref<14x8192xf32, #tpu.memory_space<vmem>>, vector<16xf32>,
        tpu.vector_store %arg9[%swap3A_1650, %swap3A_1651], %gather3A_1646 {strides = array<i32>} : memref<14x8192xf32, #tpu.memory_space<vmem>>, vector<16xf32>,
        %add3A_1653 = arith.constant 32 : i32
        %add3A_1654 = vector.broadcast %add3A_1653 : i32 to vector<16xi32>
        %add3A_1655 = arith.addi %get3A_1279, %add3A_1654 : vector<16xi32>
        %gather3A_1656 = tpu.vector_load_idx %arg13[%add3A_1655] : memref<512xf32, #tpu.memory_space<vmem>>[vector<16xi32>], vector<16xf32>,
        %add3A_1657 = arith.constant 128 : i32
        %add3A_1658 = arith.addi %add3A_1324, %add3A_1657 : i32
        %swap3A_1659 = arith.constant 12 : i32
        %swap3A_1660 = arith.index_cast %swap3A_1659 : i32 to index
        %swap3A_1661 = arith.index_cast %add3A_1658 : i32 to index
        %swap3A_1662 = tpu.vector_load %arg9[%swap3A_1660, %swap3A_1661] {strides = array<i32>} : memref<14x8192xf32, #tpu.memory_space<vmem>>, vector<16xf32>,
        tpu.vector_store %arg9[%swap3A_1660, %swap3A_1661], %gather3A_1656 {strides = array<i32>} : memref<14x8192xf32, #tpu.memory_space<vmem>>, vector<16xf32>,
        %add3A_1663 = arith.constant 64 : i32
        %add3A_1664 = vector.broadcast %add3A_1663 : i32 to vector<16xi32>
        %add3A_1665 = arith.addi %get3A_1279, %add3A_1664 : vector<16xi32>
        %gather3A_1666 = tpu.vector_load_idx %arg13[%add3A_1665] : memref<512xf32, #tpu.memory_space<vmem>>[vector<16xi32>], vector<16xf32>,
        %add3A_1667 = arith.constant 256 : i32
        %add3A_1668 = arith.addi %add3A_1324, %add3A_1667 : i32
        %swap3A_1669 = arith.constant 12 : i32
        %swap3A_1670 = arith.index_cast %swap3A_1669 : i32 to index
        %swap3A_1671 = arith.index_cast %add3A_1668 : i32 to index
        %swap3A_1672 = tpu.vector_load %arg9[%swap3A_1670, %swap3A_1671] {strides = array<i32>} : memref<14x8192xf32, #tpu.memory_space<vmem>>, vector<16xf32>,
        tpu.vector_store %arg9[%swap3A_1670, %swap3A_1671], %gather3A_1666 {strides = array<i32>} : memref<14x8192xf32, #tpu.memory_space<vmem>>, vector<16xf32>,
        %add3A_1673 = arith.constant 96 : i32
        %add3A_1674 = vector.broadcast %add3A_1673 : i32 to vector<16xi32>
        %add3A_1675 = arith.addi %get3A_1279, %add3A_1674 : vector<16xi32>
        %gather3A_1676 = tpu.vector_load_idx %arg13[%add3A_1675] : memref<512xf32, #tpu.memory_space<vmem>>[vector<16xi32>], vector<16xf32>,
        %add3A_1677 = arith.constant 384 : i32
        %add3A_1678 = arith.addi %add3A_1324, %add3A_1677 : i32
        %swap3A_1679 = arith.constant 12 : i32
        %swap3A_1680 = arith.index_cast %swap3A_1679 : i32 to index
        %swap3A_1681 = arith.index_cast %add3A_1678 : i32 to index
        %swap3A_1682 = tpu.vector_load %arg9[%swap3A_1680, %swap3A_1681] {strides = array<i32>} : memref<14x8192xf32, #tpu.memory_space<vmem>>, vector<16xf32>,
        tpu.vector_store %arg9[%swap3A_1680, %swap3A_1681], %gather3A_1676 {strides = array<i32>} : memref<14x8192xf32, #tpu.memory_space<vmem>>, vector<16xf32>,
        %add3A_1683 = arith.constant 128 : i32
        %add3A_1684 = vector.broadcast %add3A_1683 : i32 to vector<16xi32>
        %add3A_1685 = arith.addi %get3A_1279, %add3A_1684 : vector<16xi32>
        %gather3A_1686 = tpu.vector_load_idx %arg13[%add3A_1685] : memref<512xf32, #tpu.memory_space<vmem>>[vector<16xi32>], vector<16xf32>,
        %add3A_1687 = arith.constant 512 : i32
        %add3A_1688 = arith.addi %add3A_1324, %add3A_1687 : i32
        %swap3A_1689 = arith.constant 12 : i32
        %swap3A_1690 = arith.index_cast %swap3A_1689 : i32 to index
        %swap3A_1691 = arith.index_cast %add3A_1688 : i32 to index
        %swap3A_1692 = tpu.vector_load %arg9[%swap3A_1690, %swap3A_1691] {strides = array<i32>} : memref<14x8192xf32, #tpu.memory_space<vmem>>, vector<16xf32>,
        tpu.vector_store %arg9[%swap3A_1690, %swap3A_1691], %gather3A_1686 {strides = array<i32>} : memref<14x8192xf32, #tpu.memory_space<vmem>>, vector<16xf32>,
        %add3A_1693 = arith.constant 160 : i32
        %add3A_1694 = vector.broadcast %add3A_1693 : i32 to vector<16xi32>
        %add3A_1695 = arith.addi %get3A_1279, %add3A_1694 : vector<16xi32>
        %gather3A_1696 = tpu.vector_load_idx %arg13[%add3A_1695] : memref<512xf32, #tpu.memory_space<vmem>>[vector<16xi32>], vector<16xf32>,
        %add3A_1697 = arith.constant 640 : i32
        %add3A_1698 = arith.addi %add3A_1324, %add3A_1697 : i32
        %swap3A_1699 = arith.constant 12 : i32
        %swap3A_1700 = arith.index_cast %swap3A_1699 : i32 to index
        %swap3A_1701 = arith.index_cast %add3A_1698 : i32 to index
        %swap3A_1702 = tpu.vector_load %arg9[%swap3A_1700, %swap3A_1701] {strides = array<i32>} : memref<14x8192xf32, #tpu.memory_space<vmem>>, vector<16xf32>,
        tpu.vector_store %arg9[%swap3A_1700, %swap3A_1701], %gather3A_1696 {strides = array<i32>} : memref<14x8192xf32, #tpu.memory_space<vmem>>, vector<16xf32>,
        %add3A_1703 = arith.constant 192 : i32
        %add3A_1704 = vector.broadcast %add3A_1703 : i32 to vector<16xi32>
        %add3A_1705 = arith.addi %get3A_1279, %add3A_1704 : vector<16xi32>
        %gather3A_1706 = tpu.vector_load_idx %arg13[%add3A_1705] : memref<512xf32, #tpu.memory_space<vmem>>[vector<16xi32>], vector<16xf32>,
        %add3A_1707 = arith.constant 768 : i32
        %add3A_1708 = arith.addi %add3A_1324, %add3A_1707 : i32
        %swap3A_1709 = arith.constant 12 : i32
        %swap3A_1710 = arith.index_cast %swap3A_1709 : i32 to index
        %swap3A_1711 = arith.index_cast %add3A_1708 : i32 to index
        %swap3A_1712 = tpu.vector_load %arg9[%swap3A_1710, %swap3A_1711] {strides = array<i32>} : memref<14x8192xf32, #tpu.memory_space<vmem>>, vector<16xf32>,
        tpu.vector_store %arg9[%swap3A_1710, %swap3A_1711], %gather3A_1706 {strides = array<i32>} : memref<14x8192xf32, #tpu.memory_space<vmem>>, vector<16xf32>,
        %add3A_1713 = arith.constant 224 : i32
        %add3A_1714 = vector.broadcast %add3A_1713 : i32 to vector<16xi32>
        %add3A_1715 = arith.addi %get3A_1279, %add3A_1714 : vector<16xi32>
        %gather3A_1716 = tpu.vector_load_idx %arg13[%add3A_1715] : memref<512xf32, #tpu.memory_space<vmem>>[vector<16xi32>], vector<16xf32>,
        %add3A_1717 = arith.constant 896 : i32
        %add3A_1718 = arith.addi %add3A_1324, %add3A_1717 : i32
        %swap3A_1719 = arith.constant 12 : i32
        %swap3A_1720 = arith.index_cast %swap3A_1719 : i32 to index
        %swap3A_1721 = arith.index_cast %add3A_1718 : i32 to index
        %swap3A_1722 = tpu.vector_load %arg9[%swap3A_1720, %swap3A_1721] {strides = array<i32>} : memref<14x8192xf32, #tpu.memory_space<vmem>>, vector<16xf32>,
        tpu.vector_store %arg9[%swap3A_1720, %swap3A_1721], %gather3A_1716 {strides = array<i32>} : memref<14x8192xf32, #tpu.memory_space<vmem>>, vector<16xf32>,
        %add3A_1723 = arith.constant 256 : i32
        %add3A_1724 = vector.broadcast %add3A_1723 : i32 to vector<16xi32>
        %add3A_1725 = arith.addi %get3A_1279, %add3A_1724 : vector<16xi32>
        %gather3A_1726 = tpu.vector_load_idx %arg13[%add3A_1725] : memref<512xf32, #tpu.memory_space<vmem>>[vector<16xi32>], vector<16xf32>,
        %add3A_1727 = arith.constant 0 : i32
        %add3A_1728 = arith.addi %add3A_1324, %add3A_1727 : i32
        %swap3A_1729 = arith.constant 13 : i32
        %swap3A_1730 = arith.index_cast %swap3A_1729 : i32 to index
        %swap3A_1731 = arith.index_cast %add3A_1728 : i32 to index
        %swap3A_1732 = tpu.vector_load %arg9[%swap3A_1730, %swap3A_1731] {strides = array<i32>} : memref<14x8192xf32, #tpu.memory_space<vmem>>, vector<16xf32>,
        tpu.vector_store %arg9[%swap3A_1730, %swap3A_1731], %gather3A_1726 {strides = array<i32>} : memref<14x8192xf32, #tpu.memory_space<vmem>>, vector<16xf32>,
        %add3A_1733 = arith.constant 288 : i32
        %add3A_1734 = vector.broadcast %add3A_1733 : i32 to vector<16xi32>
        %add3A_1735 = arith.addi %get3A_1279, %add3A_1734 : vector<16xi32>
        %gather3A_1736 = tpu.vector_load_idx %arg13[%add3A_1735] : memref<512xf32, #tpu.memory_space<vmem>>[vector<16xi32>], vector<16xf32>,
        %add3A_1737 = arith.constant 128 : i32
        %add3A_1738 = arith.addi %add3A_1324, %add3A_1737 : i32
        %swap3A_1739 = arith.constant 13 : i32
        %swap3A_1740 = arith.index_cast %swap3A_1739 : i32 to index
        %swap3A_1741 = arith.index_cast %add3A_1738 : i32 to index
        %swap3A_1742 = tpu.vector_load %arg9[%swap3A_1740, %swap3A_1741] {strides = array<i32>} : memref<14x8192xf32, #tpu.memory_space<vmem>>, vector<16xf32>,
        tpu.vector_store %arg9[%swap3A_1740, %swap3A_1741], %gather3A_1736 {strides = array<i32>} : memref<14x8192xf32, #tpu.memory_space<vmem>>, vector<16xf32>,
        %add3A_1743 = arith.constant 320 : i32
        %add3A_1744 = vector.broadcast %add3A_1743 : i32 to vector<16xi32>
        %add3A_1745 = arith.addi %get3A_1279, %add3A_1744 : vector<16xi32>
        %gather3A_1746 = tpu.vector_load_idx %arg13[%add3A_1745] : memref<512xf32, #tpu.memory_space<vmem>>[vector<16xi32>], vector<16xf32>,
        %add3A_1747 = arith.constant 256 : i32
        %add3A_1748 = arith.addi %add3A_1324, %add3A_1747 : i32
        %swap3A_1749 = arith.constant 13 : i32
        %swap3A_1750 = arith.index_cast %swap3A_1749 : i32 to index
        %swap3A_1751 = arith.index_cast %add3A_1748 : i32 to index
        %swap3A_1752 = tpu.vector_load %arg9[%swap3A_1750, %swap3A_1751] {strides = array<i32>} : memref<14x8192xf32, #tpu.memory_space<vmem>>, vector<16xf32>,
        tpu.vector_store %arg9[%swap3A_1750, %swap3A_1751], %gather3A_1746 {strides = array<i32>} : memref<14x8192xf32, #tpu.memory_space<vmem>>, vector<16xf32>,
        %add3A_1753 = arith.constant 352 : i32
        %add3A_1754 = vector.broadcast %add3A_1753 : i32 to vector<16xi32>
        %add3A_1755 = arith.addi %get3A_1279, %add3A_1754 : vector<16xi32>
        %gather3A_1756 = tpu.vector_load_idx %arg13[%add3A_1755] : memref<512xf32, #tpu.memory_space<vmem>>[vector<16xi32>], vector<16xf32>,
        %add3A_1757 = arith.constant 384 : i32
        %add3A_1758 = arith.addi %add3A_1324, %add3A_1757 : i32
        %swap3A_1759 = arith.constant 13 : i32
        %swap3A_1760 = arith.index_cast %swap3A_1759 : i32 to index
        %swap3A_1761 = arith.index_cast %add3A_1758 : i32 to index
        %swap3A_1762 = tpu.vector_load %arg9[%swap3A_1760, %swap3A_1761] {strides = array<i32>} : memref<14x8192xf32, #tpu.memory_space<vmem>>, vector<16xf32>,
        tpu.vector_store %arg9[%swap3A_1760, %swap3A_1761], %gather3A_1756 {strides = array<i32>} : memref<14x8192xf32, #tpu.memory_space<vmem>>, vector<16xf32>,
        %add3A_1763 = arith.constant 384 : i32
        %add3A_1764 = vector.broadcast %add3A_1763 : i32 to vector<16xi32>
        %add3A_1765 = arith.addi %get3A_1279, %add3A_1764 : vector<16xi32>
        %gather3A_1766 = tpu.vector_load_idx %arg13[%add3A_1765] : memref<512xf32, #tpu.memory_space<vmem>>[vector<16xi32>], vector<16xf32>,
        %add3A_1767 = arith.constant 512 : i32
        %add3A_1768 = arith.addi %add3A_1324, %add3A_1767 : i32
        %swap3A_1769 = arith.constant 13 : i32
        %swap3A_1770 = arith.index_cast %swap3A_1769 : i32 to index
        %swap3A_1771 = arith.index_cast %add3A_1768 : i32 to index
        %swap3A_1772 = tpu.vector_load %arg9[%swap3A_1770, %swap3A_1771] {strides = array<i32>} : memref<14x8192xf32, #tpu.memory_space<vmem>>, vector<16xf32>,
        tpu.vector_store %arg9[%swap3A_1770, %swap3A_1771], %gather3A_1766 {strides = array<i32>} : memref<14x8192xf32, #tpu.memory_space<vmem>>, vector<16xf32>,
        %add3A_1773 = arith.constant 416 : i32
        %add3A_1774 = vector.broadcast %add3A_1773 : i32 to vector<16xi32>
        %add3A_1775 = arith.addi %get3A_1279, %add3A_1774 : vector<16xi32>
        %gather3A_1776 = tpu.vector_load_idx %arg13[%add3A_1775] : memref<512xf32, #tpu.memory_space<vmem>>[vector<16xi32>], vector<16xf32>,
        %add3A_1777 = arith.constant 640 : i32
        %add3A_1778 = arith.addi %add3A_1324, %add3A_1777 : i32
        %swap3A_1779 = arith.constant 13 : i32
        %swap3A_1780 = arith.index_cast %swap3A_1779 : i32 to index
        %swap3A_1781 = arith.index_cast %add3A_1778 : i32 to index
        %swap3A_1782 = tpu.vector_load %arg9[%swap3A_1780, %swap3A_1781] {strides = array<i32>} : memref<14x8192xf32, #tpu.memory_space<vmem>>, vector<16xf32>,
        tpu.vector_store %arg9[%swap3A_1780, %swap3A_1781], %gather3A_1776 {strides = array<i32>} : memref<14x8192xf32, #tpu.memory_space<vmem>>, vector<16xf32>,
        %add3A_1783 = arith.constant 448 : i32
        %add3A_1784 = vector.broadcast %add3A_1783 : i32 to vector<16xi32>
        %add3A_1785 = arith.addi %get3A_1279, %add3A_1784 : vector<16xi32>
        %gather3A_1786 = tpu.vector_load_idx %arg13[%add3A_1785] : memref<512xf32, #tpu.memory_space<vmem>>[vector<16xi32>], vector<16xf32>,
        %add3A_1787 = arith.constant 768 : i32
        %add3A_1788 = arith.addi %add3A_1324, %add3A_1787 : i32
        %swap3A_1789 = arith.constant 13 : i32
        %swap3A_1790 = arith.index_cast %swap3A_1789 : i32 to index
        %swap3A_1791 = arith.index_cast %add3A_1788 : i32 to index
        %swap3A_1792 = tpu.vector_load %arg9[%swap3A_1790, %swap3A_1791] {strides = array<i32>} : memref<14x8192xf32, #tpu.memory_space<vmem>>, vector<16xf32>,
        tpu.vector_store %arg9[%swap3A_1790, %swap3A_1791], %gather3A_1786 {strides = array<i32>} : memref<14x8192xf32, #tpu.memory_space<vmem>>, vector<16xf32>,
        %add3A_1793 = arith.constant 480 : i32
        %add3A_1794 = vector.broadcast %add3A_1793 : i32 to vector<16xi32>
        %add3A_1795 = arith.addi %get3A_1279, %add3A_1794 : vector<16xi32>
        %gather3A_1796 = tpu.vector_load_idx %arg13[%add3A_1795] : memref<512xf32, #tpu.memory_space<vmem>>[vector<16xi32>], vector<16xf32>,
        %add3A_1797 = arith.constant 896 : i32
        %add3A_1798 = arith.addi %add3A_1324, %add3A_1797 : i32
        %swap3A_1799 = arith.constant 13 : i32
        %swap3A_1800 = arith.index_cast %swap3A_1799 : i32 to index
        %swap3A_1801 = arith.index_cast %add3A_1798 : i32 to index
        %swap3A_1802 = tpu.vector_load %arg9[%swap3A_1800, %swap3A_1801] {strides = array<i32>} : memref<14x8192xf32, #tpu.memory_space<vmem>>, vector<16xf32>,
        tpu.vector_store %arg9[%swap3A_1800, %swap3A_1801], %gather3A_1796 {strides = array<i32>} : memref<14x8192xf32, #tpu.memory_space<vmem>>, vector<16xf32>,
      }
      %scan3A_864 = arith.constant 64 : i32
      %dma_wait3A_865 = arith.constant 0 : i32
      %dma_wait3A_866 = arith.constant 0 : i32
      %dma_wait3A_867 = arith.constant 0 : i32
      %dma_wait3A_868 = tpu.memref_slice %arg9[%dma_wait3A_866, %dma_wait3A_867] : memref<14x8192xf32, #tpu.memory_space<vmem>> -> memref<4x8192xf32, #tpu.memory_space<vmem>>
      %dma_wait3A_869 = arith.constant 0 : i32
      %dma_wait3A_870 = arith.constant 0 : i32
      %dma_wait3A_871 = tpu.memref_slice %arg2[%dma_wait3A_865, %dma_wait3A_869, %dma_wait3A_870] : memref<520x4x8192xf32, #tpu.memory_space<hbm>> -> memref<1x4x8192xf32, #tpu.memory_space<hbm>>
      %dma_wait3A_872 = tpu.memref_squeeze %dma_wait3A_871 : memref<1x4x8192xf32, #tpu.memory_space<hbm>> -> memref<4x8192xf32, #tpu.memory_space<hbm>>
      %dma_wait3A_873 = arith.constant 0 : i32
      %dma_wait3A_874 = arith.constant 0 : i32
      %dma_wait3A_875 = tpu.memref_slice %arg9[%dma_wait3A_873, %dma_wait3A_874] : memref<14x8192xf32, #tpu.memory_space<vmem>> -> memref<4x8192xf32, #tpu.memory_space<vmem>>
      %dma_wait3A_876 = arith.constant 0 : i32
      %dma_wait3A_877 = arith.constant 0 : i32
      %dma_wait3A_878 = tpu.memref_slice %arg2[%dma_wait3A_865, %dma_wait3A_876, %dma_wait3A_877] : memref<520x4x8192xf32, #tpu.memory_space<hbm>> -> memref<1x4x8192xf32, #tpu.memory_space<hbm>>
      %dma_wait3A_879 = tpu.memref_squeeze %dma_wait3A_878 : memref<1x4x8192xf32, #tpu.memory_space<hbm>> -> memref<4x8192xf32, #tpu.memory_space<hbm>>
      tpu.wait_dma2 semaphore(%arg16 : memref<!tpu.dma_semaphore, #tpu.memory_space<semaphore_mem>>) src(%dma_wait3A_879 : memref<4x8192xf32, #tpu.memory_space<hbm>>) dst(%dma_wait3A_875 : memref<4x8192xf32, #tpu.memory_space<vmem>>)
      %dma_wait3A_880 = arith.constant 0 : i32
      %dma_wait3A_881 = arith.constant 0 : i32
      %dma_wait3A_882 = arith.constant 0 : i32
      %dma_wait3A_883 = tpu.memref_slice %arg9[%dma_wait3A_881, %dma_wait3A_882] : memref<14x8192xf32, #tpu.memory_space<vmem>> -> memref<4x8192xf32, #tpu.memory_space<vmem>>
      %dma_wait3A_884 = arith.constant 0 : i32
      %dma_wait3A_885 = arith.constant 0 : i32
      %dma_wait3A_886 = tpu.memref_slice %arg2[%dma_wait3A_880, %dma_wait3A_884, %dma_wait3A_885] : memref<520x4x8192xf32, #tpu.memory_space<hbm>> -> memref<1x4x8192xf32, #tpu.memory_space<hbm>>
      %dma_wait3A_887 = tpu.memref_squeeze %dma_wait3A_886 : memref<1x4x8192xf32, #tpu.memory_space<hbm>> -> memref<4x8192xf32, #tpu.memory_space<hbm>>
      %dma_wait3A_888 = arith.constant 0 : i32
      %dma_wait3A_889 = arith.constant 0 : i32
      %dma_wait3A_890 = tpu.memref_slice %arg9[%dma_wait3A_888, %dma_wait3A_889] : memref<14x8192xf32, #tpu.memory_space<vmem>> -> memref<4x8192xf32, #tpu.memory_space<vmem>>
      %dma_wait3A_891 = arith.constant 0 : i32
      %dma_wait3A_892 = arith.constant 0 : i32
      %dma_wait3A_893 = tpu.memref_slice %arg2[%dma_wait3A_880, %dma_wait3A_891, %dma_wait3A_892] : memref<520x4x8192xf32, #tpu.memory_space<hbm>> -> memref<1x4x8192xf32, #tpu.memory_space<hbm>>
      %dma_wait3A_894 = tpu.memref_squeeze %dma_wait3A_893 : memref<1x4x8192xf32, #tpu.memory_space<hbm>> -> memref<4x8192xf32, #tpu.memory_space<hbm>>
      tpu.wait_dma2 semaphore(%arg16 : memref<!tpu.dma_semaphore, #tpu.memory_space<semaphore_mem>>) src(%dma_wait3A_894 : memref<4x8192xf32, #tpu.memory_space<hbm>>) dst(%dma_wait3A_890 : memref<4x8192xf32, #tpu.memory_space<vmem>>)
      %dma_start3A_895 = arith.constant 0 : i32
      %dma_start3A_896 = arith.constant 0 : i32
      %dma_start3A_897 = tpu.memref_slice %arg8[%add3A_555, %dma_start3A_895, %dma_start3A_896] : memref<520x14x8192xf32, #tpu.memory_space<hbm>> -> memref<1x14x8192xf32, #tpu.memory_space<hbm>>
      %dma_start3A_898 = tpu.memref_squeeze %dma_start3A_897 : memref<1x14x8192xf32, #tpu.memory_space<hbm>> -> memref<14x8192xf32, #tpu.memory_space<hbm>>
      %dma_start3A_899 = arith.constant 0 : i32
      %dma_start3A_900 = arith.constant 0 : i32
      %dma_start3A_901 = tpu.memref_slice %arg8[%add3A_555, %dma_start3A_899, %dma_start3A_900] : memref<520x14x8192xf32, #tpu.memory_space<hbm>> -> memref<1x14x8192xf32, #tpu.memory_space<hbm>>
      %dma_start3A_902 = tpu.memref_squeeze %dma_start3A_901 : memref<1x14x8192xf32, #tpu.memory_space<hbm>> -> memref<14x8192xf32, #tpu.memory_space<hbm>>
      tpu.enqueue_dma source(%arg9 : memref<14x8192xf32, #tpu.memory_space<vmem>>) target(%dma_start3A_902 : memref<14x8192xf32, #tpu.memory_space<hbm>>) target_semaphore(%arg17 : memref<!tpu.dma_semaphore, #tpu.memory_space<semaphore_mem>>)
      %lt3A_903 = arith.constant 16 : i32
      %lt3A_904 = arith.cmpi slt, %mul3A_551, %lt3A_903 : i32
      %convert_element_type3A_905 = arith.extui %lt3A_904 : i1 to i32
      %cond3A_906 = arith.constant 0 : i32
      %cond3A_907 = arith.cmpi ne, %convert_element_type3A_905, %cond3A_906 : i32
      scf.if %cond3A_907 {
        %add3A_1270 = arith.constant 2 : i32
        %add3A_1271 = arith.addi %mul3A_551, %add3A_1270 : i32
        %sub3A_1272 = arith.constant 1 : i32
        %sub3A_1273 = arith.subi %add3A_3, %sub3A_1272 : i32
        %min3A_1274 = arith.minsi %add3A_1271, %sub3A_1273 : i32
        %add3A_1275 = arith.addi %add3A_7, %min3A_1274 : i32
        %jit3A_1276 = arith.constant 8 : i32
        %div3A_1277 = arith.divsi %add3A_1275, %jit3A_1276 : i32
        %sign3A_1278 = arith.constant 0 : i32
        %sign3A_1279 = arith.cmpi sgt, %add3A_1275, %sign3A_1278 : i32
        %sign3A_1280 = arith.extui %sign3A_1279 : i1 to i32
        %sign3A_1281 = arith.constant 0 : i32
        %sign3A_1282 = arith.cmpi slt, %add3A_1275, %sign3A_1281 : i32
        %sign3A_1283 = arith.extui %sign3A_1282 : i1 to i32
        %sign3A_1284 = arith.subi %sign3A_1280, %sign3A_1283 : i32
        %sign3A_1285 = arith.constant 0 : i32
        %sign3A_1286 = arith.cmpi sgt, %jit3A_1276, %sign3A_1285 : i32
        %sign3A_1287 = arith.extui %sign3A_1286 : i1 to i32
        %sign3A_1288 = arith.constant 0 : i32
        %sign3A_1289 = arith.cmpi slt, %jit3A_1276, %sign3A_1288 : i32
        %sign3A_1290 = arith.extui %sign3A_1289 : i1 to i32
        %sign3A_1291 = arith.subi %sign3A_1287, %sign3A_1290 : i32
        %ne3A_1292 = arith.cmpi ne, %sign3A_1284, %sign3A_1291 : i32
        %rem3A_1293 = arith.remsi %add3A_1275, %jit3A_1276 : i32
        %ne3A_1294 = arith.constant 0 : i32
        %ne3A_1295 = arith.cmpi ne, %rem3A_1293, %ne3A_1294 : i32
        %and3A_1296 = arith.andi %ne3A_1292, %ne3A_1295 : i1
        %sub3A_1297 = arith.constant 1 : i32
        %sub3A_1298 = arith.subi %div3A_1277, %sub3A_1297 : i32
        %select_n3A_1299 = arith.select %and3A_1296, %sub3A_1298, %div3A_1277 : i32
        %jit3A_1300 = arith.constant 8 : i32
        %eq3A_1301 = arith.constant 0 : i32
        %eq3A_1302 = arith.cmpi eq, %jit3A_1300, %eq3A_1301 : i32
        %jit3A_1303 = arith.constant 1 : i32
        %select_n3A_1304 = arith.select %eq3A_1302, %jit3A_1303, %jit3A_1300 : i32
        %rem3A_1305 = arith.remsi %add3A_1275, %select_n3A_1304 : i32
        %ne3A_1306 = arith.constant 0 : i32
        %ne3A_1307 = arith.cmpi ne, %rem3A_1305, %ne3A_1306 : i32
        %lt3A_1308 = arith.constant 0 : i32
        %lt3A_1309 = arith.cmpi slt, %rem3A_1305, %lt3A_1308 : i32
        %lt3A_1310 = arith.constant 0 : i32
        %lt3A_1311 = arith.cmpi slt, %select_n3A_1304, %lt3A_1310 : i32
        %ne3A_1312 = arith.xori %lt3A_1309, %lt3A_1311 : i1
        %and3A_1313 = arith.andi %ne3A_1312, %ne3A_1307 : i1
        %add3A_1314 = arith.addi %rem3A_1305, %select_n3A_1304 : i32
        %select_n3A_1315 = arith.select %and3A_1313, %add3A_1314, %rem3A_1305 : i32
        %dma_start3A_1316 = arith.constant 0 : i32
        %dma_start3A_1317 = arith.constant 0 : i32
        %dma_start3A_1318 = arith.constant 0 : i32
        %dma_start3A_1319 = tpu.memref_slice %arg10[%dma_start3A_1317, %dma_start3A_1318] : memref<2x1024xi32, #tpu.memory_space<vmem>> -> memref<1x128xi32, #tpu.memory_space<vmem>>
        %dma_start3A_1320 = tpu.memref_squeeze %dma_start3A_1319 : memref<1x128xi32, #tpu.memory_space<vmem>> -> memref<128xi32, #tpu.memory_space<vmem>>
        %dma_start3A_1321 = arith.constant 0 : i32
        %dma_start3A_1322 = tpu.memref_slice %arg3[%select_n3A_1299, %dma_start3A_1316, %select_n3A_1315, %dma_start3A_1321] : memref<65x8x8x128xi32, #tpu.memory_space<hbm>> -> memref<1x1x1x128xi32, #tpu.memory_space<hbm>>
        %dma_start3A_1323 = tpu.memref_squeeze %dma_start3A_1322 : memref<1x1x1x128xi32, #tpu.memory_space<hbm>> -> memref<128xi32, #tpu.memory_space<hbm>>
        %dma_start3A_1324 = arith.constant 0 : i32
        %dma_start3A_1325 = tpu.memref_slice %arg10[%dma_start3A_1317, %dma_start3A_1324] : memref<2x1024xi32, #tpu.memory_space<vmem>> -> memref<1x128xi32, #tpu.memory_space<vmem>>
        %dma_start3A_1326 = tpu.memref_squeeze %dma_start3A_1325 : memref<1x128xi32, #tpu.memory_space<vmem>> -> memref<128xi32, #tpu.memory_space<vmem>>
        %dma_start3A_1327 = arith.constant 0 : i32
        %dma_start3A_1328 = tpu.memref_slice %arg3[%select_n3A_1299, %dma_start3A_1316, %select_n3A_1315, %dma_start3A_1327] : memref<65x8x8x128xi32, #tpu.memory_space<hbm>> -> memref<1x1x1x128xi32, #tpu.memory_space<hbm>>
        %dma_start3A_1329 = tpu.memref_squeeze %dma_start3A_1328 : memref<1x1x1x128xi32, #tpu.memory_space<hbm>> -> memref<128xi32, #tpu.memory_space<hbm>>
        tpu.enqueue_dma source(%dma_start3A_1329 : memref<128xi32, #tpu.memory_space<hbm>>) target(%dma_start3A_1326 : memref<128xi32, #tpu.memory_space<vmem>>) target_semaphore(%arg14 : memref<!tpu.dma_semaphore, #tpu.memory_space<semaphore_mem>>)
        %dma_start3A_1330 = arith.constant 0 : i32
        %dma_start3A_1331 = arith.constant 0 : i32
        %dma_start3A_1332 = arith.constant 0 : i32
        %dma_start3A_1333 = tpu.memref_slice %arg11[%dma_start3A_1331, %dma_start3A_1332] : memref<2x1024xi32, #tpu.memory_space<vmem>> -> memref<1x128xi32, #tpu.memory_space<vmem>>
        %dma_start3A_1334 = tpu.memref_squeeze %dma_start3A_1333 : memref<1x128xi32, #tpu.memory_space<vmem>> -> memref<128xi32, #tpu.memory_space<vmem>>
        %dma_start3A_1335 = arith.constant 0 : i32
        %dma_start3A_1336 = tpu.memref_slice %arg4[%select_n3A_1299, %dma_start3A_1330, %select_n3A_1315, %dma_start3A_1335] : memref<65x8x8x128xi32, #tpu.memory_space<hbm>> -> memref<1x1x1x128xi32, #tpu.memory_space<hbm>>
        %dma_start3A_1337 = tpu.memref_squeeze %dma_start3A_1336 : memref<1x1x1x128xi32, #tpu.memory_space<hbm>> -> memref<128xi32, #tpu.memory_space<hbm>>
        %dma_start3A_1338 = arith.constant 0 : i32
        %dma_start3A_1339 = tpu.memref_slice %arg11[%dma_start3A_1331, %dma_start3A_1338] : memref<2x1024xi32, #tpu.memory_space<vmem>> -> memref<1x128xi32, #tpu.memory_space<vmem>>
        %dma_start3A_1340 = tpu.memref_squeeze %dma_start3A_1339 : memref<1x128xi32, #tpu.memory_space<vmem>> -> memref<128xi32, #tpu.memory_space<vmem>>
        %dma_start3A_1341 = arith.constant 0 : i32
        %dma_start3A_1342 = tpu.memref_slice %arg4[%select_n3A_1299, %dma_start3A_1330, %select_n3A_1315, %dma_start3A_1341] : memref<65x8x8x128xi32, #tpu.memory_space<hbm>> -> memref<1x1x1x128xi32, #tpu.memory_space<hbm>>
        %dma_start3A_1343 = tpu.memref_squeeze %dma_start3A_1342 : memref<1x1x1x128xi32, #tpu.memory_space<hbm>> -> memref<128xi32, #tpu.memory_space<hbm>>
        tpu.enqueue_dma source(%dma_start3A_1343 : memref<128xi32, #tpu.memory_space<hbm>>) target(%dma_start3A_1340 : memref<128xi32, #tpu.memory_space<vmem>>) target_semaphore(%arg14 : memref<!tpu.dma_semaphore, #tpu.memory_space<semaphore_mem>>)
        %dma_start3A_1344 = arith.constant 1 : i32
        %dma_start3A_1345 = arith.constant 0 : i32
        %dma_start3A_1346 = arith.constant 128 : i32
        %dma_start3A_1347 = tpu.memref_slice %arg10[%dma_start3A_1345, %dma_start3A_1346] : memref<2x1024xi32, #tpu.memory_space<vmem>> -> memref<1x128xi32, #tpu.memory_space<vmem>>
        %dma_start3A_1348 = tpu.memref_squeeze %dma_start3A_1347 : memref<1x128xi32, #tpu.memory_space<vmem>> -> memref<128xi32, #tpu.memory_space<vmem>>
        %dma_start3A_1349 = arith.constant 0 : i32
        %dma_start3A_1350 = tpu.memref_slice %arg3[%select_n3A_1299, %dma_start3A_1344, %select_n3A_1315, %dma_start3A_1349] : memref<65x8x8x128xi32, #tpu.memory_space<hbm>> -> memref<1x1x1x128xi32, #tpu.memory_space<hbm>>
        %dma_start3A_1351 = tpu.memref_squeeze %dma_start3A_1350 : memref<1x1x1x128xi32, #tpu.memory_space<hbm>> -> memref<128xi32, #tpu.memory_space<hbm>>
        %dma_start3A_1352 = arith.constant 128 : i32
        %dma_start3A_1353 = tpu.memref_slice %arg10[%dma_start3A_1345, %dma_start3A_1352] : memref<2x1024xi32, #tpu.memory_space<vmem>> -> memref<1x128xi32, #tpu.memory_space<vmem>>
        %dma_start3A_1354 = tpu.memref_squeeze %dma_start3A_1353 : memref<1x128xi32, #tpu.memory_space<vmem>> -> memref<128xi32, #tpu.memory_space<vmem>>
        %dma_start3A_1355 = arith.constant 0 : i32
        %dma_start3A_1356 = tpu.memref_slice %arg3[%select_n3A_1299, %dma_start3A_1344, %select_n3A_1315, %dma_start3A_1355] : memref<65x8x8x128xi32, #tpu.memory_space<hbm>> -> memref<1x1x1x128xi32, #tpu.memory_space<hbm>>
        %dma_start3A_1357 = tpu.memref_squeeze %dma_start3A_1356 : memref<1x1x1x128xi32, #tpu.memory_space<hbm>> -> memref<128xi32, #tpu.memory_space<hbm>>
        tpu.enqueue_dma source(%dma_start3A_1357 : memref<128xi32, #tpu.memory_space<hbm>>) target(%dma_start3A_1354 : memref<128xi32, #tpu.memory_space<vmem>>) target_semaphore(%arg14 : memref<!tpu.dma_semaphore, #tpu.memory_space<semaphore_mem>>)
        %dma_start3A_1358 = arith.constant 1 : i32
        %dma_start3A_1359 = arith.constant 0 : i32
        %dma_start3A_1360 = arith.constant 128 : i32
        %dma_start3A_1361 = tpu.memref_slice %arg11[%dma_start3A_1359, %dma_start3A_1360] : memref<2x1024xi32, #tpu.memory_space<vmem>> -> memref<1x128xi32, #tpu.memory_space<vmem>>
        %dma_start3A_1362 = tpu.memref_squeeze %dma_start3A_1361 : memref<1x128xi32, #tpu.memory_space<vmem>> -> memref<128xi32, #tpu.memory_space<vmem>>
        %dma_start3A_1363 = arith.constant 0 : i32
        %dma_start3A_1364 = tpu.memref_slice %arg4[%select_n3A_1299, %dma_start3A_1358, %select_n3A_1315, %dma_start3A_1363] : memref<65x8x8x128xi32, #tpu.memory_space<hbm>> -> memref<1x1x1x128xi32, #tpu.memory_space<hbm>>
        %dma_start3A_1365 = tpu.memref_squeeze %dma_start3A_1364 : memref<1x1x1x128xi32, #tpu.memory_space<hbm>> -> memref<128xi32, #tpu.memory_space<hbm>>
        %dma_start3A_1366 = arith.constant 128 : i32
        %dma_start3A_1367 = tpu.memref_slice %arg11[%dma_start3A_1359, %dma_start3A_1366] : memref<2x1024xi32, #tpu.memory_space<vmem>> -> memref<1x128xi32, #tpu.memory_space<vmem>>
        %dma_start3A_1368 = tpu.memref_squeeze %dma_start3A_1367 : memref<1x128xi32, #tpu.memory_space<vmem>> -> memref<128xi32, #tpu.memory_space<vmem>>
        %dma_start3A_1369 = arith.constant 0 : i32
        %dma_start3A_1370 = tpu.memref_slice %arg4[%select_n3A_1299, %dma_start3A_1358, %select_n3A_1315, %dma_start3A_1369] : memref<65x8x8x128xi32, #tpu.memory_space<hbm>> -> memref<1x1x1x128xi32, #tpu.memory_space<hbm>>
        %dma_start3A_1371 = tpu.memref_squeeze %dma_start3A_1370 : memref<1x1x1x128xi32, #tpu.memory_space<hbm>> -> memref<128xi32, #tpu.memory_space<hbm>>
        tpu.enqueue_dma source(%dma_start3A_1371 : memref<128xi32, #tpu.memory_space<hbm>>) target(%dma_start3A_1368 : memref<128xi32, #tpu.memory_space<vmem>>) target_semaphore(%arg14 : memref<!tpu.dma_semaphore, #tpu.memory_space<semaphore_mem>>)
        %dma_start3A_1372 = arith.constant 2 : i32
        %dma_start3A_1373 = arith.constant 0 : i32
        %dma_start3A_1374 = arith.constant 256 : i32
        %dma_start3A_1375 = tpu.memref_slice %arg10[%dma_start3A_1373, %dma_start3A_1374] : memref<2x1024xi32, #tpu.memory_space<vmem>> -> memref<1x128xi32, #tpu.memory_space<vmem>>
        %dma_start3A_1376 = tpu.memref_squeeze %dma_start3A_1375 : memref<1x128xi32, #tpu.memory_space<vmem>> -> memref<128xi32, #tpu.memory_space<vmem>>
        %dma_start3A_1377 = arith.constant 0 : i32
        %dma_start3A_1378 = tpu.memref_slice %arg3[%select_n3A_1299, %dma_start3A_1372, %select_n3A_1315, %dma_start3A_1377] : memref<65x8x8x128xi32, #tpu.memory_space<hbm>> -> memref<1x1x1x128xi32, #tpu.memory_space<hbm>>
        %dma_start3A_1379 = tpu.memref_squeeze %dma_start3A_1378 : memref<1x1x1x128xi32, #tpu.memory_space<hbm>> -> memref<128xi32, #tpu.memory_space<hbm>>
        %dma_start3A_1380 = arith.constant 256 : i32
        %dma_start3A_1381 = tpu.memref_slice %arg10[%dma_start3A_1373, %dma_start3A_1380] : memref<2x1024xi32, #tpu.memory_space<vmem>> -> memref<1x128xi32, #tpu.memory_space<vmem>>
        %dma_start3A_1382 = tpu.memref_squeeze %dma_start3A_1381 : memref<1x128xi32, #tpu.memory_space<vmem>> -> memref<128xi32, #tpu.memory_space<vmem>>
        %dma_start3A_1383 = arith.constant 0 : i32
        %dma_start3A_1384 = tpu.memref_slice %arg3[%select_n3A_1299, %dma_start3A_1372, %select_n3A_1315, %dma_start3A_1383] : memref<65x8x8x128xi32, #tpu.memory_space<hbm>> -> memref<1x1x1x128xi32, #tpu.memory_space<hbm>>
        %dma_start3A_1385 = tpu.memref_squeeze %dma_start3A_1384 : memref<1x1x1x128xi32, #tpu.memory_space<hbm>> -> memref<128xi32, #tpu.memory_space<hbm>>
        tpu.enqueue_dma source(%dma_start3A_1385 : memref<128xi32, #tpu.memory_space<hbm>>) target(%dma_start3A_1382 : memref<128xi32, #tpu.memory_space<vmem>>) target_semaphore(%arg14 : memref<!tpu.dma_semaphore, #tpu.memory_space<semaphore_mem>>)
        %dma_start3A_1386 = arith.constant 2 : i32
        %dma_start3A_1387 = arith.constant 0 : i32
        %dma_start3A_1388 = arith.constant 256 : i32
        %dma_start3A_1389 = tpu.memref_slice %arg11[%dma_start3A_1387, %dma_start3A_1388] : memref<2x1024xi32, #tpu.memory_space<vmem>> -> memref<1x128xi32, #tpu.memory_space<vmem>>
        %dma_start3A_1390 = tpu.memref_squeeze %dma_start3A_1389 : memref<1x128xi32, #tpu.memory_space<vmem>> -> memref<128xi32, #tpu.memory_space<vmem>>
        %dma_start3A_1391 = arith.constant 0 : i32
        %dma_start3A_1392 = tpu.memref_slice %arg4[%select_n3A_1299, %dma_start3A_1386, %select_n3A_1315, %dma_start3A_1391] : memref<65x8x8x128xi32, #tpu.memory_space<hbm>> -> memref<1x1x1x128xi32, #tpu.memory_space<hbm>>
        %dma_start3A_1393 = tpu.memref_squeeze %dma_start3A_1392 : memref<1x1x1x128xi32, #tpu.memory_space<hbm>> -> memref<128xi32, #tpu.memory_space<hbm>>
        %dma_start3A_1394 = arith.constant 256 : i32
        %dma_start3A_1395 = tpu.memref_slice %arg11[%dma_start3A_1387, %dma_start3A_1394] : memref<2x1024xi32, #tpu.memory_space<vmem>> -> memref<1x128xi32, #tpu.memory_space<vmem>>
        %dma_start3A_1396 = tpu.memref_squeeze %dma_start3A_1395 : memref<1x128xi32, #tpu.memory_space<vmem>> -> memref<128xi32, #tpu.memory_space<vmem>>
        %dma_start3A_1397 = arith.constant 0 : i32
        %dma_start3A_1398 = tpu.memref_slice %arg4[%select_n3A_1299, %dma_start3A_1386, %select_n3A_1315, %dma_start3A_1397] : memref<65x8x8x128xi32, #tpu.memory_space<hbm>> -> memref<1x1x1x128xi32, #tpu.memory_space<hbm>>
        %dma_start3A_1399 = tpu.memref_squeeze %dma_start3A_1398 : memref<1x1x1x128xi32, #tpu.memory_space<hbm>> -> memref<128xi32, #tpu.memory_space<hbm>>
        tpu.enqueue_dma source(%dma_start3A_1399 : memref<128xi32, #tpu.memory_space<hbm>>) target(%dma_start3A_1396 : memref<128xi32, #tpu.memory_space<vmem>>) target_semaphore(%arg14 : memref<!tpu.dma_semaphore, #tpu.memory_space<semaphore_mem>>)
        %dma_start3A_1400 = arith.constant 3 : i32
        %dma_start3A_1401 = arith.constant 0 : i32
        %dma_start3A_1402 = arith.constant 384 : i32
        %dma_start3A_1403 = tpu.memref_slice %arg10[%dma_start3A_1401, %dma_start3A_1402] : memref<2x1024xi32, #tpu.memory_space<vmem>> -> memref<1x128xi32, #tpu.memory_space<vmem>>
        %dma_start3A_1404 = tpu.memref_squeeze %dma_start3A_1403 : memref<1x128xi32, #tpu.memory_space<vmem>> -> memref<128xi32, #tpu.memory_space<vmem>>
        %dma_start3A_1405 = arith.constant 0 : i32
        %dma_start3A_1406 = tpu.memref_slice %arg3[%select_n3A_1299, %dma_start3A_1400, %select_n3A_1315, %dma_start3A_1405] : memref<65x8x8x128xi32, #tpu.memory_space<hbm>> -> memref<1x1x1x128xi32, #tpu.memory_space<hbm>>
        %dma_start3A_1407 = tpu.memref_squeeze %dma_start3A_1406 : memref<1x1x1x128xi32, #tpu.memory_space<hbm>> -> memref<128xi32, #tpu.memory_space<hbm>>
        %dma_start3A_1408 = arith.constant 384 : i32
        %dma_start3A_1409 = tpu.memref_slice %arg10[%dma_start3A_1401, %dma_start3A_1408] : memref<2x1024xi32, #tpu.memory_space<vmem>> -> memref<1x128xi32, #tpu.memory_space<vmem>>
        %dma_start3A_1410 = tpu.memref_squeeze %dma_start3A_1409 : memref<1x128xi32, #tpu.memory_space<vmem>> -> memref<128xi32, #tpu.memory_space<vmem>>
        %dma_start3A_1411 = arith.constant 0 : i32
        %dma_start3A_1412 = tpu.memref_slice %arg3[%select_n3A_1299, %dma_start3A_1400, %select_n3A_1315, %dma_start3A_1411] : memref<65x8x8x128xi32, #tpu.memory_space<hbm>> -> memref<1x1x1x128xi32, #tpu.memory_space<hbm>>
        %dma_start3A_1413 = tpu.memref_squeeze %dma_start3A_1412 : memref<1x1x1x128xi32, #tpu.memory_space<hbm>> -> memref<128xi32, #tpu.memory_space<hbm>>
        tpu.enqueue_dma source(%dma_start3A_1413 : memref<128xi32, #tpu.memory_space<hbm>>) target(%dma_start3A_1410 : memref<128xi32, #tpu.memory_space<vmem>>) target_semaphore(%arg14 : memref<!tpu.dma_semaphore, #tpu.memory_space<semaphore_mem>>)
        %dma_start3A_1414 = arith.constant 3 : i32
        %dma_start3A_1415 = arith.constant 0 : i32
        %dma_start3A_1416 = arith.constant 384 : i32
        %dma_start3A_1417 = tpu.memref_slice %arg11[%dma_start3A_1415, %dma_start3A_1416] : memref<2x1024xi32, #tpu.memory_space<vmem>> -> memref<1x128xi32, #tpu.memory_space<vmem>>
        %dma_start3A_1418 = tpu.memref_squeeze %dma_start3A_1417 : memref<1x128xi32, #tpu.memory_space<vmem>> -> memref<128xi32, #tpu.memory_space<vmem>>
        %dma_start3A_1419 = arith.constant 0 : i32
        %dma_start3A_1420 = tpu.memref_slice %arg4[%select_n3A_1299, %dma_start3A_1414, %select_n3A_1315, %dma_start3A_1419] : memref<65x8x8x128xi32, #tpu.memory_space<hbm>> -> memref<1x1x1x128xi32, #tpu.memory_space<hbm>>
        %dma_start3A_1421 = tpu.memref_squeeze %dma_start3A_1420 : memref<1x1x1x128xi32, #tpu.memory_space<hbm>> -> memref<128xi32, #tpu.memory_space<hbm>>
        %dma_start3A_1422 = arith.constant 384 : i32
        %dma_start3A_1423 = tpu.memref_slice %arg11[%dma_start3A_1415, %dma_start3A_1422] : memref<2x1024xi32, #tpu.memory_space<vmem>> -> memref<1x128xi32, #tpu.memory_space<vmem>>
        %dma_start3A_1424 = tpu.memref_squeeze %dma_start3A_1423 : memref<1x128xi32, #tpu.memory_space<vmem>> -> memref<128xi32, #tpu.memory_space<vmem>>
        %dma_start3A_1425 = arith.constant 0 : i32
        %dma_start3A_1426 = tpu.memref_slice %arg4[%select_n3A_1299, %dma_start3A_1414, %select_n3A_1315, %dma_start3A_1425] : memref<65x8x8x128xi32, #tpu.memory_space<hbm>> -> memref<1x1x1x128xi32, #tpu.memory_space<hbm>>
        %dma_start3A_1427 = tpu.memref_squeeze %dma_start3A_1426 : memref<1x1x1x128xi32, #tpu.memory_space<hbm>> -> memref<128xi32, #tpu.memory_space<hbm>>
        tpu.enqueue_dma source(%dma_start3A_1427 : memref<128xi32, #tpu.memory_space<hbm>>) target(%dma_start3A_1424 : memref<128xi32, #tpu.memory_space<vmem>>) target_semaphore(%arg14 : memref<!tpu.dma_semaphore, #tpu.memory_space<semaphore_mem>>)
        %dma_start3A_1428 = arith.constant 4 : i32
        %dma_start3A_1429 = arith.constant 0 : i32
        %dma_start3A_1430 = arith.constant 512 : i32
        %dma_start3A_1431 = tpu.memref_slice %arg10[%dma_start3A_1429, %dma_start3A_1430] : memref<2x1024xi32, #tpu.memory_space<vmem>> -> memref<1x128xi32, #tpu.memory_space<vmem>>
        %dma_start3A_1432 = tpu.memref_squeeze %dma_start3A_1431 : memref<1x128xi32, #tpu.memory_space<vmem>> -> memref<128xi32, #tpu.memory_space<vmem>>
        %dma_start3A_1433 = arith.constant 0 : i32
        %dma_start3A_1434 = tpu.memref_slice %arg3[%select_n3A_1299, %dma_start3A_1428, %select_n3A_1315, %dma_start3A_1433] : memref<65x8x8x128xi32, #tpu.memory_space<hbm>> -> memref<1x1x1x128xi32, #tpu.memory_space<hbm>>
        %dma_start3A_1435 = tpu.memref_squeeze %dma_start3A_1434 : memref<1x1x1x128xi32, #tpu.memory_space<hbm>> -> memref<128xi32, #tpu.memory_space<hbm>>
        %dma_start3A_1436 = arith.constant 512 : i32
        %dma_start3A_1437 = tpu.memref_slice %arg10[%dma_start3A_1429, %dma_start3A_1436] : memref<2x1024xi32, #tpu.memory_space<vmem>> -> memref<1x128xi32, #tpu.memory_space<vmem>>
        %dma_start3A_1438 = tpu.memref_squeeze %dma_start3A_1437 : memref<1x128xi32, #tpu.memory_space<vmem>> -> memref<128xi32, #tpu.memory_space<vmem>>
        %dma_start3A_1439 = arith.constant 0 : i32
        %dma_start3A_1440 = tpu.memref_slice %arg3[%select_n3A_1299, %dma_start3A_1428, %select_n3A_1315, %dma_start3A_1439] : memref<65x8x8x128xi32, #tpu.memory_space<hbm>> -> memref<1x1x1x128xi32, #tpu.memory_space<hbm>>
        %dma_start3A_1441 = tpu.memref_squeeze %dma_start3A_1440 : memref<1x1x1x128xi32, #tpu.memory_space<hbm>> -> memref<128xi32, #tpu.memory_space<hbm>>
        tpu.enqueue_dma source(%dma_start3A_1441 : memref<128xi32, #tpu.memory_space<hbm>>) target(%dma_start3A_1438 : memref<128xi32, #tpu.memory_space<vmem>>) target_semaphore(%arg14 : memref<!tpu.dma_semaphore, #tpu.memory_space<semaphore_mem>>)
        %dma_start3A_1442 = arith.constant 4 : i32
        %dma_start3A_1443 = arith.constant 0 : i32
        %dma_start3A_1444 = arith.constant 512 : i32
        %dma_start3A_1445 = tpu.memref_slice %arg11[%dma_start3A_1443, %dma_start3A_1444] : memref<2x1024xi32, #tpu.memory_space<vmem>> -> memref<1x128xi32, #tpu.memory_space<vmem>>
        %dma_start3A_1446 = tpu.memref_squeeze %dma_start3A_1445 : memref<1x128xi32, #tpu.memory_space<vmem>> -> memref<128xi32, #tpu.memory_space<vmem>>
        %dma_start3A_1447 = arith.constant 0 : i32
        %dma_start3A_1448 = tpu.memref_slice %arg4[%select_n3A_1299, %dma_start3A_1442, %select_n3A_1315, %dma_start3A_1447] : memref<65x8x8x128xi32, #tpu.memory_space<hbm>> -> memref<1x1x1x128xi32, #tpu.memory_space<hbm>>
        %dma_start3A_1449 = tpu.memref_squeeze %dma_start3A_1448 : memref<1x1x1x128xi32, #tpu.memory_space<hbm>> -> memref<128xi32, #tpu.memory_space<hbm>>
        %dma_start3A_1450 = arith.constant 512 : i32
        %dma_start3A_1451 = tpu.memref_slice %arg11[%dma_start3A_1443, %dma_start3A_1450] : memref<2x1024xi32, #tpu.memory_space<vmem>> -> memref<1x128xi32, #tpu.memory_space<vmem>>
        %dma_start3A_1452 = tpu.memref_squeeze %dma_start3A_1451 : memref<1x128xi32, #tpu.memory_space<vmem>> -> memref<128xi32, #tpu.memory_space<vmem>>
        %dma_start3A_1453 = arith.constant 0 : i32
        %dma_start3A_1454 = tpu.memref_slice %arg4[%select_n3A_1299, %dma_start3A_1442, %select_n3A_1315, %dma_start3A_1453] : memref<65x8x8x128xi32, #tpu.memory_space<hbm>> -> memref<1x1x1x128xi32, #tpu.memory_space<hbm>>
        %dma_start3A_1455 = tpu.memref_squeeze %dma_start3A_1454 : memref<1x1x1x128xi32, #tpu.memory_space<hbm>> -> memref<128xi32, #tpu.memory_space<hbm>>
        tpu.enqueue_dma source(%dma_start3A_1455 : memref<128xi32, #tpu.memory_space<hbm>>) target(%dma_start3A_1452 : memref<128xi32, #tpu.memory_space<vmem>>) target_semaphore(%arg14 : memref<!tpu.dma_semaphore, #tpu.memory_space<semaphore_mem>>)
        %dma_start3A_1456 = arith.constant 5 : i32
        %dma_start3A_1457 = arith.constant 0 : i32
        %dma_start3A_1458 = arith.constant 640 : i32
        %dma_start3A_1459 = tpu.memref_slice %arg10[%dma_start3A_1457, %dma_start3A_1458] : memref<2x1024xi32, #tpu.memory_space<vmem>> -> memref<1x128xi32, #tpu.memory_space<vmem>>
        %dma_start3A_1460 = tpu.memref_squeeze %dma_start3A_1459 : memref<1x128xi32, #tpu.memory_space<vmem>> -> memref<128xi32, #tpu.memory_space<vmem>>
        %dma_start3A_1461 = arith.constant 0 : i32
        %dma_start3A_1462 = tpu.memref_slice %arg3[%select_n3A_1299, %dma_start3A_1456, %select_n3A_1315, %dma_start3A_1461] : memref<65x8x8x128xi32, #tpu.memory_space<hbm>> -> memref<1x1x1x128xi32, #tpu.memory_space<hbm>>
        %dma_start3A_1463 = tpu.memref_squeeze %dma_start3A_1462 : memref<1x1x1x128xi32, #tpu.memory_space<hbm>> -> memref<128xi32, #tpu.memory_space<hbm>>
        %dma_start3A_1464 = arith.constant 640 : i32
        %dma_start3A_1465 = tpu.memref_slice %arg10[%dma_start3A_1457, %dma_start3A_1464] : memref<2x1024xi32, #tpu.memory_space<vmem>> -> memref<1x128xi32, #tpu.memory_space<vmem>>
        %dma_start3A_1466 = tpu.memref_squeeze %dma_start3A_1465 : memref<1x128xi32, #tpu.memory_space<vmem>> -> memref<128xi32, #tpu.memory_space<vmem>>
        %dma_start3A_1467 = arith.constant 0 : i32
        %dma_start3A_1468 = tpu.memref_slice %arg3[%select_n3A_1299, %dma_start3A_1456, %select_n3A_1315, %dma_start3A_1467] : memref<65x8x8x128xi32, #tpu.memory_space<hbm>> -> memref<1x1x1x128xi32, #tpu.memory_space<hbm>>
        %dma_start3A_1469 = tpu.memref_squeeze %dma_start3A_1468 : memref<1x1x1x128xi32, #tpu.memory_space<hbm>> -> memref<128xi32, #tpu.memory_space<hbm>>
        tpu.enqueue_dma source(%dma_start3A_1469 : memref<128xi32, #tpu.memory_space<hbm>>) target(%dma_start3A_1466 : memref<128xi32, #tpu.memory_space<vmem>>) target_semaphore(%arg14 : memref<!tpu.dma_semaphore, #tpu.memory_space<semaphore_mem>>)
        %dma_start3A_1470 = arith.constant 5 : i32
        %dma_start3A_1471 = arith.constant 0 : i32
        %dma_start3A_1472 = arith.constant 640 : i32
        %dma_start3A_1473 = tpu.memref_slice %arg11[%dma_start3A_1471, %dma_start3A_1472] : memref<2x1024xi32, #tpu.memory_space<vmem>> -> memref<1x128xi32, #tpu.memory_space<vmem>>
        %dma_start3A_1474 = tpu.memref_squeeze %dma_start3A_1473 : memref<1x128xi32, #tpu.memory_space<vmem>> -> memref<128xi32, #tpu.memory_space<vmem>>
        %dma_start3A_1475 = arith.constant 0 : i32
        %dma_start3A_1476 = tpu.memref_slice %arg4[%select_n3A_1299, %dma_start3A_1470, %select_n3A_1315, %dma_start3A_1475] : memref<65x8x8x128xi32, #tpu.memory_space<hbm>> -> memref<1x1x1x128xi32, #tpu.memory_space<hbm>>
        %dma_start3A_1477 = tpu.memref_squeeze %dma_start3A_1476 : memref<1x1x1x128xi32, #tpu.memory_space<hbm>> -> memref<128xi32, #tpu.memory_space<hbm>>
        %dma_start3A_1478 = arith.constant 640 : i32
        %dma_start3A_1479 = tpu.memref_slice %arg11[%dma_start3A_1471, %dma_start3A_1478] : memref<2x1024xi32, #tpu.memory_space<vmem>> -> memref<1x128xi32, #tpu.memory_space<vmem>>
        %dma_start3A_1480 = tpu.memref_squeeze %dma_start3A_1479 : memref<1x128xi32, #tpu.memory_space<vmem>> -> memref<128xi32, #tpu.memory_space<vmem>>
        %dma_start3A_1481 = arith.constant 0 : i32
        %dma_start3A_1482 = tpu.memref_slice %arg4[%select_n3A_1299, %dma_start3A_1470, %select_n3A_1315, %dma_start3A_1481] : memref<65x8x8x128xi32, #tpu.memory_space<hbm>> -> memref<1x1x1x128xi32, #tpu.memory_space<hbm>>
        %dma_start3A_1483 = tpu.memref_squeeze %dma_start3A_1482 : memref<1x1x1x128xi32, #tpu.memory_space<hbm>> -> memref<128xi32, #tpu.memory_space<hbm>>
        tpu.enqueue_dma source(%dma_start3A_1483 : memref<128xi32, #tpu.memory_space<hbm>>) target(%dma_start3A_1480 : memref<128xi32, #tpu.memory_space<vmem>>) target_semaphore(%arg14 : memref<!tpu.dma_semaphore, #tpu.memory_space<semaphore_mem>>)
        %dma_start3A_1484 = arith.constant 6 : i32
        %dma_start3A_1485 = arith.constant 0 : i32
        %dma_start3A_1486 = arith.constant 768 : i32
        %dma_start3A_1487 = tpu.memref_slice %arg10[%dma_start3A_1485, %dma_start3A_1486] : memref<2x1024xi32, #tpu.memory_space<vmem>> -> memref<1x128xi32, #tpu.memory_space<vmem>>
        %dma_start3A_1488 = tpu.memref_squeeze %dma_start3A_1487 : memref<1x128xi32, #tpu.memory_space<vmem>> -> memref<128xi32, #tpu.memory_space<vmem>>
        %dma_start3A_1489 = arith.constant 0 : i32
        %dma_start3A_1490 = tpu.memref_slice %arg3[%select_n3A_1299, %dma_start3A_1484, %select_n3A_1315, %dma_start3A_1489] : memref<65x8x8x128xi32, #tpu.memory_space<hbm>> -> memref<1x1x1x128xi32, #tpu.memory_space<hbm>>
        %dma_start3A_1491 = tpu.memref_squeeze %dma_start3A_1490 : memref<1x1x1x128xi32, #tpu.memory_space<hbm>> -> memref<128xi32, #tpu.memory_space<hbm>>
        %dma_start3A_1492 = arith.constant 768 : i32
        %dma_start3A_1493 = tpu.memref_slice %arg10[%dma_start3A_1485, %dma_start3A_1492] : memref<2x1024xi32, #tpu.memory_space<vmem>> -> memref<1x128xi32, #tpu.memory_space<vmem>>
        %dma_start3A_1494 = tpu.memref_squeeze %dma_start3A_1493 : memref<1x128xi32, #tpu.memory_space<vmem>> -> memref<128xi32, #tpu.memory_space<vmem>>
        %dma_start3A_1495 = arith.constant 0 : i32
        %dma_start3A_1496 = tpu.memref_slice %arg3[%select_n3A_1299, %dma_start3A_1484, %select_n3A_1315, %dma_start3A_1495] : memref<65x8x8x128xi32, #tpu.memory_space<hbm>> -> memref<1x1x1x128xi32, #tpu.memory_space<hbm>>
        %dma_start3A_1497 = tpu.memref_squeeze %dma_start3A_1496 : memref<1x1x1x128xi32, #tpu.memory_space<hbm>> -> memref<128xi32, #tpu.memory_space<hbm>>
        tpu.enqueue_dma source(%dma_start3A_1497 : memref<128xi32, #tpu.memory_space<hbm>>) target(%dma_start3A_1494 : memref<128xi32, #tpu.memory_space<vmem>>) target_semaphore(%arg14 : memref<!tpu.dma_semaphore, #tpu.memory_space<semaphore_mem>>)
        %dma_start3A_1498 = arith.constant 6 : i32
        %dma_start3A_1499 = arith.constant 0 : i32
        %dma_start3A_1500 = arith.constant 768 : i32
        %dma_start3A_1501 = tpu.memref_slice %arg11[%dma_start3A_1499, %dma_start3A_1500] : memref<2x1024xi32, #tpu.memory_space<vmem>> -> memref<1x128xi32, #tpu.memory_space<vmem>>
        %dma_start3A_1502 = tpu.memref_squeeze %dma_start3A_1501 : memref<1x128xi32, #tpu.memory_space<vmem>> -> memref<128xi32, #tpu.memory_space<vmem>>
        %dma_start3A_1503 = arith.constant 0 : i32
        %dma_start3A_1504 = tpu.memref_slice %arg4[%select_n3A_1299, %dma_start3A_1498, %select_n3A_1315, %dma_start3A_1503] : memref<65x8x8x128xi32, #tpu.memory_space<hbm>> -> memref<1x1x1x128xi32, #tpu.memory_space<hbm>>
        %dma_start3A_1505 = tpu.memref_squeeze %dma_start3A_1504 : memref<1x1x1x128xi32, #tpu.memory_space<hbm>> -> memref<128xi32, #tpu.memory_space<hbm>>
        %dma_start3A_1506 = arith.constant 768 : i32
        %dma_start3A_1507 = tpu.memref_slice %arg11[%dma_start3A_1499, %dma_start3A_1506] : memref<2x1024xi32, #tpu.memory_space<vmem>> -> memref<1x128xi32, #tpu.memory_space<vmem>>
        %dma_start3A_1508 = tpu.memref_squeeze %dma_start3A_1507 : memref<1x128xi32, #tpu.memory_space<vmem>> -> memref<128xi32, #tpu.memory_space<vmem>>
        %dma_start3A_1509 = arith.constant 0 : i32
        %dma_start3A_1510 = tpu.memref_slice %arg4[%select_n3A_1299, %dma_start3A_1498, %select_n3A_1315, %dma_start3A_1509] : memref<65x8x8x128xi32, #tpu.memory_space<hbm>> -> memref<1x1x1x128xi32, #tpu.memory_space<hbm>>
        %dma_start3A_1511 = tpu.memref_squeeze %dma_start3A_1510 : memref<1x1x1x128xi32, #tpu.memory_space<hbm>> -> memref<128xi32, #tpu.memory_space<hbm>>
        tpu.enqueue_dma source(%dma_start3A_1511 : memref<128xi32, #tpu.memory_space<hbm>>) target(%dma_start3A_1508 : memref<128xi32, #tpu.memory_space<vmem>>) target_semaphore(%arg14 : memref<!tpu.dma_semaphore, #tpu.memory_space<semaphore_mem>>)
        %dma_start3A_1512 = arith.constant 7 : i32
        %dma_start3A_1513 = arith.constant 0 : i32
        %dma_start3A_1514 = arith.constant 896 : i32
        %dma_start3A_1515 = tpu.memref_slice %arg10[%dma_start3A_1513, %dma_start3A_1514] : memref<2x1024xi32, #tpu.memory_space<vmem>> -> memref<1x128xi32, #tpu.memory_space<vmem>>
        %dma_start3A_1516 = tpu.memref_squeeze %dma_start3A_1515 : memref<1x128xi32, #tpu.memory_space<vmem>> -> memref<128xi32, #tpu.memory_space<vmem>>
        %dma_start3A_1517 = arith.constant 0 : i32
        %dma_start3A_1518 = tpu.memref_slice %arg3[%select_n3A_1299, %dma_start3A_1512, %select_n3A_1315, %dma_start3A_1517] : memref<65x8x8x128xi32, #tpu.memory_space<hbm>> -> memref<1x1x1x128xi32, #tpu.memory_space<hbm>>
        %dma_start3A_1519 = tpu.memref_squeeze %dma_start3A_1518 : memref<1x1x1x128xi32, #tpu.memory_space<hbm>> -> memref<128xi32, #tpu.memory_space<hbm>>
        %dma_start3A_1520 = arith.constant 896 : i32
        %dma_start3A_1521 = tpu.memref_slice %arg10[%dma_start3A_1513, %dma_start3A_1520] : memref<2x1024xi32, #tpu.memory_space<vmem>> -> memref<1x128xi32, #tpu.memory_space<vmem>>
        %dma_start3A_1522 = tpu.memref_squeeze %dma_start3A_1521 : memref<1x128xi32, #tpu.memory_space<vmem>> -> memref<128xi32, #tpu.memory_space<vmem>>
        %dma_start3A_1523 = arith.constant 0 : i32
        %dma_start3A_1524 = tpu.memref_slice %arg3[%select_n3A_1299, %dma_start3A_1512, %select_n3A_1315, %dma_start3A_1523] : memref<65x8x8x128xi32, #tpu.memory_space<hbm>> -> memref<1x1x1x128xi32, #tpu.memory_space<hbm>>
        %dma_start3A_1525 = tpu.memref_squeeze %dma_start3A_1524 : memref<1x1x1x128xi32, #tpu.memory_space<hbm>> -> memref<128xi32, #tpu.memory_space<hbm>>
        tpu.enqueue_dma source(%dma_start3A_1525 : memref<128xi32, #tpu.memory_space<hbm>>) target(%dma_start3A_1522 : memref<128xi32, #tpu.memory_space<vmem>>) target_semaphore(%arg14 : memref<!tpu.dma_semaphore, #tpu.memory_space<semaphore_mem>>)
        %dma_start3A_1526 = arith.constant 7 : i32
        %dma_start3A_1527 = arith.constant 0 : i32
        %dma_start3A_1528 = arith.constant 896 : i32
        %dma_start3A_1529 = tpu.memref_slice %arg11[%dma_start3A_1527, %dma_start3A_1528] : memref<2x1024xi32, #tpu.memory_space<vmem>> -> memref<1x128xi32, #tpu.memory_space<vmem>>
        %dma_start3A_1530 = tpu.memref_squeeze %dma_start3A_1529 : memref<1x128xi32, #tpu.memory_space<vmem>> -> memref<128xi32, #tpu.memory_space<vmem>>
        %dma_start3A_1531 = arith.constant 0 : i32
        %dma_start3A_1532 = tpu.memref_slice %arg4[%select_n3A_1299, %dma_start3A_1526, %select_n3A_1315, %dma_start3A_1531] : memref<65x8x8x128xi32, #tpu.memory_space<hbm>> -> memref<1x1x1x128xi32, #tpu.memory_space<hbm>>
        %dma_start3A_1533 = tpu.memref_squeeze %dma_start3A_1532 : memref<1x1x1x128xi32, #tpu.memory_space<hbm>> -> memref<128xi32, #tpu.memory_space<hbm>>
        %dma_start3A_1534 = arith.constant 896 : i32
        %dma_start3A_1535 = tpu.memref_slice %arg11[%dma_start3A_1527, %dma_start3A_1534] : memref<2x1024xi32, #tpu.memory_space<vmem>> -> memref<1x128xi32, #tpu.memory_space<vmem>>
        %dma_start3A_1536 = tpu.memref_squeeze %dma_start3A_1535 : memref<1x128xi32, #tpu.memory_space<vmem>> -> memref<128xi32, #tpu.memory_space<vmem>>
        %dma_start3A_1537 = arith.constant 0 : i32
        %dma_start3A_1538 = tpu.memref_slice %arg4[%select_n3A_1299, %dma_start3A_1526, %select_n3A_1315, %dma_start3A_1537] : memref<65x8x8x128xi32, #tpu.memory_space<hbm>> -> memref<1x1x1x128xi32, #tpu.memory_space<hbm>>
        %dma_start3A_1539 = tpu.memref_squeeze %dma_start3A_1538 : memref<1x1x1x128xi32, #tpu.memory_space<hbm>> -> memref<128xi32, #tpu.memory_space<hbm>>
        tpu.enqueue_dma source(%dma_start3A_1539 : memref<128xi32, #tpu.memory_space<hbm>>) target(%dma_start3A_1536 : memref<128xi32, #tpu.memory_space<vmem>>) target_semaphore(%arg14 : memref<!tpu.dma_semaphore, #tpu.memory_space<semaphore_mem>>)
      } else {
      }
      %mul3A_908 = arith.constant 2 : i32
      %mul3A_909 = arith.muli %mul3A_908, %scan3A_549 : i32
      %add3A_910 = arith.constant 1 : i32
      %add3A_911 = arith.addi %mul3A_909, %add3A_910 : i32
      %sub3A_912 = arith.constant 1 : i32
      %sub3A_913 = arith.subi %add3A_3, %sub3A_912 : i32
      %min3A_914 = arith.minsi %add3A_911, %sub3A_913 : i32
      %add3A_915 = arith.addi %add3A_7, %min3A_914 : i32
      %jit3A_916 = arith.constant 20 : i32
      %eq3A_917 = arith.constant 0 : i32
      %eq3A_918 = arith.cmpi eq, %jit3A_916, %eq3A_917 : i32
      %jit3A_919 = arith.constant 1 : i32
      %select_n3A_920 = arith.select %eq3A_918, %jit3A_919, %jit3A_916 : i32
      %rem3A_921 = arith.remsi %add3A_915, %select_n3A_920 : i32
      %ne3A_922 = arith.constant 0 : i32
      %ne3A_923 = arith.cmpi ne, %rem3A_921, %ne3A_922 : i32
      %lt3A_924 = arith.constant 0 : i32
      %lt3A_925 = arith.cmpi slt, %rem3A_921, %lt3A_924 : i32
      %lt3A_926 = arith.constant 0 : i32
      %lt3A_927 = arith.cmpi slt, %select_n3A_920, %lt3A_926 : i32
      %ne3A_928 = arith.xori %lt3A_925, %lt3A_927 : i1
      %and3A_929 = arith.andi %ne3A_928, %ne3A_923 : i1
      %add3A_930 = arith.addi %rem3A_921, %select_n3A_920 : i32
      %select_n3A_931 = arith.select %and3A_929, %add3A_930, %rem3A_921 : i32
      %ge3A_932 = arith.constant 1 : i32
      %ge3A_933 = arith.cmpi sge, %add3A_911, %ge3A_932 : i32
      %convert_element_type3A_934 = arith.extui %ge3A_933 : i1 to i32
      %cond3A_935 = arith.constant 0 : i32
      %cond3A_936 = arith.cmpi ne, %convert_element_type3A_934, %cond3A_935 : i32
      scf.if %cond3A_936 {
        %dma_wait3A_1270 = arith.constant 0 : i32
        %dma_wait3A_1271 = arith.constant 0 : i32
        %dma_wait3A_1272 = arith.constant 0 : i32
        %dma_wait3A_1273 = tpu.memref_slice %arg8[%dma_wait3A_1270, %dma_wait3A_1271, %dma_wait3A_1272] : memref<520x14x8192xf32, #tpu.memory_space<hbm>> -> memref<1x14x8192xf32, #tpu.memory_space<hbm>>
        %dma_wait3A_1274 = tpu.memref_squeeze %dma_wait3A_1273 : memref<1x14x8192xf32, #tpu.memory_space<hbm>> -> memref<14x8192xf32, #tpu.memory_space<hbm>>
        %dma_wait3A_1275 = arith.constant 0 : i32
        %dma_wait3A_1276 = arith.constant 0 : i32
        %dma_wait3A_1277 = tpu.memref_slice %arg8[%dma_wait3A_1270, %dma_wait3A_1275, %dma_wait3A_1276] : memref<520x14x8192xf32, #tpu.memory_space<hbm>> -> memref<1x14x8192xf32, #tpu.memory_space<hbm>>
        %dma_wait3A_1278 = tpu.memref_squeeze %dma_wait3A_1277 : memref<1x14x8192xf32, #tpu.memory_space<hbm>> -> memref<14x8192xf32, #tpu.memory_space<hbm>>
        tpu.wait_dma2 semaphore(%arg17 : memref<!tpu.dma_semaphore, #tpu.memory_space<semaphore_mem>>) src(%arg9 : memref<14x8192xf32, #tpu.memory_space<vmem>>) dst(%dma_wait3A_1278 : memref<14x8192xf32, #tpu.memory_space<hbm>>)
      } else {
      }
      %dma_start3A_937 = arith.constant 0 : i32
      %dma_start3A_938 = arith.constant 0 : i32
      %dma_start3A_939 = tpu.memref_slice %arg9[%dma_start3A_937, %dma_start3A_938] : memref<14x8192xf32, #tpu.memory_space<vmem>> -> memref<4x8192xf32, #tpu.memory_space<vmem>>
      %dma_start3A_940 = arith.constant 0 : i32
      %dma_start3A_941 = arith.constant 0 : i32
      %dma_start3A_942 = tpu.memref_slice %arg2[%add3A_915, %dma_start3A_940, %dma_start3A_941] : memref<520x4x8192xf32, #tpu.memory_space<hbm>> -> memref<1x4x8192xf32, #tpu.memory_space<hbm>>
      %dma_start3A_943 = tpu.memref_squeeze %dma_start3A_942 : memref<1x4x8192xf32, #tpu.memory_space<hbm>> -> memref<4x8192xf32, #tpu.memory_space<hbm>>
      %dma_start3A_944 = arith.constant 0 : i32
      %dma_start3A_945 = arith.constant 0 : i32
      %dma_start3A_946 = tpu.memref_slice %arg9[%dma_start3A_944, %dma_start3A_945] : memref<14x8192xf32, #tpu.memory_space<vmem>> -> memref<4x8192xf32, #tpu.memory_space<vmem>>
      %dma_start3A_947 = arith.constant 0 : i32
      %dma_start3A_948 = arith.constant 0 : i32
      %dma_start3A_949 = tpu.memref_slice %arg2[%add3A_915, %dma_start3A_947, %dma_start3A_948] : memref<520x4x8192xf32, #tpu.memory_space<hbm>> -> memref<1x4x8192xf32, #tpu.memory_space<hbm>>
      %dma_start3A_950 = tpu.memref_squeeze %dma_start3A_949 : memref<1x4x8192xf32, #tpu.memory_space<hbm>> -> memref<4x8192xf32, #tpu.memory_space<hbm>>
      tpu.enqueue_dma source(%dma_start3A_950 : memref<4x8192xf32, #tpu.memory_space<hbm>>) target(%dma_start3A_946 : memref<4x8192xf32, #tpu.memory_space<vmem>>) target_semaphore(%arg16 : memref<!tpu.dma_semaphore, #tpu.memory_space<semaphore_mem>>)
      %dma_start3A_951 = arith.constant 8 : i32
      %dma_start3A_952 = arith.constant 0 : i32
      %dma_start3A_953 = tpu.memref_slice %arg9[%dma_start3A_951, %dma_start3A_952] : memref<14x8192xf32, #tpu.memory_space<vmem>> -> memref<4x8192xf32, #tpu.memory_space<vmem>>
      %dma_start3A_954 = arith.constant 0 : i32
      %dma_start3A_955 = arith.constant 0 : i32
      %dma_start3A_956 = tpu.memref_slice %arg5[%select_n3A_931, %dma_start3A_954, %dma_start3A_955] : memref<20x4x8192xf32, #tpu.memory_space<hbm>> -> memref<1x4x8192xf32, #tpu.memory_space<hbm>>
      %dma_start3A_957 = tpu.memref_squeeze %dma_start3A_956 : memref<1x4x8192xf32, #tpu.memory_space<hbm>> -> memref<4x8192xf32, #tpu.memory_space<hbm>>
      %dma_start3A_958 = arith.constant 8 : i32
      %dma_start3A_959 = arith.constant 0 : i32
      %dma_start3A_960 = tpu.memref_slice %arg9[%dma_start3A_958, %dma_start3A_959] : memref<14x8192xf32, #tpu.memory_space<vmem>> -> memref<4x8192xf32, #tpu.memory_space<vmem>>
      %dma_start3A_961 = arith.constant 0 : i32
      %dma_start3A_962 = arith.constant 0 : i32
      %dma_start3A_963 = tpu.memref_slice %arg5[%select_n3A_931, %dma_start3A_961, %dma_start3A_962] : memref<20x4x8192xf32, #tpu.memory_space<hbm>> -> memref<1x4x8192xf32, #tpu.memory_space<hbm>>
      %dma_start3A_964 = tpu.memref_squeeze %dma_start3A_963 : memref<1x4x8192xf32, #tpu.memory_space<hbm>> -> memref<4x8192xf32, #tpu.memory_space<hbm>>
      tpu.enqueue_dma source(%dma_start3A_964 : memref<4x8192xf32, #tpu.memory_space<hbm>>) target(%dma_start3A_960 : memref<4x8192xf32, #tpu.memory_space<vmem>>) target_semaphore(%arg16 : memref<!tpu.dma_semaphore, #tpu.memory_space<semaphore_mem>>)
      %dma_wait3A_965 = arith.constant 0 : i32
      %dma_wait3A_966 = arith.constant 0 : i32
      %dma_wait3A_967 = arith.constant 0 : i32
      %dma_wait3A_968 = arith.constant 1 : i32
      %dma_wait3A_969 = arith.constant 0 : i32
      %dma_wait3A_970 = tpu.memref_slice %arg10[%dma_wait3A_968, %dma_wait3A_969] : memref<2x1024xi32, #tpu.memory_space<vmem>> -> memref<1x128xi32, #tpu.memory_space<vmem>>
      %dma_wait3A_971 = tpu.memref_squeeze %dma_wait3A_970 : memref<1x128xi32, #tpu.memory_space<vmem>> -> memref<128xi32, #tpu.memory_space<vmem>>
      %dma_wait3A_972 = arith.constant 0 : i32
      %dma_wait3A_973 = tpu.memref_slice %arg3[%dma_wait3A_965, %dma_wait3A_966, %dma_wait3A_967, %dma_wait3A_972] : memref<65x8x8x128xi32, #tpu.memory_space<hbm>> -> memref<1x1x1x128xi32, #tpu.memory_space<hbm>>
      %dma_wait3A_974 = tpu.memref_squeeze %dma_wait3A_973 : memref<1x1x1x128xi32, #tpu.memory_space<hbm>> -> memref<128xi32, #tpu.memory_space<hbm>>
      %dma_wait3A_975 = arith.constant 0 : i32
      %dma_wait3A_976 = tpu.memref_slice %arg10[%dma_wait3A_968, %dma_wait3A_975] : memref<2x1024xi32, #tpu.memory_space<vmem>> -> memref<1x128xi32, #tpu.memory_space<vmem>>
      %dma_wait3A_977 = tpu.memref_squeeze %dma_wait3A_976 : memref<1x128xi32, #tpu.memory_space<vmem>> -> memref<128xi32, #tpu.memory_space<vmem>>
      %dma_wait3A_978 = arith.constant 0 : i32
      %dma_wait3A_979 = tpu.memref_slice %arg3[%dma_wait3A_965, %dma_wait3A_966, %dma_wait3A_967, %dma_wait3A_978] : memref<65x8x8x128xi32, #tpu.memory_space<hbm>> -> memref<1x1x1x128xi32, #tpu.memory_space<hbm>>
      %dma_wait3A_980 = tpu.memref_squeeze %dma_wait3A_979 : memref<1x1x1x128xi32, #tpu.memory_space<hbm>> -> memref<128xi32, #tpu.memory_space<hbm>>
      tpu.wait_dma2 semaphore(%arg15 : memref<!tpu.dma_semaphore, #tpu.memory_space<semaphore_mem>>) src(%dma_wait3A_980 : memref<128xi32, #tpu.memory_space<hbm>>) dst(%dma_wait3A_977 : memref<128xi32, #tpu.memory_space<vmem>>)
      %dma_wait3A_981 = arith.constant 0 : i32
      %dma_wait3A_982 = arith.constant 0 : i32
      %dma_wait3A_983 = arith.constant 0 : i32
      %dma_wait3A_984 = arith.constant 1 : i32
      %dma_wait3A_985 = arith.constant 0 : i32
      %dma_wait3A_986 = tpu.memref_slice %arg11[%dma_wait3A_984, %dma_wait3A_985] : memref<2x1024xi32, #tpu.memory_space<vmem>> -> memref<1x128xi32, #tpu.memory_space<vmem>>
      %dma_wait3A_987 = tpu.memref_squeeze %dma_wait3A_986 : memref<1x128xi32, #tpu.memory_space<vmem>> -> memref<128xi32, #tpu.memory_space<vmem>>
      %dma_wait3A_988 = arith.constant 0 : i32
      %dma_wait3A_989 = tpu.memref_slice %arg4[%dma_wait3A_981, %dma_wait3A_982, %dma_wait3A_983, %dma_wait3A_988] : memref<65x8x8x128xi32, #tpu.memory_space<hbm>> -> memref<1x1x1x128xi32, #tpu.memory_space<hbm>>
      %dma_wait3A_990 = tpu.memref_squeeze %dma_wait3A_989 : memref<1x1x1x128xi32, #tpu.memory_space<hbm>> -> memref<128xi32, #tpu.memory_space<hbm>>
      %dma_wait3A_991 = arith.constant 0 : i32
      %dma_wait3A_992 = tpu.memref_slice %arg11[%dma_wait3A_984, %dma_wait3A_991] : memref<2x1024xi32, #tpu.memory_space<vmem>> -> memref<1x128xi32, #tpu.memory_space<vmem>>
      %dma_wait3A_993 = tpu.memref_squeeze %dma_wait3A_992 : memref<1x128xi32, #tpu.memory_space<vmem>> -> memref<128xi32, #tpu.memory_space<vmem>>
      %dma_wait3A_994 = arith.constant 0 : i32
      %dma_wait3A_995 = tpu.memref_slice %arg4[%dma_wait3A_981, %dma_wait3A_982, %dma_wait3A_983, %dma_wait3A_994] : memref<65x8x8x128xi32, #tpu.memory_space<hbm>> -> memref<1x1x1x128xi32, #tpu.memory_space<hbm>>
      %dma_wait3A_996 = tpu.memref_squeeze %dma_wait3A_995 : memref<1x1x1x128xi32, #tpu.memory_space<hbm>> -> memref<128xi32, #tpu.memory_space<hbm>>
      tpu.wait_dma2 semaphore(%arg15 : memref<!tpu.dma_semaphore, #tpu.memory_space<semaphore_mem>>) src(%dma_wait3A_996 : memref<128xi32, #tpu.memory_space<hbm>>) dst(%dma_wait3A_993 : memref<128xi32, #tpu.memory_space<vmem>>)
      %dma_wait3A_997 = arith.constant 0 : i32
      %dma_wait3A_998 = arith.constant 0 : i32
      %dma_wait3A_999 = arith.constant 0 : i32
      %dma_wait3A_1000 = arith.constant 1 : i32
      %dma_wait3A_1001 = arith.constant 0 : i32
      %dma_wait3A_1002 = tpu.memref_slice %arg10[%dma_wait3A_1000, %dma_wait3A_1001] : memref<2x1024xi32, #tpu.memory_space<vmem>> -> memref<1x128xi32, #tpu.memory_space<vmem>>
      %dma_wait3A_1003 = tpu.memref_squeeze %dma_wait3A_1002 : memref<1x128xi32, #tpu.memory_space<vmem>> -> memref<128xi32, #tpu.memory_space<vmem>>
      %dma_wait3A_1004 = arith.constant 0 : i32
      %dma_wait3A_1005 = tpu.memref_slice %arg3[%dma_wait3A_997, %dma_wait3A_998, %dma_wait3A_999, %dma_wait3A_1004] : memref<65x8x8x128xi32, #tpu.memory_space<hbm>> -> memref<1x1x1x128xi32, #tpu.memory_space<hbm>>
      %dma_wait3A_1006 = tpu.memref_squeeze %dma_wait3A_1005 : memref<1x1x1x128xi32, #tpu.memory_space<hbm>> -> memref<128xi32, #tpu.memory_space<hbm>>
      %dma_wait3A_1007 = arith.constant 0 : i32
      %dma_wait3A_1008 = tpu.memref_slice %arg10[%dma_wait3A_1000, %dma_wait3A_1007] : memref<2x1024xi32, #tpu.memory_space<vmem>> -> memref<1x128xi32, #tpu.memory_space<vmem>>
      %dma_wait3A_1009 = tpu.memref_squeeze %dma_wait3A_1008 : memref<1x128xi32, #tpu.memory_space<vmem>> -> memref<128xi32, #tpu.memory_space<vmem>>
      %dma_wait3A_1010 = arith.constant 0 : i32
      %dma_wait3A_1011 = tpu.memref_slice %arg3[%dma_wait3A_997, %dma_wait3A_998, %dma_wait3A_999, %dma_wait3A_1010] : memref<65x8x8x128xi32, #tpu.memory_space<hbm>> -> memref<1x1x1x128xi32, #tpu.memory_space<hbm>>
      %dma_wait3A_1012 = tpu.memref_squeeze %dma_wait3A_1011 : memref<1x1x1x128xi32, #tpu.memory_space<hbm>> -> memref<128xi32, #tpu.memory_space<hbm>>
      tpu.wait_dma2 semaphore(%arg15 : memref<!tpu.dma_semaphore, #tpu.memory_space<semaphore_mem>>) src(%dma_wait3A_1012 : memref<128xi32, #tpu.memory_space<hbm>>) dst(%dma_wait3A_1009 : memref<128xi32, #tpu.memory_space<vmem>>)
      %dma_wait3A_1013 = arith.constant 0 : i32
      %dma_wait3A_1014 = arith.constant 0 : i32
      %dma_wait3A_1015 = arith.constant 0 : i32
      %dma_wait3A_1016 = arith.constant 1 : i32
      %dma_wait3A_1017 = arith.constant 0 : i32
      %dma_wait3A_1018 = tpu.memref_slice %arg11[%dma_wait3A_1016, %dma_wait3A_1017] : memref<2x1024xi32, #tpu.memory_space<vmem>> -> memref<1x128xi32, #tpu.memory_space<vmem>>
      %dma_wait3A_1019 = tpu.memref_squeeze %dma_wait3A_1018 : memref<1x128xi32, #tpu.memory_space<vmem>> -> memref<128xi32, #tpu.memory_space<vmem>>
      %dma_wait3A_1020 = arith.constant 0 : i32
      %dma_wait3A_1021 = tpu.memref_slice %arg4[%dma_wait3A_1013, %dma_wait3A_1014, %dma_wait3A_1015, %dma_wait3A_1020] : memref<65x8x8x128xi32, #tpu.memory_space<hbm>> -> memref<1x1x1x128xi32, #tpu.memory_space<hbm>>
      %dma_wait3A_1022 = tpu.memref_squeeze %dma_wait3A_1021 : memref<1x1x1x128xi32, #tpu.memory_space<hbm>> -> memref<128xi32, #tpu.memory_space<hbm>>
      %dma_wait3A_1023 = arith.constant 0 : i32
      %dma_wait3A_1024 = tpu.memref_slice %arg11[%dma_wait3A_1016, %dma_wait3A_1023] : memref<2x1024xi32, #tpu.memory_space<vmem>> -> memref<1x128xi32, #tpu.memory_space<vmem>>
      %dma_wait3A_1025 = tpu.memref_squeeze %dma_wait3A_1024 : memref<1x128xi32, #tpu.memory_space<vmem>> -> memref<128xi32, #tpu.memory_space<vmem>>
      %dma_wait3A_1026 = arith.constant 0 : i32
      %dma_wait3A_1027 = tpu.memref_slice %arg4[%dma_wait3A_1013, %dma_wait3A_1014, %dma_wait3A_1015, %dma_wait3A_1026] : memref<65x8x8x128xi32, #tpu.memory_space<hbm>> -> memref<1x1x1x128xi32, #tpu.memory_space<hbm>>
      %dma_wait3A_1028 = tpu.memref_squeeze %dma_wait3A_1027 : memref<1x1x1x128xi32, #tpu.memory_space<hbm>> -> memref<128xi32, #tpu.memory_space<hbm>>
      tpu.wait_dma2 semaphore(%arg15 : memref<!tpu.dma_semaphore, #tpu.memory_space<semaphore_mem>>) src(%dma_wait3A_1028 : memref<128xi32, #tpu.memory_space<hbm>>) dst(%dma_wait3A_1025 : memref<128xi32, #tpu.memory_space<vmem>>)
      %dma_wait3A_1029 = arith.constant 0 : i32
      %dma_wait3A_1030 = arith.constant 0 : i32
      %dma_wait3A_1031 = arith.constant 0 : i32
      %dma_wait3A_1032 = arith.constant 1 : i32
      %dma_wait3A_1033 = arith.constant 0 : i32
      %dma_wait3A_1034 = tpu.memref_slice %arg10[%dma_wait3A_1032, %dma_wait3A_1033] : memref<2x1024xi32, #tpu.memory_space<vmem>> -> memref<1x128xi32, #tpu.memory_space<vmem>>
      %dma_wait3A_1035 = tpu.memref_squeeze %dma_wait3A_1034 : memref<1x128xi32, #tpu.memory_space<vmem>> -> memref<128xi32, #tpu.memory_space<vmem>>
      %dma_wait3A_1036 = arith.constant 0 : i32
      %dma_wait3A_1037 = tpu.memref_slice %arg3[%dma_wait3A_1029, %dma_wait3A_1030, %dma_wait3A_1031, %dma_wait3A_1036] : memref<65x8x8x128xi32, #tpu.memory_space<hbm>> -> memref<1x1x1x128xi32, #tpu.memory_space<hbm>>
      %dma_wait3A_1038 = tpu.memref_squeeze %dma_wait3A_1037 : memref<1x1x1x128xi32, #tpu.memory_space<hbm>> -> memref<128xi32, #tpu.memory_space<hbm>>
      %dma_wait3A_1039 = arith.constant 0 : i32
      %dma_wait3A_1040 = tpu.memref_slice %arg10[%dma_wait3A_1032, %dma_wait3A_1039] : memref<2x1024xi32, #tpu.memory_space<vmem>> -> memref<1x128xi32, #tpu.memory_space<vmem>>
      %dma_wait3A_1041 = tpu.memref_squeeze %dma_wait3A_1040 : memref<1x128xi32, #tpu.memory_space<vmem>> -> memref<128xi32, #tpu.memory_space<vmem>>
      %dma_wait3A_1042 = arith.constant 0 : i32
      %dma_wait3A_1043 = tpu.memref_slice %arg3[%dma_wait3A_1029, %dma_wait3A_1030, %dma_wait3A_1031, %dma_wait3A_1042] : memref<65x8x8x128xi32, #tpu.memory_space<hbm>> -> memref<1x1x1x128xi32, #tpu.memory_space<hbm>>
      %dma_wait3A_1044 = tpu.memref_squeeze %dma_wait3A_1043 : memref<1x1x1x128xi32, #tpu.memory_space<hbm>> -> memref<128xi32, #tpu.memory_space<hbm>>
      tpu.wait_dma2 semaphore(%arg15 : memref<!tpu.dma_semaphore, #tpu.memory_space<semaphore_mem>>) src(%dma_wait3A_1044 : memref<128xi32, #tpu.memory_space<hbm>>) dst(%dma_wait3A_1041 : memref<128xi32, #tpu.memory_space<vmem>>)
      %dma_wait3A_1045 = arith.constant 0 : i32
      %dma_wait3A_1046 = arith.constant 0 : i32
      %dma_wait3A_1047 = arith.constant 0 : i32
      %dma_wait3A_1048 = arith.constant 1 : i32
      %dma_wait3A_1049 = arith.constant 0 : i32
      %dma_wait3A_1050 = tpu.memref_slice %arg11[%dma_wait3A_1048, %dma_wait3A_1049] : memref<2x1024xi32, #tpu.memory_space<vmem>> -> memref<1x128xi32, #tpu.memory_space<vmem>>
      %dma_wait3A_1051 = tpu.memref_squeeze %dma_wait3A_1050 : memref<1x128xi32, #tpu.memory_space<vmem>> -> memref<128xi32, #tpu.memory_space<vmem>>
      %dma_wait3A_1052 = arith.constant 0 : i32
      %dma_wait3A_1053 = tpu.memref_slice %arg4[%dma_wait3A_1045, %dma_wait3A_1046, %dma_wait3A_1047, %dma_wait3A_1052] : memref<65x8x8x128xi32, #tpu.memory_space<hbm>> -> memref<1x1x1x128xi32, #tpu.memory_space<hbm>>
      %dma_wait3A_1054 = tpu.memref_squeeze %dma_wait3A_1053 : memref<1x1x1x128xi32, #tpu.memory_space<hbm>> -> memref<128xi32, #tpu.memory_space<hbm>>
      %dma_wait3A_1055 = arith.constant 0 : i32
      %dma_wait3A_1056 = tpu.memref_slice %arg11[%dma_wait3A_1048, %dma_wait3A_1055] : memref<2x1024xi32, #tpu.memory_space<vmem>> -> memref<1x128xi32, #tpu.memory_space<vmem>>
      %dma_wait3A_1057 = tpu.memref_squeeze %dma_wait3A_1056 : memref<1x128xi32, #tpu.memory_space<vmem>> -> memref<128xi32, #tpu.memory_space<vmem>>
      %dma_wait3A_1058 = arith.constant 0 : i32
      %dma_wait3A_1059 = tpu.memref_slice %arg4[%dma_wait3A_1045, %dma_wait3A_1046, %dma_wait3A_1047, %dma_wait3A_1058] : memref<65x8x8x128xi32, #tpu.memory_space<hbm>> -> memref<1x1x1x128xi32, #tpu.memory_space<hbm>>
      %dma_wait3A_1060 = tpu.memref_squeeze %dma_wait3A_1059 : memref<1x1x1x128xi32, #tpu.memory_space<hbm>> -> memref<128xi32, #tpu.memory_space<hbm>>
      tpu.wait_dma2 semaphore(%arg15 : memref<!tpu.dma_semaphore, #tpu.memory_space<semaphore_mem>>) src(%dma_wait3A_1060 : memref<128xi32, #tpu.memory_space<hbm>>) dst(%dma_wait3A_1057 : memref<128xi32, #tpu.memory_space<vmem>>)
      %dma_wait3A_1061 = arith.constant 0 : i32
      %dma_wait3A_1062 = arith.constant 0 : i32
      %dma_wait3A_1063 = arith.constant 0 : i32
      %dma_wait3A_1064 = arith.constant 1 : i32
      %dma_wait3A_1065 = arith.constant 0 : i32
      %dma_wait3A_1066 = tpu.memref_slice %arg10[%dma_wait3A_1064, %dma_wait3A_1065] : memref<2x1024xi32, #tpu.memory_space<vmem>> -> memref<1x128xi32, #tpu.memory_space<vmem>>
      %dma_wait3A_1067 = tpu.memref_squeeze %dma_wait3A_1066 : memref<1x128xi32, #tpu.memory_space<vmem>> -> memref<128xi32, #tpu.memory_space<vmem>>
      %dma_wait3A_1068 = arith.constant 0 : i32
      %dma_wait3A_1069 = tpu.memref_slice %arg3[%dma_wait3A_1061, %dma_wait3A_1062, %dma_wait3A_1063, %dma_wait3A_1068] : memref<65x8x8x128xi32, #tpu.memory_space<hbm>> -> memref<1x1x1x128xi32, #tpu.memory_space<hbm>>
      %dma_wait3A_1070 = tpu.memref_squeeze %dma_wait3A_1069 : memref<1x1x1x128xi32, #tpu.memory_space<hbm>> -> memref<128xi32, #tpu.memory_space<hbm>>
      %dma_wait3A_1071 = arith.constant 0 : i32
      %dma_wait3A_1072 = tpu.memref_slice %arg10[%dma_wait3A_1064, %dma_wait3A_1071] : memref<2x1024xi32, #tpu.memory_space<vmem>> -> memref<1x128xi32, #tpu.memory_space<vmem>>
      %dma_wait3A_1073 = tpu.memref_squeeze %dma_wait3A_1072 : memref<1x128xi32, #tpu.memory_space<vmem>> -> memref<128xi32, #tpu.memory_space<vmem>>
      %dma_wait3A_1074 = arith.constant 0 : i32
      %dma_wait3A_1075 = tpu.memref_slice %arg3[%dma_wait3A_1061, %dma_wait3A_1062, %dma_wait3A_1063, %dma_wait3A_1074] : memref<65x8x8x128xi32, #tpu.memory_space<hbm>> -> memref<1x1x1x128xi32, #tpu.memory_space<hbm>>
      %dma_wait3A_1076 = tpu.memref_squeeze %dma_wait3A_1075 : memref<1x1x1x128xi32, #tpu.memory_space<hbm>> -> memref<128xi32, #tpu.memory_space<hbm>>
      tpu.wait_dma2 semaphore(%arg15 : memref<!tpu.dma_semaphore, #tpu.memory_space<semaphore_mem>>) src(%dma_wait3A_1076 : memref<128xi32, #tpu.memory_space<hbm>>) dst(%dma_wait3A_1073 : memref<128xi32, #tpu.memory_space<vmem>>)
      %dma_wait3A_1077 = arith.constant 0 : i32
      %dma_wait3A_1078 = arith.constant 0 : i32
      %dma_wait3A_1079 = arith.constant 0 : i32
      %dma_wait3A_1080 = arith.constant 1 : i32
      %dma_wait3A_1081 = arith.constant 0 : i32
      %dma_wait3A_1082 = tpu.memref_slice %arg11[%dma_wait3A_1080, %dma_wait3A_1081] : memref<2x1024xi32, #tpu.memory_space<vmem>> -> memref<1x128xi32, #tpu.memory_space<vmem>>
      %dma_wait3A_1083 = tpu.memref_squeeze %dma_wait3A_1082 : memref<1x128xi32, #tpu.memory_space<vmem>> -> memref<128xi32, #tpu.memory_space<vmem>>
      %dma_wait3A_1084 = arith.constant 0 : i32
      %dma_wait3A_1085 = tpu.memref_slice %arg4[%dma_wait3A_1077, %dma_wait3A_1078, %dma_wait3A_1079, %dma_wait3A_1084] : memref<65x8x8x128xi32, #tpu.memory_space<hbm>> -> memref<1x1x1x128xi32, #tpu.memory_space<hbm>>
      %dma_wait3A_1086 = tpu.memref_squeeze %dma_wait3A_1085 : memref<1x1x1x128xi32, #tpu.memory_space<hbm>> -> memref<128xi32, #tpu.memory_space<hbm>>
      %dma_wait3A_1087 = arith.constant 0 : i32
      %dma_wait3A_1088 = tpu.memref_slice %arg11[%dma_wait3A_1080, %dma_wait3A_1087] : memref<2x1024xi32, #tpu.memory_space<vmem>> -> memref<1x128xi32, #tpu.memory_space<vmem>>
      %dma_wait3A_1089 = tpu.memref_squeeze %dma_wait3A_1088 : memref<1x128xi32, #tpu.memory_space<vmem>> -> memref<128xi32, #tpu.memory_space<vmem>>
      %dma_wait3A_1090 = arith.constant 0 : i32
      %dma_wait3A_1091 = tpu.memref_slice %arg4[%dma_wait3A_1077, %dma_wait3A_1078, %dma_wait3A_1079, %dma_wait3A_1090] : memref<65x8x8x128xi32, #tpu.memory_space<hbm>> -> memref<1x1x1x128xi32, #tpu.memory_space<hbm>>
      %dma_wait3A_1092 = tpu.memref_squeeze %dma_wait3A_1091 : memref<1x1x1x128xi32, #tpu.memory_space<hbm>> -> memref<128xi32, #tpu.memory_space<hbm>>
      tpu.wait_dma2 semaphore(%arg15 : memref<!tpu.dma_semaphore, #tpu.memory_space<semaphore_mem>>) src(%dma_wait3A_1092 : memref<128xi32, #tpu.memory_space<hbm>>) dst(%dma_wait3A_1089 : memref<128xi32, #tpu.memory_space<vmem>>)
      %dma_wait3A_1093 = arith.constant 0 : i32
      %dma_wait3A_1094 = arith.constant 0 : i32
      %dma_wait3A_1095 = arith.constant 0 : i32
      %dma_wait3A_1096 = arith.constant 1 : i32
      %dma_wait3A_1097 = arith.constant 0 : i32
      %dma_wait3A_1098 = tpu.memref_slice %arg10[%dma_wait3A_1096, %dma_wait3A_1097] : memref<2x1024xi32, #tpu.memory_space<vmem>> -> memref<1x128xi32, #tpu.memory_space<vmem>>
      %dma_wait3A_1099 = tpu.memref_squeeze %dma_wait3A_1098 : memref<1x128xi32, #tpu.memory_space<vmem>> -> memref<128xi32, #tpu.memory_space<vmem>>
      %dma_wait3A_1100 = arith.constant 0 : i32
      %dma_wait3A_1101 = tpu.memref_slice %arg3[%dma_wait3A_1093, %dma_wait3A_1094, %dma_wait3A_1095, %dma_wait3A_1100] : memref<65x8x8x128xi32, #tpu.memory_space<hbm>> -> memref<1x1x1x128xi32, #tpu.memory_space<hbm>>
      %dma_wait3A_1102 = tpu.memref_squeeze %dma_wait3A_1101 : memref<1x1x1x128xi32, #tpu.memory_space<hbm>> -> memref<128xi32, #tpu.memory_space<hbm>>
      %dma_wait3A_1103 = arith.constant 0 : i32
      %dma_wait3A_1104 = tpu.memref_slice %arg10[%dma_wait3A_1096, %dma_wait3A_1103] : memref<2x1024xi32, #tpu.memory_space<vmem>> -> memref<1x128xi32, #tpu.memory_space<vmem>>
      %dma_wait3A_1105 = tpu.memref_squeeze %dma_wait3A_1104 : memref<1x128xi32, #tpu.memory_space<vmem>> -> memref<128xi32, #tpu.memory_space<vmem>>
      %dma_wait3A_1106 = arith.constant 0 : i32
      %dma_wait3A_1107 = tpu.memref_slice %arg3[%dma_wait3A_1093, %dma_wait3A_1094, %dma_wait3A_1095, %dma_wait3A_1106] : memref<65x8x8x128xi32, #tpu.memory_space<hbm>> -> memref<1x1x1x128xi32, #tpu.memory_space<hbm>>
      %dma_wait3A_1108 = tpu.memref_squeeze %dma_wait3A_1107 : memref<1x1x1x128xi32, #tpu.memory_space<hbm>> -> memref<128xi32, #tpu.memory_space<hbm>>
      tpu.wait_dma2 semaphore(%arg15 : memref<!tpu.dma_semaphore, #tpu.memory_space<semaphore_mem>>) src(%dma_wait3A_1108 : memref<128xi32, #tpu.memory_space<hbm>>) dst(%dma_wait3A_1105 : memref<128xi32, #tpu.memory_space<vmem>>)
      %dma_wait3A_1109 = arith.constant 0 : i32
      %dma_wait3A_1110 = arith.constant 0 : i32
      %dma_wait3A_1111 = arith.constant 0 : i32
      %dma_wait3A_1112 = arith.constant 1 : i32
      %dma_wait3A_1113 = arith.constant 0 : i32
      %dma_wait3A_1114 = tpu.memref_slice %arg11[%dma_wait3A_1112, %dma_wait3A_1113] : memref<2x1024xi32, #tpu.memory_space<vmem>> -> memref<1x128xi32, #tpu.memory_space<vmem>>
      %dma_wait3A_1115 = tpu.memref_squeeze %dma_wait3A_1114 : memref<1x128xi32, #tpu.memory_space<vmem>> -> memref<128xi32, #tpu.memory_space<vmem>>
      %dma_wait3A_1116 = arith.constant 0 : i32
      %dma_wait3A_1117 = tpu.memref_slice %arg4[%dma_wait3A_1109, %dma_wait3A_1110, %dma_wait3A_1111, %dma_wait3A_1116] : memref<65x8x8x128xi32, #tpu.memory_space<hbm>> -> memref<1x1x1x128xi32, #tpu.memory_space<hbm>>
      %dma_wait3A_1118 = tpu.memref_squeeze %dma_wait3A_1117 : memref<1x1x1x128xi32, #tpu.memory_space<hbm>> -> memref<128xi32, #tpu.memory_space<hbm>>
      %dma_wait3A_1119 = arith.constant 0 : i32
      %dma_wait3A_1120 = tpu.memref_slice %arg11[%dma_wait3A_1112, %dma_wait3A_1119] : memref<2x1024xi32, #tpu.memory_space<vmem>> -> memref<1x128xi32, #tpu.memory_space<vmem>>
      %dma_wait3A_1121 = tpu.memref_squeeze %dma_wait3A_1120 : memref<1x128xi32, #tpu.memory_space<vmem>> -> memref<128xi32, #tpu.memory_space<vmem>>
      %dma_wait3A_1122 = arith.constant 0 : i32
      %dma_wait3A_1123 = tpu.memref_slice %arg4[%dma_wait3A_1109, %dma_wait3A_1110, %dma_wait3A_1111, %dma_wait3A_1122] : memref<65x8x8x128xi32, #tpu.memory_space<hbm>> -> memref<1x1x1x128xi32, #tpu.memory_space<hbm>>
      %dma_wait3A_1124 = tpu.memref_squeeze %dma_wait3A_1123 : memref<1x1x1x128xi32, #tpu.memory_space<hbm>> -> memref<128xi32, #tpu.memory_space<hbm>>
      tpu.wait_dma2 semaphore(%arg15 : memref<!tpu.dma_semaphore, #tpu.memory_space<semaphore_mem>>) src(%dma_wait3A_1124 : memref<128xi32, #tpu.memory_space<hbm>>) dst(%dma_wait3A_1121 : memref<128xi32, #tpu.memory_space<vmem>>)
      %dma_wait3A_1125 = arith.constant 0 : i32
      %dma_wait3A_1126 = arith.constant 0 : i32
      %dma_wait3A_1127 = arith.constant 0 : i32
      %dma_wait3A_1128 = arith.constant 1 : i32
      %dma_wait3A_1129 = arith.constant 0 : i32
      %dma_wait3A_1130 = tpu.memref_slice %arg10[%dma_wait3A_1128, %dma_wait3A_1129] : memref<2x1024xi32, #tpu.memory_space<vmem>> -> memref<1x128xi32, #tpu.memory_space<vmem>>
      %dma_wait3A_1131 = tpu.memref_squeeze %dma_wait3A_1130 : memref<1x128xi32, #tpu.memory_space<vmem>> -> memref<128xi32, #tpu.memory_space<vmem>>
      %dma_wait3A_1132 = arith.constant 0 : i32
      %dma_wait3A_1133 = tpu.memref_slice %arg3[%dma_wait3A_1125, %dma_wait3A_1126, %dma_wait3A_1127, %dma_wait3A_1132] : memref<65x8x8x128xi32, #tpu.memory_space<hbm>> -> memref<1x1x1x128xi32, #tpu.memory_space<hbm>>
      %dma_wait3A_1134 = tpu.memref_squeeze %dma_wait3A_1133 : memref<1x1x1x128xi32, #tpu.memory_space<hbm>> -> memref<128xi32, #tpu.memory_space<hbm>>
      %dma_wait3A_1135 = arith.constant 0 : i32
      %dma_wait3A_1136 = tpu.memref_slice %arg10[%dma_wait3A_1128, %dma_wait3A_1135] : memref<2x1024xi32, #tpu.memory_space<vmem>> -> memref<1x128xi32, #tpu.memory_space<vmem>>
      %dma_wait3A_1137 = tpu.memref_squeeze %dma_wait3A_1136 : memref<1x128xi32, #tpu.memory_space<vmem>> -> memref<128xi32, #tpu.memory_space<vmem>>
      %dma_wait3A_1138 = arith.constant 0 : i32
      %dma_wait3A_1139 = tpu.memref_slice %arg3[%dma_wait3A_1125, %dma_wait3A_1126, %dma_wait3A_1127, %dma_wait3A_1138] : memref<65x8x8x128xi32, #tpu.memory_space<hbm>> -> memref<1x1x1x128xi32, #tpu.memory_space<hbm>>
      %dma_wait3A_1140 = tpu.memref_squeeze %dma_wait3A_1139 : memref<1x1x1x128xi32, #tpu.memory_space<hbm>> -> memref<128xi32, #tpu.memory_space<hbm>>
      tpu.wait_dma2 semaphore(%arg15 : memref<!tpu.dma_semaphore, #tpu.memory_space<semaphore_mem>>) src(%dma_wait3A_1140 : memref<128xi32, #tpu.memory_space<hbm>>) dst(%dma_wait3A_1137 : memref<128xi32, #tpu.memory_space<vmem>>)
      %dma_wait3A_1141 = arith.constant 0 : i32
      %dma_wait3A_1142 = arith.constant 0 : i32
      %dma_wait3A_1143 = arith.constant 0 : i32
      %dma_wait3A_1144 = arith.constant 1 : i32
      %dma_wait3A_1145 = arith.constant 0 : i32
      %dma_wait3A_1146 = tpu.memref_slice %arg11[%dma_wait3A_1144, %dma_wait3A_1145] : memref<2x1024xi32, #tpu.memory_space<vmem>> -> memref<1x128xi32, #tpu.memory_space<vmem>>
      %dma_wait3A_1147 = tpu.memref_squeeze %dma_wait3A_1146 : memref<1x128xi32, #tpu.memory_space<vmem>> -> memref<128xi32, #tpu.memory_space<vmem>>
      %dma_wait3A_1148 = arith.constant 0 : i32
      %dma_wait3A_1149 = tpu.memref_slice %arg4[%dma_wait3A_1141, %dma_wait3A_1142, %dma_wait3A_1143, %dma_wait3A_1148] : memref<65x8x8x128xi32, #tpu.memory_space<hbm>> -> memref<1x1x1x128xi32, #tpu.memory_space<hbm>>
      %dma_wait3A_1150 = tpu.memref_squeeze %dma_wait3A_1149 : memref<1x1x1x128xi32, #tpu.memory_space<hbm>> -> memref<128xi32, #tpu.memory_space<hbm>>
      %dma_wait3A_1151 = arith.constant 0 : i32
      %dma_wait3A_1152 = tpu.memref_slice %arg11[%dma_wait3A_1144, %dma_wait3A_1151] : memref<2x1024xi32, #tpu.memory_space<vmem>> -> memref<1x128xi32, #tpu.memory_space<vmem>>
      %dma_wait3A_1153 = tpu.memref_squeeze %dma_wait3A_1152 : memref<1x128xi32, #tpu.memory_space<vmem>> -> memref<128xi32, #tpu.memory_space<vmem>>
      %dma_wait3A_1154 = arith.constant 0 : i32
      %dma_wait3A_1155 = tpu.memref_slice %arg4[%dma_wait3A_1141, %dma_wait3A_1142, %dma_wait3A_1143, %dma_wait3A_1154] : memref<65x8x8x128xi32, #tpu.memory_space<hbm>> -> memref<1x1x1x128xi32, #tpu.memory_space<hbm>>
      %dma_wait3A_1156 = tpu.memref_squeeze %dma_wait3A_1155 : memref<1x1x1x128xi32, #tpu.memory_space<hbm>> -> memref<128xi32, #tpu.memory_space<hbm>>
      tpu.wait_dma2 semaphore(%arg15 : memref<!tpu.dma_semaphore, #tpu.memory_space<semaphore_mem>>) src(%dma_wait3A_1156 : memref<128xi32, #tpu.memory_space<hbm>>) dst(%dma_wait3A_1153 : memref<128xi32, #tpu.memory_space<vmem>>)
      %dma_wait3A_1157 = arith.constant 0 : i32
      %dma_wait3A_1158 = arith.constant 0 : i32
      %dma_wait3A_1159 = arith.constant 0 : i32
      %dma_wait3A_1160 = arith.constant 1 : i32
      %dma_wait3A_1161 = arith.constant 0 : i32
      %dma_wait3A_1162 = tpu.memref_slice %arg10[%dma_wait3A_1160, %dma_wait3A_1161] : memref<2x1024xi32, #tpu.memory_space<vmem>> -> memref<1x128xi32, #tpu.memory_space<vmem>>
      %dma_wait3A_1163 = tpu.memref_squeeze %dma_wait3A_1162 : memref<1x128xi32, #tpu.memory_space<vmem>> -> memref<128xi32, #tpu.memory_space<vmem>>
      %dma_wait3A_1164 = arith.constant 0 : i32
      %dma_wait3A_1165 = tpu.memref_slice %arg3[%dma_wait3A_1157, %dma_wait3A_1158, %dma_wait3A_1159, %dma_wait3A_1164] : memref<65x8x8x128xi32, #tpu.memory_space<hbm>> -> memref<1x1x1x128xi32, #tpu.memory_space<hbm>>
      %dma_wait3A_1166 = tpu.memref_squeeze %dma_wait3A_1165 : memref<1x1x1x128xi32, #tpu.memory_space<hbm>> -> memref<128xi32, #tpu.memory_space<hbm>>
      %dma_wait3A_1167 = arith.constant 0 : i32
      %dma_wait3A_1168 = tpu.memref_slice %arg10[%dma_wait3A_1160, %dma_wait3A_1167] : memref<2x1024xi32, #tpu.memory_space<vmem>> -> memref<1x128xi32, #tpu.memory_space<vmem>>
      %dma_wait3A_1169 = tpu.memref_squeeze %dma_wait3A_1168 : memref<1x128xi32, #tpu.memory_space<vmem>> -> memref<128xi32, #tpu.memory_space<vmem>>
      %dma_wait3A_1170 = arith.constant 0 : i32
      %dma_wait3A_1171 = tpu.memref_slice %arg3[%dma_wait3A_1157, %dma_wait3A_1158, %dma_wait3A_1159, %dma_wait3A_1170] : memref<65x8x8x128xi32, #tpu.memory_space<hbm>> -> memref<1x1x1x128xi32, #tpu.memory_space<hbm>>
      %dma_wait3A_1172 = tpu.memref_squeeze %dma_wait3A_1171 : memref<1x1x1x128xi32, #tpu.memory_space<hbm>> -> memref<128xi32, #tpu.memory_space<hbm>>
      tpu.wait_dma2 semaphore(%arg15 : memref<!tpu.dma_semaphore, #tpu.memory_space<semaphore_mem>>) src(%dma_wait3A_1172 : memref<128xi32, #tpu.memory_space<hbm>>) dst(%dma_wait3A_1169 : memref<128xi32, #tpu.memory_space<vmem>>)
      %dma_wait3A_1173 = arith.constant 0 : i32
      %dma_wait3A_1174 = arith.constant 0 : i32
      %dma_wait3A_1175 = arith.constant 0 : i32
      %dma_wait3A_1176 = arith.constant 1 : i32
      %dma_wait3A_1177 = arith.constant 0 : i32
      %dma_wait3A_1178 = tpu.memref_slice %arg11[%dma_wait3A_1176, %dma_wait3A_1177] : memref<2x1024xi32, #tpu.memory_space<vmem>> -> memref<1x128xi32, #tpu.memory_space<vmem>>
      %dma_wait3A_1179 = tpu.memref_squeeze %dma_wait3A_1178 : memref<1x128xi32, #tpu.memory_space<vmem>> -> memref<128xi32, #tpu.memory_space<vmem>>
      %dma_wait3A_1180 = arith.constant 0 : i32
      %dma_wait3A_1181 = tpu.memref_slice %arg4[%dma_wait3A_1173, %dma_wait3A_1174, %dma_wait3A_1175, %dma_wait3A_1180] : memref<65x8x8x128xi32, #tpu.memory_space<hbm>> -> memref<1x1x1x128xi32, #tpu.memory_space<hbm>>
      %dma_wait3A_1182 = tpu.memref_squeeze %dma_wait3A_1181 : memref<1x1x1x128xi32, #tpu.memory_space<hbm>> -> memref<128xi32, #tpu.memory_space<hbm>>
      %dma_wait3A_1183 = arith.constant 0 : i32
      %dma_wait3A_1184 = tpu.memref_slice %arg11[%dma_wait3A_1176, %dma_wait3A_1183] : memref<2x1024xi32, #tpu.memory_space<vmem>> -> memref<1x128xi32, #tpu.memory_space<vmem>>
      %dma_wait3A_1185 = tpu.memref_squeeze %dma_wait3A_1184 : memref<1x128xi32, #tpu.memory_space<vmem>> -> memref<128xi32, #tpu.memory_space<vmem>>
      %dma_wait3A_1186 = arith.constant 0 : i32
      %dma_wait3A_1187 = tpu.memref_slice %arg4[%dma_wait3A_1173, %dma_wait3A_1174, %dma_wait3A_1175, %dma_wait3A_1186] : memref<65x8x8x128xi32, #tpu.memory_space<hbm>> -> memref<1x1x1x128xi32, #tpu.memory_space<hbm>>
      %dma_wait3A_1188 = tpu.memref_squeeze %dma_wait3A_1187 : memref<1x1x1x128xi32, #tpu.memory_space<hbm>> -> memref<128xi32, #tpu.memory_space<hbm>>
      tpu.wait_dma2 semaphore(%arg15 : memref<!tpu.dma_semaphore, #tpu.memory_space<semaphore_mem>>) src(%dma_wait3A_1188 : memref<128xi32, #tpu.memory_space<hbm>>) dst(%dma_wait3A_1185 : memref<128xi32, #tpu.memory_space<vmem>>)
      %dma_wait3A_1189 = arith.constant 0 : i32
      %dma_wait3A_1190 = arith.constant 0 : i32
      %dma_wait3A_1191 = arith.constant 0 : i32
      %dma_wait3A_1192 = arith.constant 1 : i32
      %dma_wait3A_1193 = arith.constant 0 : i32
      %dma_wait3A_1194 = tpu.memref_slice %arg10[%dma_wait3A_1192, %dma_wait3A_1193] : memref<2x1024xi32, #tpu.memory_space<vmem>> -> memref<1x128xi32, #tpu.memory_space<vmem>>
      %dma_wait3A_1195 = tpu.memref_squeeze %dma_wait3A_1194 : memref<1x128xi32, #tpu.memory_space<vmem>> -> memref<128xi32, #tpu.memory_space<vmem>>
      %dma_wait3A_1196 = arith.constant 0 : i32
      %dma_wait3A_1197 = tpu.memref_slice %arg3[%dma_wait3A_1189, %dma_wait3A_1190, %dma_wait3A_1191, %dma_wait3A_1196] : memref<65x8x8x128xi32, #tpu.memory_space<hbm>> -> memref<1x1x1x128xi32, #tpu.memory_space<hbm>>
      %dma_wait3A_1198 = tpu.memref_squeeze %dma_wait3A_1197 : memref<1x1x1x128xi32, #tpu.memory_space<hbm>> -> memref<128xi32, #tpu.memory_space<hbm>>
      %dma_wait3A_1199 = arith.constant 0 : i32
      %dma_wait3A_1200 = tpu.memref_slice %arg10[%dma_wait3A_1192, %dma_wait3A_1199] : memref<2x1024xi32, #tpu.memory_space<vmem>> -> memref<1x128xi32, #tpu.memory_space<vmem>>
      %dma_wait3A_1201 = tpu.memref_squeeze %dma_wait3A_1200 : memref<1x128xi32, #tpu.memory_space<vmem>> -> memref<128xi32, #tpu.memory_space<vmem>>
      %dma_wait3A_1202 = arith.constant 0 : i32
      %dma_wait3A_1203 = tpu.memref_slice %arg3[%dma_wait3A_1189, %dma_wait3A_1190, %dma_wait3A_1191, %dma_wait3A_1202] : memref<65x8x8x128xi32, #tpu.memory_space<hbm>> -> memref<1x1x1x128xi32, #tpu.memory_space<hbm>>
      %dma_wait3A_1204 = tpu.memref_squeeze %dma_wait3A_1203 : memref<1x1x1x128xi32, #tpu.memory_space<hbm>> -> memref<128xi32, #tpu.memory_space<hbm>>
      tpu.wait_dma2 semaphore(%arg15 : memref<!tpu.dma_semaphore, #tpu.memory_space<semaphore_mem>>) src(%dma_wait3A_1204 : memref<128xi32, #tpu.memory_space<hbm>>) dst(%dma_wait3A_1201 : memref<128xi32, #tpu.memory_space<vmem>>)
      %dma_wait3A_1205 = arith.constant 0 : i32
      %dma_wait3A_1206 = arith.constant 0 : i32
      %dma_wait3A_1207 = arith.constant 0 : i32
      %dma_wait3A_1208 = arith.constant 1 : i32
      %dma_wait3A_1209 = arith.constant 0 : i32
      %dma_wait3A_1210 = tpu.memref_slice %arg11[%dma_wait3A_1208, %dma_wait3A_1209] : memref<2x1024xi32, #tpu.memory_space<vmem>> -> memref<1x128xi32, #tpu.memory_space<vmem>>
      %dma_wait3A_1211 = tpu.memref_squeeze %dma_wait3A_1210 : memref<1x128xi32, #tpu.memory_space<vmem>> -> memref<128xi32, #tpu.memory_space<vmem>>
      %dma_wait3A_1212 = arith.constant 0 : i32
      %dma_wait3A_1213 = tpu.memref_slice %arg4[%dma_wait3A_1205, %dma_wait3A_1206, %dma_wait3A_1207, %dma_wait3A_1212] : memref<65x8x8x128xi32, #tpu.memory_space<hbm>> -> memref<1x1x1x128xi32, #tpu.memory_space<hbm>>
      %dma_wait3A_1214 = tpu.memref_squeeze %dma_wait3A_1213 : memref<1x1x1x128xi32, #tpu.memory_space<hbm>> -> memref<128xi32, #tpu.memory_space<hbm>>
      %dma_wait3A_1215 = arith.constant 0 : i32
      %dma_wait3A_1216 = tpu.memref_slice %arg11[%dma_wait3A_1208, %dma_wait3A_1215] : memref<2x1024xi32, #tpu.memory_space<vmem>> -> memref<1x128xi32, #tpu.memory_space<vmem>>
      %dma_wait3A_1217 = tpu.memref_squeeze %dma_wait3A_1216 : memref<1x128xi32, #tpu.memory_space<vmem>> -> memref<128xi32, #tpu.memory_space<vmem>>
      %dma_wait3A_1218 = arith.constant 0 : i32
      %dma_wait3A_1219 = tpu.memref_slice %arg4[%dma_wait3A_1205, %dma_wait3A_1206, %dma_wait3A_1207, %dma_wait3A_1218] : memref<65x8x8x128xi32, #tpu.memory_space<hbm>> -> memref<1x1x1x128xi32, #tpu.memory_space<hbm>>
      %dma_wait3A_1220 = tpu.memref_squeeze %dma_wait3A_1219 : memref<1x1x1x128xi32, #tpu.memory_space<hbm>> -> memref<128xi32, #tpu.memory_space<hbm>>
      tpu.wait_dma2 semaphore(%arg15 : memref<!tpu.dma_semaphore, #tpu.memory_space<semaphore_mem>>) src(%dma_wait3A_1220 : memref<128xi32, #tpu.memory_space<hbm>>) dst(%dma_wait3A_1217 : memref<128xi32, #tpu.memory_space<vmem>>)
      %scan3A_1221 = arith.constant 0 : i32
      %scan3A_1222 = arith.constant 0 : i32
      %scan3A_1223 = arith.constant 64 : i32
      %scan3A_1224 = arith.addi %scan3A_1222, %scan3A_1223 : i32
      %scan3A_1225 = arith.constant 1 : i32
      scf.for %scan3A_1270 = %scan3A_1222 to %scan3A_1224 step %scan3A_1225  : i32 {
        %mul3A_1271 = arith.constant 16 : i32
        %mul3A_1272 = arith.muli %scan3A_1270, %mul3A_1271 : i32
        %get3A = arith.constant 1 : i32
        %get3A_1273 = arith.index_cast %get3A : i32 to index
        %get3A_1274 = arith.index_cast %mul3A_1272 : i32 to index
        %get3A_1275 = tpu.vector_load %arg10[%get3A_1273, %get3A_1274] {strides = array<i32>} : memref<2x1024xi32, #tpu.memory_space<vmem>>, vector<16xi32>,
        %get3A_1276 = arith.constant 1 : i32
        %get3A_1277 = arith.index_cast %get3A_1276 : i32 to index
        %get3A_1278 = arith.index_cast %mul3A_1272 : i32 to index
        %get3A_1279 = tpu.vector_load %arg11[%get3A_1277, %get3A_1278] {strides = array<i32>} : memref<2x1024xi32, #tpu.memory_space<vmem>>, vector<16xi32>,
        %jit3A_1280 = arith.constant 8 : i32
        %div3A_1281 = arith.divsi %scan3A_1270, %jit3A_1280 : i32
        %sign3A_1282 = arith.constant 0 : i32
        %sign3A_1283 = arith.cmpi sgt, %scan3A_1270, %sign3A_1282 : i32
        %sign3A_1284 = arith.extui %sign3A_1283 : i1 to i32
        %sign3A_1285 = arith.constant 0 : i32
        %sign3A_1286 = arith.cmpi slt, %scan3A_1270, %sign3A_1285 : i32
        %sign3A_1287 = arith.extui %sign3A_1286 : i1 to i32
        %sign3A_1288 = arith.subi %sign3A_1284, %sign3A_1287 : i32
        %sign3A_1289 = arith.constant 0 : i32
        %sign3A_1290 = arith.cmpi sgt, %jit3A_1280, %sign3A_1289 : i32
        %sign3A_1291 = arith.extui %sign3A_1290 : i1 to i32
        %sign3A_1292 = arith.constant 0 : i32
        %sign3A_1293 = arith.cmpi slt, %jit3A_1280, %sign3A_1292 : i32
        %sign3A_1294 = arith.extui %sign3A_1293 : i1 to i32
        %sign3A_1295 = arith.subi %sign3A_1291, %sign3A_1294 : i32
        %ne3A_1296 = arith.cmpi ne, %sign3A_1288, %sign3A_1295 : i32
        %rem3A_1297 = arith.remsi %scan3A_1270, %jit3A_1280 : i32
        %ne3A_1298 = arith.constant 0 : i32
        %ne3A_1299 = arith.cmpi ne, %rem3A_1297, %ne3A_1298 : i32
        %and3A_1300 = arith.andi %ne3A_1296, %ne3A_1299 : i1
        %sub3A_1301 = arith.constant 1 : i32
        %sub3A_1302 = arith.subi %div3A_1281, %sub3A_1301 : i32
        %select_n3A_1303 = arith.select %and3A_1300, %sub3A_1302, %div3A_1281 : i32
        %mul3A_1304 = arith.constant 1024 : i32
        %mul3A_1305 = arith.muli %select_n3A_1303, %mul3A_1304 : i32
        %jit3A_1306 = arith.constant 8 : i32
        %eq3A_1307 = arith.constant 0 : i32
        %eq3A_1308 = arith.cmpi eq, %jit3A_1306, %eq3A_1307 : i32
        %jit3A_1309 = arith.constant 1 : i32
        %select_n3A_1310 = arith.select %eq3A_1308, %jit3A_1309, %jit3A_1306 : i32
        %rem3A_1311 = arith.remsi %scan3A_1270, %select_n3A_1310 : i32
        %ne3A_1312 = arith.constant 0 : i32
        %ne3A_1313 = arith.cmpi ne, %rem3A_1311, %ne3A_1312 : i32
        %lt3A_1314 = arith.constant 0 : i32
        %lt3A_1315 = arith.cmpi slt, %rem3A_1311, %lt3A_1314 : i32
        %lt3A_1316 = arith.constant 0 : i32
        %lt3A_1317 = arith.cmpi slt, %select_n3A_1310, %lt3A_1316 : i32
        %ne3A_1318 = arith.xori %lt3A_1315, %lt3A_1317 : i1
        %and3A_1319 = arith.andi %ne3A_1318, %ne3A_1313 : i1
        %add3A_1320 = arith.addi %rem3A_1311, %select_n3A_1310 : i32
        %select_n3A_1321 = arith.select %and3A_1319, %add3A_1320, %rem3A_1311 : i32
        %mul3A_1322 = arith.constant 16 : i32
        %mul3A_1323 = arith.muli %select_n3A_1321, %mul3A_1322 : i32
        %add3A_1324 = arith.addi %mul3A_1305, %mul3A_1323 : i32
        %add3A_1325 = arith.constant 0 : i32
        %add3A_1326 = vector.broadcast %add3A_1325 : i32 to vector<16xi32>
        %add3A_1327 = arith.addi %get3A_1275, %add3A_1326 : vector<16xi32>
        %gather3A = tpu.vector_load_idx %arg12[%add3A_1327] : memref<1024xf32, #tpu.memory_space<vmem>>[vector<16xi32>], vector<16xf32>,
        %add3A_1328 = arith.constant 0 : i32
        %add3A_1329 = arith.addi %add3A_1324, %add3A_1328 : i32
        %swap3A = arith.constant 4 : i32
        %swap3A_1330 = arith.index_cast %swap3A : i32 to index
        %swap3A_1331 = arith.index_cast %add3A_1329 : i32 to index
        %swap3A_1332 = tpu.vector_load %arg9[%swap3A_1330, %swap3A_1331] {strides = array<i32>} : memref<14x8192xf32, #tpu.memory_space<vmem>>, vector<16xf32>,
        tpu.vector_store %arg9[%swap3A_1330, %swap3A_1331], %gather3A {strides = array<i32>} : memref<14x8192xf32, #tpu.memory_space<vmem>>, vector<16xf32>,
        %add3A_1333 = arith.constant 32 : i32
        %add3A_1334 = vector.broadcast %add3A_1333 : i32 to vector<16xi32>
        %add3A_1335 = arith.addi %get3A_1275, %add3A_1334 : vector<16xi32>
        %gather3A_1336 = tpu.vector_load_idx %arg12[%add3A_1335] : memref<1024xf32, #tpu.memory_space<vmem>>[vector<16xi32>], vector<16xf32>,
        %add3A_1337 = arith.constant 128 : i32
        %add3A_1338 = arith.addi %add3A_1324, %add3A_1337 : i32
        %swap3A_1339 = arith.constant 4 : i32
        %swap3A_1340 = arith.index_cast %swap3A_1339 : i32 to index
        %swap3A_1341 = arith.index_cast %add3A_1338 : i32 to index
        %swap3A_1342 = tpu.vector_load %arg9[%swap3A_1340, %swap3A_1341] {strides = array<i32>} : memref<14x8192xf32, #tpu.memory_space<vmem>>, vector<16xf32>,
        tpu.vector_store %arg9[%swap3A_1340, %swap3A_1341], %gather3A_1336 {strides = array<i32>} : memref<14x8192xf32, #tpu.memory_space<vmem>>, vector<16xf32>,
        %add3A_1343 = arith.constant 64 : i32
        %add3A_1344 = vector.broadcast %add3A_1343 : i32 to vector<16xi32>
        %add3A_1345 = arith.addi %get3A_1275, %add3A_1344 : vector<16xi32>
        %gather3A_1346 = tpu.vector_load_idx %arg12[%add3A_1345] : memref<1024xf32, #tpu.memory_space<vmem>>[vector<16xi32>], vector<16xf32>,
        %add3A_1347 = arith.constant 256 : i32
        %add3A_1348 = arith.addi %add3A_1324, %add3A_1347 : i32
        %swap3A_1349 = arith.constant 4 : i32
        %swap3A_1350 = arith.index_cast %swap3A_1349 : i32 to index
        %swap3A_1351 = arith.index_cast %add3A_1348 : i32 to index
        %swap3A_1352 = tpu.vector_load %arg9[%swap3A_1350, %swap3A_1351] {strides = array<i32>} : memref<14x8192xf32, #tpu.memory_space<vmem>>, vector<16xf32>,
        tpu.vector_store %arg9[%swap3A_1350, %swap3A_1351], %gather3A_1346 {strides = array<i32>} : memref<14x8192xf32, #tpu.memory_space<vmem>>, vector<16xf32>,
        %add3A_1353 = arith.constant 96 : i32
        %add3A_1354 = vector.broadcast %add3A_1353 : i32 to vector<16xi32>
        %add3A_1355 = arith.addi %get3A_1275, %add3A_1354 : vector<16xi32>
        %gather3A_1356 = tpu.vector_load_idx %arg12[%add3A_1355] : memref<1024xf32, #tpu.memory_space<vmem>>[vector<16xi32>], vector<16xf32>,
        %add3A_1357 = arith.constant 384 : i32
        %add3A_1358 = arith.addi %add3A_1324, %add3A_1357 : i32
        %swap3A_1359 = arith.constant 4 : i32
        %swap3A_1360 = arith.index_cast %swap3A_1359 : i32 to index
        %swap3A_1361 = arith.index_cast %add3A_1358 : i32 to index
        %swap3A_1362 = tpu.vector_load %arg9[%swap3A_1360, %swap3A_1361] {strides = array<i32>} : memref<14x8192xf32, #tpu.memory_space<vmem>>, vector<16xf32>,
        tpu.vector_store %arg9[%swap3A_1360, %swap3A_1361], %gather3A_1356 {strides = array<i32>} : memref<14x8192xf32, #tpu.memory_space<vmem>>, vector<16xf32>,
        %add3A_1363 = arith.constant 128 : i32
        %add3A_1364 = vector.broadcast %add3A_1363 : i32 to vector<16xi32>
        %add3A_1365 = arith.addi %get3A_1275, %add3A_1364 : vector<16xi32>
        %gather3A_1366 = tpu.vector_load_idx %arg12[%add3A_1365] : memref<1024xf32, #tpu.memory_space<vmem>>[vector<16xi32>], vector<16xf32>,
        %add3A_1367 = arith.constant 512 : i32
        %add3A_1368 = arith.addi %add3A_1324, %add3A_1367 : i32
        %swap3A_1369 = arith.constant 4 : i32
        %swap3A_1370 = arith.index_cast %swap3A_1369 : i32 to index
        %swap3A_1371 = arith.index_cast %add3A_1368 : i32 to index
        %swap3A_1372 = tpu.vector_load %arg9[%swap3A_1370, %swap3A_1371] {strides = array<i32>} : memref<14x8192xf32, #tpu.memory_space<vmem>>, vector<16xf32>,
        tpu.vector_store %arg9[%swap3A_1370, %swap3A_1371], %gather3A_1366 {strides = array<i32>} : memref<14x8192xf32, #tpu.memory_space<vmem>>, vector<16xf32>,
        %add3A_1373 = arith.constant 160 : i32
        %add3A_1374 = vector.broadcast %add3A_1373 : i32 to vector<16xi32>
        %add3A_1375 = arith.addi %get3A_1275, %add3A_1374 : vector<16xi32>
        %gather3A_1376 = tpu.vector_load_idx %arg12[%add3A_1375] : memref<1024xf32, #tpu.memory_space<vmem>>[vector<16xi32>], vector<16xf32>,
        %add3A_1377 = arith.constant 640 : i32
        %add3A_1378 = arith.addi %add3A_1324, %add3A_1377 : i32
        %swap3A_1379 = arith.constant 4 : i32
        %swap3A_1380 = arith.index_cast %swap3A_1379 : i32 to index
        %swap3A_1381 = arith.index_cast %add3A_1378 : i32 to index
        %swap3A_1382 = tpu.vector_load %arg9[%swap3A_1380, %swap3A_1381] {strides = array<i32>} : memref<14x8192xf32, #tpu.memory_space<vmem>>, vector<16xf32>,
        tpu.vector_store %arg9[%swap3A_1380, %swap3A_1381], %gather3A_1376 {strides = array<i32>} : memref<14x8192xf32, #tpu.memory_space<vmem>>, vector<16xf32>,
        %add3A_1383 = arith.constant 192 : i32
        %add3A_1384 = vector.broadcast %add3A_1383 : i32 to vector<16xi32>
        %add3A_1385 = arith.addi %get3A_1275, %add3A_1384 : vector<16xi32>
        %gather3A_1386 = tpu.vector_load_idx %arg12[%add3A_1385] : memref<1024xf32, #tpu.memory_space<vmem>>[vector<16xi32>], vector<16xf32>,
        %add3A_1387 = arith.constant 768 : i32
        %add3A_1388 = arith.addi %add3A_1324, %add3A_1387 : i32
        %swap3A_1389 = arith.constant 4 : i32
        %swap3A_1390 = arith.index_cast %swap3A_1389 : i32 to index
        %swap3A_1391 = arith.index_cast %add3A_1388 : i32 to index
        %swap3A_1392 = tpu.vector_load %arg9[%swap3A_1390, %swap3A_1391] {strides = array<i32>} : memref<14x8192xf32, #tpu.memory_space<vmem>>, vector<16xf32>,
        tpu.vector_store %arg9[%swap3A_1390, %swap3A_1391], %gather3A_1386 {strides = array<i32>} : memref<14x8192xf32, #tpu.memory_space<vmem>>, vector<16xf32>,
        %add3A_1393 = arith.constant 224 : i32
        %add3A_1394 = vector.broadcast %add3A_1393 : i32 to vector<16xi32>
        %add3A_1395 = arith.addi %get3A_1275, %add3A_1394 : vector<16xi32>
        %gather3A_1396 = tpu.vector_load_idx %arg12[%add3A_1395] : memref<1024xf32, #tpu.memory_space<vmem>>[vector<16xi32>], vector<16xf32>,
        %add3A_1397 = arith.constant 896 : i32
        %add3A_1398 = arith.addi %add3A_1324, %add3A_1397 : i32
        %swap3A_1399 = arith.constant 4 : i32
        %swap3A_1400 = arith.index_cast %swap3A_1399 : i32 to index
        %swap3A_1401 = arith.index_cast %add3A_1398 : i32 to index
        %swap3A_1402 = tpu.vector_load %arg9[%swap3A_1400, %swap3A_1401] {strides = array<i32>} : memref<14x8192xf32, #tpu.memory_space<vmem>>, vector<16xf32>,
        tpu.vector_store %arg9[%swap3A_1400, %swap3A_1401], %gather3A_1396 {strides = array<i32>} : memref<14x8192xf32, #tpu.memory_space<vmem>>, vector<16xf32>,
        %add3A_1403 = arith.constant 256 : i32
        %add3A_1404 = vector.broadcast %add3A_1403 : i32 to vector<16xi32>
        %add3A_1405 = arith.addi %get3A_1275, %add3A_1404 : vector<16xi32>
        %gather3A_1406 = tpu.vector_load_idx %arg12[%add3A_1405] : memref<1024xf32, #tpu.memory_space<vmem>>[vector<16xi32>], vector<16xf32>,
        %add3A_1407 = arith.constant 0 : i32
        %add3A_1408 = arith.addi %add3A_1324, %add3A_1407 : i32
        %swap3A_1409 = arith.constant 5 : i32
        %swap3A_1410 = arith.index_cast %swap3A_1409 : i32 to index
        %swap3A_1411 = arith.index_cast %add3A_1408 : i32 to index
        %swap3A_1412 = tpu.vector_load %arg9[%swap3A_1410, %swap3A_1411] {strides = array<i32>} : memref<14x8192xf32, #tpu.memory_space<vmem>>, vector<16xf32>,
        tpu.vector_store %arg9[%swap3A_1410, %swap3A_1411], %gather3A_1406 {strides = array<i32>} : memref<14x8192xf32, #tpu.memory_space<vmem>>, vector<16xf32>,
        %add3A_1413 = arith.constant 288 : i32
        %add3A_1414 = vector.broadcast %add3A_1413 : i32 to vector<16xi32>
        %add3A_1415 = arith.addi %get3A_1275, %add3A_1414 : vector<16xi32>
        %gather3A_1416 = tpu.vector_load_idx %arg12[%add3A_1415] : memref<1024xf32, #tpu.memory_space<vmem>>[vector<16xi32>], vector<16xf32>,
        %add3A_1417 = arith.constant 128 : i32
        %add3A_1418 = arith.addi %add3A_1324, %add3A_1417 : i32
        %swap3A_1419 = arith.constant 5 : i32
        %swap3A_1420 = arith.index_cast %swap3A_1419 : i32 to index
        %swap3A_1421 = arith.index_cast %add3A_1418 : i32 to index
        %swap3A_1422 = tpu.vector_load %arg9[%swap3A_1420, %swap3A_1421] {strides = array<i32>} : memref<14x8192xf32, #tpu.memory_space<vmem>>, vector<16xf32>,
        tpu.vector_store %arg9[%swap3A_1420, %swap3A_1421], %gather3A_1416 {strides = array<i32>} : memref<14x8192xf32, #tpu.memory_space<vmem>>, vector<16xf32>,
        %add3A_1423 = arith.constant 320 : i32
        %add3A_1424 = vector.broadcast %add3A_1423 : i32 to vector<16xi32>
        %add3A_1425 = arith.addi %get3A_1275, %add3A_1424 : vector<16xi32>
        %gather3A_1426 = tpu.vector_load_idx %arg12[%add3A_1425] : memref<1024xf32, #tpu.memory_space<vmem>>[vector<16xi32>], vector<16xf32>,
        %add3A_1427 = arith.constant 256 : i32
        %add3A_1428 = arith.addi %add3A_1324, %add3A_1427 : i32
        %swap3A_1429 = arith.constant 5 : i32
        %swap3A_1430 = arith.index_cast %swap3A_1429 : i32 to index
        %swap3A_1431 = arith.index_cast %add3A_1428 : i32 to index
        %swap3A_1432 = tpu.vector_load %arg9[%swap3A_1430, %swap3A_1431] {strides = array<i32>} : memref<14x8192xf32, #tpu.memory_space<vmem>>, vector<16xf32>,
        tpu.vector_store %arg9[%swap3A_1430, %swap3A_1431], %gather3A_1426 {strides = array<i32>} : memref<14x8192xf32, #tpu.memory_space<vmem>>, vector<16xf32>,
        %add3A_1433 = arith.constant 352 : i32
        %add3A_1434 = vector.broadcast %add3A_1433 : i32 to vector<16xi32>
        %add3A_1435 = arith.addi %get3A_1275, %add3A_1434 : vector<16xi32>
        %gather3A_1436 = tpu.vector_load_idx %arg12[%add3A_1435] : memref<1024xf32, #tpu.memory_space<vmem>>[vector<16xi32>], vector<16xf32>,
        %add3A_1437 = arith.constant 384 : i32
        %add3A_1438 = arith.addi %add3A_1324, %add3A_1437 : i32
        %swap3A_1439 = arith.constant 5 : i32
        %swap3A_1440 = arith.index_cast %swap3A_1439 : i32 to index
        %swap3A_1441 = arith.index_cast %add3A_1438 : i32 to index
        %swap3A_1442 = tpu.vector_load %arg9[%swap3A_1440, %swap3A_1441] {strides = array<i32>} : memref<14x8192xf32, #tpu.memory_space<vmem>>, vector<16xf32>,
        tpu.vector_store %arg9[%swap3A_1440, %swap3A_1441], %gather3A_1436 {strides = array<i32>} : memref<14x8192xf32, #tpu.memory_space<vmem>>, vector<16xf32>,
        %add3A_1443 = arith.constant 384 : i32
        %add3A_1444 = vector.broadcast %add3A_1443 : i32 to vector<16xi32>
        %add3A_1445 = arith.addi %get3A_1275, %add3A_1444 : vector<16xi32>
        %gather3A_1446 = tpu.vector_load_idx %arg12[%add3A_1445] : memref<1024xf32, #tpu.memory_space<vmem>>[vector<16xi32>], vector<16xf32>,
        %add3A_1447 = arith.constant 512 : i32
        %add3A_1448 = arith.addi %add3A_1324, %add3A_1447 : i32
        %swap3A_1449 = arith.constant 5 : i32
        %swap3A_1450 = arith.index_cast %swap3A_1449 : i32 to index
        %swap3A_1451 = arith.index_cast %add3A_1448 : i32 to index
        %swap3A_1452 = tpu.vector_load %arg9[%swap3A_1450, %swap3A_1451] {strides = array<i32>} : memref<14x8192xf32, #tpu.memory_space<vmem>>, vector<16xf32>,
        tpu.vector_store %arg9[%swap3A_1450, %swap3A_1451], %gather3A_1446 {strides = array<i32>} : memref<14x8192xf32, #tpu.memory_space<vmem>>, vector<16xf32>,
        %add3A_1453 = arith.constant 416 : i32
        %add3A_1454 = vector.broadcast %add3A_1453 : i32 to vector<16xi32>
        %add3A_1455 = arith.addi %get3A_1275, %add3A_1454 : vector<16xi32>
        %gather3A_1456 = tpu.vector_load_idx %arg12[%add3A_1455] : memref<1024xf32, #tpu.memory_space<vmem>>[vector<16xi32>], vector<16xf32>,
        %add3A_1457 = arith.constant 640 : i32
        %add3A_1458 = arith.addi %add3A_1324, %add3A_1457 : i32
        %swap3A_1459 = arith.constant 5 : i32
        %swap3A_1460 = arith.index_cast %swap3A_1459 : i32 to index
        %swap3A_1461 = arith.index_cast %add3A_1458 : i32 to index
        %swap3A_1462 = tpu.vector_load %arg9[%swap3A_1460, %swap3A_1461] {strides = array<i32>} : memref<14x8192xf32, #tpu.memory_space<vmem>>, vector<16xf32>,
        tpu.vector_store %arg9[%swap3A_1460, %swap3A_1461], %gather3A_1456 {strides = array<i32>} : memref<14x8192xf32, #tpu.memory_space<vmem>>, vector<16xf32>,
        %add3A_1463 = arith.constant 448 : i32
        %add3A_1464 = vector.broadcast %add3A_1463 : i32 to vector<16xi32>
        %add3A_1465 = arith.addi %get3A_1275, %add3A_1464 : vector<16xi32>
        %gather3A_1466 = tpu.vector_load_idx %arg12[%add3A_1465] : memref<1024xf32, #tpu.memory_space<vmem>>[vector<16xi32>], vector<16xf32>,
        %add3A_1467 = arith.constant 768 : i32
        %add3A_1468 = arith.addi %add3A_1324, %add3A_1467 : i32
        %swap3A_1469 = arith.constant 5 : i32
        %swap3A_1470 = arith.index_cast %swap3A_1469 : i32 to index
        %swap3A_1471 = arith.index_cast %add3A_1468 : i32 to index
        %swap3A_1472 = tpu.vector_load %arg9[%swap3A_1470, %swap3A_1471] {strides = array<i32>} : memref<14x8192xf32, #tpu.memory_space<vmem>>, vector<16xf32>,
        tpu.vector_store %arg9[%swap3A_1470, %swap3A_1471], %gather3A_1466 {strides = array<i32>} : memref<14x8192xf32, #tpu.memory_space<vmem>>, vector<16xf32>,
        %add3A_1473 = arith.constant 480 : i32
        %add3A_1474 = vector.broadcast %add3A_1473 : i32 to vector<16xi32>
        %add3A_1475 = arith.addi %get3A_1275, %add3A_1474 : vector<16xi32>
        %gather3A_1476 = tpu.vector_load_idx %arg12[%add3A_1475] : memref<1024xf32, #tpu.memory_space<vmem>>[vector<16xi32>], vector<16xf32>,
        %add3A_1477 = arith.constant 896 : i32
        %add3A_1478 = arith.addi %add3A_1324, %add3A_1477 : i32
        %swap3A_1479 = arith.constant 5 : i32
        %swap3A_1480 = arith.index_cast %swap3A_1479 : i32 to index
        %swap3A_1481 = arith.index_cast %add3A_1478 : i32 to index
        %swap3A_1482 = tpu.vector_load %arg9[%swap3A_1480, %swap3A_1481] {strides = array<i32>} : memref<14x8192xf32, #tpu.memory_space<vmem>>, vector<16xf32>,
        tpu.vector_store %arg9[%swap3A_1480, %swap3A_1481], %gather3A_1476 {strides = array<i32>} : memref<14x8192xf32, #tpu.memory_space<vmem>>, vector<16xf32>,
        %add3A_1483 = arith.constant 512 : i32
        %add3A_1484 = vector.broadcast %add3A_1483 : i32 to vector<16xi32>
        %add3A_1485 = arith.addi %get3A_1275, %add3A_1484 : vector<16xi32>
        %gather3A_1486 = tpu.vector_load_idx %arg12[%add3A_1485] : memref<1024xf32, #tpu.memory_space<vmem>>[vector<16xi32>], vector<16xf32>,
        %add3A_1487 = arith.constant 0 : i32
        %add3A_1488 = arith.addi %add3A_1324, %add3A_1487 : i32
        %swap3A_1489 = arith.constant 6 : i32
        %swap3A_1490 = arith.index_cast %swap3A_1489 : i32 to index
        %swap3A_1491 = arith.index_cast %add3A_1488 : i32 to index
        %swap3A_1492 = tpu.vector_load %arg9[%swap3A_1490, %swap3A_1491] {strides = array<i32>} : memref<14x8192xf32, #tpu.memory_space<vmem>>, vector<16xf32>,
        tpu.vector_store %arg9[%swap3A_1490, %swap3A_1491], %gather3A_1486 {strides = array<i32>} : memref<14x8192xf32, #tpu.memory_space<vmem>>, vector<16xf32>,
        %add3A_1493 = arith.constant 544 : i32
        %add3A_1494 = vector.broadcast %add3A_1493 : i32 to vector<16xi32>
        %add3A_1495 = arith.addi %get3A_1275, %add3A_1494 : vector<16xi32>
        %gather3A_1496 = tpu.vector_load_idx %arg12[%add3A_1495] : memref<1024xf32, #tpu.memory_space<vmem>>[vector<16xi32>], vector<16xf32>,
        %add3A_1497 = arith.constant 128 : i32
        %add3A_1498 = arith.addi %add3A_1324, %add3A_1497 : i32
        %swap3A_1499 = arith.constant 6 : i32
        %swap3A_1500 = arith.index_cast %swap3A_1499 : i32 to index
        %swap3A_1501 = arith.index_cast %add3A_1498 : i32 to index
        %swap3A_1502 = tpu.vector_load %arg9[%swap3A_1500, %swap3A_1501] {strides = array<i32>} : memref<14x8192xf32, #tpu.memory_space<vmem>>, vector<16xf32>,
        tpu.vector_store %arg9[%swap3A_1500, %swap3A_1501], %gather3A_1496 {strides = array<i32>} : memref<14x8192xf32, #tpu.memory_space<vmem>>, vector<16xf32>,
        %add3A_1503 = arith.constant 576 : i32
        %add3A_1504 = vector.broadcast %add3A_1503 : i32 to vector<16xi32>
        %add3A_1505 = arith.addi %get3A_1275, %add3A_1504 : vector<16xi32>
        %gather3A_1506 = tpu.vector_load_idx %arg12[%add3A_1505] : memref<1024xf32, #tpu.memory_space<vmem>>[vector<16xi32>], vector<16xf32>,
        %add3A_1507 = arith.constant 256 : i32
        %add3A_1508 = arith.addi %add3A_1324, %add3A_1507 : i32
        %swap3A_1509 = arith.constant 6 : i32
        %swap3A_1510 = arith.index_cast %swap3A_1509 : i32 to index
        %swap3A_1511 = arith.index_cast %add3A_1508 : i32 to index
        %swap3A_1512 = tpu.vector_load %arg9[%swap3A_1510, %swap3A_1511] {strides = array<i32>} : memref<14x8192xf32, #tpu.memory_space<vmem>>, vector<16xf32>,
        tpu.vector_store %arg9[%swap3A_1510, %swap3A_1511], %gather3A_1506 {strides = array<i32>} : memref<14x8192xf32, #tpu.memory_space<vmem>>, vector<16xf32>,
        %add3A_1513 = arith.constant 608 : i32
        %add3A_1514 = vector.broadcast %add3A_1513 : i32 to vector<16xi32>
        %add3A_1515 = arith.addi %get3A_1275, %add3A_1514 : vector<16xi32>
        %gather3A_1516 = tpu.vector_load_idx %arg12[%add3A_1515] : memref<1024xf32, #tpu.memory_space<vmem>>[vector<16xi32>], vector<16xf32>,
        %add3A_1517 = arith.constant 384 : i32
        %add3A_1518 = arith.addi %add3A_1324, %add3A_1517 : i32
        %swap3A_1519 = arith.constant 6 : i32
        %swap3A_1520 = arith.index_cast %swap3A_1519 : i32 to index
        %swap3A_1521 = arith.index_cast %add3A_1518 : i32 to index
        %swap3A_1522 = tpu.vector_load %arg9[%swap3A_1520, %swap3A_1521] {strides = array<i32>} : memref<14x8192xf32, #tpu.memory_space<vmem>>, vector<16xf32>,
        tpu.vector_store %arg9[%swap3A_1520, %swap3A_1521], %gather3A_1516 {strides = array<i32>} : memref<14x8192xf32, #tpu.memory_space<vmem>>, vector<16xf32>,
        %add3A_1523 = arith.constant 640 : i32
        %add3A_1524 = vector.broadcast %add3A_1523 : i32 to vector<16xi32>
        %add3A_1525 = arith.addi %get3A_1275, %add3A_1524 : vector<16xi32>
        %gather3A_1526 = tpu.vector_load_idx %arg12[%add3A_1525] : memref<1024xf32, #tpu.memory_space<vmem>>[vector<16xi32>], vector<16xf32>,
        %add3A_1527 = arith.constant 512 : i32
        %add3A_1528 = arith.addi %add3A_1324, %add3A_1527 : i32
        %swap3A_1529 = arith.constant 6 : i32
        %swap3A_1530 = arith.index_cast %swap3A_1529 : i32 to index
        %swap3A_1531 = arith.index_cast %add3A_1528 : i32 to index
        %swap3A_1532 = tpu.vector_load %arg9[%swap3A_1530, %swap3A_1531] {strides = array<i32>} : memref<14x8192xf32, #tpu.memory_space<vmem>>, vector<16xf32>,
        tpu.vector_store %arg9[%swap3A_1530, %swap3A_1531], %gather3A_1526 {strides = array<i32>} : memref<14x8192xf32, #tpu.memory_space<vmem>>, vector<16xf32>,
        %add3A_1533 = arith.constant 672 : i32
        %add3A_1534 = vector.broadcast %add3A_1533 : i32 to vector<16xi32>
        %add3A_1535 = arith.addi %get3A_1275, %add3A_1534 : vector<16xi32>
        %gather3A_1536 = tpu.vector_load_idx %arg12[%add3A_1535] : memref<1024xf32, #tpu.memory_space<vmem>>[vector<16xi32>], vector<16xf32>,
        %add3A_1537 = arith.constant 640 : i32
        %add3A_1538 = arith.addi %add3A_1324, %add3A_1537 : i32
        %swap3A_1539 = arith.constant 6 : i32
        %swap3A_1540 = arith.index_cast %swap3A_1539 : i32 to index
        %swap3A_1541 = arith.index_cast %add3A_1538 : i32 to index
        %swap3A_1542 = tpu.vector_load %arg9[%swap3A_1540, %swap3A_1541] {strides = array<i32>} : memref<14x8192xf32, #tpu.memory_space<vmem>>, vector<16xf32>,
        tpu.vector_store %arg9[%swap3A_1540, %swap3A_1541], %gather3A_1536 {strides = array<i32>} : memref<14x8192xf32, #tpu.memory_space<vmem>>, vector<16xf32>,
        %add3A_1543 = arith.constant 704 : i32
        %add3A_1544 = vector.broadcast %add3A_1543 : i32 to vector<16xi32>
        %add3A_1545 = arith.addi %get3A_1275, %add3A_1544 : vector<16xi32>
        %gather3A_1546 = tpu.vector_load_idx %arg12[%add3A_1545] : memref<1024xf32, #tpu.memory_space<vmem>>[vector<16xi32>], vector<16xf32>,
        %add3A_1547 = arith.constant 768 : i32
        %add3A_1548 = arith.addi %add3A_1324, %add3A_1547 : i32
        %swap3A_1549 = arith.constant 6 : i32
        %swap3A_1550 = arith.index_cast %swap3A_1549 : i32 to index
        %swap3A_1551 = arith.index_cast %add3A_1548 : i32 to index
        %swap3A_1552 = tpu.vector_load %arg9[%swap3A_1550, %swap3A_1551] {strides = array<i32>} : memref<14x8192xf32, #tpu.memory_space<vmem>>, vector<16xf32>,
        tpu.vector_store %arg9[%swap3A_1550, %swap3A_1551], %gather3A_1546 {strides = array<i32>} : memref<14x8192xf32, #tpu.memory_space<vmem>>, vector<16xf32>,
        %add3A_1553 = arith.constant 736 : i32
        %add3A_1554 = vector.broadcast %add3A_1553 : i32 to vector<16xi32>
        %add3A_1555 = arith.addi %get3A_1275, %add3A_1554 : vector<16xi32>
        %gather3A_1556 = tpu.vector_load_idx %arg12[%add3A_1555] : memref<1024xf32, #tpu.memory_space<vmem>>[vector<16xi32>], vector<16xf32>,
        %add3A_1557 = arith.constant 896 : i32
        %add3A_1558 = arith.addi %add3A_1324, %add3A_1557 : i32
        %swap3A_1559 = arith.constant 6 : i32
        %swap3A_1560 = arith.index_cast %swap3A_1559 : i32 to index
        %swap3A_1561 = arith.index_cast %add3A_1558 : i32 to index
        %swap3A_1562 = tpu.vector_load %arg9[%swap3A_1560, %swap3A_1561] {strides = array<i32>} : memref<14x8192xf32, #tpu.memory_space<vmem>>, vector<16xf32>,
        tpu.vector_store %arg9[%swap3A_1560, %swap3A_1561], %gather3A_1556 {strides = array<i32>} : memref<14x8192xf32, #tpu.memory_space<vmem>>, vector<16xf32>,
        %add3A_1563 = arith.constant 768 : i32
        %add3A_1564 = vector.broadcast %add3A_1563 : i32 to vector<16xi32>
        %add3A_1565 = arith.addi %get3A_1275, %add3A_1564 : vector<16xi32>
        %gather3A_1566 = tpu.vector_load_idx %arg12[%add3A_1565] : memref<1024xf32, #tpu.memory_space<vmem>>[vector<16xi32>], vector<16xf32>,
        %add3A_1567 = arith.constant 0 : i32
        %add3A_1568 = arith.addi %add3A_1324, %add3A_1567 : i32
        %swap3A_1569 = arith.constant 7 : i32
        %swap3A_1570 = arith.index_cast %swap3A_1569 : i32 to index
        %swap3A_1571 = arith.index_cast %add3A_1568 : i32 to index
        %swap3A_1572 = tpu.vector_load %arg9[%swap3A_1570, %swap3A_1571] {strides = array<i32>} : memref<14x8192xf32, #tpu.memory_space<vmem>>, vector<16xf32>,
        tpu.vector_store %arg9[%swap3A_1570, %swap3A_1571], %gather3A_1566 {strides = array<i32>} : memref<14x8192xf32, #tpu.memory_space<vmem>>, vector<16xf32>,
        %add3A_1573 = arith.constant 800 : i32
        %add3A_1574 = vector.broadcast %add3A_1573 : i32 to vector<16xi32>
        %add3A_1575 = arith.addi %get3A_1275, %add3A_1574 : vector<16xi32>
        %gather3A_1576 = tpu.vector_load_idx %arg12[%add3A_1575] : memref<1024xf32, #tpu.memory_space<vmem>>[vector<16xi32>], vector<16xf32>,
        %add3A_1577 = arith.constant 128 : i32
        %add3A_1578 = arith.addi %add3A_1324, %add3A_1577 : i32
        %swap3A_1579 = arith.constant 7 : i32
        %swap3A_1580 = arith.index_cast %swap3A_1579 : i32 to index
        %swap3A_1581 = arith.index_cast %add3A_1578 : i32 to index
        %swap3A_1582 = tpu.vector_load %arg9[%swap3A_1580, %swap3A_1581] {strides = array<i32>} : memref<14x8192xf32, #tpu.memory_space<vmem>>, vector<16xf32>,
        tpu.vector_store %arg9[%swap3A_1580, %swap3A_1581], %gather3A_1576 {strides = array<i32>} : memref<14x8192xf32, #tpu.memory_space<vmem>>, vector<16xf32>,
        %add3A_1583 = arith.constant 832 : i32
        %add3A_1584 = vector.broadcast %add3A_1583 : i32 to vector<16xi32>
        %add3A_1585 = arith.addi %get3A_1275, %add3A_1584 : vector<16xi32>
        %gather3A_1586 = tpu.vector_load_idx %arg12[%add3A_1585] : memref<1024xf32, #tpu.memory_space<vmem>>[vector<16xi32>], vector<16xf32>,
        %add3A_1587 = arith.constant 256 : i32
        %add3A_1588 = arith.addi %add3A_1324, %add3A_1587 : i32
        %swap3A_1589 = arith.constant 7 : i32
        %swap3A_1590 = arith.index_cast %swap3A_1589 : i32 to index
        %swap3A_1591 = arith.index_cast %add3A_1588 : i32 to index
        %swap3A_1592 = tpu.vector_load %arg9[%swap3A_1590, %swap3A_1591] {strides = array<i32>} : memref<14x8192xf32, #tpu.memory_space<vmem>>, vector<16xf32>,
        tpu.vector_store %arg9[%swap3A_1590, %swap3A_1591], %gather3A_1586 {strides = array<i32>} : memref<14x8192xf32, #tpu.memory_space<vmem>>, vector<16xf32>,
        %add3A_1593 = arith.constant 864 : i32
        %add3A_1594 = vector.broadcast %add3A_1593 : i32 to vector<16xi32>
        %add3A_1595 = arith.addi %get3A_1275, %add3A_1594 : vector<16xi32>
        %gather3A_1596 = tpu.vector_load_idx %arg12[%add3A_1595] : memref<1024xf32, #tpu.memory_space<vmem>>[vector<16xi32>], vector<16xf32>,
        %add3A_1597 = arith.constant 384 : i32
        %add3A_1598 = arith.addi %add3A_1324, %add3A_1597 : i32
        %swap3A_1599 = arith.constant 7 : i32
        %swap3A_1600 = arith.index_cast %swap3A_1599 : i32 to index
        %swap3A_1601 = arith.index_cast %add3A_1598 : i32 to index
        %swap3A_1602 = tpu.vector_load %arg9[%swap3A_1600, %swap3A_1601] {strides = array<i32>} : memref<14x8192xf32, #tpu.memory_space<vmem>>, vector<16xf32>,
        tpu.vector_store %arg9[%swap3A_1600, %swap3A_1601], %gather3A_1596 {strides = array<i32>} : memref<14x8192xf32, #tpu.memory_space<vmem>>, vector<16xf32>,
        %add3A_1603 = arith.constant 896 : i32
        %add3A_1604 = vector.broadcast %add3A_1603 : i32 to vector<16xi32>
        %add3A_1605 = arith.addi %get3A_1275, %add3A_1604 : vector<16xi32>
        %gather3A_1606 = tpu.vector_load_idx %arg12[%add3A_1605] : memref<1024xf32, #tpu.memory_space<vmem>>[vector<16xi32>], vector<16xf32>,
        %add3A_1607 = arith.constant 512 : i32
        %add3A_1608 = arith.addi %add3A_1324, %add3A_1607 : i32
        %swap3A_1609 = arith.constant 7 : i32
        %swap3A_1610 = arith.index_cast %swap3A_1609 : i32 to index
        %swap3A_1611 = arith.index_cast %add3A_1608 : i32 to index
        %swap3A_1612 = tpu.vector_load %arg9[%swap3A_1610, %swap3A_1611] {strides = array<i32>} : memref<14x8192xf32, #tpu.memory_space<vmem>>, vector<16xf32>,
        tpu.vector_store %arg9[%swap3A_1610, %swap3A_1611], %gather3A_1606 {strides = array<i32>} : memref<14x8192xf32, #tpu.memory_space<vmem>>, vector<16xf32>,
        %add3A_1613 = arith.constant 928 : i32
        %add3A_1614 = vector.broadcast %add3A_1613 : i32 to vector<16xi32>
        %add3A_1615 = arith.addi %get3A_1275, %add3A_1614 : vector<16xi32>
        %gather3A_1616 = tpu.vector_load_idx %arg12[%add3A_1615] : memref<1024xf32, #tpu.memory_space<vmem>>[vector<16xi32>], vector<16xf32>,
        %add3A_1617 = arith.constant 640 : i32
        %add3A_1618 = arith.addi %add3A_1324, %add3A_1617 : i32
        %swap3A_1619 = arith.constant 7 : i32
        %swap3A_1620 = arith.index_cast %swap3A_1619 : i32 to index
        %swap3A_1621 = arith.index_cast %add3A_1618 : i32 to index
        %swap3A_1622 = tpu.vector_load %arg9[%swap3A_1620, %swap3A_1621] {strides = array<i32>} : memref<14x8192xf32, #tpu.memory_space<vmem>>, vector<16xf32>,
        tpu.vector_store %arg9[%swap3A_1620, %swap3A_1621], %gather3A_1616 {strides = array<i32>} : memref<14x8192xf32, #tpu.memory_space<vmem>>, vector<16xf32>,
        %add3A_1623 = arith.constant 960 : i32
        %add3A_1624 = vector.broadcast %add3A_1623 : i32 to vector<16xi32>
        %add3A_1625 = arith.addi %get3A_1275, %add3A_1624 : vector<16xi32>
        %gather3A_1626 = tpu.vector_load_idx %arg12[%add3A_1625] : memref<1024xf32, #tpu.memory_space<vmem>>[vector<16xi32>], vector<16xf32>,
        %add3A_1627 = arith.constant 768 : i32
        %add3A_1628 = arith.addi %add3A_1324, %add3A_1627 : i32
        %swap3A_1629 = arith.constant 7 : i32
        %swap3A_1630 = arith.index_cast %swap3A_1629 : i32 to index
        %swap3A_1631 = arith.index_cast %add3A_1628 : i32 to index
        %swap3A_1632 = tpu.vector_load %arg9[%swap3A_1630, %swap3A_1631] {strides = array<i32>} : memref<14x8192xf32, #tpu.memory_space<vmem>>, vector<16xf32>,
        tpu.vector_store %arg9[%swap3A_1630, %swap3A_1631], %gather3A_1626 {strides = array<i32>} : memref<14x8192xf32, #tpu.memory_space<vmem>>, vector<16xf32>,
        %add3A_1633 = arith.constant 992 : i32
        %add3A_1634 = vector.broadcast %add3A_1633 : i32 to vector<16xi32>
        %add3A_1635 = arith.addi %get3A_1275, %add3A_1634 : vector<16xi32>
        %gather3A_1636 = tpu.vector_load_idx %arg12[%add3A_1635] : memref<1024xf32, #tpu.memory_space<vmem>>[vector<16xi32>], vector<16xf32>,
        %add3A_1637 = arith.constant 896 : i32
        %add3A_1638 = arith.addi %add3A_1324, %add3A_1637 : i32
        %swap3A_1639 = arith.constant 7 : i32
        %swap3A_1640 = arith.index_cast %swap3A_1639 : i32 to index
        %swap3A_1641 = arith.index_cast %add3A_1638 : i32 to index
        %swap3A_1642 = tpu.vector_load %arg9[%swap3A_1640, %swap3A_1641] {strides = array<i32>} : memref<14x8192xf32, #tpu.memory_space<vmem>>, vector<16xf32>,
        tpu.vector_store %arg9[%swap3A_1640, %swap3A_1641], %gather3A_1636 {strides = array<i32>} : memref<14x8192xf32, #tpu.memory_space<vmem>>, vector<16xf32>,
        %add3A_1643 = arith.constant 0 : i32
        %add3A_1644 = vector.broadcast %add3A_1643 : i32 to vector<16xi32>
        %add3A_1645 = arith.addi %get3A_1279, %add3A_1644 : vector<16xi32>
        %gather3A_1646 = tpu.vector_load_idx %arg13[%add3A_1645] : memref<512xf32, #tpu.memory_space<vmem>>[vector<16xi32>], vector<16xf32>,
        %add3A_1647 = arith.constant 0 : i32
        %add3A_1648 = arith.addi %add3A_1324, %add3A_1647 : i32
        %swap3A_1649 = arith.constant 12 : i32
        %swap3A_1650 = arith.index_cast %swap3A_1649 : i32 to index
        %swap3A_1651 = arith.index_cast %add3A_1648 : i32 to index
        %swap3A_1652 = tpu.vector_load %arg9[%swap3A_1650, %swap3A_1651] {strides = array<i32>} : memref<14x8192xf32, #tpu.memory_space<vmem>>, vector<16xf32>,
        tpu.vector_store %arg9[%swap3A_1650, %swap3A_1651], %gather3A_1646 {strides = array<i32>} : memref<14x8192xf32, #tpu.memory_space<vmem>>, vector<16xf32>,
        %add3A_1653 = arith.constant 32 : i32
        %add3A_1654 = vector.broadcast %add3A_1653 : i32 to vector<16xi32>
        %add3A_1655 = arith.addi %get3A_1279, %add3A_1654 : vector<16xi32>
        %gather3A_1656 = tpu.vector_load_idx %arg13[%add3A_1655] : memref<512xf32, #tpu.memory_space<vmem>>[vector<16xi32>], vector<16xf32>,
        %add3A_1657 = arith.constant 128 : i32
        %add3A_1658 = arith.addi %add3A_1324, %add3A_1657 : i32
        %swap3A_1659 = arith.constant 12 : i32
        %swap3A_1660 = arith.index_cast %swap3A_1659 : i32 to index
        %swap3A_1661 = arith.index_cast %add3A_1658 : i32 to index
        %swap3A_1662 = tpu.vector_load %arg9[%swap3A_1660, %swap3A_1661] {strides = array<i32>} : memref<14x8192xf32, #tpu.memory_space<vmem>>, vector<16xf32>,
        tpu.vector_store %arg9[%swap3A_1660, %swap3A_1661], %gather3A_1656 {strides = array<i32>} : memref<14x8192xf32, #tpu.memory_space<vmem>>, vector<16xf32>,
        %add3A_1663 = arith.constant 64 : i32
        %add3A_1664 = vector.broadcast %add3A_1663 : i32 to vector<16xi32>
        %add3A_1665 = arith.addi %get3A_1279, %add3A_1664 : vector<16xi32>
        %gather3A_1666 = tpu.vector_load_idx %arg13[%add3A_1665] : memref<512xf32, #tpu.memory_space<vmem>>[vector<16xi32>], vector<16xf32>,
        %add3A_1667 = arith.constant 256 : i32
        %add3A_1668 = arith.addi %add3A_1324, %add3A_1667 : i32
        %swap3A_1669 = arith.constant 12 : i32
        %swap3A_1670 = arith.index_cast %swap3A_1669 : i32 to index
        %swap3A_1671 = arith.index_cast %add3A_1668 : i32 to index
        %swap3A_1672 = tpu.vector_load %arg9[%swap3A_1670, %swap3A_1671] {strides = array<i32>} : memref<14x8192xf32, #tpu.memory_space<vmem>>, vector<16xf32>,
        tpu.vector_store %arg9[%swap3A_1670, %swap3A_1671], %gather3A_1666 {strides = array<i32>} : memref<14x8192xf32, #tpu.memory_space<vmem>>, vector<16xf32>,
        %add3A_1673 = arith.constant 96 : i32
        %add3A_1674 = vector.broadcast %add3A_1673 : i32 to vector<16xi32>
        %add3A_1675 = arith.addi %get3A_1279, %add3A_1674 : vector<16xi32>
        %gather3A_1676 = tpu.vector_load_idx %arg13[%add3A_1675] : memref<512xf32, #tpu.memory_space<vmem>>[vector<16xi32>], vector<16xf32>,
        %add3A_1677 = arith.constant 384 : i32
        %add3A_1678 = arith.addi %add3A_1324, %add3A_1677 : i32
        %swap3A_1679 = arith.constant 12 : i32
        %swap3A_1680 = arith.index_cast %swap3A_1679 : i32 to index
        %swap3A_1681 = arith.index_cast %add3A_1678 : i32 to index
        %swap3A_1682 = tpu.vector_load %arg9[%swap3A_1680, %swap3A_1681] {strides = array<i32>} : memref<14x8192xf32, #tpu.memory_space<vmem>>, vector<16xf32>,
        tpu.vector_store %arg9[%swap3A_1680, %swap3A_1681], %gather3A_1676 {strides = array<i32>} : memref<14x8192xf32, #tpu.memory_space<vmem>>, vector<16xf32>,
        %add3A_1683 = arith.constant 128 : i32
        %add3A_1684 = vector.broadcast %add3A_1683 : i32 to vector<16xi32>
        %add3A_1685 = arith.addi %get3A_1279, %add3A_1684 : vector<16xi32>
        %gather3A_1686 = tpu.vector_load_idx %arg13[%add3A_1685] : memref<512xf32, #tpu.memory_space<vmem>>[vector<16xi32>], vector<16xf32>,
        %add3A_1687 = arith.constant 512 : i32
        %add3A_1688 = arith.addi %add3A_1324, %add3A_1687 : i32
        %swap3A_1689 = arith.constant 12 : i32
        %swap3A_1690 = arith.index_cast %swap3A_1689 : i32 to index
        %swap3A_1691 = arith.index_cast %add3A_1688 : i32 to index
        %swap3A_1692 = tpu.vector_load %arg9[%swap3A_1690, %swap3A_1691] {strides = array<i32>} : memref<14x8192xf32, #tpu.memory_space<vmem>>, vector<16xf32>,
        tpu.vector_store %arg9[%swap3A_1690, %swap3A_1691], %gather3A_1686 {strides = array<i32>} : memref<14x8192xf32, #tpu.memory_space<vmem>>, vector<16xf32>,
        %add3A_1693 = arith.constant 160 : i32
        %add3A_1694 = vector.broadcast %add3A_1693 : i32 to vector<16xi32>
        %add3A_1695 = arith.addi %get3A_1279, %add3A_1694 : vector<16xi32>
        %gather3A_1696 = tpu.vector_load_idx %arg13[%add3A_1695] : memref<512xf32, #tpu.memory_space<vmem>>[vector<16xi32>], vector<16xf32>,
        %add3A_1697 = arith.constant 640 : i32
        %add3A_1698 = arith.addi %add3A_1324, %add3A_1697 : i32
        %swap3A_1699 = arith.constant 12 : i32
        %swap3A_1700 = arith.index_cast %swap3A_1699 : i32 to index
        %swap3A_1701 = arith.index_cast %add3A_1698 : i32 to index
        %swap3A_1702 = tpu.vector_load %arg9[%swap3A_1700, %swap3A_1701] {strides = array<i32>} : memref<14x8192xf32, #tpu.memory_space<vmem>>, vector<16xf32>,
        tpu.vector_store %arg9[%swap3A_1700, %swap3A_1701], %gather3A_1696 {strides = array<i32>} : memref<14x8192xf32, #tpu.memory_space<vmem>>, vector<16xf32>,
        %add3A_1703 = arith.constant 192 : i32
        %add3A_1704 = vector.broadcast %add3A_1703 : i32 to vector<16xi32>
        %add3A_1705 = arith.addi %get3A_1279, %add3A_1704 : vector<16xi32>
        %gather3A_1706 = tpu.vector_load_idx %arg13[%add3A_1705] : memref<512xf32, #tpu.memory_space<vmem>>[vector<16xi32>], vector<16xf32>,
        %add3A_1707 = arith.constant 768 : i32
        %add3A_1708 = arith.addi %add3A_1324, %add3A_1707 : i32
        %swap3A_1709 = arith.constant 12 : i32
        %swap3A_1710 = arith.index_cast %swap3A_1709 : i32 to index
        %swap3A_1711 = arith.index_cast %add3A_1708 : i32 to index
        %swap3A_1712 = tpu.vector_load %arg9[%swap3A_1710, %swap3A_1711] {strides = array<i32>} : memref<14x8192xf32, #tpu.memory_space<vmem>>, vector<16xf32>,
        tpu.vector_store %arg9[%swap3A_1710, %swap3A_1711], %gather3A_1706 {strides = array<i32>} : memref<14x8192xf32, #tpu.memory_space<vmem>>, vector<16xf32>,
        %add3A_1713 = arith.constant 224 : i32
        %add3A_1714 = vector.broadcast %add3A_1713 : i32 to vector<16xi32>
        %add3A_1715 = arith.addi %get3A_1279, %add3A_1714 : vector<16xi32>
        %gather3A_1716 = tpu.vector_load_idx %arg13[%add3A_1715] : memref<512xf32, #tpu.memory_space<vmem>>[vector<16xi32>], vector<16xf32>,
        %add3A_1717 = arith.constant 896 : i32
        %add3A_1718 = arith.addi %add3A_1324, %add3A_1717 : i32
        %swap3A_1719 = arith.constant 12 : i32
        %swap3A_1720 = arith.index_cast %swap3A_1719 : i32 to index
        %swap3A_1721 = arith.index_cast %add3A_1718 : i32 to index
        %swap3A_1722 = tpu.vector_load %arg9[%swap3A_1720, %swap3A_1721] {strides = array<i32>} : memref<14x8192xf32, #tpu.memory_space<vmem>>, vector<16xf32>,
        tpu.vector_store %arg9[%swap3A_1720, %swap3A_1721], %gather3A_1716 {strides = array<i32>} : memref<14x8192xf32, #tpu.memory_space<vmem>>, vector<16xf32>,
        %add3A_1723 = arith.constant 256 : i32
        %add3A_1724 = vector.broadcast %add3A_1723 : i32 to vector<16xi32>
        %add3A_1725 = arith.addi %get3A_1279, %add3A_1724 : vector<16xi32>
        %gather3A_1726 = tpu.vector_load_idx %arg13[%add3A_1725] : memref<512xf32, #tpu.memory_space<vmem>>[vector<16xi32>], vector<16xf32>,
        %add3A_1727 = arith.constant 0 : i32
        %add3A_1728 = arith.addi %add3A_1324, %add3A_1727 : i32
        %swap3A_1729 = arith.constant 13 : i32
        %swap3A_1730 = arith.index_cast %swap3A_1729 : i32 to index
        %swap3A_1731 = arith.index_cast %add3A_1728 : i32 to index
        %swap3A_1732 = tpu.vector_load %arg9[%swap3A_1730, %swap3A_1731] {strides = array<i32>} : memref<14x8192xf32, #tpu.memory_space<vmem>>, vector<16xf32>,
        tpu.vector_store %arg9[%swap3A_1730, %swap3A_1731], %gather3A_1726 {strides = array<i32>} : memref<14x8192xf32, #tpu.memory_space<vmem>>, vector<16xf32>,
        %add3A_1733 = arith.constant 288 : i32
        %add3A_1734 = vector.broadcast %add3A_1733 : i32 to vector<16xi32>
        %add3A_1735 = arith.addi %get3A_1279, %add3A_1734 : vector<16xi32>
        %gather3A_1736 = tpu.vector_load_idx %arg13[%add3A_1735] : memref<512xf32, #tpu.memory_space<vmem>>[vector<16xi32>], vector<16xf32>,
        %add3A_1737 = arith.constant 128 : i32
        %add3A_1738 = arith.addi %add3A_1324, %add3A_1737 : i32
        %swap3A_1739 = arith.constant 13 : i32
        %swap3A_1740 = arith.index_cast %swap3A_1739 : i32 to index
        %swap3A_1741 = arith.index_cast %add3A_1738 : i32 to index
        %swap3A_1742 = tpu.vector_load %arg9[%swap3A_1740, %swap3A_1741] {strides = array<i32>} : memref<14x8192xf32, #tpu.memory_space<vmem>>, vector<16xf32>,
        tpu.vector_store %arg9[%swap3A_1740, %swap3A_1741], %gather3A_1736 {strides = array<i32>} : memref<14x8192xf32, #tpu.memory_space<vmem>>, vector<16xf32>,
        %add3A_1743 = arith.constant 320 : i32
        %add3A_1744 = vector.broadcast %add3A_1743 : i32 to vector<16xi32>
        %add3A_1745 = arith.addi %get3A_1279, %add3A_1744 : vector<16xi32>
        %gather3A_1746 = tpu.vector_load_idx %arg13[%add3A_1745] : memref<512xf32, #tpu.memory_space<vmem>>[vector<16xi32>], vector<16xf32>,
        %add3A_1747 = arith.constant 256 : i32
        %add3A_1748 = arith.addi %add3A_1324, %add3A_1747 : i32
        %swap3A_1749 = arith.constant 13 : i32
        %swap3A_1750 = arith.index_cast %swap3A_1749 : i32 to index
        %swap3A_1751 = arith.index_cast %add3A_1748 : i32 to index
        %swap3A_1752 = tpu.vector_load %arg9[%swap3A_1750, %swap3A_1751] {strides = array<i32>} : memref<14x8192xf32, #tpu.memory_space<vmem>>, vector<16xf32>,
        tpu.vector_store %arg9[%swap3A_1750, %swap3A_1751], %gather3A_1746 {strides = array<i32>} : memref<14x8192xf32, #tpu.memory_space<vmem>>, vector<16xf32>,
        %add3A_1753 = arith.constant 352 : i32
        %add3A_1754 = vector.broadcast %add3A_1753 : i32 to vector<16xi32>
        %add3A_1755 = arith.addi %get3A_1279, %add3A_1754 : vector<16xi32>
        %gather3A_1756 = tpu.vector_load_idx %arg13[%add3A_1755] : memref<512xf32, #tpu.memory_space<vmem>>[vector<16xi32>], vector<16xf32>,
        %add3A_1757 = arith.constant 384 : i32
        %add3A_1758 = arith.addi %add3A_1324, %add3A_1757 : i32
        %swap3A_1759 = arith.constant 13 : i32
        %swap3A_1760 = arith.index_cast %swap3A_1759 : i32 to index
        %swap3A_1761 = arith.index_cast %add3A_1758 : i32 to index
        %swap3A_1762 = tpu.vector_load %arg9[%swap3A_1760, %swap3A_1761] {strides = array<i32>} : memref<14x8192xf32, #tpu.memory_space<vmem>>, vector<16xf32>,
        tpu.vector_store %arg9[%swap3A_1760, %swap3A_1761], %gather3A_1756 {strides = array<i32>} : memref<14x8192xf32, #tpu.memory_space<vmem>>, vector<16xf32>,
        %add3A_1763 = arith.constant 384 : i32
        %add3A_1764 = vector.broadcast %add3A_1763 : i32 to vector<16xi32>
        %add3A_1765 = arith.addi %get3A_1279, %add3A_1764 : vector<16xi32>
        %gather3A_1766 = tpu.vector_load_idx %arg13[%add3A_1765] : memref<512xf32, #tpu.memory_space<vmem>>[vector<16xi32>], vector<16xf32>,
        %add3A_1767 = arith.constant 512 : i32
        %add3A_1768 = arith.addi %add3A_1324, %add3A_1767 : i32
        %swap3A_1769 = arith.constant 13 : i32
        %swap3A_1770 = arith.index_cast %swap3A_1769 : i32 to index
        %swap3A_1771 = arith.index_cast %add3A_1768 : i32 to index
        %swap3A_1772 = tpu.vector_load %arg9[%swap3A_1770, %swap3A_1771] {strides = array<i32>} : memref<14x8192xf32, #tpu.memory_space<vmem>>, vector<16xf32>,
        tpu.vector_store %arg9[%swap3A_1770, %swap3A_1771], %gather3A_1766 {strides = array<i32>} : memref<14x8192xf32, #tpu.memory_space<vmem>>, vector<16xf32>,
        %add3A_1773 = arith.constant 416 : i32
        %add3A_1774 = vector.broadcast %add3A_1773 : i32 to vector<16xi32>
        %add3A_1775 = arith.addi %get3A_1279, %add3A_1774 : vector<16xi32>
        %gather3A_1776 = tpu.vector_load_idx %arg13[%add3A_1775] : memref<512xf32, #tpu.memory_space<vmem>>[vector<16xi32>], vector<16xf32>,
        %add3A_1777 = arith.constant 640 : i32
        %add3A_1778 = arith.addi %add3A_1324, %add3A_1777 : i32
        %swap3A_1779 = arith.constant 13 : i32
        %swap3A_1780 = arith.index_cast %swap3A_1779 : i32 to index
        %swap3A_1781 = arith.index_cast %add3A_1778 : i32 to index
        %swap3A_1782 = tpu.vector_load %arg9[%swap3A_1780, %swap3A_1781] {strides = array<i32>} : memref<14x8192xf32, #tpu.memory_space<vmem>>, vector<16xf32>,
        tpu.vector_store %arg9[%swap3A_1780, %swap3A_1781], %gather3A_1776 {strides = array<i32>} : memref<14x8192xf32, #tpu.memory_space<vmem>>, vector<16xf32>,
        %add3A_1783 = arith.constant 448 : i32
        %add3A_1784 = vector.broadcast %add3A_1783 : i32 to vector<16xi32>
        %add3A_1785 = arith.addi %get3A_1279, %add3A_1784 : vector<16xi32>
        %gather3A_1786 = tpu.vector_load_idx %arg13[%add3A_1785] : memref<512xf32, #tpu.memory_space<vmem>>[vector<16xi32>], vector<16xf32>,
        %add3A_1787 = arith.constant 768 : i32
        %add3A_1788 = arith.addi %add3A_1324, %add3A_1787 : i32
        %swap3A_1789 = arith.constant 13 : i32
        %swap3A_1790 = arith.index_cast %swap3A_1789 : i32 to index
        %swap3A_1791 = arith.index_cast %add3A_1788 : i32 to index
        %swap3A_1792 = tpu.vector_load %arg9[%swap3A_1790, %swap3A_1791] {strides = array<i32>} : memref<14x8192xf32, #tpu.memory_space<vmem>>, vector<16xf32>,
        tpu.vector_store %arg9[%swap3A_1790, %swap3A_1791], %gather3A_1786 {strides = array<i32>} : memref<14x8192xf32, #tpu.memory_space<vmem>>, vector<16xf32>,
        %add3A_1793 = arith.constant 480 : i32
        %add3A_1794 = vector.broadcast %add3A_1793 : i32 to vector<16xi32>
        %add3A_1795 = arith.addi %get3A_1279, %add3A_1794 : vector<16xi32>
        %gather3A_1796 = tpu.vector_load_idx %arg13[%add3A_1795] : memref<512xf32, #tpu.memory_space<vmem>>[vector<16xi32>], vector<16xf32>,
        %add3A_1797 = arith.constant 896 : i32
        %add3A_1798 = arith.addi %add3A_1324, %add3A_1797 : i32
        %swap3A_1799 = arith.constant 13 : i32
        %swap3A_1800 = arith.index_cast %swap3A_1799 : i32 to index
        %swap3A_1801 = arith.index_cast %add3A_1798 : i32 to index
        %swap3A_1802 = tpu.vector_load %arg9[%swap3A_1800, %swap3A_1801] {strides = array<i32>} : memref<14x8192xf32, #tpu.memory_space<vmem>>, vector<16xf32>,
        tpu.vector_store %arg9[%swap3A_1800, %swap3A_1801], %gather3A_1796 {strides = array<i32>} : memref<14x8192xf32, #tpu.memory_space<vmem>>, vector<16xf32>,
      }
      %scan3A_1226 = arith.constant 64 : i32
      %dma_wait3A_1227 = arith.constant 0 : i32
      %dma_wait3A_1228 = arith.constant 0 : i32
      %dma_wait3A_1229 = arith.constant 0 : i32
      %dma_wait3A_1230 = tpu.memref_slice %arg9[%dma_wait3A_1228, %dma_wait3A_1229] : memref<14x8192xf32, #tpu.memory_space<vmem>> -> memref<4x8192xf32, #tpu.memory_space<vmem>>
      %dma_wait3A_1231 = arith.constant 0 : i32
      %dma_wait3A_1232 = arith.constant 0 : i32
      %dma_wait3A_1233 = tpu.memref_slice %arg2[%dma_wait3A_1227, %dma_wait3A_1231, %dma_wait3A_1232] : memref<520x4x8192xf32, #tpu.memory_space<hbm>> -> memref<1x4x8192xf32, #tpu.memory_space<hbm>>
      %dma_wait3A_1234 = tpu.memref_squeeze %dma_wait3A_1233 : memref<1x4x8192xf32, #tpu.memory_space<hbm>> -> memref<4x8192xf32, #tpu.memory_space<hbm>>
      %dma_wait3A_1235 = arith.constant 0 : i32
      %dma_wait3A_1236 = arith.constant 0 : i32
      %dma_wait3A_1237 = tpu.memref_slice %arg9[%dma_wait3A_1235, %dma_wait3A_1236] : memref<14x8192xf32, #tpu.memory_space<vmem>> -> memref<4x8192xf32, #tpu.memory_space<vmem>>
      %dma_wait3A_1238 = arith.constant 0 : i32
      %dma_wait3A_1239 = arith.constant 0 : i32
      %dma_wait3A_1240 = tpu.memref_slice %arg2[%dma_wait3A_1227, %dma_wait3A_1238, %dma_wait3A_1239] : memref<520x4x8192xf32, #tpu.memory_space<hbm>> -> memref<1x4x8192xf32, #tpu.memory_space<hbm>>
      %dma_wait3A_1241 = tpu.memref_squeeze %dma_wait3A_1240 : memref<1x4x8192xf32, #tpu.memory_space<hbm>> -> memref<4x8192xf32, #tpu.memory_space<hbm>>
      tpu.wait_dma2 semaphore(%arg16 : memref<!tpu.dma_semaphore, #tpu.memory_space<semaphore_mem>>) src(%dma_wait3A_1241 : memref<4x8192xf32, #tpu.memory_space<hbm>>) dst(%dma_wait3A_1237 : memref<4x8192xf32, #tpu.memory_space<vmem>>)
      %dma_wait3A_1242 = arith.constant 0 : i32
      %dma_wait3A_1243 = arith.constant 0 : i32
      %dma_wait3A_1244 = arith.constant 0 : i32
      %dma_wait3A_1245 = tpu.memref_slice %arg9[%dma_wait3A_1243, %dma_wait3A_1244] : memref<14x8192xf32, #tpu.memory_space<vmem>> -> memref<4x8192xf32, #tpu.memory_space<vmem>>
      %dma_wait3A_1246 = arith.constant 0 : i32
      %dma_wait3A_1247 = arith.constant 0 : i32
      %dma_wait3A_1248 = tpu.memref_slice %arg2[%dma_wait3A_1242, %dma_wait3A_1246, %dma_wait3A_1247] : memref<520x4x8192xf32, #tpu.memory_space<hbm>> -> memref<1x4x8192xf32, #tpu.memory_space<hbm>>
      %dma_wait3A_1249 = tpu.memref_squeeze %dma_wait3A_1248 : memref<1x4x8192xf32, #tpu.memory_space<hbm>> -> memref<4x8192xf32, #tpu.memory_space<hbm>>
      %dma_wait3A_1250 = arith.constant 0 : i32
      %dma_wait3A_1251 = arith.constant 0 : i32
      %dma_wait3A_1252 = tpu.memref_slice %arg9[%dma_wait3A_1250, %dma_wait3A_1251] : memref<14x8192xf32, #tpu.memory_space<vmem>> -> memref<4x8192xf32, #tpu.memory_space<vmem>>
      %dma_wait3A_1253 = arith.constant 0 : i32
      %dma_wait3A_1254 = arith.constant 0 : i32
      %dma_wait3A_1255 = tpu.memref_slice %arg2[%dma_wait3A_1242, %dma_wait3A_1253, %dma_wait3A_1254] : memref<520x4x8192xf32, #tpu.memory_space<hbm>> -> memref<1x4x8192xf32, #tpu.memory_space<hbm>>
      %dma_wait3A_1256 = tpu.memref_squeeze %dma_wait3A_1255 : memref<1x4x8192xf32, #tpu.memory_space<hbm>> -> memref<4x8192xf32, #tpu.memory_space<hbm>>
      tpu.wait_dma2 semaphore(%arg16 : memref<!tpu.dma_semaphore, #tpu.memory_space<semaphore_mem>>) src(%dma_wait3A_1256 : memref<4x8192xf32, #tpu.memory_space<hbm>>) dst(%dma_wait3A_1252 : memref<4x8192xf32, #tpu.memory_space<vmem>>)
      %dma_start3A_1257 = arith.constant 0 : i32
      %dma_start3A_1258 = arith.constant 0 : i32
      %dma_start3A_1259 = tpu.memref_slice %arg8[%add3A_915, %dma_start3A_1257, %dma_start3A_1258] : memref<520x14x8192xf32, #tpu.memory_space<hbm>> -> memref<1x14x8192xf32, #tpu.memory_space<hbm>>
      %dma_start3A_1260 = tpu.memref_squeeze %dma_start3A_1259 : memref<1x14x8192xf32, #tpu.memory_space<hbm>> -> memref<14x8192xf32, #tpu.memory_space<hbm>>
      %dma_start3A_1261 = arith.constant 0 : i32
      %dma_start3A_1262 = arith.constant 0 : i32
      %dma_start3A_1263 = tpu.memref_slice %arg8[%add3A_915, %dma_start3A_1261, %dma_start3A_1262] : memref<520x14x8192xf32, #tpu.memory_space<hbm>> -> memref<1x14x8192xf32, #tpu.memory_space<hbm>>
      %dma_start3A_1264 = tpu.memref_squeeze %dma_start3A_1263 : memref<1x14x8192xf32, #tpu.memory_space<hbm>> -> memref<14x8192xf32, #tpu.memory_space<hbm>>
      tpu.enqueue_dma source(%arg9 : memref<14x8192xf32, #tpu.memory_space<vmem>>) target(%dma_start3A_1264 : memref<14x8192xf32, #tpu.memory_space<hbm>>) target_semaphore(%arg17 : memref<!tpu.dma_semaphore, #tpu.memory_space<semaphore_mem>>)
      %lt3A_1265 = arith.constant 16 : i32
      %lt3A_1266 = arith.cmpi slt, %add3A_911, %lt3A_1265 : i32
      %convert_element_type3A_1267 = arith.extui %lt3A_1266 : i1 to i32
      %cond3A_1268 = arith.constant 0 : i32
      %cond3A_1269 = arith.cmpi ne, %convert_element_type3A_1267, %cond3A_1268 : i32
      scf.if %cond3A_1269 {
        %add3A_1270 = arith.constant 2 : i32
        %add3A_1271 = arith.addi %add3A_911, %add3A_1270 : i32
        %sub3A_1272 = arith.constant 1 : i32
        %sub3A_1273 = arith.subi %add3A_3, %sub3A_1272 : i32
        %min3A_1274 = arith.minsi %add3A_1271, %sub3A_1273 : i32
        %add3A_1275 = arith.addi %add3A_7, %min3A_1274 : i32
        %jit3A_1276 = arith.constant 8 : i32
        %div3A_1277 = arith.divsi %add3A_1275, %jit3A_1276 : i32
        %sign3A_1278 = arith.constant 0 : i32
        %sign3A_1279 = arith.cmpi sgt, %add3A_1275, %sign3A_1278 : i32
        %sign3A_1280 = arith.extui %sign3A_1279 : i1 to i32
        %sign3A_1281 = arith.constant 0 : i32
        %sign3A_1282 = arith.cmpi slt, %add3A_1275, %sign3A_1281 : i32
        %sign3A_1283 = arith.extui %sign3A_1282 : i1 to i32
        %sign3A_1284 = arith.subi %sign3A_1280, %sign3A_1283 : i32
        %sign3A_1285 = arith.constant 0 : i32
        %sign3A_1286 = arith.cmpi sgt, %jit3A_1276, %sign3A_1285 : i32
        %sign3A_1287 = arith.extui %sign3A_1286 : i1 to i32
        %sign3A_1288 = arith.constant 0 : i32
        %sign3A_1289 = arith.cmpi slt, %jit3A_1276, %sign3A_1288 : i32
        %sign3A_1290 = arith.extui %sign3A_1289 : i1 to i32
        %sign3A_1291 = arith.subi %sign3A_1287, %sign3A_1290 : i32
        %ne3A_1292 = arith.cmpi ne, %sign3A_1284, %sign3A_1291 : i32
        %rem3A_1293 = arith.remsi %add3A_1275, %jit3A_1276 : i32
        %ne3A_1294 = arith.constant 0 : i32
        %ne3A_1295 = arith.cmpi ne, %rem3A_1293, %ne3A_1294 : i32
        %and3A_1296 = arith.andi %ne3A_1292, %ne3A_1295 : i1
        %sub3A_1297 = arith.constant 1 : i32
        %sub3A_1298 = arith.subi %div3A_1277, %sub3A_1297 : i32
        %select_n3A_1299 = arith.select %and3A_1296, %sub3A_1298, %div3A_1277 : i32
        %jit3A_1300 = arith.constant 8 : i32
        %eq3A_1301 = arith.constant 0 : i32
        %eq3A_1302 = arith.cmpi eq, %jit3A_1300, %eq3A_1301 : i32
        %jit3A_1303 = arith.constant 1 : i32
        %select_n3A_1304 = arith.select %eq3A_1302, %jit3A_1303, %jit3A_1300 : i32
        %rem3A_1305 = arith.remsi %add3A_1275, %select_n3A_1304 : i32
        %ne3A_1306 = arith.constant 0 : i32
        %ne3A_1307 = arith.cmpi ne, %rem3A_1305, %ne3A_1306 : i32
        %lt3A_1308 = arith.constant 0 : i32
        %lt3A_1309 = arith.cmpi slt, %rem3A_1305, %lt3A_1308 : i32
        %lt3A_1310 = arith.constant 0 : i32
        %lt3A_1311 = arith.cmpi slt, %select_n3A_1304, %lt3A_1310 : i32
        %ne3A_1312 = arith.xori %lt3A_1309, %lt3A_1311 : i1
        %and3A_1313 = arith.andi %ne3A_1312, %ne3A_1307 : i1
        %add3A_1314 = arith.addi %rem3A_1305, %select_n3A_1304 : i32
        %select_n3A_1315 = arith.select %and3A_1313, %add3A_1314, %rem3A_1305 : i32
        %dma_start3A_1316 = arith.constant 0 : i32
        %dma_start3A_1317 = arith.constant 1 : i32
        %dma_start3A_1318 = arith.constant 0 : i32
        %dma_start3A_1319 = tpu.memref_slice %arg10[%dma_start3A_1317, %dma_start3A_1318] : memref<2x1024xi32, #tpu.memory_space<vmem>> -> memref<1x128xi32, #tpu.memory_space<vmem>>
        %dma_start3A_1320 = tpu.memref_squeeze %dma_start3A_1319 : memref<1x128xi32, #tpu.memory_space<vmem>> -> memref<128xi32, #tpu.memory_space<vmem>>
        %dma_start3A_1321 = arith.constant 0 : i32
        %dma_start3A_1322 = tpu.memref_slice %arg3[%select_n3A_1299, %dma_start3A_1316, %select_n3A_1315, %dma_start3A_1321] : memref<65x8x8x128xi32, #tpu.memory_space<hbm>> -> memref<1x1x1x128xi32, #tpu.memory_space<hbm>>
        %dma_start3A_1323 = tpu.memref_squeeze %dma_start3A_1322 : memref<1x1x1x128xi32, #tpu.memory_space<hbm>> -> memref<128xi32, #tpu.memory_space<hbm>>
        %dma_start3A_1324 = arith.constant 0 : i32
        %dma_start3A_1325 = tpu.memref_slice %arg10[%dma_start3A_1317, %dma_start3A_1324] : memref<2x1024xi32, #tpu.memory_space<vmem>> -> memref<1x128xi32, #tpu.memory_space<vmem>>
        %dma_start3A_1326 = tpu.memref_squeeze %dma_start3A_1325 : memref<1x128xi32, #tpu.memory_space<vmem>> -> memref<128xi32, #tpu.memory_space<vmem>>
        %dma_start3A_1327 = arith.constant 0 : i32
        %dma_start3A_1328 = tpu.memref_slice %arg3[%select_n3A_1299, %dma_start3A_1316, %select_n3A_1315, %dma_start3A_1327] : memref<65x8x8x128xi32, #tpu.memory_space<hbm>> -> memref<1x1x1x128xi32, #tpu.memory_space<hbm>>
        %dma_start3A_1329 = tpu.memref_squeeze %dma_start3A_1328 : memref<1x1x1x128xi32, #tpu.memory_space<hbm>> -> memref<128xi32, #tpu.memory_space<hbm>>
        tpu.enqueue_dma source(%dma_start3A_1329 : memref<128xi32, #tpu.memory_space<hbm>>) target(%dma_start3A_1326 : memref<128xi32, #tpu.memory_space<vmem>>) target_semaphore(%arg15 : memref<!tpu.dma_semaphore, #tpu.memory_space<semaphore_mem>>)
        %dma_start3A_1330 = arith.constant 0 : i32
        %dma_start3A_1331 = arith.constant 1 : i32
        %dma_start3A_1332 = arith.constant 0 : i32
        %dma_start3A_1333 = tpu.memref_slice %arg11[%dma_start3A_1331, %dma_start3A_1332] : memref<2x1024xi32, #tpu.memory_space<vmem>> -> memref<1x128xi32, #tpu.memory_space<vmem>>
        %dma_start3A_1334 = tpu.memref_squeeze %dma_start3A_1333 : memref<1x128xi32, #tpu.memory_space<vmem>> -> memref<128xi32, #tpu.memory_space<vmem>>
        %dma_start3A_1335 = arith.constant 0 : i32
        %dma_start3A_1336 = tpu.memref_slice %arg4[%select_n3A_1299, %dma_start3A_1330, %select_n3A_1315, %dma_start3A_1335] : memref<65x8x8x128xi32, #tpu.memory_space<hbm>> -> memref<1x1x1x128xi32, #tpu.memory_space<hbm>>
        %dma_start3A_1337 = tpu.memref_squeeze %dma_start3A_1336 : memref<1x1x1x128xi32, #tpu.memory_space<hbm>> -> memref<128xi32, #tpu.memory_space<hbm>>
        %dma_start3A_1338 = arith.constant 0 : i32
        %dma_start3A_1339 = tpu.memref_slice %arg11[%dma_start3A_1331, %dma_start3A_1338] : memref<2x1024xi32, #tpu.memory_space<vmem>> -> memref<1x128xi32, #tpu.memory_space<vmem>>
        %dma_start3A_1340 = tpu.memref_squeeze %dma_start3A_1339 : memref<1x128xi32, #tpu.memory_space<vmem>> -> memref<128xi32, #tpu.memory_space<vmem>>
        %dma_start3A_1341 = arith.constant 0 : i32
        %dma_start3A_1342 = tpu.memref_slice %arg4[%select_n3A_1299, %dma_start3A_1330, %select_n3A_1315, %dma_start3A_1341] : memref<65x8x8x128xi32, #tpu.memory_space<hbm>> -> memref<1x1x1x128xi32, #tpu.memory_space<hbm>>
        %dma_start3A_1343 = tpu.memref_squeeze %dma_start3A_1342 : memref<1x1x1x128xi32, #tpu.memory_space<hbm>> -> memref<128xi32, #tpu.memory_space<hbm>>
        tpu.enqueue_dma source(%dma_start3A_1343 : memref<128xi32, #tpu.memory_space<hbm>>) target(%dma_start3A_1340 : memref<128xi32, #tpu.memory_space<vmem>>) target_semaphore(%arg15 : memref<!tpu.dma_semaphore, #tpu.memory_space<semaphore_mem>>)
        %dma_start3A_1344 = arith.constant 1 : i32
        %dma_start3A_1345 = arith.constant 1 : i32
        %dma_start3A_1346 = arith.constant 128 : i32
        %dma_start3A_1347 = tpu.memref_slice %arg10[%dma_start3A_1345, %dma_start3A_1346] : memref<2x1024xi32, #tpu.memory_space<vmem>> -> memref<1x128xi32, #tpu.memory_space<vmem>>
        %dma_start3A_1348 = tpu.memref_squeeze %dma_start3A_1347 : memref<1x128xi32, #tpu.memory_space<vmem>> -> memref<128xi32, #tpu.memory_space<vmem>>
        %dma_start3A_1349 = arith.constant 0 : i32
        %dma_start3A_1350 = tpu.memref_slice %arg3[%select_n3A_1299, %dma_start3A_1344, %select_n3A_1315, %dma_start3A_1349] : memref<65x8x8x128xi32, #tpu.memory_space<hbm>> -> memref<1x1x1x128xi32, #tpu.memory_space<hbm>>
        %dma_start3A_1351 = tpu.memref_squeeze %dma_start3A_1350 : memref<1x1x1x128xi32, #tpu.memory_space<hbm>> -> memref<128xi32, #tpu.memory_space<hbm>>
        %dma_start3A_1352 = arith.constant 128 : i32
        %dma_start3A_1353 = tpu.memref_slice %arg10[%dma_start3A_1345, %dma_start3A_1352] : memref<2x1024xi32, #tpu.memory_space<vmem>> -> memref<1x128xi32, #tpu.memory_space<vmem>>
        %dma_start3A_1354 = tpu.memref_squeeze %dma_start3A_1353 : memref<1x128xi32, #tpu.memory_space<vmem>> -> memref<128xi32, #tpu.memory_space<vmem>>
        %dma_start3A_1355 = arith.constant 0 : i32
        %dma_start3A_1356 = tpu.memref_slice %arg3[%select_n3A_1299, %dma_start3A_1344, %select_n3A_1315, %dma_start3A_1355] : memref<65x8x8x128xi32, #tpu.memory_space<hbm>> -> memref<1x1x1x128xi32, #tpu.memory_space<hbm>>
        %dma_start3A_1357 = tpu.memref_squeeze %dma_start3A_1356 : memref<1x1x1x128xi32, #tpu.memory_space<hbm>> -> memref<128xi32, #tpu.memory_space<hbm>>
        tpu.enqueue_dma source(%dma_start3A_1357 : memref<128xi32, #tpu.memory_space<hbm>>) target(%dma_start3A_1354 : memref<128xi32, #tpu.memory_space<vmem>>) target_semaphore(%arg15 : memref<!tpu.dma_semaphore, #tpu.memory_space<semaphore_mem>>)
        %dma_start3A_1358 = arith.constant 1 : i32
        %dma_start3A_1359 = arith.constant 1 : i32
        %dma_start3A_1360 = arith.constant 128 : i32
        %dma_start3A_1361 = tpu.memref_slice %arg11[%dma_start3A_1359, %dma_start3A_1360] : memref<2x1024xi32, #tpu.memory_space<vmem>> -> memref<1x128xi32, #tpu.memory_space<vmem>>
        %dma_start3A_1362 = tpu.memref_squeeze %dma_start3A_1361 : memref<1x128xi32, #tpu.memory_space<vmem>> -> memref<128xi32, #tpu.memory_space<vmem>>
        %dma_start3A_1363 = arith.constant 0 : i32
        %dma_start3A_1364 = tpu.memref_slice %arg4[%select_n3A_1299, %dma_start3A_1358, %select_n3A_1315, %dma_start3A_1363] : memref<65x8x8x128xi32, #tpu.memory_space<hbm>> -> memref<1x1x1x128xi32, #tpu.memory_space<hbm>>
        %dma_start3A_1365 = tpu.memref_squeeze %dma_start3A_1364 : memref<1x1x1x128xi32, #tpu.memory_space<hbm>> -> memref<128xi32, #tpu.memory_space<hbm>>
        %dma_start3A_1366 = arith.constant 128 : i32
        %dma_start3A_1367 = tpu.memref_slice %arg11[%dma_start3A_1359, %dma_start3A_1366] : memref<2x1024xi32, #tpu.memory_space<vmem>> -> memref<1x128xi32, #tpu.memory_space<vmem>>
        %dma_start3A_1368 = tpu.memref_squeeze %dma_start3A_1367 : memref<1x128xi32, #tpu.memory_space<vmem>> -> memref<128xi32, #tpu.memory_space<vmem>>
        %dma_start3A_1369 = arith.constant 0 : i32
        %dma_start3A_1370 = tpu.memref_slice %arg4[%select_n3A_1299, %dma_start3A_1358, %select_n3A_1315, %dma_start3A_1369] : memref<65x8x8x128xi32, #tpu.memory_space<hbm>> -> memref<1x1x1x128xi32, #tpu.memory_space<hbm>>
        %dma_start3A_1371 = tpu.memref_squeeze %dma_start3A_1370 : memref<1x1x1x128xi32, #tpu.memory_space<hbm>> -> memref<128xi32, #tpu.memory_space<hbm>>
        tpu.enqueue_dma source(%dma_start3A_1371 : memref<128xi32, #tpu.memory_space<hbm>>) target(%dma_start3A_1368 : memref<128xi32, #tpu.memory_space<vmem>>) target_semaphore(%arg15 : memref<!tpu.dma_semaphore, #tpu.memory_space<semaphore_mem>>)
        %dma_start3A_1372 = arith.constant 2 : i32
        %dma_start3A_1373 = arith.constant 1 : i32
        %dma_start3A_1374 = arith.constant 256 : i32
        %dma_start3A_1375 = tpu.memref_slice %arg10[%dma_start3A_1373, %dma_start3A_1374] : memref<2x1024xi32, #tpu.memory_space<vmem>> -> memref<1x128xi32, #tpu.memory_space<vmem>>
        %dma_start3A_1376 = tpu.memref_squeeze %dma_start3A_1375 : memref<1x128xi32, #tpu.memory_space<vmem>> -> memref<128xi32, #tpu.memory_space<vmem>>
        %dma_start3A_1377 = arith.constant 0 : i32
        %dma_start3A_1378 = tpu.memref_slice %arg3[%select_n3A_1299, %dma_start3A_1372, %select_n3A_1315, %dma_start3A_1377] : memref<65x8x8x128xi32, #tpu.memory_space<hbm>> -> memref<1x1x1x128xi32, #tpu.memory_space<hbm>>
        %dma_start3A_1379 = tpu.memref_squeeze %dma_start3A_1378 : memref<1x1x1x128xi32, #tpu.memory_space<hbm>> -> memref<128xi32, #tpu.memory_space<hbm>>
        %dma_start3A_1380 = arith.constant 256 : i32
        %dma_start3A_1381 = tpu.memref_slice %arg10[%dma_start3A_1373, %dma_start3A_1380] : memref<2x1024xi32, #tpu.memory_space<vmem>> -> memref<1x128xi32, #tpu.memory_space<vmem>>
        %dma_start3A_1382 = tpu.memref_squeeze %dma_start3A_1381 : memref<1x128xi32, #tpu.memory_space<vmem>> -> memref<128xi32, #tpu.memory_space<vmem>>
        %dma_start3A_1383 = arith.constant 0 : i32
        %dma_start3A_1384 = tpu.memref_slice %arg3[%select_n3A_1299, %dma_start3A_1372, %select_n3A_1315, %dma_start3A_1383] : memref<65x8x8x128xi32, #tpu.memory_space<hbm>> -> memref<1x1x1x128xi32, #tpu.memory_space<hbm>>
        %dma_start3A_1385 = tpu.memref_squeeze %dma_start3A_1384 : memref<1x1x1x128xi32, #tpu.memory_space<hbm>> -> memref<128xi32, #tpu.memory_space<hbm>>
        tpu.enqueue_dma source(%dma_start3A_1385 : memref<128xi32, #tpu.memory_space<hbm>>) target(%dma_start3A_1382 : memref<128xi32, #tpu.memory_space<vmem>>) target_semaphore(%arg15 : memref<!tpu.dma_semaphore, #tpu.memory_space<semaphore_mem>>)
        %dma_start3A_1386 = arith.constant 2 : i32
        %dma_start3A_1387 = arith.constant 1 : i32
        %dma_start3A_1388 = arith.constant 256 : i32
        %dma_start3A_1389 = tpu.memref_slice %arg11[%dma_start3A_1387, %dma_start3A_1388] : memref<2x1024xi32, #tpu.memory_space<vmem>> -> memref<1x128xi32, #tpu.memory_space<vmem>>
        %dma_start3A_1390 = tpu.memref_squeeze %dma_start3A_1389 : memref<1x128xi32, #tpu.memory_space<vmem>> -> memref<128xi32, #tpu.memory_space<vmem>>
        %dma_start3A_1391 = arith.constant 0 : i32
        %dma_start3A_1392 = tpu.memref_slice %arg4[%select_n3A_1299, %dma_start3A_1386, %select_n3A_1315, %dma_start3A_1391] : memref<65x8x8x128xi32, #tpu.memory_space<hbm>> -> memref<1x1x1x128xi32, #tpu.memory_space<hbm>>
        %dma_start3A_1393 = tpu.memref_squeeze %dma_start3A_1392 : memref<1x1x1x128xi32, #tpu.memory_space<hbm>> -> memref<128xi32, #tpu.memory_space<hbm>>
        %dma_start3A_1394 = arith.constant 256 : i32
        %dma_start3A_1395 = tpu.memref_slice %arg11[%dma_start3A_1387, %dma_start3A_1394] : memref<2x1024xi32, #tpu.memory_space<vmem>> -> memref<1x128xi32, #tpu.memory_space<vmem>>
        %dma_start3A_1396 = tpu.memref_squeeze %dma_start3A_1395 : memref<1x128xi32, #tpu.memory_space<vmem>> -> memref<128xi32, #tpu.memory_space<vmem>>
        %dma_start3A_1397 = arith.constant 0 : i32
        %dma_start3A_1398 = tpu.memref_slice %arg4[%select_n3A_1299, %dma_start3A_1386, %select_n3A_1315, %dma_start3A_1397] : memref<65x8x8x128xi32, #tpu.memory_space<hbm>> -> memref<1x1x1x128xi32, #tpu.memory_space<hbm>>
        %dma_start3A_1399 = tpu.memref_squeeze %dma_start3A_1398 : memref<1x1x1x128xi32, #tpu.memory_space<hbm>> -> memref<128xi32, #tpu.memory_space<hbm>>
        tpu.enqueue_dma source(%dma_start3A_1399 : memref<128xi32, #tpu.memory_space<hbm>>) target(%dma_start3A_1396 : memref<128xi32, #tpu.memory_space<vmem>>) target_semaphore(%arg15 : memref<!tpu.dma_semaphore, #tpu.memory_space<semaphore_mem>>)
        %dma_start3A_1400 = arith.constant 3 : i32
        %dma_start3A_1401 = arith.constant 1 : i32
        %dma_start3A_1402 = arith.constant 384 : i32
        %dma_start3A_1403 = tpu.memref_slice %arg10[%dma_start3A_1401, %dma_start3A_1402] : memref<2x1024xi32, #tpu.memory_space<vmem>> -> memref<1x128xi32, #tpu.memory_space<vmem>>
        %dma_start3A_1404 = tpu.memref_squeeze %dma_start3A_1403 : memref<1x128xi32, #tpu.memory_space<vmem>> -> memref<128xi32, #tpu.memory_space<vmem>>
        %dma_start3A_1405 = arith.constant 0 : i32
        %dma_start3A_1406 = tpu.memref_slice %arg3[%select_n3A_1299, %dma_start3A_1400, %select_n3A_1315, %dma_start3A_1405] : memref<65x8x8x128xi32, #tpu.memory_space<hbm>> -> memref<1x1x1x128xi32, #tpu.memory_space<hbm>>
        %dma_start3A_1407 = tpu.memref_squeeze %dma_start3A_1406 : memref<1x1x1x128xi32, #tpu.memory_space<hbm>> -> memref<128xi32, #tpu.memory_space<hbm>>
        %dma_start3A_1408 = arith.constant 384 : i32
        %dma_start3A_1409 = tpu.memref_slice %arg10[%dma_start3A_1401, %dma_start3A_1408] : memref<2x1024xi32, #tpu.memory_space<vmem>> -> memref<1x128xi32, #tpu.memory_space<vmem>>
        %dma_start3A_1410 = tpu.memref_squeeze %dma_start3A_1409 : memref<1x128xi32, #tpu.memory_space<vmem>> -> memref<128xi32, #tpu.memory_space<vmem>>
        %dma_start3A_1411 = arith.constant 0 : i32
        %dma_start3A_1412 = tpu.memref_slice %arg3[%select_n3A_1299, %dma_start3A_1400, %select_n3A_1315, %dma_start3A_1411] : memref<65x8x8x128xi32, #tpu.memory_space<hbm>> -> memref<1x1x1x128xi32, #tpu.memory_space<hbm>>
        %dma_start3A_1413 = tpu.memref_squeeze %dma_start3A_1412 : memref<1x1x1x128xi32, #tpu.memory_space<hbm>> -> memref<128xi32, #tpu.memory_space<hbm>>
        tpu.enqueue_dma source(%dma_start3A_1413 : memref<128xi32, #tpu.memory_space<hbm>>) target(%dma_start3A_1410 : memref<128xi32, #tpu.memory_space<vmem>>) target_semaphore(%arg15 : memref<!tpu.dma_semaphore, #tpu.memory_space<semaphore_mem>>)
        %dma_start3A_1414 = arith.constant 3 : i32
        %dma_start3A_1415 = arith.constant 1 : i32
        %dma_start3A_1416 = arith.constant 384 : i32
        %dma_start3A_1417 = tpu.memref_slice %arg11[%dma_start3A_1415, %dma_start3A_1416] : memref<2x1024xi32, #tpu.memory_space<vmem>> -> memref<1x128xi32, #tpu.memory_space<vmem>>
        %dma_start3A_1418 = tpu.memref_squeeze %dma_start3A_1417 : memref<1x128xi32, #tpu.memory_space<vmem>> -> memref<128xi32, #tpu.memory_space<vmem>>
        %dma_start3A_1419 = arith.constant 0 : i32
        %dma_start3A_1420 = tpu.memref_slice %arg4[%select_n3A_1299, %dma_start3A_1414, %select_n3A_1315, %dma_start3A_1419] : memref<65x8x8x128xi32, #tpu.memory_space<hbm>> -> memref<1x1x1x128xi32, #tpu.memory_space<hbm>>
        %dma_start3A_1421 = tpu.memref_squeeze %dma_start3A_1420 : memref<1x1x1x128xi32, #tpu.memory_space<hbm>> -> memref<128xi32, #tpu.memory_space<hbm>>
        %dma_start3A_1422 = arith.constant 384 : i32
        %dma_start3A_1423 = tpu.memref_slice %arg11[%dma_start3A_1415, %dma_start3A_1422] : memref<2x1024xi32, #tpu.memory_space<vmem>> -> memref<1x128xi32, #tpu.memory_space<vmem>>
        %dma_start3A_1424 = tpu.memref_squeeze %dma_start3A_1423 : memref<1x128xi32, #tpu.memory_space<vmem>> -> memref<128xi32, #tpu.memory_space<vmem>>
        %dma_start3A_1425 = arith.constant 0 : i32
        %dma_start3A_1426 = tpu.memref_slice %arg4[%select_n3A_1299, %dma_start3A_1414, %select_n3A_1315, %dma_start3A_1425] : memref<65x8x8x128xi32, #tpu.memory_space<hbm>> -> memref<1x1x1x128xi32, #tpu.memory_space<hbm>>
        %dma_start3A_1427 = tpu.memref_squeeze %dma_start3A_1426 : memref<1x1x1x128xi32, #tpu.memory_space<hbm>> -> memref<128xi32, #tpu.memory_space<hbm>>
        tpu.enqueue_dma source(%dma_start3A_1427 : memref<128xi32, #tpu.memory_space<hbm>>) target(%dma_start3A_1424 : memref<128xi32, #tpu.memory_space<vmem>>) target_semaphore(%arg15 : memref<!tpu.dma_semaphore, #tpu.memory_space<semaphore_mem>>)
        %dma_start3A_1428 = arith.constant 4 : i32
        %dma_start3A_1429 = arith.constant 1 : i32
        %dma_start3A_1430 = arith.constant 512 : i32
        %dma_start3A_1431 = tpu.memref_slice %arg10[%dma_start3A_1429, %dma_start3A_1430] : memref<2x1024xi32, #tpu.memory_space<vmem>> -> memref<1x128xi32, #tpu.memory_space<vmem>>
        %dma_start3A_1432 = tpu.memref_squeeze %dma_start3A_1431 : memref<1x128xi32, #tpu.memory_space<vmem>> -> memref<128xi32, #tpu.memory_space<vmem>>
        %dma_start3A_1433 = arith.constant 0 : i32
        %dma_start3A_1434 = tpu.memref_slice %arg3[%select_n3A_1299, %dma_start3A_1428, %select_n3A_1315, %dma_start3A_1433] : memref<65x8x8x128xi32, #tpu.memory_space<hbm>> -> memref<1x1x1x128xi32, #tpu.memory_space<hbm>>
        %dma_start3A_1435 = tpu.memref_squeeze %dma_start3A_1434 : memref<1x1x1x128xi32, #tpu.memory_space<hbm>> -> memref<128xi32, #tpu.memory_space<hbm>>
        %dma_start3A_1436 = arith.constant 512 : i32
        %dma_start3A_1437 = tpu.memref_slice %arg10[%dma_start3A_1429, %dma_start3A_1436] : memref<2x1024xi32, #tpu.memory_space<vmem>> -> memref<1x128xi32, #tpu.memory_space<vmem>>
        %dma_start3A_1438 = tpu.memref_squeeze %dma_start3A_1437 : memref<1x128xi32, #tpu.memory_space<vmem>> -> memref<128xi32, #tpu.memory_space<vmem>>
        %dma_start3A_1439 = arith.constant 0 : i32
        %dma_start3A_1440 = tpu.memref_slice %arg3[%select_n3A_1299, %dma_start3A_1428, %select_n3A_1315, %dma_start3A_1439] : memref<65x8x8x128xi32, #tpu.memory_space<hbm>> -> memref<1x1x1x128xi32, #tpu.memory_space<hbm>>
        %dma_start3A_1441 = tpu.memref_squeeze %dma_start3A_1440 : memref<1x1x1x128xi32, #tpu.memory_space<hbm>> -> memref<128xi32, #tpu.memory_space<hbm>>
        tpu.enqueue_dma source(%dma_start3A_1441 : memref<128xi32, #tpu.memory_space<hbm>>) target(%dma_start3A_1438 : memref<128xi32, #tpu.memory_space<vmem>>) target_semaphore(%arg15 : memref<!tpu.dma_semaphore, #tpu.memory_space<semaphore_mem>>)
        %dma_start3A_1442 = arith.constant 4 : i32
        %dma_start3A_1443 = arith.constant 1 : i32
        %dma_start3A_1444 = arith.constant 512 : i32
        %dma_start3A_1445 = tpu.memref_slice %arg11[%dma_start3A_1443, %dma_start3A_1444] : memref<2x1024xi32, #tpu.memory_space<vmem>> -> memref<1x128xi32, #tpu.memory_space<vmem>>
        %dma_start3A_1446 = tpu.memref_squeeze %dma_start3A_1445 : memref<1x128xi32, #tpu.memory_space<vmem>> -> memref<128xi32, #tpu.memory_space<vmem>>
        %dma_start3A_1447 = arith.constant 0 : i32
        %dma_start3A_1448 = tpu.memref_slice %arg4[%select_n3A_1299, %dma_start3A_1442, %select_n3A_1315, %dma_start3A_1447] : memref<65x8x8x128xi32, #tpu.memory_space<hbm>> -> memref<1x1x1x128xi32, #tpu.memory_space<hbm>>
        %dma_start3A_1449 = tpu.memref_squeeze %dma_start3A_1448 : memref<1x1x1x128xi32, #tpu.memory_space<hbm>> -> memref<128xi32, #tpu.memory_space<hbm>>
        %dma_start3A_1450 = arith.constant 512 : i32
        %dma_start3A_1451 = tpu.memref_slice %arg11[%dma_start3A_1443, %dma_start3A_1450] : memref<2x1024xi32, #tpu.memory_space<vmem>> -> memref<1x128xi32, #tpu.memory_space<vmem>>
        %dma_start3A_1452 = tpu.memref_squeeze %dma_start3A_1451 : memref<1x128xi32, #tpu.memory_space<vmem>> -> memref<128xi32, #tpu.memory_space<vmem>>
        %dma_start3A_1453 = arith.constant 0 : i32
        %dma_start3A_1454 = tpu.memref_slice %arg4[%select_n3A_1299, %dma_start3A_1442, %select_n3A_1315, %dma_start3A_1453] : memref<65x8x8x128xi32, #tpu.memory_space<hbm>> -> memref<1x1x1x128xi32, #tpu.memory_space<hbm>>
        %dma_start3A_1455 = tpu.memref_squeeze %dma_start3A_1454 : memref<1x1x1x128xi32, #tpu.memory_space<hbm>> -> memref<128xi32, #tpu.memory_space<hbm>>
        tpu.enqueue_dma source(%dma_start3A_1455 : memref<128xi32, #tpu.memory_space<hbm>>) target(%dma_start3A_1452 : memref<128xi32, #tpu.memory_space<vmem>>) target_semaphore(%arg15 : memref<!tpu.dma_semaphore, #tpu.memory_space<semaphore_mem>>)
        %dma_start3A_1456 = arith.constant 5 : i32
        %dma_start3A_1457 = arith.constant 1 : i32
        %dma_start3A_1458 = arith.constant 640 : i32
        %dma_start3A_1459 = tpu.memref_slice %arg10[%dma_start3A_1457, %dma_start3A_1458] : memref<2x1024xi32, #tpu.memory_space<vmem>> -> memref<1x128xi32, #tpu.memory_space<vmem>>
        %dma_start3A_1460 = tpu.memref_squeeze %dma_start3A_1459 : memref<1x128xi32, #tpu.memory_space<vmem>> -> memref<128xi32, #tpu.memory_space<vmem>>
        %dma_start3A_1461 = arith.constant 0 : i32
        %dma_start3A_1462 = tpu.memref_slice %arg3[%select_n3A_1299, %dma_start3A_1456, %select_n3A_1315, %dma_start3A_1461] : memref<65x8x8x128xi32, #tpu.memory_space<hbm>> -> memref<1x1x1x128xi32, #tpu.memory_space<hbm>>
        %dma_start3A_1463 = tpu.memref_squeeze %dma_start3A_1462 : memref<1x1x1x128xi32, #tpu.memory_space<hbm>> -> memref<128xi32, #tpu.memory_space<hbm>>
        %dma_start3A_1464 = arith.constant 640 : i32
        %dma_start3A_1465 = tpu.memref_slice %arg10[%dma_start3A_1457, %dma_start3A_1464] : memref<2x1024xi32, #tpu.memory_space<vmem>> -> memref<1x128xi32, #tpu.memory_space<vmem>>
        %dma_start3A_1466 = tpu.memref_squeeze %dma_start3A_1465 : memref<1x128xi32, #tpu.memory_space<vmem>> -> memref<128xi32, #tpu.memory_space<vmem>>
        %dma_start3A_1467 = arith.constant 0 : i32
        %dma_start3A_1468 = tpu.memref_slice %arg3[%select_n3A_1299, %dma_start3A_1456, %select_n3A_1315, %dma_start3A_1467] : memref<65x8x8x128xi32, #tpu.memory_space<hbm>> -> memref<1x1x1x128xi32, #tpu.memory_space<hbm>>
        %dma_start3A_1469 = tpu.memref_squeeze %dma_start3A_1468 : memref<1x1x1x128xi32, #tpu.memory_space<hbm>> -> memref<128xi32, #tpu.memory_space<hbm>>
        tpu.enqueue_dma source(%dma_start3A_1469 : memref<128xi32, #tpu.memory_space<hbm>>) target(%dma_start3A_1466 : memref<128xi32, #tpu.memory_space<vmem>>) target_semaphore(%arg15 : memref<!tpu.dma_semaphore, #tpu.memory_space<semaphore_mem>>)
        %dma_start3A_1470 = arith.constant 5 : i32
        %dma_start3A_1471 = arith.constant 1 : i32
        %dma_start3A_1472 = arith.constant 640 : i32
        %dma_start3A_1473 = tpu.memref_slice %arg11[%dma_start3A_1471, %dma_start3A_1472] : memref<2x1024xi32, #tpu.memory_space<vmem>> -> memref<1x128xi32, #tpu.memory_space<vmem>>
        %dma_start3A_1474 = tpu.memref_squeeze %dma_start3A_1473 : memref<1x128xi32, #tpu.memory_space<vmem>> -> memref<128xi32, #tpu.memory_space<vmem>>
        %dma_start3A_1475 = arith.constant 0 : i32
        %dma_start3A_1476 = tpu.memref_slice %arg4[%select_n3A_1299, %dma_start3A_1470, %select_n3A_1315, %dma_start3A_1475] : memref<65x8x8x128xi32, #tpu.memory_space<hbm>> -> memref<1x1x1x128xi32, #tpu.memory_space<hbm>>
        %dma_start3A_1477 = tpu.memref_squeeze %dma_start3A_1476 : memref<1x1x1x128xi32, #tpu.memory_space<hbm>> -> memref<128xi32, #tpu.memory_space<hbm>>
        %dma_start3A_1478 = arith.constant 640 : i32
        %dma_start3A_1479 = tpu.memref_slice %arg11[%dma_start3A_1471, %dma_start3A_1478] : memref<2x1024xi32, #tpu.memory_space<vmem>> -> memref<1x128xi32, #tpu.memory_space<vmem>>
        %dma_start3A_1480 = tpu.memref_squeeze %dma_start3A_1479 : memref<1x128xi32, #tpu.memory_space<vmem>> -> memref<128xi32, #tpu.memory_space<vmem>>
        %dma_start3A_1481 = arith.constant 0 : i32
        %dma_start3A_1482 = tpu.memref_slice %arg4[%select_n3A_1299, %dma_start3A_1470, %select_n3A_1315, %dma_start3A_1481] : memref<65x8x8x128xi32, #tpu.memory_space<hbm>> -> memref<1x1x1x128xi32, #tpu.memory_space<hbm>>
        %dma_start3A_1483 = tpu.memref_squeeze %dma_start3A_1482 : memref<1x1x1x128xi32, #tpu.memory_space<hbm>> -> memref<128xi32, #tpu.memory_space<hbm>>
        tpu.enqueue_dma source(%dma_start3A_1483 : memref<128xi32, #tpu.memory_space<hbm>>) target(%dma_start3A_1480 : memref<128xi32, #tpu.memory_space<vmem>>) target_semaphore(%arg15 : memref<!tpu.dma_semaphore, #tpu.memory_space<semaphore_mem>>)
        %dma_start3A_1484 = arith.constant 6 : i32
        %dma_start3A_1485 = arith.constant 1 : i32
        %dma_start3A_1486 = arith.constant 768 : i32
        %dma_start3A_1487 = tpu.memref_slice %arg10[%dma_start3A_1485, %dma_start3A_1486] : memref<2x1024xi32, #tpu.memory_space<vmem>> -> memref<1x128xi32, #tpu.memory_space<vmem>>
        %dma_start3A_1488 = tpu.memref_squeeze %dma_start3A_1487 : memref<1x128xi32, #tpu.memory_space<vmem>> -> memref<128xi32, #tpu.memory_space<vmem>>
        %dma_start3A_1489 = arith.constant 0 : i32
        %dma_start3A_1490 = tpu.memref_slice %arg3[%select_n3A_1299, %dma_start3A_1484, %select_n3A_1315, %dma_start3A_1489] : memref<65x8x8x128xi32, #tpu.memory_space<hbm>> -> memref<1x1x1x128xi32, #tpu.memory_space<hbm>>
        %dma_start3A_1491 = tpu.memref_squeeze %dma_start3A_1490 : memref<1x1x1x128xi32, #tpu.memory_space<hbm>> -> memref<128xi32, #tpu.memory_space<hbm>>
        %dma_start3A_1492 = arith.constant 768 : i32
        %dma_start3A_1493 = tpu.memref_slice %arg10[%dma_start3A_1485, %dma_start3A_1492] : memref<2x1024xi32, #tpu.memory_space<vmem>> -> memref<1x128xi32, #tpu.memory_space<vmem>>
        %dma_start3A_1494 = tpu.memref_squeeze %dma_start3A_1493 : memref<1x128xi32, #tpu.memory_space<vmem>> -> memref<128xi32, #tpu.memory_space<vmem>>
        %dma_start3A_1495 = arith.constant 0 : i32
        %dma_start3A_1496 = tpu.memref_slice %arg3[%select_n3A_1299, %dma_start3A_1484, %select_n3A_1315, %dma_start3A_1495] : memref<65x8x8x128xi32, #tpu.memory_space<hbm>> -> memref<1x1x1x128xi32, #tpu.memory_space<hbm>>
        %dma_start3A_1497 = tpu.memref_squeeze %dma_start3A_1496 : memref<1x1x1x128xi32, #tpu.memory_space<hbm>> -> memref<128xi32, #tpu.memory_space<hbm>>
        tpu.enqueue_dma source(%dma_start3A_1497 : memref<128xi32, #tpu.memory_space<hbm>>) target(%dma_start3A_1494 : memref<128xi32, #tpu.memory_space<vmem>>) target_semaphore(%arg15 : memref<!tpu.dma_semaphore, #tpu.memory_space<semaphore_mem>>)
        %dma_start3A_1498 = arith.constant 6 : i32
        %dma_start3A_1499 = arith.constant 1 : i32
        %dma_start3A_1500 = arith.constant 768 : i32
        %dma_start3A_1501 = tpu.memref_slice %arg11[%dma_start3A_1499, %dma_start3A_1500] : memref<2x1024xi32, #tpu.memory_space<vmem>> -> memref<1x128xi32, #tpu.memory_space<vmem>>
        %dma_start3A_1502 = tpu.memref_squeeze %dma_start3A_1501 : memref<1x128xi32, #tpu.memory_space<vmem>> -> memref<128xi32, #tpu.memory_space<vmem>>
        %dma_start3A_1503 = arith.constant 0 : i32
        %dma_start3A_1504 = tpu.memref_slice %arg4[%select_n3A_1299, %dma_start3A_1498, %select_n3A_1315, %dma_start3A_1503] : memref<65x8x8x128xi32, #tpu.memory_space<hbm>> -> memref<1x1x1x128xi32, #tpu.memory_space<hbm>>
        %dma_start3A_1505 = tpu.memref_squeeze %dma_start3A_1504 : memref<1x1x1x128xi32, #tpu.memory_space<hbm>> -> memref<128xi32, #tpu.memory_space<hbm>>
        %dma_start3A_1506 = arith.constant 768 : i32
        %dma_start3A_1507 = tpu.memref_slice %arg11[%dma_start3A_1499, %dma_start3A_1506] : memref<2x1024xi32, #tpu.memory_space<vmem>> -> memref<1x128xi32, #tpu.memory_space<vmem>>
        %dma_start3A_1508 = tpu.memref_squeeze %dma_start3A_1507 : memref<1x128xi32, #tpu.memory_space<vmem>> -> memref<128xi32, #tpu.memory_space<vmem>>
        %dma_start3A_1509 = arith.constant 0 : i32
        %dma_start3A_1510 = tpu.memref_slice %arg4[%select_n3A_1299, %dma_start3A_1498, %select_n3A_1315, %dma_start3A_1509] : memref<65x8x8x128xi32, #tpu.memory_space<hbm>> -> memref<1x1x1x128xi32, #tpu.memory_space<hbm>>
        %dma_start3A_1511 = tpu.memref_squeeze %dma_start3A_1510 : memref<1x1x1x128xi32, #tpu.memory_space<hbm>> -> memref<128xi32, #tpu.memory_space<hbm>>
        tpu.enqueue_dma source(%dma_start3A_1511 : memref<128xi32, #tpu.memory_space<hbm>>) target(%dma_start3A_1508 : memref<128xi32, #tpu.memory_space<vmem>>) target_semaphore(%arg15 : memref<!tpu.dma_semaphore, #tpu.memory_space<semaphore_mem>>)
        %dma_start3A_1512 = arith.constant 7 : i32
        %dma_start3A_1513 = arith.constant 1 : i32
        %dma_start3A_1514 = arith.constant 896 : i32
        %dma_start3A_1515 = tpu.memref_slice %arg10[%dma_start3A_1513, %dma_start3A_1514] : memref<2x1024xi32, #tpu.memory_space<vmem>> -> memref<1x128xi32, #tpu.memory_space<vmem>>
        %dma_start3A_1516 = tpu.memref_squeeze %dma_start3A_1515 : memref<1x128xi32, #tpu.memory_space<vmem>> -> memref<128xi32, #tpu.memory_space<vmem>>
        %dma_start3A_1517 = arith.constant 0 : i32
        %dma_start3A_1518 = tpu.memref_slice %arg3[%select_n3A_1299, %dma_start3A_1512, %select_n3A_1315, %dma_start3A_1517] : memref<65x8x8x128xi32, #tpu.memory_space<hbm>> -> memref<1x1x1x128xi32, #tpu.memory_space<hbm>>
        %dma_start3A_1519 = tpu.memref_squeeze %dma_start3A_1518 : memref<1x1x1x128xi32, #tpu.memory_space<hbm>> -> memref<128xi32, #tpu.memory_space<hbm>>
        %dma_start3A_1520 = arith.constant 896 : i32
        %dma_start3A_1521 = tpu.memref_slice %arg10[%dma_start3A_1513, %dma_start3A_1520] : memref<2x1024xi32, #tpu.memory_space<vmem>> -> memref<1x128xi32, #tpu.memory_space<vmem>>
        %dma_start3A_1522 = tpu.memref_squeeze %dma_start3A_1521 : memref<1x128xi32, #tpu.memory_space<vmem>> -> memref<128xi32, #tpu.memory_space<vmem>>
        %dma_start3A_1523 = arith.constant 0 : i32
        %dma_start3A_1524 = tpu.memref_slice %arg3[%select_n3A_1299, %dma_start3A_1512, %select_n3A_1315, %dma_start3A_1523] : memref<65x8x8x128xi32, #tpu.memory_space<hbm>> -> memref<1x1x1x128xi32, #tpu.memory_space<hbm>>
        %dma_start3A_1525 = tpu.memref_squeeze %dma_start3A_1524 : memref<1x1x1x128xi32, #tpu.memory_space<hbm>> -> memref<128xi32, #tpu.memory_space<hbm>>
        tpu.enqueue_dma source(%dma_start3A_1525 : memref<128xi32, #tpu.memory_space<hbm>>) target(%dma_start3A_1522 : memref<128xi32, #tpu.memory_space<vmem>>) target_semaphore(%arg15 : memref<!tpu.dma_semaphore, #tpu.memory_space<semaphore_mem>>)
        %dma_start3A_1526 = arith.constant 7 : i32
        %dma_start3A_1527 = arith.constant 1 : i32
        %dma_start3A_1528 = arith.constant 896 : i32
        %dma_start3A_1529 = tpu.memref_slice %arg11[%dma_start3A_1527, %dma_start3A_1528] : memref<2x1024xi32, #tpu.memory_space<vmem>> -> memref<1x128xi32, #tpu.memory_space<vmem>>
        %dma_start3A_1530 = tpu.memref_squeeze %dma_start3A_1529 : memref<1x128xi32, #tpu.memory_space<vmem>> -> memref<128xi32, #tpu.memory_space<vmem>>
        %dma_start3A_1531 = arith.constant 0 : i32
        %dma_start3A_1532 = tpu.memref_slice %arg4[%select_n3A_1299, %dma_start3A_1526, %select_n3A_1315, %dma_start3A_1531] : memref<65x8x8x128xi32, #tpu.memory_space<hbm>> -> memref<1x1x1x128xi32, #tpu.memory_space<hbm>>
        %dma_start3A_1533 = tpu.memref_squeeze %dma_start3A_1532 : memref<1x1x1x128xi32, #tpu.memory_space<hbm>> -> memref<128xi32, #tpu.memory_space<hbm>>
        %dma_start3A_1534 = arith.constant 896 : i32
        %dma_start3A_1535 = tpu.memref_slice %arg11[%dma_start3A_1527, %dma_start3A_1534] : memref<2x1024xi32, #tpu.memory_space<vmem>> -> memref<1x128xi32, #tpu.memory_space<vmem>>
        %dma_start3A_1536 = tpu.memref_squeeze %dma_start3A_1535 : memref<1x128xi32, #tpu.memory_space<vmem>> -> memref<128xi32, #tpu.memory_space<vmem>>
        %dma_start3A_1537 = arith.constant 0 : i32
        %dma_start3A_1538 = tpu.memref_slice %arg4[%select_n3A_1299, %dma_start3A_1526, %select_n3A_1315, %dma_start3A_1537] : memref<65x8x8x128xi32, #tpu.memory_space<hbm>> -> memref<1x1x1x128xi32, #tpu.memory_space<hbm>>
        %dma_start3A_1539 = tpu.memref_squeeze %dma_start3A_1538 : memref<1x1x1x128xi32, #tpu.memory_space<hbm>> -> memref<128xi32, #tpu.memory_space<hbm>>
        tpu.enqueue_dma source(%dma_start3A_1539 : memref<128xi32, #tpu.memory_space<hbm>>) target(%dma_start3A_1536 : memref<128xi32, #tpu.memory_space<vmem>>) target_semaphore(%arg15 : memref<!tpu.dma_semaphore, #tpu.memory_space<semaphore_mem>>)
      } else {
      }
    }
    %scan3A_540 = arith.constant 9 : i32
    %dma_wait3A = arith.constant 0 : i32
    %dma_wait3A_541 = arith.constant 0 : i32
    %dma_wait3A_542 = arith.constant 0 : i32
    %dma_wait3A_543 = tpu.memref_slice %arg8[%dma_wait3A, %dma_wait3A_541, %dma_wait3A_542] : memref<520x14x8192xf32, #tpu.memory_space<hbm>> -> memref<1x14x8192xf32, #tpu.memory_space<hbm>>
    %dma_wait3A_544 = tpu.memref_squeeze %dma_wait3A_543 : memref<1x14x8192xf32, #tpu.memory_space<hbm>> -> memref<14x8192xf32, #tpu.memory_space<hbm>>
    %dma_wait3A_545 = arith.constant 0 : i32
    %dma_wait3A_546 = arith.constant 0 : i32
    %dma_wait3A_547 = tpu.memref_slice %arg8[%dma_wait3A, %dma_wait3A_545, %dma_wait3A_546] : memref<520x14x8192xf32, #tpu.memory_space<hbm>> -> memref<1x14x8192xf32, #tpu.memory_space<hbm>>
    %dma_wait3A_548 = tpu.memref_squeeze %dma_wait3A_547 : memref<1x14x8192xf32, #tpu.memory_space<hbm>> -> memref<14x8192xf32, #tpu.memory_space<hbm>>
    tpu.wait_dma2 semaphore(%arg17 : memref<!tpu.dma_semaphore, #tpu.memory_space<semaphore_mem>>) src(%arg9 : memref<14x8192xf32, #tpu.memory_space<vmem>>) dst(%dma_wait3A_548 : memref<14x8192xf32, #tpu.memory_space<hbm>>)
    return
  }
}

module attributes {stable_mosaic.version = 14 : i64} {
  func.func @_time_body(%arg0: memref<1x20xf32, #tpu.memory_space<vmem>>, %arg1: memref<20x32xf32, #tpu.memory_space<vmem>>, %arg2: memref<20x32xf32, #tpu.memory_space<vmem>>, %arg3: memref<520x32xf32, #tpu.memory_space<vmem>>) attributes {dimension_semantics = [], scalar_prefetch = 0 : i64, scratch_operands = 0 : i64, tpu.core_type = #tpu.core_type<tc>} {
    %iota3A = tpu.iota {dimensions = array<i32: 0>} : vector<520x20xi32>
    %iota3A_0 = tpu.iota {dimensions = array<i32: 1>} : vector<520x20xi32>
    %jit3A = arith.constant 20 : i32
    %eq3A = arith.constant 0 : i32
    %eq3A_1 = arith.cmpi eq, %jit3A, %eq3A : i32
    %jit3A_2 = arith.constant 1 : i32
    %select_n3A = arith.select %eq3A_1, %jit3A_2, %jit3A : i32
    %rem3A = vector.broadcast %select_n3A : i32 to vector<520x20xi32>
    %rem3A_3 = arith.remsi %iota3A, %rem3A : vector<520x20xi32>
    %ne3A = arith.constant 0 : i32
    %ne3A_4 = vector.broadcast %ne3A : i32 to vector<520x20xi32>
    %ne3A_5 = arith.cmpi ne, %rem3A_3, %ne3A_4 : vector<520x20xi32>
    %lt3A = arith.constant 0 : i32
    %lt3A_6 = vector.broadcast %lt3A : i32 to vector<520x20xi32>
    %lt3A_7 = arith.cmpi slt, %rem3A_3, %lt3A_6 : vector<520x20xi32>
    %lt3A_8 = arith.constant 0 : i32
    %lt3A_9 = arith.cmpi slt, %select_n3A, %lt3A_8 : i32
    %ne3A_10 = vector.broadcast %lt3A_9 : i1 to vector<520x20xi1>
    %ne3A_11 = vector.broadcast %ne3A_10 : vector<520x20xi1> to vector<520x20xi1>
    %ne3A_12 = arith.xori %lt3A_7, %ne3A_11 : vector<520x20xi1>
    %and3A = arith.andi %ne3A_12, %ne3A_5 : vector<520x20xi1>
    %add3A = vector.broadcast %select_n3A : i32 to vector<520x20xi32>
    %add3A_13 = arith.addi %rem3A_3, %add3A : vector<520x20xi32>
    %select_n3A_14 = arith.select %and3A, %add3A_13, %rem3A_3 : vector<520x20xi1>, vector<520x20xi32>
    %eq3A_15 = arith.cmpi eq, %select_n3A_14, %iota3A_0 : vector<520x20xi32>
    %convert_element_type3A = arith.extui %eq3A_15 : vector<520x20xi1> to vector<520x20xi32>
    %convert_element_type3A_16 = arith.sitofp %convert_element_type3A : vector<520x20xi32> to vector<520x20xf32>
    %get3A = arith.constant 0 : index
    %get3A_17 = arith.constant 0 : index
    %get3A_18 = vector.load %arg0[%get3A, %get3A_17] : memref<1x20xf32, #tpu.memory_space<vmem>>, vector<1x20xf32>
    %mul3A = vector.broadcast %get3A_18 : vector<1x20xf32> to vector<520x20xf32>
    %mul3A_19 = arith.mulf %convert_element_type3A_16, %mul3A : vector<520x20xf32>
    %get3A_20 = arith.constant 0 : index
    %get3A_21 = arith.constant 0 : index
    %get3A_22 = vector.load %arg1[%get3A_20, %get3A_21] : memref<20x32xf32, #tpu.memory_space<vmem>>, vector<20x32xf32>
    %dot_general3A = arith.constant dense<0.000000e+00> : vector<520x32xf32>
    %dot_general3A_23 = tpu.matmul %mul3A_19, %get3A_22, %dot_general3A {dimension_numbers = #tpu.dot_dimension_numbers<[1], [0], [0], [1], [0, 0, 1, 1], [], []>, transpose_lhs_hint = false} : vector<520x20xf32>, vector<20x32xf32>, vector<520x32xf32> -> vector<520x32xf32>
    %get3A_24 = arith.constant 0 : index
    %get3A_25 = arith.constant 0 : index
    %get3A_26 = vector.load %arg2[%get3A_24, %get3A_25] : memref<20x32xf32, #tpu.memory_space<vmem>>, vector<20x32xf32>
    %dot_general3A_27 = arith.constant dense<0.000000e+00> : vector<520x32xf32>
    %dot_general3A_28 = tpu.matmul %convert_element_type3A_16, %get3A_26, %dot_general3A_27 {dimension_numbers = #tpu.dot_dimension_numbers<[1], [0], [0], [1], [0, 0, 1, 1], [], []>, transpose_lhs_hint = false} : vector<520x20xf32>, vector<20x32xf32>, vector<520x32xf32> -> vector<520x32xf32>
    %add3A_29 = arith.addf %dot_general3A_23, %dot_general3A_28 : vector<520x32xf32>
    %iota3A_30 = tpu.iota {dimensions = array<i32: 1>} : vector<520x32xi32>
    %eq3A_31 = arith.constant 0 : i32
    %eq3A_32 = vector.broadcast %eq3A_31 : i32 to vector<520x32xi32>
    %eq3A_33 = arith.cmpi eq, %iota3A_30, %eq3A_32 : vector<520x32xi32>
    %sin3A = math.sin %add3A_29 : vector<520x32xf32>
    %select_n3A_34 = arith.select %eq3A_33, %add3A_29, %sin3A : vector<520x32xi1>, vector<520x32xf32>
    %swap3A = arith.constant 0 : index
    %swap3A_35 = arith.constant 0 : index
    %swap3A_36 = vector.load %arg3[%swap3A, %swap3A_35] : memref<520x32xf32, #tpu.memory_space<vmem>>, vector<520x32xf32>
    tpu.vector_store %arg3[%swap3A, %swap3A_35], %select_n3A_34 {strides = array<i32>} : memref<520x32xf32, #tpu.memory_space<vmem>>, vector<520x32xf32>,
    return
  }
}

</mosaic_0001>

<sc_bundles>
// kernel: kernel.4.cloned.1.call-start
scs
__scs_entry_jumppad:
0x0: {  	(pc) =	sbr.rel $0x88, $3  }
0x1: {  	(tag) =	ssettag $0x0;
	lr =	simm.s32 $0x1  }
0x2: {  	[smem:$0x3F99] =	sst lr;
	_ =	strace $0xD0000000  }
0x3: {  	_ = 	snop  }
0x4: {  	_ = 	snop  }
0x5: {  	_ = 	snop  }
0x6: {  	_ = 	snop  }
0x7: {  	_ = 	snop  }
__scs_overlays_trampoline_lowered:
0x8: {  	[smem:$0x3FA8] =	sst s0  }
0x9: {  	[smem:$0x3FA9] =	sst s1  }
0xa: {  	[smem:$0x3FAA] =	sst s2  }
0xb: {  	[smem:$0x3FAB] =	sst s3  }
0xc: {  	[smem:$0x3FAC] =	sst s4  }
0xd: {  	[smem:$0x3FAD] =	sst s5  }
0xe: {  	[smem:$0x3FAE] =	sst s6  }
0xf: {  	[smem:$0x3FAF] =	sst s7  }
0x10: {  	[smem:$0x3FB0] =	sst s8  }
0x11: {  	[smem:$0x3FB1] =	sst s9;
	s0 =	simm.s32 @!p0 $0x0  }
0x12: {  	s1 =	sld [smem:$0x3F97];
	s0 =	simm.s32 @p0 $0x1  }
0x13: {  	[smem:$0x3FB2] =	sst s0;
	s0 =	simm.s32 @!p1 $0x0  }
0x14: {  	s2 =	sld [smem:$0x3F96];
	s0 =	simm.s32 @p1 $0x1  }
0x15: {  	[smem:$0x3FB3] =	sst s0;
	s0 =	simm.s32 @!p2 $0x0  }
0x16: {  	s3 =	sld [smem:$0x3FDB];
	s0 =	simm.s32 @p2 $0x1  }
0x17: {  	s4 =	simm.s32 $0x1BF5;
	[smem:$0x3FB5] =	sst s0  }
0x18: {  	s0 =	sld [smem:$0x3F98];
	_ =	swait.ge [sflag:s4], $0x0  }
0x19: {  	s7 =	sld [smem:$0x3F99]  }
0x1a: {  	s8 =	sadd.s32 $0xFFFFE003, lr  }
0x1b: {  	s9 =	sadd.s32 $0xFFFFFEF7, lr;
	s5 =	simm.s32 $0xFFFFFFFF;
	p2 =	slt.u32 s8, $0xFFFFF086  }
0x1c: {  	p1 =	slt.u32 s9, $0xF7A;
	s5 =	simm.s32 @!p2 $0x0  }
0x1d: {  	s5 =	simm.s32 @p1 $0x1;
	p0 =	seq.s32 s7, s2  }
0x1e: {  	s7 =	smul.u32 @!p0 $0xF7A, s2;
	p2 =	seq.s32 @!p0 s5, $0x0  }
0x1f: {  	s9 =	smul.u32 $0xF7A, s1;
	s8 =	simm.s32 @!p0 $0x1BF5;
	p2 =	por !p2, p0  }
0x20: {  	[sflag:s8] =	ssyncset.s32 @!p0 $0xFFFFF086;
	s6 =	sadd.s32 @!p0 s3, s7;
	s7 =	simm.s32 @!p0 $0x108  }
0x21: {  	s3 =	sadd.s32 s3, s9;
	s6 =	sadd.s32 @!p0 $0x88, s6;
	s7 =	simm.s32 @p2 $0x1082  }
0x22: {  	[simem:s7], [sflag:s8] =	dma.local @!p0 [hbm:s6], $0xF7A  }
0x23: {  	s9 =	sor.u32 $0xD0000000, s2;
	s6 =	simm.s32 $0x108;
	_ =	swait.ge @!p0 [sflag:s8], $0x0  }
0x24: {  	s3 =	sadd.s32 $0x88, s3;
	s6 =	simm.s32 @!p1 $0x1082;
	[sflag:s4] =	ssyncset.s32 $0xFFFFF086  }
0x25: {  	[simem:s6], [sflag:s4] =	dma.local [hbm:s3], $0xF7A  }
0x26: {  	[smem:$0x3F99] =	sst s1;
	(tag) =	ssettag s2;
	_ =	strace s9  }
0x27: {  	s1 =	sld [smem:$0x3FA9]  }
0x28: {  	s2 =	sld [smem:$0x3FAA]  }
0x29: {  	s4 =	sld [smem:$0x3FAC]  }
0x2a: {  	p0 =	seq.s32 s5, $0x0;
	s5 =	sld [smem:$0x3FAD]  }
0x2b: {  	s6 =	sld [smem:$0x3FAE]  }
0x2c: {  	s7 =	sld [smem:$0x3FAF]  }
0x2d: {  	s3 =	simm.s32 $0x108;
	s8 =	sld [smem:$0x3FB0]  }
0x2e: {  	s3 =	simm.s32 @!p0 $0x1082;
	s9 =	sld [smem:$0x3FB1]  }
0x2f: {  	lr =	sadd.s32 s0, s3;
	s0 =	sld [smem:$0x3FA8]  }
0x30: {  	s3 =	sld [smem:$0x3FAB]  }
0x31: {  	[smem:$0x3FB4] =	sst s10  }
0x32: {  	s10 =	sld [smem:$0x3FB2];
	_ =	sdelay $0x3  }
0x33: {  	p0 =	seq.s32 s10, $0x1;
	s10 =	sld [smem:$0x3FB4];
	_ =	sdelay $0x3  }
0x34: {  	[smem:$0x3FB4] =	sst s10  }
0x35: {  	s10 =	sld [smem:$0x3FB3];
	_ =	sdelay $0x3  }
0x36: {  	p1 =	seq.s32 s10, $0x1;
	s10 =	sld [smem:$0x3FB4];
	_ =	sdelay $0x3  }
0x37: {  	[smem:$0x3FB4] =	sst s10  }
0x38: {  	s10 =	sld [smem:$0x3FB5]  }
0x39: {  	_ = 	snop;
	(pc) =	sbr.ind lr, $3  }
0x3a: {  	_ = 	snop  }
0x3b: {  	_ = 	snop  }
0x3c: {  	p2 =	seq.s32 s10, $0x1;
	s10 =	sld [smem:$0x3FB4]  }
0x3d: {  	_ =	shalt  }
0x3e: {  	_ =	shalt  }
0x3f: {  	_ =	shalt  }
0x40: {  	_ =	shalt  }
0x41: {  	_ =	shalt  }
0x42: {  	_ =	shalt  }
0x43: {  	_ =	shalt  }
0x44: {  	_ =	shalt  }
0x45: {  	_ =	shalt  }
0x46: {  	_ =	shalt  }
0x47: {  	_ =	shalt  }
0x48: {  	_ =	shalt  }
0x49: {  	_ =	shalt  }
0x4a: {  	_ =	shalt  }
0x4b: {  	_ =	shalt  }
0x4c: {  	_ =	shalt  }
0x4d: {  	_ =	shalt  }
0x4e: {  	_ =	shalt  }
0x4f: {  	_ =	shalt  }
0x50: {  	_ =	shalt  }
0x51: {  	_ =	shalt  }
0x52: {  	_ =	shalt  }
0x53: {  	_ =	shalt  }
0x54: {  	_ =	shalt  }
0x55: {  	_ =	shalt  }
0x56: {  	_ =	shalt  }
0x57: {  	_ =	shalt  }
0x58: {  	_ =	shalt  }
0x59: {  	_ =	shalt  }
0x5a: {  	_ =	shalt  }
0x5b: {  	_ =	shalt  }
0x5c: {  	_ =	shalt  }
0x5d: {  	_ =	shalt  }
0x5e: {  	_ =	shalt  }
0x5f: {  	_ =	shalt  }
0x60: {  	_ =	shalt  }
0x61: {  	_ =	shalt  }
0x62: {  	_ =	shalt  }
0x63: {  	_ =	shalt  }
0x64: {  	_ =	shalt  }
0x65: {  	_ =	shalt  }
0x66: {  	_ =	shalt  }
0x67: {  	_ =	shalt  }
0x68: {  	_ =	shalt  }
0x69: {  	_ =	shalt  }
0x6a: {  	_ =	shalt  }
0x6b: {  	_ =	shalt  }
0x6c: {  	_ =	shalt  }
0x6d: {  	_ =	shalt  }
0x6e: {  	_ =	shalt  }
0x6f: {  	_ =	shalt  }
0x70: {  	_ =	shalt  }
0x71: {  	_ =	shalt  }
0x72: {  	_ =	shalt  }
0x73: {  	_ =	shalt  }
0x74: {  	_ =	shalt  }
0x75: {  	_ =	shalt  }
0x76: {  	_ =	shalt  }
0x77: {  	_ =	shalt  }
0x78: {  	_ =	shalt  }
0x79: {  	_ =	shalt  }
0x7a: {  	_ =	shalt  }
0x7b: {  	_ =	shalt  }
0x7c: {  	_ =	shalt  }
0x7d: {  	_ =	shalt  }
0x7e: {  	_ =	shalt  }
0x7f: {  	_ =	shalt  }
0x80: {  	_ =	shalt  }
0x81: {  	_ =	shalt  }
0x82: {  	_ =	shalt  }
0x83: {  	_ =	shalt  }
0x84: {  	_ =	shalt  }
0x85: {  	_ =	shalt  }
0x86: {  	_ =	shalt  }
0x87: {  	_ =	shalt  }
.Lfunc_end0:
.L_simem_size_0:
called_computation_lowered:
.L_overlay_start_0:
0x88: {  	s2 =	sld [smem:$0x3FD9]  }
0x89: {  	s3 =	sld [smem:$0x3FFE];
	_ =	sdelay $0x1  }
0x8a: {  	s1 =	srdreg.scid  }
0x8b: {  	s0 =	sand.u32 $0x1, s1  }
0x8c: {  	s17 =	sshll.u32 s0, $0xA;
	s2 =	sadd.s32 s3, s2  }
0x8d: {  	s2 =	sadd.s32 s2, s17  }
0x8e: {  	[smem:$0x3FC0] =	sst s2  }
0x8f: {  	_ = 	snop  }
0x90: {  	s2 =	sld [smem:$0x3FC9]  }
0x91: {  	s18 =	sld [smem:$0x3FC7]  }
0x92: {  	s4 =	sld [smem:$0x3FC6]  }
0x93: {  	s5 =	sld [smem:$0x3FD0];
	(tm) =	ssettm $0x1  }
0x94: {  	s6 =	sld [smem:$0x3FFB];
	_ =	sdelay $0x3  }
0x95: {  	_ =	strace s6  }
0x96: {  	s6 =	sld [smem:$0x3FFC];
	_ =	sdelay $0x3  }
0x97: {  	_ =	strace s6  }
0x98: {  	s6 =	sld [smem:$0x3FFD];
	_ =	sdelay $0x3  }
0x99: {  	_ =	strace s6  }
0x9a: {  	_ =	strace $0x8FFFFFFF  }
0x9b: {  	s19 =	sld [smem:$0x3FDB];
	_ =	sdelay $0x1  }
0x9c: {  	s7 =	simm.s32 $_scs_section_size  }
0x9d: {  	s8 =	simm.s32 $_size__tile_overlayer_lowered;
	s9 =	simm.s32 $_tile_overlayer_lowered  }
0x9e: {  	s22 =	simm.s32 $0x1BFF;
	s21 =	sshll.u32 s9, $0x1;
	s6 =	sadd.s32 s7, s19  }
0x9f: {  	s10 =	simm.s32 $0x0;
	s20 =	sshll.u32 s8, $0x1;
	s8 =	sadd.s32 s21, s6  }
0xa0: {  	[timem:s10], [sflag:s22] =	dma.local [hbm:s8], s20  }
0xa1: {  	_ =	swait.ge [sflag:s22], s20  }
0xa2: {  	s7 =	ssub.s32 $0x0, s20;
	[sflag:s22] =	ssyncset.done $0x0  }
0xa3: {  	[sflag:s22] =	ssyncadd.s32 s7;
	_ =	sdelay $0x1  }
0xa4: {  	s23 =	simm.s32 $0x1B8B  }
0xa5: {  	_ =	swait.ge [sflag:s23], $0x1  }
0xa6: {  	[sflag:s23] =	ssyncset.done $0x0  }
0xa7: {  	s25 =	simm.s32 $0x1B8E;
	s24 =	sld [smem:$0x3FFE];
	[sflag:s23] =	ssyncadd.s32 $0xFFFFFFFF  }
0xa8: {  	s26 =	simm.s32 $execute0_lowered;
	[smem:$0x3FD2] =	sst s25  }
0xa9: {  	s8 =	sshll.u32 s26, $0x1;
	_ =	strace $0x80000046;
	[dreg:$0x1] =	wrdreg $0xFFFFFFFF  }
0xaa: {  	s28 =	simm.s32 $_size_execute0_lowered;
	s6 =	sadd.s32 s6, s8;
	[dreg:$0x0] =	wrdreg $0x0  }
0xab: {  	s8 =	sshll.u32 s28, $0x1;
	[dreg:$0x2] =	wrdreg s6  }
0xac: {  	[dreg:$0x3] =	wrdreg s8  }
0xad: {  	[dreg:$0x4] =	wrdreg $0xC0  }
0xae: {  	_ =	task [dreg:s10], $0x5FFFF  }
0xaf: {  	[dreg:$0x1] =	wrdreg $0xFFFFFFFF  }
0xb0: {  	[dreg:$0x0] =	wrdreg $0x60  }
0xb1: {  	[dreg:$0x2] =	wrdreg s2  }
0xb2: {  	[dreg:$0x3] =	wrdreg s18  }
0xb3: {  	[dreg:$0x4] =	wrdreg s4  }
0xb4: {  	[dreg:$0x5] =	wrdreg s24  }
0xb5: {  	[dreg:$0x6] =	wrdreg s5  }
0xb6: {  	[dreg:$0x7] =	wrdreg $0x9  }
0xb7: {  	_ =	task.clear_ibuf [dreg:s10], $0x8FFFF;
	_ =	strace $0x90000046  }
0xb8: {  	s29 =	simm.s32 $0x9;
	_ =	strace $0x80000048  }
0xb9: {  	_ =	swait.ge [sflag:s29], $0x1  }
0xba: {  	[sflag:s29] =	ssyncadd.s32 $0xFFFFFFFF  }
0xbb: {  	_ =	strace $0x90000048  }
0xbc: {  	_ =	sfence  }
0xbd: {  	s30 =	sld [smem:$0x0];
	_ =	sdelay $0x2  }
0xbe: {  	s31 =	sshll.u32 s1, $0xD;
	s1 =	sshrl.u32 s1, $0x2  }
0xbf: {  	s3 =	sand.u32 $0x4000, s31;
	s1 =	sadd.s32 s1, s30  }
0xc0: {  	s0 =	sor.u32 s3, s0;
	s1 =	sshll.u32 s1, $0x11  }
0xc1: {  	s0 =	sor.u32 s1, s0  }
0xc2: {  	s0 =	sadd.s32 $0x8F2B, s0  }
0xc3: {  	[sflag:s0] =	ssyncadd.remote.s32 $0x1  }
0xc4: {  	_ =	sfence.sel $0xFFFF  }
0xc5: {  	[dreg:$0x0] =	wrdreg $0xFFFFFFFF;
	(pc) =	sbr.abs _section_cstart, $3  }
0xc6: {  	[dreg:$0x1] =	wrdreg $0xFFFFFFFF  }
0xc7: {  	_ =	task.clear_ibuf [dreg:s10], $0x2FFFF;
	_ =	strace $0x9FFFFFFF  }
0xc8: {  	(tm) =	ssettm $0x7FFFFFFF  }
0xc9: {  	_ =	shalt  }
tec
execute0_lowered:
.L_overlay_start_1:
0x0: {  	(tag) =	ssettag $0x1  }
0x1: {  	s0 =	srdreg.scid  }
0x2: {  	s12 =	stileid.u32;
	s1 =	rddreg [dreg:$0x0]  }
0x3: {  	s2 =	rddreg [dreg:$0x1];
	s0 =	sand.u32 $0x1, s0;
	s3 =	sshll.u32 s12, $0x1  }
0x4: {  	s9 =	rddreg [dreg:$0x3];
	s4 =	sor.u32 s0, s3  }
0x5: {  	s6 =	rddreg [dreg:$0x4];
	s5 =	sshll.u32 s4, $0x4;
	s4 =	smin.u32 s4, $0x8  }
0x6: {  	s7 =	simm.s32 $0x0;
	s5 =	sor.u32 s4, s5;
	s4 =	sand.u32 $0x7, s4  }
0x7: {  	s10 =	simm.s32 $0x1;
	p0 =	seq.s32 s5, $0x0;
	p1 =	sne.s32 s4, $0x0  }
0x8: {  	[smem:$0x7FF] =	sst s7;
	s8 =	sadd.s32 $0xC00, s9;
	p0 =	por !p0, !p1  }
0x9: {  	s13 =	sadd.s32 $0xA00, s9;
	s9 =	sadd.s32 $0x800, s9;
	p0 =	por !p0, !p0  }
0xa: {  	s3 =	rddreg [dreg:$0x2];
	s11 =	sshrl.u32 s5, $0x3;
	s10 =	simm.s32 @!p0 $0x0  }
0xb: {  	_ =	strace $0x80000047;
	s0 =	ssub.s32 $0x2, s0;
	s10 =	ssub.s32 s11, s10  }
0xc: {  	s31 =	sshrl.u32 s0, $0x1;
	s4 =	sshll.u32 s4, $0x7;
	s10 =	sshll.u32 s10, $0xD  }
0xd: {  	[dreg:$0x6] =	wrdreg s13;
	s0 =	ssub.s32 s0, s31;
	s4 =	sor.u32 s4, s10  }
0xe: {  	[dreg:$0x7] =	wrdreg s9;
	s0 =	smax.u32 s0, $0x1;
	s4 =	sshrl.u32 s4, $0x3  }
0xf: {  	[smem:$0x7FD] =	sst s0;
	s28 =	sadd.s32 s2, s4  }
0x10: {  	s13 =	sor.u32 $0x80, s4;
	s29 =	sadd.s32 s3, s4;
	[dreg:$0x14] =	wrdreg s28  }
0x11: {  	s21 =	sadd.s32 $0x1, s5;
	s14 =	sadd.s32 s2, s13;
	[dreg:$0x15] =	wrdreg s29  }
0x12: {  	s15 =	sor.u32 $0x100, s4;
	s9 =	sadd.s32 s3, s13;
	[dreg:$0x8] =	wrdreg s14  }
0x13: {  	s17 =	sor.u32 $0x180, s4;
	s16 =	sadd.s32 s2, s15;
	[dreg:$0x9] =	wrdreg s9  }
0x14: {  	s19 =	sor.u32 $0x200, s4;
	s18 =	sadd.s32 s2, s17;
	[dreg:$0xa] =	wrdreg s16  }
0x15: {  	s22 =	sor.u32 $0x280, s4;
	s20 =	sadd.s32 s2, s19;
	[dreg:$0xc] =	wrdreg s18  }
0x16: {  	s23 =	sshll.u32 s21, $0x7;
	s24 =	sadd.s32 s2, s22;
	[dreg:$0xe] =	wrdreg s20  }
0x17: {  	s25 =	sor.u32 $0x300, s4;
	s10 =	sadd.s32 s3, s22;
	[dreg:$0x10] =	wrdreg s24  }
0x18: {  	p0 =	slt.u32 s12, $0x4;
	s26 =	sadd.s32 s2, s25;
	[dreg:$0x11] =	wrdreg s10  }
0x19: {  	s12 =	sand.u32 $0xFFFFC00, s23;
	s9 =	sadd.s32 s3, s15;
	[dreg:$0x12] =	wrdreg s26  }
0x1a: {  	s11 =	simm.s32 $0x10;
	[dreg:$0xb] =	wrdreg s9;
	s9 =	sadd.s32 s3, s17  }
0x1b: {  	s4 =	sor.u32 $0x380, s4;
	[dreg:$0xd] =	wrdreg s9;
	s9 =	sadd.s32 s3, s19  }
0x1c: {  	s31 =	sadd.s32 s2, s4;
	[dreg:$0xf] =	wrdreg s9;
	s9 =	sshll.u32 s21, $0x4  }
0x1d: {  	s4 =	sadd.s32 s3, s4;
	[dreg:$0x16] =	wrdreg s31;
	s9 =	sand.u32 $0x70, s9  }
0x1e: {  	s10 =	sadd.s32 s3, s25;
	[dreg:$0x17] =	wrdreg s4;
	s9 =	sor.u32 s9, s12  }
0x1f: {  	s11 =	simm.s32 @!p0 $0xF;
	[dreg:$0x13] =	wrdreg s10;
	s25 =	sadd.s32 s2, s9  }
0x20: {  	s30 =	sor.u32 $0x80, s9;
	s28 =	sadd.s32 s3, s9;
	[smem:$0x7F7] =	sst s25  }
0x21: {  	s12 =	simm.s32 $0x1CE00;
	s13 =	sadd.s32 s2, s30;
	[smem:$0x7F8] =	sst s28  }
0x22: {  	s15 =	sor.u32 $0x100, s9;
	s14 =	sadd.s32 s3, s30;
	[dreg:$0x18] =	wrdreg s13  }
0x23: {  	s16 =	sor.u32 $0x180, s9;
	s17 =	sadd.s32 s2, s15;
	[dreg:$0x19] =	wrdreg s14  }
0x24: {  	s20 =	sor.u32 $0x200, s9;
	s4 =	sadd.s32 s3, s15;
	[dreg:$0x1a] =	wrdreg s17  }
0x25: {  	s21 =	sor.u32 $0x280, s9;
	s18 =	sadd.s32 s2, s16;
	[dreg:$0x1b] =	wrdreg s4  }
0x26: {  	s26 =	sor.u32 $0x300, s9;
	s19 =	sadd.s32 s3, s16;
	[dreg:$0x1c] =	wrdreg s18  }
0x27: {  	s9 =	sor.u32 $0x380, s9;
	s22 =	sadd.s32 s2, s20;
	[dreg:$0x1d] =	wrdreg s19  }
0x28: {  	s23 =	sadd.s32 s2, s21;
	s24 =	sadd.s32 s3, s21;
	[dreg:$0x1e] =	wrdreg s22  }
0x29: {  	s29 =	sadd.s32 s2, s26;
	s30 =	sadd.s32 s2, s9;
	[smem:$0x7F5] =	sst s23  }
0x2a: {  	s31 =	sadd.s32 s3, s9;
	s25 =	simm.s32 $0x1D400;
	[smem:$0x7F6] =	sst s24  }
0x2b: {  	s15 =	simm.s32 $0x1C700;
	s16 =	simm.s32 $0x1CF00;
	[smem:$0x7F9] =	sst s29  }
0x2c: {  	s21 =	simm.s32 $0x4;
	s4 =	sadd.s32 s3, s20;
	[smem:$0x7FB] =	sst s30  }
.Ltmp0:
0x2d: {  	[smem:$0x7FC] =	sst s31;
	s22 =	simm.s32 $0x1;
	(pc) =	sbr.rel .LBB2_1-.Ltmp0, $4  }
0x2e: {  	s23 =	simm.s32 $0x1D000;
	s13 =	simm.s32 $0x1C680;
	s14 =	simm.s32 $0x1CE80  }
0x2f: {  	s17 =	simm.s32 $0x1C780;
	s18 =	simm.s32 $0x1CF80;
	s19 =	simm.s32 $0x10000  }
0x30: {  	s20 =	simm.s32 $0x3;
	[dreg:$0x1f] =	wrdreg s4;
	s4 =	sadd.s32 s3, s26  }
0x31: {  	s24 =	simm.s32 $0x2;
	[smem:$0x7FA] =	sst s4;
	s4 =	simm.s32 $0x0  }
.LBB2_8:
0x32: {  	_ =	swait.ge [sflag:s21], $0x1C000  }
0x33: {  	s4 =	sld [smem:$0x7F4]  }
0x34: {  	s0 =	sld [smem:$0x7FD];
	_ =	sdelay $0x1  }
0x35: {  	s4 =	sadd.s32 $0x1, s4  }
0x36: {  	p0 =	sne.s32 s4, s0  }
.Ltmp1:
0x37: {  	_ = 	snop;
	(pc) =	sbr.rel @!p0 .LBB2_9-.Ltmp1, $3  }
0x38: {  	_ =	sdelay $0x1  }
0x39: {  	[sflag:s21] =	ssyncset.done $0x0  }
0x3a: {  	[sflag:s21] =	ssyncadd.s32 $0xFFFE4000  }
.LBB2_1:
0x3b: {  	[smem:$0x7F4] =	sst s4  }
0x3c: {  	s0 =	rddreg [dreg:$0x6];
	s28 =	simm.s32 $0x5  }
0x3d: {  	[tilespmem:s23], [sflag:$0x5] =	stream.linear.gather [hbm4b:s0+s7], $0x400, $0x38;
	[tilespmem:$0x1D600] =	vst v63  }
0x3e: {  	_ =	swait.ge [sflag:s28], $0x400  }
0x3f: {  	[sflag:s28] =	ssyncset.done $0x0  }
0x40: {  	s29 =	rddreg [dreg:$0x7];
	[sflag:s28] =	ssyncadd.s32 $0xFFFFFC00  }
0x41: {  	[tilespmem:s25], [sflag:$0x5] =	stream.linear.gather [hbm4b:s29+s7], $0x200, $0x38;
	[tilespmem:$0x1D600] =	vst v63  }
0x42: {  	_ =	swait.ge [sflag:s28], $0x200  }
0x43: {  	[sflag:s28] =	ssyncset.done $0x0;
	s30 =	rddreg [dreg:$0x14]  }
0x44: {  	s31 =	simm.s32 $0x1C000;
	s4 =	rddreg [dreg:$0x15];
	[sflag:s28] =	ssyncadd.s32 $0xFFFFFE00  }
0x45: {  	[tilespmem:s31], [sflag:$0x1] =	stream.linear.gather [hbm4b:s30+s7], $0x80, $0x38;
	[tilespmem:$0x1D600] =	vst v63  }
0x46: {  	s9 =	simm.s32 $0x1C800;
	s10 =	rddreg [dreg:$0x8]  }
0x47: {  	[tilespmem:s9], [sflag:$0x1] =	stream.linear.gather [hbm4b:s4+s7], $0x80, $0x38;
	[tilespmem:$0x1D600] =	vst v63  }
0x48: {  	s26 =	simm.s32 $0x1C080;
	s28 =	rddreg [dreg:$0x9]  }
0x49: {  	[tilespmem:s26], [sflag:$0x1] =	stream.linear.gather [hbm4b:s10+s7], $0x80, $0x38;
	[tilespmem:$0x1D600] =	vst v63  }
0x4a: {  	s29 =	simm.s32 $0x1C880;
	s30 =	rddreg [dreg:$0xa]  }
0x4b: {  	[tilespmem:s29], [sflag:$0x1] =	stream.linear.gather [hbm4b:s28+s7], $0x80, $0x38;
	[tilespmem:$0x1D600] =	vst v63  }
0x4c: {  	s31 =	simm.s32 $0x1C100;
	s4 =	rddreg [dreg:$0xb]  }
0x4d: {  	[tilespmem:s31], [sflag:$0x1] =	stream.linear.gather [hbm4b:s30+s7], $0x80, $0x38;
	[tilespmem:$0x1D600] =	vst v63  }
0x4e: {  	s9 =	simm.s32 $0x1C900;
	s10 =	rddreg [dreg:$0xc]  }
0x4f: {  	[tilespmem:s9], [sflag:$0x1] =	stream.linear.gather [hbm4b:s4+s7], $0x80, $0x38;
	[tilespmem:$0x1D600] =	vst v63  }
0x50: {  	s26 =	simm.s32 $0x1C180;
	s28 =	rddreg [dreg:$0xd]  }
0x51: {  	[tilespmem:s26], [sflag:$0x1] =	stream.linear.gather [hbm4b:s10+s7], $0x80, $0x38;
	[tilespmem:$0x1D600] =	vst v63  }
0x52: {  	s29 =	simm.s32 $0x1C980;
	s30 =	rddreg [dreg:$0xe]  }
0x53: {  	[tilespmem:s29], [sflag:$0x1] =	stream.linear.gather [hbm4b:s28+s7], $0x80, $0x38;
	[tilespmem:$0x1D600] =	vst v63  }
0x54: {  	s31 =	simm.s32 $0x1C200;
	s4 =	rddreg [dreg:$0xf]  }
0x55: {  	[tilespmem:s31], [sflag:$0x1] =	stream.linear.gather [hbm4b:s30+s7], $0x80, $0x38;
	[tilespmem:$0x1D600] =	vst v63  }
0x56: {  	s9 =	simm.s32 $0x1CA00;
	s10 =	rddreg [dreg:$0x10]  }
0x57: {  	[tilespmem:s9], [sflag:$0x1] =	stream.linear.gather [hbm4b:s4+s7], $0x80, $0x38;
	[tilespmem:$0x1D600] =	vst v63  }
0x58: {  	s26 =	simm.s32 $0x1C280;
	s28 =	rddreg [dreg:$0x11]  }
0x59: {  	[tilespmem:s26], [sflag:$0x1] =	stream.linear.gather [hbm4b:s10+s7], $0x80, $0x38;
	[tilespmem:$0x1D600] =	vst v63  }
0x5a: {  	s29 =	simm.s32 $0x1CA80;
	s30 =	rddreg [dreg:$0x12]  }
0x5b: {  	[tilespmem:s29], [sflag:$0x1] =	stream.linear.gather [hbm4b:s28+s7], $0x80, $0x38;
	[tilespmem:$0x1D600] =	vst v63  }
0x5c: {  	s31 =	simm.s32 $0x1C300;
	s4 =	rddreg [dreg:$0x13]  }
0x5d: {  	[tilespmem:s31], [sflag:$0x1] =	stream.linear.gather [hbm4b:s30+s7], $0x80, $0x38;
	[tilespmem:$0x1D600] =	vst v63  }
0x5e: {  	s9 =	simm.s32 $0x1CB00;
	s10 =	rddreg [dreg:$0x16]  }
0x5f: {  	[tilespmem:s9], [sflag:$0x1] =	stream.linear.gather [hbm4b:s4+s7], $0x80, $0x38;
	[tilespmem:$0x1D600] =	vst v63  }
0x60: {  	s26 =	simm.s32 $0x1C380;
	s28 =	rddreg [dreg:$0x17]  }
0x61: {  	[tilespmem:s26], [sflag:$0x1] =	stream.linear.gather [hbm4b:s10+s7], $0x80, $0x38;
	[tilespmem:$0x1D600] =	vst v63  }
0x62: {  	s29 =	simm.s32 $0x1CB80;
	s30 =	sld [smem:$0x7F7]  }
0x63: {  	[tilespmem:s29], [sflag:$0x1] =	stream.linear.gather [hbm4b:s28+s7], $0x80, $0x38;
	[tilespmem:$0x1D600] =	vst v63  }
0x64: {  	s31 =	simm.s32 $0x1C400;
	s4 =	sld [smem:$0x7F8]  }
0x65: {  	[tilespmem:s31], [sflag:$0x2] =	stream.linear.gather [hbm4b:s30+s7], $0x80, $0x38;
	[tilespmem:$0x1D600] =	vst v63  }
0x66: {  	s9 =	simm.s32 $0x1CC00;
	s10 =	rddreg [dreg:$0x18]  }
0x67: {  	[tilespmem:s9], [sflag:$0x2] =	stream.linear.gather [hbm4b:s4+s7], $0x80, $0x38;
	[tilespmem:$0x1D600] =	vst v63  }
0x68: {  	s26 =	simm.s32 $0x1C480;
	s28 =	rddreg [dreg:$0x19]  }
0x69: {  	[tilespmem:s26], [sflag:$0x2] =	stream.linear.gather [hbm4b:s10+s7], $0x80, $0x38;
	[tilespmem:$0x1D600] =	vst v63  }
0x6a: {  	s29 =	simm.s32 $0x1CC80;
	s30 =	rddreg [dreg:$0x1a]  }
0x6b: {  	[tilespmem:s29], [sflag:$0x2] =	stream.linear.gather [hbm4b:s28+s7], $0x80, $0x38;
	[tilespmem:$0x1D600] =	vst v63  }
0x6c: {  	s31 =	simm.s32 $0x1C500;
	s4 =	rddreg [dreg:$0x1b]  }
0x6d: {  	[tilespmem:s31], [sflag:$0x2] =	stream.linear.gather [hbm4b:s30+s7], $0x80, $0x38;
	[tilespmem:$0x1D600] =	vst v63  }
0x6e: {  	s9 =	simm.s32 $0x1CD00;
	s10 =	rddreg [dreg:$0x1c]  }
0x6f: {  	[tilespmem:s9], [sflag:$0x2] =	stream.linear.gather [hbm4b:s4+s7], $0x80, $0x38;
	[tilespmem:$0x1D600] =	vst v63  }
0x70: {  	s26 =	simm.s32 $0x1C580;
	s28 =	rddreg [dreg:$0x1d]  }
0x71: {  	[tilespmem:s26], [sflag:$0x2] =	stream.linear.gather [hbm4b:s10+s7], $0x80, $0x38;
	[tilespmem:$0x1D600] =	vst v63  }
0x72: {  	s29 =	simm.s32 $0x1CD80;
	s30 =	rddreg [dreg:$0x1e]  }
0x73: {  	[tilespmem:s29], [sflag:$0x2] =	stream.linear.gather [hbm4b:s28+s7], $0x80, $0x38;
	[tilespmem:$0x1D600] =	vst v63  }
0x74: {  	s31 =	simm.s32 $0x1C600;
	s9 =	rddreg [dreg:$0x1f]  }
0x75: {  	[tilespmem:s31], [sflag:$0x2] =	stream.linear.gather [hbm4b:s30+s7], $0x80, $0x38;
	[tilespmem:$0x1D600] =	vst v63  }
0x76: {  	s10 =	sld [smem:$0x7F5]  }
0x77: {  	[tilespmem:s12], [sflag:$0x2] =	stream.linear.gather [hbm4b:s9+s7], $0x80, $0x38;
	[tilespmem:$0x1D600] =	vst v63  }
0x78: {  	s26 =	sld [smem:$0x7F6]  }
0x79: {  	[tilespmem:s13], [sflag:$0x2] =	stream.linear.gather [hbm4b:s10+s7], $0x80, $0x38;
	[tilespmem:$0x1D600] =	vst v63  }
0x7a: {  	s28 =	sld [smem:$0x7F9]  }
0x7b: {  	[tilespmem:s14], [sflag:$0x2] =	stream.linear.gather [hbm4b:s26+s7], $0x80, $0x38;
	[tilespmem:$0x1D600] =	vst v63  }
0x7c: {  	s29 =	sld [smem:$0x7FA]  }
0x7d: {  	[tilespmem:s15], [sflag:$0x2] =	stream.linear.gather [hbm4b:s28+s7], $0x80, $0x38;
	[tilespmem:$0x1D600] =	vst v63  }
0x7e: {  	s30 =	sld [smem:$0x7FB]  }
0x7f: {  	[tilespmem:s16], [sflag:$0x2] =	stream.linear.gather [hbm4b:s29+s7], $0x80, $0x38;
	[tilespmem:$0x1D600] =	vst v63  }
0x80: {  	s31 =	sld [smem:$0x7FC]  }
0x81: {  	[tilespmem:s17], [sflag:$0x2] =	stream.linear.gather [hbm4b:s30+s7], $0x80, $0x38;
	[tilespmem:$0x1D600] =	vst v63  }
0x82: {  	s26 =	simm.s32 $0x0  }
0x83: {  	[tilespmem:s18], [sflag:$0x2] =	stream.linear.gather [hbm4b:s31+s7], $0x80, $0x38;
	[tilespmem:$0x1D600] =	vst v63  }
.LBB2_2:
0x84: {  	s28 =	sshll.u32 s26, $0x1  }
0x85: {  	p0 =	seq.s32 s26, $0x0;
	s0 =	smin.u32 s28, s11  }
0x86: {  	s4 =	simm.s32 @!p0 $0x4;
	s29 =	sadd.s32 s5, s0  }
0x87: {  	_ =	swait.ge @!p0 [sflag:s4], $0x1C000;
	s0 =	smulhi.u32 $0xCCCCCCD, s29  }
0x88: {  	s30 =	simm.s32 $0x0;
	[sflag:s4] =	ssyncset.done @!p0 $0x0;
	s9 =	sshll.u32 s29, $0xC  }
0x89: {  	[sflag:s4] =	ssyncadd.s32 @!p0 $0xFFFE4000;
	s10 =	sadd.s32 s1, s9;
	s0 =	smul.u32 $0x14, s0  }
0x8a: {  	[tilespmem:s30], [sflag:$0x3] =	stream.linear.gather [hbm4b:s10+s30], $0x8000, $0x38;
	[tilespmem:$0x1D600] =	vst v63  }
0x8b: {  	s0 =	ssub.s32 s29, s0  }
0x8c: {  	s0 =	sshll.u32 s0, $0xC  }
0x8d: {  	s0 =	sadd.s32 s8, s0  }
0x8e: {  	[tilespmem:s19], [sflag:$0x3] =	stream.linear.gather [hbm4b:s0+s30], $0x8000, $0x38;
	[tilespmem:$0x1D600] =	vst v63  }
0x8f: {  	_ =	swait.ge [sflag:s22], $0x80  }
0x90: {  	[sflag:s22] =	ssyncset.done $0x0  }
0x91: {  	[sflag:s22] =	ssyncadd.s32 $0xFFFFFF80  }
0x92: {  	_ =	swait.ge [sflag:s22], $0x80  }
0x93: {  	[sflag:s22] =	ssyncset.done $0x0  }
0x94: {  	[sflag:s22] =	ssyncadd.s32 $0xFFFFFF80  }
0x95: {  	_ =	swait.ge [sflag:s22], $0x80  }
0x96: {  	[sflag:s22] =	ssyncset.done $0x0  }
0x97: {  	[sflag:s22] =	ssyncadd.s32 $0xFFFFFF80  }
0x98: {  	_ =	swait.ge [sflag:s22], $0x80  }
0x99: {  	[sflag:s22] =	ssyncset.done $0x0  }
0x9a: {  	[sflag:s22] =	ssyncadd.s32 $0xFFFFFF80  }
0x9b: {  	_ =	swait.ge [sflag:s22], $0x80  }
0x9c: {  	[sflag:s22] =	ssyncset.done $0x0  }
0x9d: {  	[sflag:s22] =	ssyncadd.s32 $0xFFFFFF80  }
0x9e: {  	_ =	swait.ge [sflag:s22], $0x80  }
0x9f: {  	[sflag:s22] =	ssyncset.done $0x0  }
0xa0: {  	[sflag:s22] =	ssyncadd.s32 $0xFFFFFF80  }
0xa1: {  	_ =	swait.ge [sflag:s22], $0x80  }
0xa2: {  	[sflag:s22] =	ssyncset.done $0x0  }
0xa3: {  	[sflag:s22] =	ssyncadd.s32 $0xFFFFFF80  }
0xa4: {  	_ =	swait.ge [sflag:s22], $0x80  }
0xa5: {  	[sflag:s22] =	ssyncset.done $0x0  }
0xa6: {  	[sflag:s22] =	ssyncadd.s32 $0xFFFFFF80  }
0xa7: {  	_ =	swait.ge [sflag:s22], $0x80  }
0xa8: {  	[sflag:s22] =	ssyncset.done $0x0  }
0xa9: {  	[sflag:s22] =	ssyncadd.s32 $0xFFFFFF80  }
0xaa: {  	_ =	swait.ge [sflag:s22], $0x80  }
0xab: {  	[sflag:s22] =	ssyncset.done $0x0  }
0xac: {  	[sflag:s22] =	ssyncadd.s32 $0xFFFFFF80  }
0xad: {  	_ =	swait.ge [sflag:s22], $0x80  }
0xae: {  	[sflag:s22] =	ssyncset.done $0x0  }
0xaf: {  	[sflag:s22] =	ssyncadd.s32 $0xFFFFFF80  }
0xb0: {  	_ =	swait.ge [sflag:s22], $0x80  }
0xb1: {  	[sflag:s22] =	ssyncset.done $0x0  }
0xb2: {  	[sflag:s22] =	ssyncadd.s32 $0xFFFFFF80  }
0xb3: {  	_ =	swait.ge [sflag:s22], $0x80  }
0xb4: {  	[sflag:s22] =	ssyncset.done $0x0  }
0xb5: {  	[sflag:s22] =	ssyncadd.s32 $0xFFFFFF80  }
0xb6: {  	_ =	swait.ge [sflag:s22], $0x80  }
0xb7: {  	[sflag:s22] =	ssyncset.done $0x0  }
0xb8: {  	[sflag:s22] =	ssyncadd.s32 $0xFFFFFF80  }
0xb9: {  	_ =	swait.ge [sflag:s22], $0x80  }
0xba: {  	[sflag:s22] =	ssyncset.done $0x0  }
0xbb: {  	[sflag:s22] =	ssyncadd.s32 $0xFFFFFF80  }
0xbc: {  	_ =	swait.ge [sflag:s22], $0x80  }
0xbd: {  	s31 =	simm.s32 $0x1C000;
	[sflag:s22] =	ssyncset.done $0x0  }
0xbe: {  	s4 =	simm.s32 $0x1C800;
	s0 =	simm.s32 $0x0;
	[sflag:s22] =	ssyncadd.s32 $0xFFFFFF80  }
.LBB2_3:
0xbf: {  	v1 =	vld [tilespmem:s31+$0x0];
	_ =	sdelay $0x7  }
0xc0: {  	v2 =	vld.idx.msk [tilespmem:v1+s23+$0x0], $0xffff  }
0xc1: {  	v3 =	vadd.s32 $0x20, v1;
	_ =	sdelay $0x1  }
0xc2: {  	s9 =	sand.u32 $0x1C00, s0;
	s10 =	sand.u32 $0x70, s30  }
0xc3: {  	s9 =	sor.u32 s10, s9  }
0xc4: {  	v0 =	vld [tilespmem:s4+$0x0];
	[tilespmem:s9+$0x8000] =	vst v2  }
0xc5: {  	v2 =	vld.idx.msk [tilespmem:v3+s23+$0x0], $0xffff  }
0xc6: {  	v21 =	vadd.s32 $0x40, v1;
	_ =	sdelay $0x3  }
0xc7: {  	[tilespmem:s9+$0x8080] =	vst v2  }
0xc8: {  	v2 =	vld.idx.msk [tilespmem:v21+s23+$0x0], $0xffff  }
0xc9: {  	v22 =	vadd.s32 $0x60, v1;
	_ =	sdelay $0x3  }
0xca: {  	[tilespmem:s9+$0x8100] =	vst v2  }
0xcb: {  	v2 =	vld.idx.msk [tilespmem:v22+s23+$0x0], $0xffff  }
0xcc: {  	v23 =	vadd.s32 $0x80, v1;
	_ =	sdelay $0x3  }
0xcd: {  	[tilespmem:s9+$0x8180] =	vst v2  }
0xce: {  	v2 =	vld.idx.msk [tilespmem:v23+s23+$0x0], $0xffff  }
0xcf: {  	v24 =	vadd.s32 $0xA0, v1;
	_ =	sdelay $0x3  }
0xd0: {  	[tilespmem:s9+$0x8200] =	vst v2  }
0xd1: {  	v2 =	vld.idx.msk [tilespmem:v24+s23+$0x0], $0xffff  }
0xd2: {  	v25 =	vadd.s32 $0xC0, v1;
	_ =	sdelay $0x3  }
0xd3: {  	[tilespmem:s9+$0x8280] =	vst v2  }
0xd4: {  	v2 =	vld.idx.msk [tilespmem:v25+s23+$0x0], $0xffff  }
0xd5: {  	v26 =	vadd.s32 $0xE0, v1;
	_ =	sdelay $0x3  }
0xd6: {  	[tilespmem:s9+$0x8300] =	vst v2  }
0xd7: {  	v2 =	vld.idx.msk [tilespmem:v26+s23+$0x0], $0xffff  }
0xd8: {  	v27 =	vadd.s32 $0x100, v1;
	_ =	sdelay $0x3  }
0xd9: {  	[tilespmem:s9+$0x8380] =	vst v2  }
0xda: {  	v2 =	vld.idx.msk [tilespmem:v27+s23+$0x0], $0xffff  }
0xdb: {  	v28 =	vadd.s32 $0x120, v1;
	_ =	sdelay $0x3  }
0xdc: {  	[tilespmem:s9+$0xA000] =	vst v2  }
0xdd: {  	v2 =	vld.idx.msk [tilespmem:v28+s23+$0x0], $0xffff  }
0xde: {  	v29 =	vadd.s32 $0x140, v1;
	_ =	sdelay $0x3  }
0xdf: {  	[tilespmem:s9+$0xA080] =	vst v2  }
0xe0: {  	v2 =	vld.idx.msk [tilespmem:v29+s23+$0x0], $0xffff  }
0xe1: {  	v30 =	vadd.s32 $0x160, v1;
	_ =	sdelay $0x3  }
0xe2: {  	[tilespmem:s9+$0xA100] =	vst v2  }
0xe3: {  	v2 =	vld.idx.msk [tilespmem:v30+s23+$0x0], $0xffff  }
0xe4: {  	v31 =	vadd.s32 $0x180, v1;
	_ =	sdelay $0x3  }
0xe5: {  	[tilespmem:s9+$0xA180] =	vst v2  }
0xe6: {  	v2 =	vld.idx.msk [tilespmem:v31+s23+$0x0], $0xffff  }
0xe7: {  	v32 =	vadd.s32 $0x1A0, v1;
	_ =	sdelay $0x3  }
0xe8: {  	[tilespmem:s9+$0xA200] =	vst v2  }
0xe9: {  	v2 =	vld.idx.msk [tilespmem:v32+s23+$0x0], $0xffff  }
0xea: {  	v33 =	vadd.s32 $0x1C0, v1;
	_ =	sdelay $0x3  }
0xeb: {  	[tilespmem:s9+$0xA280] =	vst v2  }
0xec: {  	v2 =	vld.idx.msk [tilespmem:v33+s23+$0x0], $0xffff  }
0xed: {  	v34 =	vadd.s32 $0x1E0, v1;
	_ =	sdelay $0x3  }
0xee: {  	[tilespmem:s9+$0xA300] =	vst v2  }
0xef: {  	v2 =	vld.idx.msk [tilespmem:v34+s23+$0x0], $0xffff  }
0xf0: {  	v35 =	vadd.s32 $0x200, v1;
	_ =	sdelay $0x3  }
0xf1: {  	[tilespmem:s9+$0xA380] =	vst v2  }
0xf2: {  	v2 =	vld.idx.msk [tilespmem:v35+s23+$0x0], $0xffff  }
0xf3: {  	v36 =	vadd.s32 $0x220, v1;
	_ =	sdelay $0x3  }
0xf4: {  	[tilespmem:s9+$0xC000] =	vst v2  }
0xf5: {  	v2 =	vld.idx.msk [tilespmem:v36+s23+$0x0], $0xffff  }
0xf6: {  	v37 =	vadd.s32 $0x240, v1;
	_ =	sdelay $0x3  }
0xf7: {  	[tilespmem:s9+$0xC080] =	vst v2  }
0xf8: {  	v2 =	vld.idx.msk [tilespmem:v37+s23+$0x0], $0xffff  }
0xf9: {  	v38 =	vadd.s32 $0x260, v1;
	_ =	sdelay $0x3  }
0xfa: {  	[tilespmem:s9+$0xC100] =	vst v2  }
0xfb: {  	v2 =	vld.idx.msk [tilespmem:v38+s23+$0x0], $0xffff  }
0xfc: {  	v39 =	vadd.s32 $0x280, v1;
	_ =	sdelay $0x3  }
0xfd: {  	[tilespmem:s9+$0xC180] =	vst v2  }
0xfe: {  	v2 =	vld.idx.msk [tilespmem:v39+s23+$0x0], $0xffff  }
0xff: {  	v40 =	vadd.s32 $0x2A0, v1;
	_ =	sdelay $0x3  }
0x100: {  	[tilespmem:s9+$0xC200] =	vst v2  }
0x101: {  	v2 =	vld.idx.msk [tilespmem:v40+s23+$0x0], $0xffff  }
0x102: {  	v41 =	vadd.s32 $0x2C0, v1;
	_ =	sdelay $0x3  }
0x103: {  	[tilespmem:s9+$0xC280] =	vst v2  }
0x104: {  	v2 =	vld.idx.msk [tilespmem:v41+s23+$0x0], $0xffff  }
0x105: {  	v42 =	vadd.s32 $0x2E0, v1;
	_ =	sdelay $0x3  }
0x106: {  	[tilespmem:s9+$0xC300] =	vst v2  }
0x107: {  	v2 =	vld.idx.msk [tilespmem:v42+s23+$0x0], $0xffff  }
0x108: {  	v43 =	vadd.s32 $0x300, v1;
	_ =	sdelay $0x3  }
0x109: {  	[tilespmem:s9+$0xC380] =	vst v2  }
0x10a: {  	v2 =	vld.idx.msk [tilespmem:v43+s23+$0x0], $0xffff  }
0x10b: {  	v44 =	vadd.s32 $0x320, v1;
	_ =	sdelay $0x3  }
0x10c: {  	[tilespmem:s9+$0xE000] =	vst v2  }
0x10d: {  	v2 =	vld.idx.msk [tilespmem:v44+s23+$0x0], $0xffff  }
0x10e: {  	v45 =	vadd.s32 $0x340, v1;
	_ =	sdelay $0x3  }
0x10f: {  	[tilespmem:s9+$0xE080] =	vst v2  }
0x110: {  	v2 =	vld.idx.msk [tilespmem:v45+s23+$0x0], $0xffff  }
0x111: {  	v46 =	vadd.s32 $0x360, v1;
	_ =	sdelay $0x3  }
0x112: {  	[tilespmem:s9+$0xE100] =	vst v2  }
0x113: {  	v2 =	vld.idx.msk [tilespmem:v46+s23+$0x0], $0xffff  }
0x114: {  	v47 =	vadd.s32 $0x380, v1;
	_ =	sdelay $0x3  }
0x115: {  	[tilespmem:s9+$0xE180] =	vst v2  }
0x116: {  	v2 =	vld.idx.msk [tilespmem:v47+s23+$0x0], $0xffff  }
0x117: {  	v48 =	vadd.s32 $0x3A0, v1;
	_ =	sdelay $0x3  }
0x118: {  	[tilespmem:s9+$0xE200] =	vst v2  }
0x119: {  	v2 =	vld.idx.msk [tilespmem:v48+s23+$0x0], $0xffff  }
0x11a: {  	v49 =	vadd.s32 $0x3C0, v1;
	_ =	sdelay $0x3  }
0x11b: {  	[tilespmem:s9+$0xE280] =	vst v2  }
0x11c: {  	v2 =	vld.idx.msk [tilespmem:v49+s23+$0x0], $0xffff  }
0x11d: {  	v1 =	vadd.s32 $0x3E0, v1;
	_ =	sdelay $0x3  }
0x11e: {  	[tilespmem:s9+$0xE300] =	vst v2  }
0x11f: {  	v1 =	vld.idx.msk [tilespmem:v1+s23+$0x0], $0xffff;
	_ =	sdelay $0x4  }
0x120: {  	[tilespmem:s9+$0xE380] =	vst v1  }
0x121: {  	v1 =	vld.idx.msk [tilespmem:v0+s25+$0x0], $0xffff  }
0x122: {  	v50 =	vadd.s32 $0x20, v0;
	_ =	sdelay $0x3  }
0x123: {  	[tilespmem:s9+$0x18000] =	vst v1  }
0x124: {  	v1 =	vld.idx.msk [tilespmem:v50+s25+$0x0], $0xffff  }
0x125: {  	v51 =	vadd.s32 $0x40, v0;
	_ =	sdelay $0x3  }
0x126: {  	[tilespmem:s9+$0x18080] =	vst v1  }
0x127: {  	v1 =	vld.idx.msk [tilespmem:v51+s25+$0x0], $0xffff  }
0x128: {  	v52 =	vadd.s32 $0x60, v0;
	_ =	sdelay $0x3  }
0x129: {  	[tilespmem:s9+$0x18100] =	vst v1  }
0x12a: {  	v1 =	vld.idx.msk [tilespmem:v52+s25+$0x0], $0xffff  }
0x12b: {  	v53 =	vadd.s32 $0x80, v0;
	_ =	sdelay $0x3  }
0x12c: {  	[tilespmem:s9+$0x18180] =	vst v1  }
0x12d: {  	v1 =	vld.idx.msk [tilespmem:v53+s25+$0x0], $0xffff  }
0x12e: {  	v54 =	vadd.s32 $0xA0, v0;
	_ =	sdelay $0x3  }
0x12f: {  	[tilespmem:s9+$0x18200] =	vst v1  }
0x130: {  	v1 =	vld.idx.msk [tilespmem:v54+s25+$0x0], $0xffff  }
0x131: {  	v55 =	vadd.s32 $0xC0, v0;
	_ =	sdelay $0x3  }
0x132: {  	[tilespmem:s9+$0x18280] =	vst v1  }
0x133: {  	v1 =	vld.idx.msk [tilespmem:v55+s25+$0x0], $0xffff  }
0x134: {  	v56 =	vadd.s32 $0xE0, v0;
	_ =	sdelay $0x3  }
0x135: {  	[tilespmem:s9+$0x18300] =	vst v1  }
0x136: {  	v1 =	vld.idx.msk [tilespmem:v56+s25+$0x0], $0xffff  }
0x137: {  	v57 =	vadd.s32 $0x100, v0;
	_ =	sdelay $0x3  }
0x138: {  	[tilespmem:s9+$0x18380] =	vst v1  }
0x139: {  	v1 =	vld.idx.msk [tilespmem:v57+s25+$0x0], $0xffff  }
0x13a: {  	v58 =	vadd.s32 $0x120, v0;
	_ =	sdelay $0x3  }
0x13b: {  	[tilespmem:s9+$0x1A000] =	vst v1  }
0x13c: {  	v1 =	vld.idx.msk [tilespmem:v58+s25+$0x0], $0xffff  }
0x13d: {  	v59 =	vadd.s32 $0x140, v0;
	_ =	sdelay $0x3  }
0x13e: {  	[tilespmem:s9+$0x1A080] =	vst v1  }
0x13f: {  	v1 =	vld.idx.msk [tilespmem:v59+s25+$0x0], $0xffff  }
0x140: {  	v60 =	vadd.s32 $0x160, v0;
	_ =	sdelay $0x3  }
0x141: {  	[tilespmem:s9+$0x1A100] =	vst v1  }
0x142: {  	v1 =	vld.idx.msk [tilespmem:v60+s25+$0x0], $0xffff  }
0x143: {  	v61 =	vadd.s32 $0x180, v0;
	_ =	sdelay $0x3  }
0x144: {  	[tilespmem:s9+$0x1A180] =	vst v1  }
0x145: {  	v1 =	vld.idx.msk [tilespmem:v61+s25+$0x0], $0xffff  }
0x146: {  	v62 =	vadd.s32 $0x1A0, v0;
	_ =	sdelay $0x3  }
0x147: {  	[tilespmem:s9+$0x1A200] =	vst v1  }
0x148: {  	v1 =	vld.idx.msk [tilespmem:v62+s25+$0x0], $0xffff  }
0x149: {  	v63 =	vadd.s32 $0x1C0, v0;
	_ =	sdelay $0x3  }
0x14a: {  	[tilespmem:s9+$0x1A280] =	vst v1  }
0x14b: {  	v1 =	vld.idx.msk [tilespmem:v63+s25+$0x0], $0xffff  }
0x14c: {  	v0 =	vadd.s32 $0x1E0, v0;
	_ =	sdelay $0x3  }
0x14d: {  	[tilespmem:s9+$0x1A300] =	vst v1  }
0x14e: {  	p0 =	sne.s32 s0, $0x1F80;
	v0 =	vld.idx.msk [tilespmem:v0+s25+$0x0], $0xffff  }
.Ltmp2:
0x14f: {  	_ = 	snop;
	(pc) =	sbr.rel @p0 .LBB2_3-.Ltmp2, $3  }
0x150: {  	_ =	sdelay $0x1  }
0x151: {  	s30 =	sadd.s32 $0x10, s30  }
0x152: {  	s31 =	sadd.s32 $0x10, s31;
	s4 =	sadd.s32 $0x10, s4;
	s0 =	sadd.s32 $0x80, s0;
	[tilespmem:s9+$0x1A380] =	vst v0  }
0x153: {  	_ =	swait.ge [sflag:s20], $0x8000  }
0x154: {  	[sflag:s20] =	ssyncset.done $0x0  }
0x155: {  	[sflag:s20] =	ssyncadd.s32 $0xFFFF8000  }
0x156: {  	s0 =	smul.u32 $0x3800, s29;
	_ =	swait.ge [sflag:s20], $0x8000  }
0x157: {  	[sflag:s20] =	ssyncset.done $0x0  }
0x158: {  	p0 =	seq.s32 s26, $0x8;
	s0 =	sadd.s32 s6, s0;
	[sflag:s20] =	ssyncadd.s32 $0xFFFF8000  }
0x159: {  	[hbm4b:s0+s7] =	stream.linear.scatter [tilespmem:s7], [sflag:$0x4], $0x1C000, $0x38;
	[tilespmem:$0x1D600] =	vst v63  }
0x15a: {  	s0 =	sadd.s32 @!p0 $0x2, s28  }
0x15b: {  	s0 =	smin.u32 @!p0 s0, s11  }
0x15c: {  	s0 =	sadd.s32 @!p0 s5, s0  }
0x15d: {  	s4 =	sshll.u32 @!p0 s0, $0x7;
	s0 =	sshll.u32 @!p0 s0, $0x4  }
0x15e: {  	s4 =	sand.u32 @!p0 $0x1FC00, s4;
	s0 =	sand.u32 @!p0 $0x70, s0  }
0x15f: {  	s0 =	sor.u32 @!p0 s0, s4  }
0x160: {  	s9 =	simm.s32 @!p0 $0x0;
	s10 =	simm.s32 @!p0 $0x1C000;
	s4 =	sadd.s32 @!p0 s2, s0  }
0x161: {  	[tilespmem:s10], [sflag:$0x1] =	stream.linear.gather @!p0 [hbm4b:s4+s9], $0x80, $0x38;
	[tilespmem:$0x1D600] =	vst v63  }
0x162: {  	s4 =	sadd.s32 @!p0 s3, s0;
	s10 =	simm.s32 @!p0 $0x1C800  }
0x163: {  	[tilespmem:s10], [sflag:$0x1] =	stream.linear.gather @!p0 [hbm4b:s4+s9], $0x80, $0x38;
	[tilespmem:$0x1D600] =	vst v63  }
0x164: {  	s4 =	sor.u32 @!p0 $0x80, s0  }
0x165: {  	s29 =	simm.s32 @!p0 $0x1C080;
	s10 =	sadd.s32 @!p0 s2, s4  }
0x166: {  	[tilespmem:s29], [sflag:$0x1] =	stream.linear.gather @!p0 [hbm4b:s10+s9], $0x80, $0x38;
	[tilespmem:$0x1D600] =	vst v63  }
0x167: {  	s4 =	sadd.s32 @!p0 s3, s4;
	s10 =	simm.s32 @!p0 $0x1C880  }
0x168: {  	[tilespmem:s10], [sflag:$0x1] =	stream.linear.gather @!p0 [hbm4b:s4+s9], $0x80, $0x38;
	[tilespmem:$0x1D600] =	vst v63  }
0x169: {  	s4 =	sor.u32 @!p0 $0x100, s0  }
0x16a: {  	s29 =	simm.s32 @!p0 $0x1C100;
	s10 =	sadd.s32 @!p0 s2, s4  }
0x16b: {  	[tilespmem:s29], [sflag:$0x1] =	stream.linear.gather @!p0 [hbm4b:s10+s9], $0x80, $0x38;
	[tilespmem:$0x1D600] =	vst v63  }
0x16c: {  	s4 =	sadd.s32 @!p0 s3, s4;
	s10 =	simm.s32 @!p0 $0x1C900  }
0x16d: {  	[tilespmem:s10], [sflag:$0x1] =	stream.linear.gather @!p0 [hbm4b:s4+s9], $0x80, $0x38;
	[tilespmem:$0x1D600] =	vst v63  }
0x16e: {  	s4 =	sor.u32 @!p0 $0x180, s0  }
0x16f: {  	s29 =	simm.s32 @!p0 $0x1C180;
	s10 =	sadd.s32 @!p0 s2, s4  }
0x170: {  	[tilespmem:s29], [sflag:$0x1] =	stream.linear.gather @!p0 [hbm4b:s10+s9], $0x80, $0x38;
	[tilespmem:$0x1D600] =	vst v63  }
0x171: {  	s4 =	sadd.s32 @!p0 s3, s4;
	s10 =	simm.s32 @!p0 $0x1C980  }
0x172: {  	[tilespmem:s10], [sflag:$0x1] =	stream.linear.gather @!p0 [hbm4b:s4+s9], $0x80, $0x38;
	[tilespmem:$0x1D600] =	vst v63  }
0x173: {  	s4 =	sor.u32 @!p0 $0x200, s0  }
0x174: {  	s29 =	simm.s32 @!p0 $0x1C200;
	s10 =	sadd.s32 @!p0 s2, s4  }
0x175: {  	[tilespmem:s29], [sflag:$0x1] =	stream.linear.gather @!p0 [hbm4b:s10+s9], $0x80, $0x38;
	[tilespmem:$0x1D600] =	vst v63  }
0x176: {  	s4 =	sadd.s32 @!p0 s3, s4;
	s10 =	simm.s32 @!p0 $0x1CA00  }
0x177: {  	[tilespmem:s10], [sflag:$0x1] =	stream.linear.gather @!p0 [hbm4b:s4+s9], $0x80, $0x38;
	[tilespmem:$0x1D600] =	vst v63  }
0x178: {  	s4 =	sor.u32 @!p0 $0x280, s0  }
0x179: {  	s29 =	simm.s32 @!p0 $0x1C280;
	s10 =	sadd.s32 @!p0 s2, s4  }
0x17a: {  	[tilespmem:s29], [sflag:$0x1] =	stream.linear.gather @!p0 [hbm4b:s10+s9], $0x80, $0x38;
	[tilespmem:$0x1D600] =	vst v63  }
0x17b: {  	s4 =	sadd.s32 @!p0 s3, s4;
	s10 =	simm.s32 @!p0 $0x1CA80  }
0x17c: {  	[tilespmem:s10], [sflag:$0x1] =	stream.linear.gather @!p0 [hbm4b:s4+s9], $0x80, $0x38;
	[tilespmem:$0x1D600] =	vst v63  }
0x17d: {  	s4 =	sor.u32 @!p0 $0x300, s0  }
0x17e: {  	s29 =	simm.s32 @!p0 $0x1C300;
	s10 =	sadd.s32 @!p0 s2, s4  }
0x17f: {  	[tilespmem:s29], [sflag:$0x1] =	stream.linear.gather @!p0 [hbm4b:s10+s9], $0x80, $0x38;
	[tilespmem:$0x1D600] =	vst v63  }
0x180: {  	s0 =	sor.u32 @!p0 $0x380, s0;
	s4 =	sadd.s32 @!p0 s3, s4;
	s10 =	simm.s32 @!p0 $0x1CB00  }
0x181: {  	[tilespmem:s10], [sflag:$0x1] =	stream.linear.gather @!p0 [hbm4b:s4+s9], $0x80, $0x38;
	[tilespmem:$0x1D600] =	vst v63  }
0x182: {  	s4 =	sadd.s32 @!p0 s2, s0;
	s10 =	simm.s32 @!p0 $0x1C380  }
0x183: {  	[tilespmem:s10], [sflag:$0x1] =	stream.linear.gather @!p0 [hbm4b:s4+s9], $0x80, $0x38;
	[tilespmem:$0x1D600] =	vst v63  }
0x184: {  	s10 =	sor.u32 $0x1, s28  }
0x185: {  	s4 =	smin.u32 s10, s11  }
0x186: {  	s29 =	sadd.s32 s5, s4  }
0x187: {  	s0 =	sadd.s32 @!p0 s3, s0;
	s4 =	simm.s32 @!p0 $0x1CB80;
	s10 =	smulhi.u32 $0xCCCCCCD, s29  }
0x188: {  	[tilespmem:s4], [sflag:$0x1] =	stream.linear.gather @!p0 [hbm4b:s0+s9], $0x80, $0x38;
	[tilespmem:$0x1D600] =	vst v63  }
0x189: {  	_ =	swait.ge [sflag:s21], $0x1C000;
	s9 =	smul.u32 $0x14, s10  }
0x18a: {  	s30 =	simm.s32 $0x0;
	[sflag:s21] =	ssyncset.done $0x0;
	s10 =	sshll.u32 s29, $0xC  }
0x18b: {  	[sflag:s21] =	ssyncadd.s32 $0xFFFE4000;
	s4 =	sadd.s32 s1, s10;
	s0 =	ssub.s32 s29, s9  }
0x18c: {  	[tilespmem:s30], [sflag:$0x3] =	stream.linear.gather [hbm4b:s4+s30], $0x8000, $0x38;
	[tilespmem:$0x1D600] =	vst v63  }
0x18d: {  	s0 =	sshll.u32 s0, $0xC  }
0x18e: {  	s0 =	sadd.s32 s8, s0  }
0x18f: {  	[tilespmem:s19], [sflag:$0x3] =	stream.linear.gather [hbm4b:s0+s30], $0x8000, $0x38;
	[tilespmem:$0x1D600] =	vst v63  }
0x190: {  	_ =	swait.ge [sflag:s24], $0x80  }
0x191: {  	[sflag:s24] =	ssyncset.done $0x0  }
0x192: {  	[sflag:s24] =	ssyncadd.s32 $0xFFFFFF80  }
0x193: {  	_ =	swait.ge [sflag:s24], $0x80  }
0x194: {  	[sflag:s24] =	ssyncset.done $0x0  }
0x195: {  	[sflag:s24] =	ssyncadd.s32 $0xFFFFFF80  }
0x196: {  	_ =	swait.ge [sflag:s24], $0x80  }
0x197: {  	[sflag:s24] =	ssyncset.done $0x0  }
0x198: {  	[sflag:s24] =	ssyncadd.s32 $0xFFFFFF80  }
0x199: {  	_ =	swait.ge [sflag:s24], $0x80  }
0x19a: {  	[sflag:s24] =	ssyncset.done $0x0  }
0x19b: {  	[sflag:s24] =	ssyncadd.s32 $0xFFFFFF80  }
0x19c: {  	_ =	swait.ge [sflag:s24], $0x80  }
0x19d: {  	[sflag:s24] =	ssyncset.done $0x0  }
0x19e: {  	[sflag:s24] =	ssyncadd.s32 $0xFFFFFF80  }
0x19f: {  	_ =	swait.ge [sflag:s24], $0x80  }
0x1a0: {  	[sflag:s24] =	ssyncset.done $0x0  }
0x1a1: {  	[sflag:s24] =	ssyncadd.s32 $0xFFFFFF80  }
0x1a2: {  	_ =	swait.ge [sflag:s24], $0x80  }
0x1a3: {  	[sflag:s24] =	ssyncset.done $0x0  }
0x1a4: {  	[sflag:s24] =	ssyncadd.s32 $0xFFFFFF80  }
0x1a5: {  	_ =	swait.ge [sflag:s24], $0x80  }
0x1a6: {  	[sflag:s24] =	ssyncset.done $0x0  }
0x1a7: {  	[sflag:s24] =	ssyncadd.s32 $0xFFFFFF80  }
0x1a8: {  	_ =	swait.ge [sflag:s24], $0x80  }
0x1a9: {  	[sflag:s24] =	ssyncset.done $0x0  }
0x1aa: {  	[sflag:s24] =	ssyncadd.s32 $0xFFFFFF80  }
0x1ab: {  	_ =	swait.ge [sflag:s24], $0x80  }
0x1ac: {  	[sflag:s24] =	ssyncset.done $0x0  }
0x1ad: {  	[sflag:s24] =	ssyncadd.s32 $0xFFFFFF80  }
0x1ae: {  	_ =	swait.ge [sflag:s24], $0x80  }
0x1af: {  	[sflag:s24] =	ssyncset.done $0x0  }
0x1b0: {  	[sflag:s24] =	ssyncadd.s32 $0xFFFFFF80  }
0x1b1: {  	_ =	swait.ge [sflag:s24], $0x80  }
0x1b2: {  	[sflag:s24] =	ssyncset.done $0x0  }
0x1b3: {  	[sflag:s24] =	ssyncadd.s32 $0xFFFFFF80  }
0x1b4: {  	_ =	swait.ge [sflag:s24], $0x80  }
0x1b5: {  	[sflag:s24] =	ssyncset.done $0x0  }
0x1b6: {  	[sflag:s24] =	ssyncadd.s32 $0xFFFFFF80  }
0x1b7: {  	_ =	swait.ge [sflag:s24], $0x80  }
0x1b8: {  	[sflag:s24] =	ssyncset.done $0x0  }
0x1b9: {  	[sflag:s24] =	ssyncadd.s32 $0xFFFFFF80  }
0x1ba: {  	_ =	swait.ge [sflag:s24], $0x80  }
0x1bb: {  	[sflag:s24] =	ssyncset.done $0x0  }
0x1bc: {  	[sflag:s24] =	ssyncadd.s32 $0xFFFFFF80  }
0x1bd: {  	_ =	swait.ge [sflag:s24], $0x80  }
0x1be: {  	s31 =	simm.s32 $0x1CC00;
	[sflag:s24] =	ssyncset.done $0x0  }
0x1bf: {  	s4 =	simm.s32 $0x1C400;
	s0 =	simm.s32 $0x0;
	[sflag:s24] =	ssyncadd.s32 $0xFFFFFF80  }
.LBB2_5:
0x1c0: {  	v1 =	vld [tilespmem:s4+$0x0];
	_ =	sdelay $0x7  }
0x1c1: {  	v2 =	vld.idx.msk [tilespmem:v1+s23+$0x0], $0xffff  }
0x1c2: {  	v3 =	vadd.s32 $0x20, v1;
	_ =	sdelay $0x1  }
0x1c3: {  	s9 =	sand.u32 $0x1C00, s0;
	s10 =	sand.u32 $0x70, s30  }
0x1c4: {  	s9 =	sor.u32 s10, s9  }
0x1c5: {  	v0 =	vld [tilespmem:s31+$0x0];
	[tilespmem:s9+$0x8000] =	vst v2  }
0x1c6: {  	v2 =	vld.idx.msk [tilespmem:v3+s23+$0x0], $0xffff  }
0x1c7: {  	v21 =	vadd.s32 $0x40, v1;
	_ =	sdelay $0x3  }
0x1c8: {  	[tilespmem:s9+$0x8080] =	vst v2  }
0x1c9: {  	v2 =	vld.idx.msk [tilespmem:v21+s23+$0x0], $0xffff  }
0x1ca: {  	v22 =	vadd.s32 $0x60, v1;
	_ =	sdelay $0x3  }
0x1cb: {  	[tilespmem:s9+$0x8100] =	vst v2  }
0x1cc: {  	v2 =	vld.idx.msk [tilespmem:v22+s23+$0x0], $0xffff  }
0x1cd: {  	v23 =	vadd.s32 $0x80, v1;
	_ =	sdelay $0x3  }
0x1ce: {  	[tilespmem:s9+$0x8180] =	vst v2  }
0x1cf: {  	v2 =	vld.idx.msk [tilespmem:v23+s23+$0x0], $0xffff  }
0x1d0: {  	v24 =	vadd.s32 $0xA0, v1;
	_ =	sdelay $0x3  }
0x1d1: {  	[tilespmem:s9+$0x8200] =	vst v2  }
0x1d2: {  	v2 =	vld.idx.msk [tilespmem:v24+s23+$0x0], $0xffff  }
0x1d3: {  	v25 =	vadd.s32 $0xC0, v1;
	_ =	sdelay $0x3  }
0x1d4: {  	[tilespmem:s9+$0x8280] =	vst v2  }
0x1d5: {  	v2 =	vld.idx.msk [tilespmem:v25+s23+$0x0], $0xffff  }
0x1d6: {  	v26 =	vadd.s32 $0xE0, v1;
	_ =	sdelay $0x3  }
0x1d7: {  	[tilespmem:s9+$0x8300] =	vst v2  }
0x1d8: {  	v2 =	vld.idx.msk [tilespmem:v26+s23+$0x0], $0xffff  }
0x1d9: {  	v27 =	vadd.s32 $0x100, v1;
	_ =	sdelay $0x3  }
0x1da: {  	[tilespmem:s9+$0x8380] =	vst v2  }
0x1db: {  	v2 =	vld.idx.msk [tilespmem:v27+s23+$0x0], $0xffff  }
0x1dc: {  	v28 =	vadd.s32 $0x120, v1;
	_ =	sdelay $0x3  }
0x1dd: {  	[tilespmem:s9+$0xA000] =	vst v2  }
0x1de: {  	v2 =	vld.idx.msk [tilespmem:v28+s23+$0x0], $0xffff  }
0x1df: {  	v29 =	vadd.s32 $0x140, v1;
	_ =	sdelay $0x3  }
0x1e0: {  	[tilespmem:s9+$0xA080] =	vst v2  }
0x1e1: {  	v2 =	vld.idx.msk [tilespmem:v29+s23+$0x0], $0xffff  }
0x1e2: {  	v30 =	vadd.s32 $0x160, v1;
	_ =	sdelay $0x3  }
0x1e3: {  	[tilespmem:s9+$0xA100] =	vst v2  }
0x1e4: {  	v2 =	vld.idx.msk [tilespmem:v30+s23+$0x0], $0xffff  }
0x1e5: {  	v31 =	vadd.s32 $0x180, v1;
	_ =	sdelay $0x3  }
0x1e6: {  	[tilespmem:s9+$0xA180] =	vst v2  }
0x1e7: {  	v2 =	vld.idx.msk [tilespmem:v31+s23+$0x0], $0xffff  }
0x1e8: {  	v32 =	vadd.s32 $0x1A0, v1;
	_ =	sdelay $0x3  }
0x1e9: {  	[tilespmem:s9+$0xA200] =	vst v2  }
0x1ea: {  	v2 =	vld.idx.msk [tilespmem:v32+s23+$0x0], $0xffff  }
0x1eb: {  	v33 =	vadd.s32 $0x1C0, v1;
	_ =	sdelay $0x3  }
0x1ec: {  	[tilespmem:s9+$0xA280] =	vst v2  }
0x1ed: {  	v2 =	vld.idx.msk [tilespmem:v33+s23+$0x0], $0xffff  }
0x1ee: {  	v34 =	vadd.s32 $0x1E0, v1;
	_ =	sdelay $0x3  }
0x1ef: {  	[tilespmem:s9+$0xA300] =	vst v2  }
0x1f0: {  	v2 =	vld.idx.msk [tilespmem:v34+s23+$0x0], $0xffff  }
0x1f1: {  	v35 =	vadd.s32 $0x200, v1;
	_ =	sdelay $0x3  }
0x1f2: {  	[tilespmem:s9+$0xA380] =	vst v2  }
0x1f3: {  	v2 =	vld.idx.msk [tilespmem:v35+s23+$0x0], $0xffff  }
0x1f4: {  	v36 =	vadd.s32 $0x220, v1;
	_ =	sdelay $0x3  }
0x1f5: {  	[tilespmem:s9+$0xC000] =	vst v2  }
0x1f6: {  	v2 =	vld.idx.msk [tilespmem:v36+s23+$0x0], $0xffff  }
0x1f7: {  	v37 =	vadd.s32 $0x240, v1;
	_ =	sdelay $0x3  }
0x1f8: {  	[tilespmem:s9+$0xC080] =	vst v2  }
0x1f9: {  	v2 =	vld.idx.msk [tilespmem:v37+s23+$0x0], $0xffff  }
0x1fa: {  	v38 =	vadd.s32 $0x260, v1;
	_ =	sdelay $0x3  }
0x1fb: {  	[tilespmem:s9+$0xC100] =	vst v2  }
0x1fc: {  	v2 =	vld.idx.msk [tilespmem:v38+s23+$0x0], $0xffff  }
0x1fd: {  	v39 =	vadd.s32 $0x280, v1;
	_ =	sdelay $0x3  }
0x1fe: {  	[tilespmem:s9+$0xC180] =	vst v2  }
0x1ff: {  	v2 =	vld.idx.msk [tilespmem:v39+s23+$0x0], $0xffff  }
0x200: {  	v40 =	vadd.s32 $0x2A0, v1;
	_ =	sdelay $0x3  }
0x201: {  	[tilespmem:s9+$0xC200] =	vst v2  }
0x202: {  	v2 =	vld.idx.msk [tilespmem:v40+s23+$0x0], $0xffff  }
0x203: {  	v41 =	vadd.s32 $0x2C0, v1;
	_ =	sdelay $0x3  }
0x204: {  	[tilespmem:s9+$0xC280] =	vst v2  }
0x205: {  	v2 =	vld.idx.msk [tilespmem:v41+s23+$0x0], $0xffff  }
0x206: {  	v42 =	vadd.s32 $0x2E0, v1;
	_ =	sdelay $0x3  }
0x207: {  	[tilespmem:s9+$0xC300] =	vst v2  }
0x208: {  	v2 =	vld.idx.msk [tilespmem:v42+s23+$0x0], $0xffff  }
0x209: {  	v43 =	vadd.s32 $0x300, v1;
	_ =	sdelay $0x3  }
0x20a: {  	[tilespmem:s9+$0xC380] =	vst v2  }
0x20b: {  	v2 =	vld.idx.msk [tilespmem:v43+s23+$0x0], $0xffff  }
0x20c: {  	v44 =	vadd.s32 $0x320, v1;
	_ =	sdelay $0x3  }
0x20d: {  	[tilespmem:s9+$0xE000] =	vst v2  }
0x20e: {  	v2 =	vld.idx.msk [tilespmem:v44+s23+$0x0], $0xffff  }
0x20f: {  	v45 =	vadd.s32 $0x340, v1;
	_ =	sdelay $0x3  }
0x210: {  	[tilespmem:s9+$0xE080] =	vst v2  }
0x211: {  	v2 =	vld.idx.msk [tilespmem:v45+s23+$0x0], $0xffff  }
0x212: {  	v46 =	vadd.s32 $0x360, v1;
	_ =	sdelay $0x3  }
0x213: {  	[tilespmem:s9+$0xE100] =	vst v2  }
0x214: {  	v2 =	vld.idx.msk [tilespmem:v46+s23+$0x0], $0xffff  }
0x215: {  	v47 =	vadd.s32 $0x380, v1;
	_ =	sdelay $0x3  }
0x216: {  	[tilespmem:s9+$0xE180] =	vst v2  }
0x217: {  	v2 =	vld.idx.msk [tilespmem:v47+s23+$0x0], $0xffff  }
0x218: {  	v48 =	vadd.s32 $0x3A0, v1;
	_ =	sdelay $0x3  }
0x219: {  	[tilespmem:s9+$0xE200] =	vst v2  }
0x21a: {  	v2 =	vld.idx.msk [tilespmem:v48+s23+$0x0], $0xffff  }
0x21b: {  	v49 =	vadd.s32 $0x3C0, v1;
	_ =	sdelay $0x3  }
0x21c: {  	[tilespmem:s9+$0xE280] =	vst v2  }
0x21d: {  	v2 =	vld.idx.msk [tilespmem:v49+s23+$0x0], $0xffff  }
0x21e: {  	v1 =	vadd.s32 $0x3E0, v1;
	_ =	sdelay $0x3  }
0x21f: {  	[tilespmem:s9+$0xE300] =	vst v2  }
0x220: {  	v1 =	vld.idx.msk [tilespmem:v1+s23+$0x0], $0xffff;
	_ =	sdelay $0x4  }
0x221: {  	[tilespmem:s9+$0xE380] =	vst v1  }
0x222: {  	v1 =	vld.idx.msk [tilespmem:v0+s25+$0x0], $0xffff  }
0x223: {  	v50 =	vadd.s32 $0x20, v0;
	_ =	sdelay $0x3  }
0x224: {  	[tilespmem:s9+$0x18000] =	vst v1  }
0x225: {  	v1 =	vld.idx.msk [tilespmem:v50+s25+$0x0], $0xffff  }
0x226: {  	v51 =	vadd.s32 $0x40, v0;
	_ =	sdelay $0x3  }
0x227: {  	[tilespmem:s9+$0x18080] =	vst v1  }
0x228: {  	v1 =	vld.idx.msk [tilespmem:v51+s25+$0x0], $0xffff  }
0x229: {  	v52 =	vadd.s32 $0x60, v0;
	_ =	sdelay $0x3  }
0x22a: {  	[tilespmem:s9+$0x18100] =	vst v1  }
0x22b: {  	v1 =	vld.idx.msk [tilespmem:v52+s25+$0x0], $0xffff  }
0x22c: {  	v53 =	vadd.s32 $0x80, v0;
	_ =	sdelay $0x3  }
0x22d: {  	[tilespmem:s9+$0x18180] =	vst v1  }
0x22e: {  	v1 =	vld.idx.msk [tilespmem:v53+s25+$0x0], $0xffff  }
0x22f: {  	v54 =	vadd.s32 $0xA0, v0;
	_ =	sdelay $0x3  }
0x230: {  	[tilespmem:s9+$0x18200] =	vst v1  }
0x231: {  	v1 =	vld.idx.msk [tilespmem:v54+s25+$0x0], $0xffff  }
0x232: {  	v55 =	vadd.s32 $0xC0, v0;
	_ =	sdelay $0x3  }
0x233: {  	[tilespmem:s9+$0x18280] =	vst v1  }
0x234: {  	v1 =	vld.idx.msk [tilespmem:v55+s25+$0x0], $0xffff  }
0x235: {  	v56 =	vadd.s32 $0xE0, v0;
	_ =	sdelay $0x3  }
0x236: {  	[tilespmem:s9+$0x18300] =	vst v1  }
0x237: {  	v1 =	vld.idx.msk [tilespmem:v56+s25+$0x0], $0xffff  }
0x238: {  	v57 =	vadd.s32 $0x100, v0;
	_ =	sdelay $0x3  }
0x239: {  	[tilespmem:s9+$0x18380] =	vst v1  }
0x23a: {  	v1 =	vld.idx.msk [tilespmem:v57+s25+$0x0], $0xffff  }
0x23b: {  	v58 =	vadd.s32 $0x120, v0;
	_ =	sdelay $0x3  }
0x23c: {  	[tilespmem:s9+$0x1A000] =	vst v1  }
0x23d: {  	v1 =	vld.idx.msk [tilespmem:v58+s25+$0x0], $0xffff  }
0x23e: {  	v59 =	vadd.s32 $0x140, v0;
	_ =	sdelay $0x3  }
0x23f: {  	[tilespmem:s9+$0x1A080] =	vst v1  }
0x240: {  	v1 =	vld.idx.msk [tilespmem:v59+s25+$0x0], $0xffff  }
0x241: {  	v60 =	vadd.s32 $0x160, v0;
	_ =	sdelay $0x3  }
0x242: {  	[tilespmem:s9+$0x1A100] =	vst v1  }
0x243: {  	v1 =	vld.idx.msk [tilespmem:v60+s25+$0x0], $0xffff  }
0x244: {  	v61 =	vadd.s32 $0x180, v0;
	_ =	sdelay $0x3  }
0x245: {  	[tilespmem:s9+$0x1A180] =	vst v1  }
0x246: {  	v1 =	vld.idx.msk [tilespmem:v61+s25+$0x0], $0xffff  }
0x247: {  	v62 =	vadd.s32 $0x1A0, v0;
	_ =	sdelay $0x3  }
0x248: {  	[tilespmem:s9+$0x1A200] =	vst v1  }
0x249: {  	v1 =	vld.idx.msk [tilespmem:v62+s25+$0x0], $0xffff  }
0x24a: {  	v63 =	vadd.s32 $0x1C0, v0;
	_ =	sdelay $0x3  }
0x24b: {  	[tilespmem:s9+$0x1A280] =	vst v1  }
0x24c: {  	v1 =	vld.idx.msk [tilespmem:v63+s25+$0x0], $0xffff  }
0x24d: {  	v0 =	vadd.s32 $0x1E0, v0;
	_ =	sdelay $0x3  }
0x24e: {  	[tilespmem:s9+$0x1A300] =	vst v1  }
0x24f: {  	p1 =	sne.s32 s0, $0x1F80;
	v0 =	vld.idx.msk [tilespmem:v0+s25+$0x0], $0xffff  }
.Ltmp3:
0x250: {  	_ = 	snop;
	(pc) =	sbr.rel @p1 .LBB2_5-.Ltmp3, $3  }
0x251: {  	_ =	sdelay $0x1  }
0x252: {  	s30 =	sadd.s32 $0x10, s30  }
0x253: {  	s31 =	sadd.s32 $0x10, s31;
	s4 =	sadd.s32 $0x10, s4;
	s0 =	sadd.s32 $0x80, s0;
	[tilespmem:s9+$0x1A380] =	vst v0  }
0x254: {  	_ =	swait.ge [sflag:s20], $0x8000  }
0x255: {  	[sflag:s20] =	ssyncset.done $0x0  }
.Ltmp4:
0x256: {  	[sflag:s20] =	ssyncadd.s32 $0xFFFF8000;
	(pc) =	sbr.rel @p0 .LBB2_8-.Ltmp4, $4  }
0x257: {  	s0 =	smul.u32 $0x3800, s29;
	_ =	swait.ge [sflag:s20], $0x8000  }
0x258: {  	[sflag:s20] =	ssyncset.done $0x0  }
0x259: {  	s0 =	sadd.s32 s6, s0;
	[sflag:s20] =	ssyncadd.s32 $0xFFFF8000  }
0x25a: {  	[hbm4b:s0+s7] =	stream.linear.scatter [tilespmem:s7], [sflag:$0x4], $0x1C000, $0x38;
	[tilespmem:$0x1D600] =	vst v63  }
0x25b: {  	s0 =	sadd.s32 $0x3, s28  }
0x25c: {  	s0 =	smin.u32 s0, s11  }
0x25d: {  	s0 =	sadd.s32 s5, s0  }
0x25e: {  	s4 =	sshll.u32 s0, $0x7;
	s0 =	sshll.u32 s0, $0x4  }
0x25f: {  	s4 =	sand.u32 $0x1FC00, s4;
	s0 =	sand.u32 $0x70, s0  }
0x260: {  	s0 =	sor.u32 s0, s4  }
0x261: {  	s9 =	simm.s32 $0x1C400;
	s4 =	sadd.s32 s2, s0  }
0x262: {  	[tilespmem:s9], [sflag:$0x2] =	stream.linear.gather [hbm4b:s4+s7], $0x80, $0x38;
	[tilespmem:$0x1D600] =	vst v63  }
0x263: {  	s29 =	simm.s32 $0x1CC00;
	s28 =	sadd.s32 s3, s0;
	s30 =	sor.u32 $0x80, s0  }
0x264: {  	[tilespmem:s29], [sflag:$0x2] =	stream.linear.gather [hbm4b:s28+s7], $0x80, $0x38;
	[tilespmem:$0x1D600] =	vst v63  }
0x265: {  	s10 =	simm.s32 $0x1C480;
	s31 =	sadd.s32 s2, s30  }
0x266: {  	[tilespmem:s10], [sflag:$0x2] =	stream.linear.gather [hbm4b:s31+s7], $0x80, $0x38;
	[tilespmem:$0x1D600] =	vst v63  }
0x267: {  	s4 =	sadd.s32 s3, s30;
	s28 =	simm.s32 $0x1CC80;
	s29 =	sor.u32 $0x100, s0  }
0x268: {  	[tilespmem:s28], [sflag:$0x2] =	stream.linear.gather [hbm4b:s4+s7], $0x80, $0x38;
	[tilespmem:$0x1D600] =	vst v63  }
0x269: {  	s30 =	sadd.s32 s2, s29;
	s31 =	simm.s32 $0x1C500  }
0x26a: {  	[tilespmem:s31], [sflag:$0x2] =	stream.linear.gather [hbm4b:s30+s7], $0x80, $0x38;
	[tilespmem:$0x1D600] =	vst v63  }
0x26b: {  	s4 =	sadd.s32 s3, s29;
	s28 =	simm.s32 $0x1CD00;
	s29 =	sor.u32 $0x180, s0  }
0x26c: {  	[tilespmem:s28], [sflag:$0x2] =	stream.linear.gather [hbm4b:s4+s7], $0x80, $0x38;
	[tilespmem:$0x1D600] =	vst v63  }
0x26d: {  	s30 =	sadd.s32 s2, s29;
	s31 =	simm.s32 $0x1C580  }
0x26e: {  	[tilespmem:s31], [sflag:$0x2] =	stream.linear.gather [hbm4b:s30+s7], $0x80, $0x38;
	[tilespmem:$0x1D600] =	vst v63  }
0x26f: {  	s4 =	sadd.s32 s3, s29;
	s28 =	simm.s32 $0x1CD80;
	s29 =	sor.u32 $0x200, s0  }
0x270: {  	[tilespmem:s28], [sflag:$0x2] =	stream.linear.gather [hbm4b:s4+s7], $0x80, $0x38;
	[tilespmem:$0x1D600] =	vst v63  }
0x271: {  	s30 =	sadd.s32 s2, s29;
	s31 =	simm.s32 $0x1C600  }
0x272: {  	[tilespmem:s31], [sflag:$0x2] =	stream.linear.gather [hbm4b:s30+s7], $0x80, $0x38;
	[tilespmem:$0x1D600] =	vst v63  }
0x273: {  	s10 =	sor.u32 $0x280, s0;
	s4 =	sadd.s32 s3, s29  }
0x274: {  	[tilespmem:s12], [sflag:$0x2] =	stream.linear.gather [hbm4b:s4+s7], $0x80, $0x38;
	[tilespmem:$0x1D600] =	vst v63  }
0x275: {  	s28 =	sadd.s32 s2, s10  }
0x276: {  	[tilespmem:s13], [sflag:$0x2] =	stream.linear.gather [hbm4b:s28+s7], $0x80, $0x38;
	[tilespmem:$0x1D600] =	vst v63  }
0x277: {  	s29 =	sor.u32 $0x300, s0;
	s4 =	sadd.s32 s3, s10  }
0x278: {  	[tilespmem:s14], [sflag:$0x2] =	stream.linear.gather [hbm4b:s4+s7], $0x80, $0x38;
	[tilespmem:$0x1D600] =	vst v63  }
0x279: {  	s30 =	sadd.s32 s2, s29  }
0x27a: {  	[tilespmem:s15], [sflag:$0x2] =	stream.linear.gather [hbm4b:s30+s7], $0x80, $0x38;
	[tilespmem:$0x1D600] =	vst v63  }
0x27b: {  	s4 =	sadd.s32 s3, s29  }
0x27c: {  	[tilespmem:s16], [sflag:$0x2] =	stream.linear.gather [hbm4b:s4+s7], $0x80, $0x38;
	[tilespmem:$0x1D600] =	vst v63  }
.Ltmp5:
0x27d: {  	s0 =	sor.u32 $0x380, s0;
	(pc) =	sbr.rel .LBB2_2-.Ltmp5, $4  }
0x27e: {  	s31 =	sadd.s32 s2, s0  }
0x27f: {  	[tilespmem:s17], [sflag:$0x2] =	stream.linear.gather [hbm4b:s31+s7], $0x80, $0x38;
	[tilespmem:$0x1D600] =	vst v63  }
0x280: {  	s26 =	sadd.s32 $0x1, s26;
	s0 =	sadd.s32 s3, s0  }
0x281: {  	[tilespmem:s18], [sflag:$0x2] =	stream.linear.gather [hbm4b:s0+s7], $0x80, $0x38;
	[tilespmem:$0x1D600] =	vst v63  }
.LBB2_9:
0x282: {  	_ =	sfence.sel $0x180000  }
0x283: {  	[bflag:$0x0] =	sbarrier.arrive $0xFFFF  }
0x284: {  	_ =	strace $0x90000047  }
0x285: {  	s0 =	stileid.u32;
	[bflag:$0x2] =	sbarrier.arrive $0xFFFF  }
0x286: {  	p0 =	sne.s32 s0, $0x0;
	s0 =	rddreg [dreg:$0x5]  }
0x287: {  	s0 =	sadd.s32 @!p0 $0x100000, s0  }
0x288: {  	[sflag:s0] =	ssyncadd.tile.s32 @!p0 $0x1;
	_ =	shalt  }
.Lfunc_end2:
_tile_overlayer_lowered:
.L_overlay_start_2:
0x289: {  	(tag) =	ssettag $0x2  }
0x28a: {  	s0 =	rddreg [dreg:$0x0];
	s2 =	stileid.u32  }
0x28b: {  	s1 =	rddreg [dreg:$0x1];
	p0 =	sne.s32 s2, $0x0  }
0x28c: {  	s3 =	rddreg [dreg:$0x2];
	[bflag:$0x3] =	sbarrier.arrive $0xFFFF;
	s2 =	simm.s32 @!p0 $0x1C05  }
0x28d: {  	[timem:s3], [sflag:s2] =	dma.local @!p0 [hbm:s0], s1  }
0x28e: {  	s0 =	simm.s32 @!p0 $0x5  }
0x28f: {  	_ =	swait.ge @!p0 [sflag:s0], s1  }
0x290: {  	s1 =	ssub.s32 @!p0 $0x0, s1;
	[sflag:s0] =	ssyncset.done @!p0 $0x0  }
0x291: {  	[sflag:s0] =	ssyncadd.s32 @!p0 s1  }
0x292: {  	[bflag:$0x3] =	sbarrier.arrive $0xFFFF  }
0x293: {  	_ =	shalt  }

</sc_bundles>
